<compile_context>
chip_gen: v7x
topology: tpu7x:2x2x1
jax: 0.10.2.dev20260603
libtpu: 0.0.44.dev20260713+nightly
codegen_flags: <defaults>
</compile_context>

<pallas_src>
import functools

import jax
import jax.numpy as jnp
from jax import lax
from jax.experimental import pallas as pl
from jax.experimental.pallas import tpu as pltpu
from jax.experimental.pallas import tpu_sc as plsc

T, E, H = 32768, 1024, 1024
K = 64
NS = 16
CHUNK = T // NS
SUPER = 128
NSUP = CHUNK // SUPER
NEG = -3.0e38


_BT = 2048


def _alpha_body(excs_ref, exc_ref, out_ref):
    x = excs_ref[...].reshape(_BT, 8, 128)
    e = exc_ref[...]
    xb = x.astype(jnp.bfloat16).astype(jnp.float32)
    eb = e.astype(jnp.bfloat16).astype(jnp.float32)
    out_ref[...] = jnp.sum(xb * eb[None], axis=(1, 2))


def _compute_alpha(excs1d, exc3d):
    return pl.pallas_call(
        _alpha_body,
        grid=(T // _BT,),
        in_specs=[
            pl.BlockSpec((_BT * E,), lambda i: (i,)),
            pl.BlockSpec((8, 128), lambda i: (0, 0)),
        ],
        out_specs=pl.BlockSpec((_BT,), lambda i: (i,)),
        out_shape=jax.ShapeDtypeStruct((T,), jnp.float32),
    )(excs1d, exc3d)


_HC = 256


def _gru_body(wih_ref, whh_ref, bih_ref, bhh_ref, exc_ref, sc_ref, hf_ref,
              hb_ref, out_ref):
    i = pl.program_id(0)
    s = sc_ref[0, 0]
    m = jnp.where(s >= 0.5, jnp.float32(1.0), jnp.float32(0.0))
    e = exc_ref[...]
    x = jnp.concatenate([e * m, e * (1.0 - m)], axis=1)
    xb = x.astype(jnp.bfloat16).astype(jnp.float32)
    hb = hf_ref[...].astype(jnp.bfloat16).astype(jnp.float32)
    wihb = wih_ref[...].astype(jnp.bfloat16).astype(jnp.float32)
    whhb = whh_ref[...].astype(jnp.bfloat16).astype(jnp.float32)
    gx = jnp.sum(wihb * xb[None, :, :], axis=2)
    gh = jnp.sum(whhb * hb[None, :, :], axis=2)
    gx = gx + bih_ref[:, 0, pl.ds(i * _HC, _HC)]
    gh = gh + bhh_ref[:, 0, pl.ds(i * _HC, _HC)]
    r = jax.nn.sigmoid(gx[0] + gh[0])
    z = jax.nn.sigmoid(gx[1] + gh[1])
    n = jnp.tanh(gx[2] + r * gh[2])
    out_ref[...] = (1.0 - z) * n + z * hb_ref[0, :]


def _compute_gru(wih3, whh3, bih3, bhh3, exc2d, sc2d, hlast2d):
    return pl.pallas_call(
        _gru_body,
        grid=(H // _HC,),
        in_specs=[
            pl.BlockSpec((3, _HC, 2 * E), lambda i: (0, i, 0)),
            pl.BlockSpec((3, _HC, H), lambda i: (0, i, 0)),
            pl.BlockSpec((3, 1, H), lambda i: (0, 0, 0)),
            pl.BlockSpec((3, 1, H), lambda i: (0, 0, 0)),
            pl.BlockSpec((1, E), lambda i: (0, 0)),
            pl.BlockSpec((1, 1), lambda i: (0, 0)),
            pl.BlockSpec((1, H), lambda i: (0, 0)),
            pl.BlockSpec((1, _HC), lambda i: (0, i)),
        ],
        out_specs=pl.BlockSpec((_HC,), lambda i: (i,)),
        out_shape=jax.ShapeDtypeStruct((H,), jnp.float32),
    )(wih3, whh3, bih3, bhh3, exc2d, sc2d, hlast2d, hlast2d)


def _sc_body(alpha_hbm, hs_hbm, exc_hbm, wsc_hbm, bsc_hbm, out_hbm,
             a_v, lv_v, li_v, cand_sh, candi_sh, cv_v, ci_v, gv_v, gi_v,
             wv_v, w_sh, gi_sh, w_v, gi64_v, rows_v, wsct_v, exc64_v,
             wsch_v, part64_v, part_sh, pf_v, b_v, outv_v, sem):
    cid = lax.axis_index("c")
    sid = lax.axis_index("s")
    iota = lax.iota(jnp.int32, 16)

    @pl.when(cid == 0)
    def _core0():
        w = sid

        pltpu.sync_copy(alpha_hbm.at[pl.ds(w * CHUNK, CHUNK)], a_v)

        def _supermax(base):
            m = a_v[pl.ds(base, 16)]
            for j in range(1, SUPER // 16):
                m = jnp.maximum(m, a_v[pl.ds(base + j * 16, 16)])
            return jnp.max(m)

        M = jnp.full((16,), NEG, jnp.float32)
        for s in range(NSUP):
            M = jnp.where(iota == s, _supermax(s * SUPER), M)

        def _sel(k, M):
            gm = jnp.max(M)
            sc = jnp.min(jnp.where(M == gm, iota, 9999))
            pos = jnp.int32(9999)
            for j in range(SUPER // 16):
                vj = a_v[pl.ds(sc * SUPER + j * 16, 16)]
                pj = jnp.min(jnp.where(vj == gm, iota + j * 16,
                                       jnp.int32(9999)))
                pos = jnp.minimum(pos, pj)
            jj = pos // 16
            lane = pos - jj * 16
            off = sc * SUPER + jj * 16
            vv = a_v[pl.ds(off, 16)]
            a_v[pl.ds(off, 16)] = jnp.where(iota == lane, NEG, vv)
            nm = a_v[pl.ds(sc * SUPER, 16)]
            for j in range(1, SUPER // 16):
                nm = jnp.maximum(nm, a_v[pl.ds(sc * SUPER + j * 16, 16)])
            M2 = jnp.where(iota == sc, jnp.max(nm), M)
            blk = (k // 16) * 16
            l2 = k - blk
            lvb = lv_v[pl.ds(blk, 16)]
            lv_v[pl.ds(blk, 16)] = jnp.where(iota == l2, gm, lvb)
            lib = li_v[pl.ds(blk, 16)]
            li_v[pl.ds(blk, 16)] = jnp.where(
                iota == l2, w * CHUNK + sc * SUPER + pos, lib)
            return M2

        lax.fori_loop(0, K, _sel, M)

        pltpu.sync_copy(lv_v, cand_sh.at[w])
        pltpu.sync_copy(li_v, candi_sh.at[w])
        plsc.subcore_barrier()

        @pl.when(w == 0)
        def _merge():
            pltpu.sync_copy(cand_sh.at[pl.ds(0, NS)], cv_v)
            pltpu.sync_copy(candi_sh.at[pl.ds(0, NS)], ci_v)

            def _mbody(k, cur):
                heads = plsc.load_gather(cv_v, [iota, cur])
                gm = jnp.max(heads)
                l = jnp.min(jnp.where(heads == gm, iota, 9999))
                curl = jnp.sum(jnp.where(iota == l, cur, 0))
                giv = plsc.load_gather(
                    ci_v, [jnp.full((16,), l, jnp.int32),
                           jnp.full((16,), curl, jnp.int32)])
                blk = (k // 16) * 16
                l2 = k - blk
                gvb = gv_v[pl.ds(blk, 16)]
                gv_v[pl.ds(blk, 16)] = jnp.where(iota == l2, gm, gvb)
                gib = gi_v[pl.ds(blk, 16)]
                gi_v[pl.ds(blk, 16)] = jnp.where(iota == l2, giv, gib)
                return jnp.where(iota == l, cur + 1, cur)

            lax.fori_loop(0, K, _mbody, jnp.zeros((16,), jnp.int32))

            v0 = gv_v[pl.ds(0, 16)]
            v1 = gv_v[pl.ds(16, 16)]
            v2 = gv_v[pl.ds(32, 16)]
            v3 = gv_v[pl.ds(48, 16)]
            mx = jnp.max(jnp.maximum(jnp.maximum(v0, v1),
                                     jnp.maximum(v2, v3)))
            e0 = jnp.exp(v0 - mx)
            e1 = jnp.exp(v1 - mx)
            e2 = jnp.exp(v2 - mx)
            e3 = jnp.exp(v3 - mx)
            s_vec = jnp.full((16,), jnp.sum(e0 + e1 + e2 + e3), jnp.float32)
            inv = jnp.ones((16,), jnp.float32) / s_vec
            wv_v[pl.ds(0, 16)] = e0 * inv
            wv_v[pl.ds(16, 16)] = e1 * inv
            wv_v[pl.ds(32, 16)] = e2 * inv
            wv_v[pl.ds(48, 16)] = e3 * inv
            pltpu.sync_copy(wv_v, w_sh.at[0])
            pltpu.sync_copy(gi_v, gi_sh.at[0])

        plsc.subcore_barrier()

        pltpu.sync_copy(w_sh.at[0], w_v)
        pltpu.sync_copy(gi_sh.at[0], gi64_v)
        pltpu.sync_copy(wsc_hbm.at[pl.ds(E, H)], wsct_v)
        pltpu.sync_copy(exc_hbm.at[pl.ds(w * 64, 64)], exc64_v)
        pltpu.sync_copy(wsc_hbm.at[pl.ds(w * 64, 64)], wsch_v)

        j0 = w * 4
        blk = (j0 // 16) * 16
        lane0 = j0 - blk
        wb = w_v[pl.ds(blk, 16)]
        ib = gi64_v[pl.ds(blk, 16)]
        ws = []
        descs = []
        for q in range(4):
            wq = jnp.sum(jnp.where(iota == lane0 + q, wb, jnp.float32(0.0)))
            iq = jnp.sum(jnp.where(iota == lane0 + q, ib, 0))
            ws.append(wq)
            descs.append(pltpu.async_copy(
                hs_hbm.at[pl.ds(iq * H, H)], rows_v.at[q], sem))
        for d in descs:
            d.wait()

        acc = jnp.zeros((16,), jnp.float32)
        for q in range(H // 16):
            sl = pl.ds(q * 16, 16)
            rowsum = (ws[0] * rows_v[0, sl] + ws[1] * rows_v[1, sl]
                      + ws[2] * rows_v[2, sl] + ws[3] * rows_v[3, sl])
            acc = acc + rowsum * wsct_v[sl]
        for q in range(4):
            sl = pl.ds(q * 16, 16)
            acc = acc + exc64_v[sl] * wsch_v[sl]
        p = jnp.sum(acc)
        pz = jnp.zeros((16,), jnp.float32)
        part64_v[pl.ds(0, 16)] = jnp.where(iota == 0, p, jnp.float32(0.0))
        part64_v[pl.ds(16, 16)] = pz
        part64_v[pl.ds(32, 16)] = pz
        part64_v[pl.ds(48, 16)] = pz
        pltpu.sync_copy(part64_v, part_sh.at[w])
        plsc.subcore_barrier()

        @pl.when(w == 0)
        def _final():
            pltpu.sync_copy(part_sh.at[pl.ds(0, NS)], pf_v)
            pltpu.sync_copy(bsc_hbm, b_v)
            tot = pf_v[0, pl.ds(0, 16)]
            for q in range(1, NS):
                tot = tot + pf_v[q, pl.ds(0, 16)]
            outv_v[...] = jnp.where(iota == 0, tot + b_v[...],
                                    jnp.float32(0.0))
            pltpu.sync_copy(outv_v, out_hbm)


def _compute_attention(alpha, hs2d, exc, wsc, bsc16):
    mesh = plsc.VectorSubcoreMesh(core_axis_name="c", subcore_axis_name="s")
    f32, i32 = jnp.float32, jnp.int32
    body = functools.partial(
        pl.kernel,
        out_type=jax.ShapeDtypeStruct((16,), f32),
        mesh=mesh,
        scratch_types=[
            pltpu.VMEM((CHUNK,), f32),
            pltpu.VMEM((K,), f32),
            pltpu.VMEM((K,), i32),
            pltpu.VMEM_SHARED((2 * NS, K), f32),
            pltpu.VMEM_SHARED((2 * NS, K), i32),
            pltpu.VMEM((NS, K), f32),
            pltpu.VMEM((NS, K), i32),
            pltpu.VMEM((K,), f32),
            pltpu.VMEM((K,), i32),
            pltpu.VMEM((K,), f32),
            pltpu.VMEM_SHARED((2, K), f32),
            pltpu.VMEM_SHARED((2, K), i32),
            pltpu.VMEM((K,), f32),
            pltpu.VMEM((K,), i32),
            pltpu.VMEM((4, H), f32),
            pltpu.VMEM((H,), f32),
            pltpu.VMEM((64,), f32),
            pltpu.VMEM((64,), f32),
            pltpu.VMEM((64,), f32),
            pltpu.VMEM_SHARED((2 * NS, 64), f32),
            pltpu.VMEM((NS, 64), f32),
            pltpu.VMEM((16,), f32),
            pltpu.VMEM((16,), f32),
            pltpu.SemaphoreType.DMA,
        ],
        compiler_params=pltpu.CompilerParams(needs_layout_passes=False),
    )(_sc_body)
    return body(alpha, hs2d, exc, wsc, bsc16)


def kernel(exc, score, excs, hs, W_ih, W_hh, b_ih, b_hh, W_score, b_score,
           attn_k):
    excs1d = excs.reshape(T * E)
    hs1d = hs.reshape(T * H)
    exc2d = exc.reshape(1, E)
    exc3d = exc.reshape(8, 128)
    sc2d = score.reshape(1, 1)
    hlast2d = hs1d[(T - 1) * H:].reshape(1, H)
    wih3 = W_ih.reshape(3, H, 2 * E)
    whh3 = W_hh.reshape(3, H, H)
    bih3 = b_ih.reshape(3, 1, H)
    bhh3 = b_hh.reshape(3, 1, H)
    wsc = W_score.reshape(2 * E)
    bsc16 = jnp.zeros((16,), jnp.float32).at[0].set(b_score[0])

    alpha = _compute_alpha(excs1d, exc3d)
    pred16 = _compute_attention(alpha, hs1d, exc, wsc, bsc16)
    h_new = _compute_gru(wih3, whh3, bih3, bhh3, exc2d, sc2d, hlast2d)

    pred = pred16[0:1].reshape(1, 1)
    return (pred, h_new.reshape(1, 1, H))

# --- scband reference (transcript-rebuilt; emitter-appended) ---
"""Pipeline reference for scband-eernnseq-net-51857435132235 (READ-ONLY COPY).

The authoritative reference and input builder live on the scoring server;
editing this copy changes nothing except your own understanding.
"""

import jax, jax.numpy as jnp
import numpy as np

T, E, H = 32768, 1024, 1024

def setup_inputs(seed: int = 0) -> dict:
    key = jax.random.key(seed)
    ks = jax.random.split(key, 8)
    inp = {
        "exc": jax.random.normal(ks[0], (E,), jnp.float32),
        "score": jax.random.uniform(ks[1], (1,), jnp.float32),
        "excs": jax.random.normal(ks[2], (T, 1, E), jnp.float32),
        "hs": jax.random.normal(ks[3], (T, 1, H), jnp.float32),
        "W_ih": jax.random.normal(ks[4], (3 * H, 2 * E), jnp.float32) * 0.02,
        "W_hh": jax.random.normal(ks[5], (3 * H, H), jnp.float32) * 0.02,
        "b_ih": jnp.zeros((3 * H,), jnp.float32),
        "b_hh": jnp.zeros((3 * H,), jnp.float32),
        "W_score": jax.random.normal(ks[6], (1, E + H), jnp.float32) * 0.02,
        "b_score": jnp.zeros((1,), jnp.float32),
        "attn_k": 64,
    }
    return inp

def _gru_cell(x, h, W_ih, W_hh, b_ih, b_hh):
    # PyTorch nn.GRU single-cell math (n_layers=1, batch=1)
    Hd = h.shape[-1]
    gx = W_ih @ x + b_ih
    gh = W_hh @ h + b_hh
    r = jax.nn.sigmoid(gx[:Hd] + gh[:Hd])
    z = jax.nn.sigmoid(gx[Hd:2 * Hd] + gh[Hd:2 * Hd])
    n = jnp.tanh(gx[2 * Hd:] + r * gh[2 * Hd:])
    return (1.0 - z) * n + z * h

def reference(exc, score, excs, hs, W_ih, W_hh, b_ih, b_hh, W_score, b_score, attn_k):
    Hd = hs.shape[-1]
    # hidden = (excs, hs); h = hs[-1:] -> last GRU hidden state
    h = hs[-1, 0]  # [H]
    # attention scores over full exercise history: alpha = excs @ exc  (memory-bound matvec)
    alpha = excs.reshape(-1, exc.shape[0]) @ exc  # [T]
    k_static = min(alpha.shape[0], 64)
    vals, idx = jax.lax.top_k(alpha, k_static)
    valid = jnp.arange(k_static) < attn_k
    vals = jnp.where(valid, vals, -jnp.inf)
    w = jax.nn.softmax(vals)  # softmax over the top-k attention scores
    hs_flat = hs.reshape(-1, Hd)  # hs.view(-1, n_layers * hidden_size)
    sel = jnp.take(hs_flat, idx, axis=0)  # index_select gather
    attn_h = w @ sel  # [H]
    pred_v = jnp.concatenate([exc, attn_h]).reshape(1, -1)
    pred = pred_v @ W_score.T + b_score  # score_out_net
    s = score[0]
    x = jnp.concatenate([
        exc * (s >= 0.5).astype(exc.dtype),
        exc * (s < 0.5).astype(exc.dtype),
    ])  # [2E]
    h_new = _gru_cell(x, h, W_ih, W_hh, b_ih, b_hh)
    return (pred, h_new.reshape(1, 1, -1))

if __name__ == "__main__":
    import jax
    _d = setup_inputs()
    print(jax.jit(kernel)(*tuple(_d.values())))

</pallas_src>

<mosaic_0001>
#map = affine_map<(d0, d1) -> (0)>
module attributes {stable_mosaic.version = 14 : i64} {
  func.func @_sc_body(%arg0: i32, %arg1: i32, %arg2: memref<32768xf32, #tpu.memory_space<hbm>>, %arg3: memref<33554432xf32, #tpu.memory_space<hbm>>, %arg4: memref<1024xf32, #tpu.memory_space<hbm>>, %arg5: memref<2048xf32, #tpu.memory_space<hbm>>, %arg6: memref<16xf32, #tpu.memory_space<hbm>>, %arg7: memref<16xf32, #tpu.memory_space<hbm>>, %arg8: memref<2048xf32, #tpu.memory_space<vmem>>, %arg9: memref<64xf32, #tpu.memory_space<vmem>>, %arg10: memref<64xi32, #tpu.memory_space<vmem>>, %arg11: memref<32x64xf32, #tpu.memory_space<vmem_shared>>, %arg12: memref<32x64xi32, #tpu.memory_space<vmem_shared>>, %arg13: memref<16x64xf32, #tpu.memory_space<vmem>>, %arg14: memref<16x64xi32, #tpu.memory_space<vmem>>, %arg15: memref<64xf32, #tpu.memory_space<vmem>>, %arg16: memref<64xi32, #tpu.memory_space<vmem>>, %arg17: memref<64xf32, #tpu.memory_space<vmem>>, %arg18: memref<2x64xf32, #tpu.memory_space<vmem_shared>>, %arg19: memref<2x64xi32, #tpu.memory_space<vmem_shared>>, %arg20: memref<64xf32, #tpu.memory_space<vmem>>, %arg21: memref<64xi32, #tpu.memory_space<vmem>>, %arg22: memref<4x1024xf32, #tpu.memory_space<vmem>>, %arg23: memref<1024xf32, #tpu.memory_space<vmem>>, %arg24: memref<64xf32, #tpu.memory_space<vmem>>, %arg25: memref<64xf32, #tpu.memory_space<vmem>>, %arg26: memref<64xf32, #tpu.memory_space<vmem>>, %arg27: memref<32x64xf32, #tpu.memory_space<vmem_shared>>, %arg28: memref<16x64xf32, #tpu.memory_space<vmem>>, %arg29: memref<16xf32, #tpu.memory_space<vmem>>, %arg30: memref<16xf32, #tpu.memory_space<vmem>>, %arg31: memref<!tpu.dma_semaphore, #tpu.memory_space<semaphore_mem>>) attributes {dimension_semantics = [#tpu.dimension_semantics<core_parallel>, #tpu.dimension_semantics<subcore_parallel>], iteration_bounds = array<i64: 2, 16>, scalar_prefetch = 0 : i64, scratch_operands = 24 : i64, tpu.core_type = #tpu.core_type<sc_vector_subcore>, window_params = [{transform_indices = #map}, {transform_indices = #map}, {transform_indices = #map}, {transform_indices = #map}, {transform_indices = #map}, {transform_indices = #map}]} {
    %iota3A = tpu.iota {dimensions = array<i32: 0>} : vector<16xi32>
    %eq3A = arith.constant 0 : i32
    %eq3A_0 = arith.cmpi eq, %arg0, %eq3A : i32
    %convert_element_type3A = arith.extui %eq3A_0 : i1 to i32
    %cond3A = arith.constant 0 : i32
    %cond3A_1 = arith.cmpi ne, %convert_element_type3A, %cond3A : i32
    scf.if %cond3A_1 {
      %mul3A = arith.constant 2048 : i32
      %mul3A_2 = arith.muli %arg1, %mul3A : i32
      "tpu.region"() ({
        %run_scoped3A_2754 = tpu.sem_alloc : memref<!tpu.dma_semaphore, #tpu.memory_space<semaphore_mem>>
        %dma_start3A_2755 = tpu.memref_slice %arg2[%mul3A_2] : memref<32768xf32, #tpu.memory_space<hbm>> -> memref<2048xf32, #tpu.memory_space<hbm>>
        %dma_start3A_2756 = tpu.memref_slice %arg2[%mul3A_2] : memref<32768xf32, #tpu.memory_space<hbm>> -> memref<2048xf32, #tpu.memory_space<hbm>>
        tpu.enqueue_dma source(%dma_start3A_2756 : memref<2048xf32, #tpu.memory_space<hbm>>) target(%arg8 : memref<2048xf32, #tpu.memory_space<vmem>>) target_semaphore(%run_scoped3A_2754 : memref<!tpu.dma_semaphore, #tpu.memory_space<semaphore_mem>>)
        %dma_wait3A_2757 = tpu.memref_slice %arg2[%mul3A_2] : memref<32768xf32, #tpu.memory_space<hbm>> -> memref<2048xf32, #tpu.memory_space<hbm>>
        %dma_wait3A_2758 = tpu.memref_slice %arg2[%mul3A_2] : memref<32768xf32, #tpu.memory_space<hbm>> -> memref<2048xf32, #tpu.memory_space<hbm>>
        tpu.wait_dma2 semaphore(%run_scoped3A_2754 : memref<!tpu.dma_semaphore, #tpu.memory_space<semaphore_mem>>) src(%dma_wait3A_2758 : memref<2048xf32, #tpu.memory_space<hbm>>) dst(%arg8 : memref<2048xf32, #tpu.memory_space<vmem>>)
        tpu.yield
      }) : () -> ()
      %broadcast_in_dim3A = arith.constant -3.000000e+38 : f32
      %broadcast_in_dim3A_3 = vector.broadcast %broadcast_in_dim3A : f32 to vector<16xf32>
      %eq3A_4 = arith.constant 0 : i32
      %eq3A_5 = vector.broadcast %eq3A_4 : i32 to vector<16xi32>
      %eq3A_6 = arith.cmpi eq, %iota3A, %eq3A_5 : vector<16xi32>
      %get3A = arith.constant 0 : index
      %get3A_7 = tpu.vector_load %arg8[%get3A] {strides = array<i32>} : memref<2048xf32, #tpu.memory_space<vmem>>, vector<16xf32>,
      %get3A_8 = arith.constant 16 : index
      %get3A_9 = tpu.vector_load %arg8[%get3A_8] {strides = array<i32>} : memref<2048xf32, #tpu.memory_space<vmem>>, vector<16xf32>,
      %max3A = arith.maximumf %get3A_7, %get3A_9 : vector<16xf32>
      %get3A_10 = arith.constant 32 : index
      %get3A_11 = tpu.vector_load %arg8[%get3A_10] {strides = array<i32>} : memref<2048xf32, #tpu.memory_space<vmem>>, vector<16xf32>,
      %max3A_12 = arith.maximumf %max3A, %get3A_11 : vector<16xf32>
      %get3A_13 = arith.constant 48 : index
      %get3A_14 = tpu.vector_load %arg8[%get3A_13] {strides = array<i32>} : memref<2048xf32, #tpu.memory_space<vmem>>, vector<16xf32>,
      %max3A_15 = arith.maximumf %max3A_12, %get3A_14 : vector<16xf32>
      %get3A_16 = arith.constant 64 : index
      %get3A_17 = tpu.vector_load %arg8[%get3A_16] {strides = array<i32>} : memref<2048xf32, #tpu.memory_space<vmem>>, vector<16xf32>,
      %max3A_18 = arith.maximumf %max3A_15, %get3A_17 : vector<16xf32>
      %get3A_19 = arith.constant 80 : index
      %get3A_20 = tpu.vector_load %arg8[%get3A_19] {strides = array<i32>} : memref<2048xf32, #tpu.memory_space<vmem>>, vector<16xf32>,
      %max3A_21 = arith.maximumf %max3A_18, %get3A_20 : vector<16xf32>
      %get3A_22 = arith.constant 96 : index
      %get3A_23 = tpu.vector_load %arg8[%get3A_22] {strides = array<i32>} : memref<2048xf32, #tpu.memory_space<vmem>>, vector<16xf32>,
      %max3A_24 = arith.maximumf %max3A_21, %get3A_23 : vector<16xf32>
      %get3A_25 = arith.constant 112 : index
      %get3A_26 = tpu.vector_load %arg8[%get3A_25] {strides = array<i32>} : memref<2048xf32, #tpu.memory_space<vmem>>, vector<16xf32>,
      %max3A_27 = arith.maximumf %max3A_24, %get3A_26 : vector<16xf32>
      %reduce_max3A = arith.constant true
      %reduce_max3A_28 = vector.broadcast %reduce_max3A : i1 to vector<16xi1>
      %reduce_max3A_29 = tpu.scan <max>, %max3A_27 masked %reduce_max3A_28 : vector<16xf32>, vector<16xi1> -> vector<16xf32>
      %reduce_max3A_30 = vector.extract %reduce_max3A_29[15] : f32 from vector<16xf32>
      %broadcast_in_dim3A_31 = vector.broadcast %reduce_max3A_30 : f32 to vector<16xf32>
      %select_n3A = arith.select %eq3A_6, %broadcast_in_dim3A_31, %broadcast_in_dim3A_3 : vector<16xi1>, vector<16xf32>
      %eq3A_32 = arith.constant 1 : i32
      %eq3A_33 = vector.broadcast %eq3A_32 : i32 to vector<16xi32>
      %eq3A_34 = arith.cmpi eq, %iota3A, %eq3A_33 : vector<16xi32>
      %get3A_35 = arith.constant 128 : index
      %get3A_36 = tpu.vector_load %arg8[%get3A_35] {strides = array<i32>} : memref<2048xf32, #tpu.memory_space<vmem>>, vector<16xf32>,
      %get3A_37 = arith.constant 144 : index
      %get3A_38 = tpu.vector_load %arg8[%get3A_37] {strides = array<i32>} : memref<2048xf32, #tpu.memory_space<vmem>>, vector<16xf32>,
      %max3A_39 = arith.maximumf %get3A_36, %get3A_38 : vector<16xf32>
      %get3A_40 = arith.constant 160 : index
      %get3A_41 = tpu.vector_load %arg8[%get3A_40] {strides = array<i32>} : memref<2048xf32, #tpu.memory_space<vmem>>, vector<16xf32>,
      %max3A_42 = arith.maximumf %max3A_39, %get3A_41 : vector<16xf32>
      %get3A_43 = arith.constant 176 : index
      %get3A_44 = tpu.vector_load %arg8[%get3A_43] {strides = array<i32>} : memref<2048xf32, #tpu.memory_space<vmem>>, vector<16xf32>,
      %max3A_45 = arith.maximumf %max3A_42, %get3A_44 : vector<16xf32>
      %get3A_46 = arith.constant 192 : index
      %get3A_47 = tpu.vector_load %arg8[%get3A_46] {strides = array<i32>} : memref<2048xf32, #tpu.memory_space<vmem>>, vector<16xf32>,
      %max3A_48 = arith.maximumf %max3A_45, %get3A_47 : vector<16xf32>
      %get3A_49 = arith.constant 208 : index
      %get3A_50 = tpu.vector_load %arg8[%get3A_49] {strides = array<i32>} : memref<2048xf32, #tpu.memory_space<vmem>>, vector<16xf32>,
      %max3A_51 = arith.maximumf %max3A_48, %get3A_50 : vector<16xf32>
      %get3A_52 = arith.constant 224 : index
      %get3A_53 = tpu.vector_load %arg8[%get3A_52] {strides = array<i32>} : memref<2048xf32, #tpu.memory_space<vmem>>, vector<16xf32>,
      %max3A_54 = arith.maximumf %max3A_51, %get3A_53 : vector<16xf32>
      %get3A_55 = arith.constant 240 : index
      %get3A_56 = tpu.vector_load %arg8[%get3A_55] {strides = array<i32>} : memref<2048xf32, #tpu.memory_space<vmem>>, vector<16xf32>,
      %max3A_57 = arith.maximumf %max3A_54, %get3A_56 : vector<16xf32>
      %reduce_max3A_58 = arith.constant true
      %reduce_max3A_59 = vector.broadcast %reduce_max3A_58 : i1 to vector<16xi1>
      %reduce_max3A_60 = tpu.scan <max>, %max3A_57 masked %reduce_max3A_59 : vector<16xf32>, vector<16xi1> -> vector<16xf32>
      %reduce_max3A_61 = vector.extract %reduce_max3A_60[15] : f32 from vector<16xf32>
      %broadcast_in_dim3A_62 = vector.broadcast %reduce_max3A_61 : f32 to vector<16xf32>
      %select_n3A_63 = arith.select %eq3A_34, %broadcast_in_dim3A_62, %select_n3A : vector<16xi1>, vector<16xf32>
      %eq3A_64 = arith.constant 2 : i32
      %eq3A_65 = vector.broadcast %eq3A_64 : i32 to vector<16xi32>
      %eq3A_66 = arith.cmpi eq, %iota3A, %eq3A_65 : vector<16xi32>
      %get3A_67 = arith.constant 256 : index
      %get3A_68 = tpu.vector_load %arg8[%get3A_67] {strides = array<i32>} : memref<2048xf32, #tpu.memory_space<vmem>>, vector<16xf32>,
      %get3A_69 = arith.constant 272 : index
      %get3A_70 = tpu.vector_load %arg8[%get3A_69] {strides = array<i32>} : memref<2048xf32, #tpu.memory_space<vmem>>, vector<16xf32>,
      %max3A_71 = arith.maximumf %get3A_68, %get3A_70 : vector<16xf32>
      %get3A_72 = arith.constant 288 : index
      %get3A_73 = tpu.vector_load %arg8[%get3A_72] {strides = array<i32>} : memref<2048xf32, #tpu.memory_space<vmem>>, vector<16xf32>,
      %max3A_74 = arith.maximumf %max3A_71, %get3A_73 : vector<16xf32>
      %get3A_75 = arith.constant 304 : index
      %get3A_76 = tpu.vector_load %arg8[%get3A_75] {strides = array<i32>} : memref<2048xf32, #tpu.memory_space<vmem>>, vector<16xf32>,
      %max3A_77 = arith.maximumf %max3A_74, %get3A_76 : vector<16xf32>
      %get3A_78 = arith.constant 320 : index
      %get3A_79 = tpu.vector_load %arg8[%get3A_78] {strides = array<i32>} : memref<2048xf32, #tpu.memory_space<vmem>>, vector<16xf32>,
      %max3A_80 = arith.maximumf %max3A_77, %get3A_79 : vector<16xf32>
      %get3A_81 = arith.constant 336 : index
      %get3A_82 = tpu.vector_load %arg8[%get3A_81] {strides = array<i32>} : memref<2048xf32, #tpu.memory_space<vmem>>, vector<16xf32>,
      %max3A_83 = arith.maximumf %max3A_80, %get3A_82 : vector<16xf32>
      %get3A_84 = arith.constant 352 : index
      %get3A_85 = tpu.vector_load %arg8[%get3A_84] {strides = array<i32>} : memref<2048xf32, #tpu.memory_space<vmem>>, vector<16xf32>,
      %max3A_86 = arith.maximumf %max3A_83, %get3A_85 : vector<16xf32>
      %get3A_87 = arith.constant 368 : index
      %get3A_88 = tpu.vector_load %arg8[%get3A_87] {strides = array<i32>} : memref<2048xf32, #tpu.memory_space<vmem>>, vector<16xf32>,
      %max3A_89 = arith.maximumf %max3A_86, %get3A_88 : vector<16xf32>
      %reduce_max3A_90 = arith.constant true
      %reduce_max3A_91 = vector.broadcast %reduce_max3A_90 : i1 to vector<16xi1>
      %reduce_max3A_92 = tpu.scan <max>, %max3A_89 masked %reduce_max3A_91 : vector<16xf32>, vector<16xi1> -> vector<16xf32>
      %reduce_max3A_93 = vector.extract %reduce_max3A_92[15] : f32 from vector<16xf32>
      %broadcast_in_dim3A_94 = vector.broadcast %reduce_max3A_93 : f32 to vector<16xf32>
      %select_n3A_95 = arith.select %eq3A_66, %broadcast_in_dim3A_94, %select_n3A_63 : vector<16xi1>, vector<16xf32>
      %eq3A_96 = arith.constant 3 : i32
      %eq3A_97 = vector.broadcast %eq3A_96 : i32 to vector<16xi32>
      %eq3A_98 = arith.cmpi eq, %iota3A, %eq3A_97 : vector<16xi32>
      %get3A_99 = arith.constant 384 : index
      %get3A_100 = tpu.vector_load %arg8[%get3A_99] {strides = array<i32>} : memref<2048xf32, #tpu.memory_space<vmem>>, vector<16xf32>,
      %get3A_101 = arith.constant 400 : index
      %get3A_102 = tpu.vector_load %arg8[%get3A_101] {strides = array<i32>} : memref<2048xf32, #tpu.memory_space<vmem>>, vector<16xf32>,
      %max3A_103 = arith.maximumf %get3A_100, %get3A_102 : vector<16xf32>
      %get3A_104 = arith.constant 416 : index
      %get3A_105 = tpu.vector_load %arg8[%get3A_104] {strides = array<i32>} : memref<2048xf32, #tpu.memory_space<vmem>>, vector<16xf32>,
      %max3A_106 = arith.maximumf %max3A_103, %get3A_105 : vector<16xf32>
      %get3A_107 = arith.constant 432 : index
      %get3A_108 = tpu.vector_load %arg8[%get3A_107] {strides = array<i32>} : memref<2048xf32, #tpu.memory_space<vmem>>, vector<16xf32>,
      %max3A_109 = arith.maximumf %max3A_106, %get3A_108 : vector<16xf32>
      %get3A_110 = arith.constant 448 : index
      %get3A_111 = tpu.vector_load %arg8[%get3A_110] {strides = array<i32>} : memref<2048xf32, #tpu.memory_space<vmem>>, vector<16xf32>,
      %max3A_112 = arith.maximumf %max3A_109, %get3A_111 : vector<16xf32>
      %get3A_113 = arith.constant 464 : index
      %get3A_114 = tpu.vector_load %arg8[%get3A_113] {strides = array<i32>} : memref<2048xf32, #tpu.memory_space<vmem>>, vector<16xf32>,
      %max3A_115 = arith.maximumf %max3A_112, %get3A_114 : vector<16xf32>
      %get3A_116 = arith.constant 480 : index
      %get3A_117 = tpu.vector_load %arg8[%get3A_116] {strides = array<i32>} : memref<2048xf32, #tpu.memory_space<vmem>>, vector<16xf32>,
      %max3A_118 = arith.maximumf %max3A_115, %get3A_117 : vector<16xf32>
      %get3A_119 = arith.constant 496 : index
      %get3A_120 = tpu.vector_load %arg8[%get3A_119] {strides = array<i32>} : memref<2048xf32, #tpu.memory_space<vmem>>, vector<16xf32>,
      %max3A_121 = arith.maximumf %max3A_118, %get3A_120 : vector<16xf32>
      %reduce_max3A_122 = arith.constant true
      %reduce_max3A_123 = vector.broadcast %reduce_max3A_122 : i1 to vector<16xi1>
      %reduce_max3A_124 = tpu.scan <max>, %max3A_121 masked %reduce_max3A_123 : vector<16xf32>, vector<16xi1> -> vector<16xf32>
      %reduce_max3A_125 = vector.extract %reduce_max3A_124[15] : f32 from vector<16xf32>
      %broadcast_in_dim3A_126 = vector.broadcast %reduce_max3A_125 : f32 to vector<16xf32>
      %select_n3A_127 = arith.select %eq3A_98, %broadcast_in_dim3A_126, %select_n3A_95 : vector<16xi1>, vector<16xf32>
      %eq3A_128 = arith.constant 4 : i32
      %eq3A_129 = vector.broadcast %eq3A_128 : i32 to vector<16xi32>
      %eq3A_130 = arith.cmpi eq, %iota3A, %eq3A_129 : vector<16xi32>
      %get3A_131 = arith.constant 512 : index
      %get3A_132 = tpu.vector_load %arg8[%get3A_131] {strides = array<i32>} : memref<2048xf32, #tpu.memory_space<vmem>>, vector<16xf32>,
      %get3A_133 = arith.constant 528 : index
      %get3A_134 = tpu.vector_load %arg8[%get3A_133] {strides = array<i32>} : memref<2048xf32, #tpu.memory_space<vmem>>, vector<16xf32>,
      %max3A_135 = arith.maximumf %get3A_132, %get3A_134 : vector<16xf32>
      %get3A_136 = arith.constant 544 : index
      %get3A_137 = tpu.vector_load %arg8[%get3A_136] {strides = array<i32>} : memref<2048xf32, #tpu.memory_space<vmem>>, vector<16xf32>,
      %max3A_138 = arith.maximumf %max3A_135, %get3A_137 : vector<16xf32>
      %get3A_139 = arith.constant 560 : index
      %get3A_140 = tpu.vector_load %arg8[%get3A_139] {strides = array<i32>} : memref<2048xf32, #tpu.memory_space<vmem>>, vector<16xf32>,
      %max3A_141 = arith.maximumf %max3A_138, %get3A_140 : vector<16xf32>
      %get3A_142 = arith.constant 576 : index
      %get3A_143 = tpu.vector_load %arg8[%get3A_142] {strides = array<i32>} : memref<2048xf32, #tpu.memory_space<vmem>>, vector<16xf32>,
      %max3A_144 = arith.maximumf %max3A_141, %get3A_143 : vector<16xf32>
      %get3A_145 = arith.constant 592 : index
      %get3A_146 = tpu.vector_load %arg8[%get3A_145] {strides = array<i32>} : memref<2048xf32, #tpu.memory_space<vmem>>, vector<16xf32>,
      %max3A_147 = arith.maximumf %max3A_144, %get3A_146 : vector<16xf32>
      %get3A_148 = arith.constant 608 : index
      %get3A_149 = tpu.vector_load %arg8[%get3A_148] {strides = array<i32>} : memref<2048xf32, #tpu.memory_space<vmem>>, vector<16xf32>,
      %max3A_150 = arith.maximumf %max3A_147, %get3A_149 : vector<16xf32>
      %get3A_151 = arith.constant 624 : index
      %get3A_152 = tpu.vector_load %arg8[%get3A_151] {strides = array<i32>} : memref<2048xf32, #tpu.memory_space<vmem>>, vector<16xf32>,
      %max3A_153 = arith.maximumf %max3A_150, %get3A_152 : vector<16xf32>
      %reduce_max3A_154 = arith.constant true
      %reduce_max3A_155 = vector.broadcast %reduce_max3A_154 : i1 to vector<16xi1>
      %reduce_max3A_156 = tpu.scan <max>, %max3A_153 masked %reduce_max3A_155 : vector<16xf32>, vector<16xi1> -> vector<16xf32>
      %reduce_max3A_157 = vector.extract %reduce_max3A_156[15] : f32 from vector<16xf32>
      %broadcast_in_dim3A_158 = vector.broadcast %reduce_max3A_157 : f32 to vector<16xf32>
      %select_n3A_159 = arith.select %eq3A_130, %broadcast_in_dim3A_158, %select_n3A_127 : vector<16xi1>, vector<16xf32>
      %eq3A_160 = arith.constant 5 : i32
      %eq3A_161 = vector.broadcast %eq3A_160 : i32 to vector<16xi32>
      %eq3A_162 = arith.cmpi eq, %iota3A, %eq3A_161 : vector<16xi32>
      %get3A_163 = arith.constant 640 : index
      %get3A_164 = tpu.vector_load %arg8[%get3A_163] {strides = array<i32>} : memref<2048xf32, #tpu.memory_space<vmem>>, vector<16xf32>,
      %get3A_165 = arith.constant 656 : index
      %get3A_166 = tpu.vector_load %arg8[%get3A_165] {strides = array<i32>} : memref<2048xf32, #tpu.memory_space<vmem>>, vector<16xf32>,
      %max3A_167 = arith.maximumf %get3A_164, %get3A_166 : vector<16xf32>
      %get3A_168 = arith.constant 672 : index
      %get3A_169 = tpu.vector_load %arg8[%get3A_168] {strides = array<i32>} : memref<2048xf32, #tpu.memory_space<vmem>>, vector<16xf32>,
      %max3A_170 = arith.maximumf %max3A_167, %get3A_169 : vector<16xf32>
      %get3A_171 = arith.constant 688 : index
      %get3A_172 = tpu.vector_load %arg8[%get3A_171] {strides = array<i32>} : memref<2048xf32, #tpu.memory_space<vmem>>, vector<16xf32>,
      %max3A_173 = arith.maximumf %max3A_170, %get3A_172 : vector<16xf32>
      %get3A_174 = arith.constant 704 : index
      %get3A_175 = tpu.vector_load %arg8[%get3A_174] {strides = array<i32>} : memref<2048xf32, #tpu.memory_space<vmem>>, vector<16xf32>,
      %max3A_176 = arith.maximumf %max3A_173, %get3A_175 : vector<16xf32>
      %get3A_177 = arith.constant 720 : index
      %get3A_178 = tpu.vector_load %arg8[%get3A_177] {strides = array<i32>} : memref<2048xf32, #tpu.memory_space<vmem>>, vector<16xf32>,
      %max3A_179 = arith.maximumf %max3A_176, %get3A_178 : vector<16xf32>
      %get3A_180 = arith.constant 736 : index
      %get3A_181 = tpu.vector_load %arg8[%get3A_180] {strides = array<i32>} : memref<2048xf32, #tpu.memory_space<vmem>>, vector<16xf32>,
      %max3A_182 = arith.maximumf %max3A_179, %get3A_181 : vector<16xf32>
      %get3A_183 = arith.constant 752 : index
      %get3A_184 = tpu.vector_load %arg8[%get3A_183] {strides = array<i32>} : memref<2048xf32, #tpu.memory_space<vmem>>, vector<16xf32>,
      %max3A_185 = arith.maximumf %max3A_182, %get3A_184 : vector<16xf32>
      %reduce_max3A_186 = arith.constant true
      %reduce_max3A_187 = vector.broadcast %reduce_max3A_186 : i1 to vector<16xi1>
      %reduce_max3A_188 = tpu.scan <max>, %max3A_185 masked %reduce_max3A_187 : vector<16xf32>, vector<16xi1> -> vector<16xf32>
      %reduce_max3A_189 = vector.extract %reduce_max3A_188[15] : f32 from vector<16xf32>
      %broadcast_in_dim3A_190 = vector.broadcast %reduce_max3A_189 : f32 to vector<16xf32>
      %select_n3A_191 = arith.select %eq3A_162, %broadcast_in_dim3A_190, %select_n3A_159 : vector<16xi1>, vector<16xf32>
      %eq3A_192 = arith.constant 6 : i32
      %eq3A_193 = vector.broadcast %eq3A_192 : i32 to vector<16xi32>
      %eq3A_194 = arith.cmpi eq, %iota3A, %eq3A_193 : vector<16xi32>
      %get3A_195 = arith.constant 768 : index
      %get3A_196 = tpu.vector_load %arg8[%get3A_195] {strides = array<i32>} : memref<2048xf32, #tpu.memory_space<vmem>>, vector<16xf32>,
      %get3A_197 = arith.constant 784 : index
      %get3A_198 = tpu.vector_load %arg8[%get3A_197] {strides = array<i32>} : memref<2048xf32, #tpu.memory_space<vmem>>, vector<16xf32>,
      %max3A_199 = arith.maximumf %get3A_196, %get3A_198 : vector<16xf32>
      %get3A_200 = arith.constant 800 : index
      %get3A_201 = tpu.vector_load %arg8[%get3A_200] {strides = array<i32>} : memref<2048xf32, #tpu.memory_space<vmem>>, vector<16xf32>,
      %max3A_202 = arith.maximumf %max3A_199, %get3A_201 : vector<16xf32>
      %get3A_203 = arith.constant 816 : index
      %get3A_204 = tpu.vector_load %arg8[%get3A_203] {strides = array<i32>} : memref<2048xf32, #tpu.memory_space<vmem>>, vector<16xf32>,
      %max3A_205 = arith.maximumf %max3A_202, %get3A_204 : vector<16xf32>
      %get3A_206 = arith.constant 832 : index
      %get3A_207 = tpu.vector_load %arg8[%get3A_206] {strides = array<i32>} : memref<2048xf32, #tpu.memory_space<vmem>>, vector<16xf32>,
      %max3A_208 = arith.maximumf %max3A_205, %get3A_207 : vector<16xf32>
      %get3A_209 = arith.constant 848 : index
      %get3A_210 = tpu.vector_load %arg8[%get3A_209] {strides = array<i32>} : memref<2048xf32, #tpu.memory_space<vmem>>, vector<16xf32>,
      %max3A_211 = arith.maximumf %max3A_208, %get3A_210 : vector<16xf32>
      %get3A_212 = arith.constant 864 : index
      %get3A_213 = tpu.vector_load %arg8[%get3A_212] {strides = array<i32>} : memref<2048xf32, #tpu.memory_space<vmem>>, vector<16xf32>,
      %max3A_214 = arith.maximumf %max3A_211, %get3A_213 : vector<16xf32>
      %get3A_215 = arith.constant 880 : index
      %get3A_216 = tpu.vector_load %arg8[%get3A_215] {strides = array<i32>} : memref<2048xf32, #tpu.memory_space<vmem>>, vector<16xf32>,
      %max3A_217 = arith.maximumf %max3A_214, %get3A_216 : vector<16xf32>
      %reduce_max3A_218 = arith.constant true
      %reduce_max3A_219 = vector.broadcast %reduce_max3A_218 : i1 to vector<16xi1>
      %reduce_max3A_220 = tpu.scan <max>, %max3A_217 masked %reduce_max3A_219 : vector<16xf32>, vector<16xi1> -> vector<16xf32>
      %reduce_max3A_221 = vector.extract %reduce_max3A_220[15] : f32 from vector<16xf32>
      %broadcast_in_dim3A_222 = vector.broadcast %reduce_max3A_221 : f32 to vector<16xf32>
      %select_n3A_223 = arith.select %eq3A_194, %broadcast_in_dim3A_222, %select_n3A_191 : vector<16xi1>, vector<16xf32>
      %eq3A_224 = arith.constant 7 : i32
      %eq3A_225 = vector.broadcast %eq3A_224 : i32 to vector<16xi32>
      %eq3A_226 = arith.cmpi eq, %iota3A, %eq3A_225 : vector<16xi32>
      %get3A_227 = arith.constant 896 : index
      %get3A_228 = tpu.vector_load %arg8[%get3A_227] {strides = array<i32>} : memref<2048xf32, #tpu.memory_space<vmem>>, vector<16xf32>,
      %get3A_229 = arith.constant 912 : index
      %get3A_230 = tpu.vector_load %arg8[%get3A_229] {strides = array<i32>} : memref<2048xf32, #tpu.memory_space<vmem>>, vector<16xf32>,
      %max3A_231 = arith.maximumf %get3A_228, %get3A_230 : vector<16xf32>
      %get3A_232 = arith.constant 928 : index
      %get3A_233 = tpu.vector_load %arg8[%get3A_232] {strides = array<i32>} : memref<2048xf32, #tpu.memory_space<vmem>>, vector<16xf32>,
      %max3A_234 = arith.maximumf %max3A_231, %get3A_233 : vector<16xf32>
      %get3A_235 = arith.constant 944 : index
      %get3A_236 = tpu.vector_load %arg8[%get3A_235] {strides = array<i32>} : memref<2048xf32, #tpu.memory_space<vmem>>, vector<16xf32>,
      %max3A_237 = arith.maximumf %max3A_234, %get3A_236 : vector<16xf32>
      %get3A_238 = arith.constant 960 : index
      %get3A_239 = tpu.vector_load %arg8[%get3A_238] {strides = array<i32>} : memref<2048xf32, #tpu.memory_space<vmem>>, vector<16xf32>,
      %max3A_240 = arith.maximumf %max3A_237, %get3A_239 : vector<16xf32>
      %get3A_241 = arith.constant 976 : index
      %get3A_242 = tpu.vector_load %arg8[%get3A_241] {strides = array<i32>} : memref<2048xf32, #tpu.memory_space<vmem>>, vector<16xf32>,
      %max3A_243 = arith.maximumf %max3A_240, %get3A_242 : vector<16xf32>
      %get3A_244 = arith.constant 992 : index
      %get3A_245 = tpu.vector_load %arg8[%get3A_244] {strides = array<i32>} : memref<2048xf32, #tpu.memory_space<vmem>>, vector<16xf32>,
      %max3A_246 = arith.maximumf %max3A_243, %get3A_245 : vector<16xf32>
      %get3A_247 = arith.constant 1008 : index
      %get3A_248 = tpu.vector_load %arg8[%get3A_247] {strides = array<i32>} : memref<2048xf32, #tpu.memory_space<vmem>>, vector<16xf32>,
      %max3A_249 = arith.maximumf %max3A_246, %get3A_248 : vector<16xf32>
      %reduce_max3A_250 = arith.constant true
      %reduce_max3A_251 = vector.broadcast %reduce_max3A_250 : i1 to vector<16xi1>
      %reduce_max3A_252 = tpu.scan <max>, %max3A_249 masked %reduce_max3A_251 : vector<16xf32>, vector<16xi1> -> vector<16xf32>
      %reduce_max3A_253 = vector.extract %reduce_max3A_252[15] : f32 from vector<16xf32>
      %broadcast_in_dim3A_254 = vector.broadcast %reduce_max3A_253 : f32 to vector<16xf32>
      %select_n3A_255 = arith.select %eq3A_226, %broadcast_in_dim3A_254, %select_n3A_223 : vector<16xi1>, vector<16xf32>
      %eq3A_256 = arith.constant 8 : i32
      %eq3A_257 = vector.broadcast %eq3A_256 : i32 to vector<16xi32>
      %eq3A_258 = arith.cmpi eq, %iota3A, %eq3A_257 : vector<16xi32>
      %get3A_259 = arith.constant 1024 : index
      %get3A_260 = tpu.vector_load %arg8[%get3A_259] {strides = array<i32>} : memref<2048xf32, #tpu.memory_space<vmem>>, vector<16xf32>,
      %get3A_261 = arith.constant 1040 : index
      %get3A_262 = tpu.vector_load %arg8[%get3A_261] {strides = array<i32>} : memref<2048xf32, #tpu.memory_space<vmem>>, vector<16xf32>,
      %max3A_263 = arith.maximumf %get3A_260, %get3A_262 : vector<16xf32>
      %get3A_264 = arith.constant 1056 : index
      %get3A_265 = tpu.vector_load %arg8[%get3A_264] {strides = array<i32>} : memref<2048xf32, #tpu.memory_space<vmem>>, vector<16xf32>,
      %max3A_266 = arith.maximumf %max3A_263, %get3A_265 : vector<16xf32>
      %get3A_267 = arith.constant 1072 : index
      %get3A_268 = tpu.vector_load %arg8[%get3A_267] {strides = array<i32>} : memref<2048xf32, #tpu.memory_space<vmem>>, vector<16xf32>,
      %max3A_269 = arith.maximumf %max3A_266, %get3A_268 : vector<16xf32>
      %get3A_270 = arith.constant 1088 : index
      %get3A_271 = tpu.vector_load %arg8[%get3A_270] {strides = array<i32>} : memref<2048xf32, #tpu.memory_space<vmem>>, vector<16xf32>,
      %max3A_272 = arith.maximumf %max3A_269, %get3A_271 : vector<16xf32>
      %get3A_273 = arith.constant 1104 : index
      %get3A_274 = tpu.vector_load %arg8[%get3A_273] {strides = array<i32>} : memref<2048xf32, #tpu.memory_space<vmem>>, vector<16xf32>,
      %max3A_275 = arith.maximumf %max3A_272, %get3A_274 : vector<16xf32>
      %get3A_276 = arith.constant 1120 : index
      %get3A_277 = tpu.vector_load %arg8[%get3A_276] {strides = array<i32>} : memref<2048xf32, #tpu.memory_space<vmem>>, vector<16xf32>,
      %max3A_278 = arith.maximumf %max3A_275, %get3A_277 : vector<16xf32>
      %get3A_279 = arith.constant 1136 : index
      %get3A_280 = tpu.vector_load %arg8[%get3A_279] {strides = array<i32>} : memref<2048xf32, #tpu.memory_space<vmem>>, vector<16xf32>,
      %max3A_281 = arith.maximumf %max3A_278, %get3A_280 : vector<16xf32>
      %reduce_max3A_282 = arith.constant true
      %reduce_max3A_283 = vector.broadcast %reduce_max3A_282 : i1 to vector<16xi1>
      %reduce_max3A_284 = tpu.scan <max>, %max3A_281 masked %reduce_max3A_283 : vector<16xf32>, vector<16xi1> -> vector<16xf32>
      %reduce_max3A_285 = vector.extract %reduce_max3A_284[15] : f32 from vector<16xf32>
      %broadcast_in_dim3A_286 = vector.broadcast %reduce_max3A_285 : f32 to vector<16xf32>
      %select_n3A_287 = arith.select %eq3A_258, %broadcast_in_dim3A_286, %select_n3A_255 : vector<16xi1>, vector<16xf32>
      %eq3A_288 = arith.constant 9 : i32
      %eq3A_289 = vector.broadcast %eq3A_288 : i32 to vector<16xi32>
      %eq3A_290 = arith.cmpi eq, %iota3A, %eq3A_289 : vector<16xi32>
      %get3A_291 = arith.constant 1152 : index
      %get3A_292 = tpu.vector_load %arg8[%get3A_291] {strides = array<i32>} : memref<2048xf32, #tpu.memory_space<vmem>>, vector<16xf32>,
      %get3A_293 = arith.constant 1168 : index
      %get3A_294 = tpu.vector_load %arg8[%get3A_293] {strides = array<i32>} : memref<2048xf32, #tpu.memory_space<vmem>>, vector<16xf32>,
      %max3A_295 = arith.maximumf %get3A_292, %get3A_294 : vector<16xf32>
      %get3A_296 = arith.constant 1184 : index
      %get3A_297 = tpu.vector_load %arg8[%get3A_296] {strides = array<i32>} : memref<2048xf32, #tpu.memory_space<vmem>>, vector<16xf32>,
      %max3A_298 = arith.maximumf %max3A_295, %get3A_297 : vector<16xf32>
      %get3A_299 = arith.constant 1200 : index
      %get3A_300 = tpu.vector_load %arg8[%get3A_299] {strides = array<i32>} : memref<2048xf32, #tpu.memory_space<vmem>>, vector<16xf32>,
      %max3A_301 = arith.maximumf %max3A_298, %get3A_300 : vector<16xf32>
      %get3A_302 = arith.constant 1216 : index
      %get3A_303 = tpu.vector_load %arg8[%get3A_302] {strides = array<i32>} : memref<2048xf32, #tpu.memory_space<vmem>>, vector<16xf32>,
      %max3A_304 = arith.maximumf %max3A_301, %get3A_303 : vector<16xf32>
      %get3A_305 = arith.constant 1232 : index
      %get3A_306 = tpu.vector_load %arg8[%get3A_305] {strides = array<i32>} : memref<2048xf32, #tpu.memory_space<vmem>>, vector<16xf32>,
      %max3A_307 = arith.maximumf %max3A_304, %get3A_306 : vector<16xf32>
      %get3A_308 = arith.constant 1248 : index
      %get3A_309 = tpu.vector_load %arg8[%get3A_308] {strides = array<i32>} : memref<2048xf32, #tpu.memory_space<vmem>>, vector<16xf32>,
      %max3A_310 = arith.maximumf %max3A_307, %get3A_309 : vector<16xf32>
      %get3A_311 = arith.constant 1264 : index
      %get3A_312 = tpu.vector_load %arg8[%get3A_311] {strides = array<i32>} : memref<2048xf32, #tpu.memory_space<vmem>>, vector<16xf32>,
      %max3A_313 = arith.maximumf %max3A_310, %get3A_312 : vector<16xf32>
      %reduce_max3A_314 = arith.constant true
      %reduce_max3A_315 = vector.broadcast %reduce_max3A_314 : i1 to vector<16xi1>
      %reduce_max3A_316 = tpu.scan <max>, %max3A_313 masked %reduce_max3A_315 : vector<16xf32>, vector<16xi1> -> vector<16xf32>
      %reduce_max3A_317 = vector.extract %reduce_max3A_316[15] : f32 from vector<16xf32>
      %broadcast_in_dim3A_318 = vector.broadcast %reduce_max3A_317 : f32 to vector<16xf32>
      %select_n3A_319 = arith.select %eq3A_290, %broadcast_in_dim3A_318, %select_n3A_287 : vector<16xi1>, vector<16xf32>
      %eq3A_320 = arith.constant 10 : i32
      %eq3A_321 = vector.broadcast %eq3A_320 : i32 to vector<16xi32>
      %eq3A_322 = arith.cmpi eq, %iota3A, %eq3A_321 : vector<16xi32>
      %get3A_323 = arith.constant 1280 : index
      %get3A_324 = tpu.vector_load %arg8[%get3A_323] {strides = array<i32>} : memref<2048xf32, #tpu.memory_space<vmem>>, vector<16xf32>,
      %get3A_325 = arith.constant 1296 : index
      %get3A_326 = tpu.vector_load %arg8[%get3A_325] {strides = array<i32>} : memref<2048xf32, #tpu.memory_space<vmem>>, vector<16xf32>,
      %max3A_327 = arith.maximumf %get3A_324, %get3A_326 : vector<16xf32>
      %get3A_328 = arith.constant 1312 : index
      %get3A_329 = tpu.vector_load %arg8[%get3A_328] {strides = array<i32>} : memref<2048xf32, #tpu.memory_space<vmem>>, vector<16xf32>,
      %max3A_330 = arith.maximumf %max3A_327, %get3A_329 : vector<16xf32>
      %get3A_331 = arith.constant 1328 : index
      %get3A_332 = tpu.vector_load %arg8[%get3A_331] {strides = array<i32>} : memref<2048xf32, #tpu.memory_space<vmem>>, vector<16xf32>,
      %max3A_333 = arith.maximumf %max3A_330, %get3A_332 : vector<16xf32>
      %get3A_334 = arith.constant 1344 : index
      %get3A_335 = tpu.vector_load %arg8[%get3A_334] {strides = array<i32>} : memref<2048xf32, #tpu.memory_space<vmem>>, vector<16xf32>,
      %max3A_336 = arith.maximumf %max3A_333, %get3A_335 : vector<16xf32>
      %get3A_337 = arith.constant 1360 : index
      %get3A_338 = tpu.vector_load %arg8[%get3A_337] {strides = array<i32>} : memref<2048xf32, #tpu.memory_space<vmem>>, vector<16xf32>,
      %max3A_339 = arith.maximumf %max3A_336, %get3A_338 : vector<16xf32>
      %get3A_340 = arith.constant 1376 : index
      %get3A_341 = tpu.vector_load %arg8[%get3A_340] {strides = array<i32>} : memref<2048xf32, #tpu.memory_space<vmem>>, vector<16xf32>,
      %max3A_342 = arith.maximumf %max3A_339, %get3A_341 : vector<16xf32>
      %get3A_343 = arith.constant 1392 : index
      %get3A_344 = tpu.vector_load %arg8[%get3A_343] {strides = array<i32>} : memref<2048xf32, #tpu.memory_space<vmem>>, vector<16xf32>,
      %max3A_345 = arith.maximumf %max3A_342, %get3A_344 : vector<16xf32>
      %reduce_max3A_346 = arith.constant true
      %reduce_max3A_347 = vector.broadcast %reduce_max3A_346 : i1 to vector<16xi1>
      %reduce_max3A_348 = tpu.scan <max>, %max3A_345 masked %reduce_max3A_347 : vector<16xf32>, vector<16xi1> -> vector<16xf32>
      %reduce_max3A_349 = vector.extract %reduce_max3A_348[15] : f32 from vector<16xf32>
      %broadcast_in_dim3A_350 = vector.broadcast %reduce_max3A_349 : f32 to vector<16xf32>
      %select_n3A_351 = arith.select %eq3A_322, %broadcast_in_dim3A_350, %select_n3A_319 : vector<16xi1>, vector<16xf32>
      %eq3A_352 = arith.constant 11 : i32
      %eq3A_353 = vector.broadcast %eq3A_352 : i32 to vector<16xi32>
      %eq3A_354 = arith.cmpi eq, %iota3A, %eq3A_353 : vector<16xi32>
      %get3A_355 = arith.constant 1408 : index
      %get3A_356 = tpu.vector_load %arg8[%get3A_355] {strides = array<i32>} : memref<2048xf32, #tpu.memory_space<vmem>>, vector<16xf32>,
      %get3A_357 = arith.constant 1424 : index
      %get3A_358 = tpu.vector_load %arg8[%get3A_357] {strides = array<i32>} : memref<2048xf32, #tpu.memory_space<vmem>>, vector<16xf32>,
      %max3A_359 = arith.maximumf %get3A_356, %get3A_358 : vector<16xf32>
      %get3A_360 = arith.constant 1440 : index
      %get3A_361 = tpu.vector_load %arg8[%get3A_360] {strides = array<i32>} : memref<2048xf32, #tpu.memory_space<vmem>>, vector<16xf32>,
      %max3A_362 = arith.maximumf %max3A_359, %get3A_361 : vector<16xf32>
      %get3A_363 = arith.constant 1456 : index
      %get3A_364 = tpu.vector_load %arg8[%get3A_363] {strides = array<i32>} : memref<2048xf32, #tpu.memory_space<vmem>>, vector<16xf32>,
      %max3A_365 = arith.maximumf %max3A_362, %get3A_364 : vector<16xf32>
      %get3A_366 = arith.constant 1472 : index
      %get3A_367 = tpu.vector_load %arg8[%get3A_366] {strides = array<i32>} : memref<2048xf32, #tpu.memory_space<vmem>>, vector<16xf32>,
      %max3A_368 = arith.maximumf %max3A_365, %get3A_367 : vector<16xf32>
      %get3A_369 = arith.constant 1488 : index
      %get3A_370 = tpu.vector_load %arg8[%get3A_369] {strides = array<i32>} : memref<2048xf32, #tpu.memory_space<vmem>>, vector<16xf32>,
      %max3A_371 = arith.maximumf %max3A_368, %get3A_370 : vector<16xf32>
      %get3A_372 = arith.constant 1504 : index
      %get3A_373 = tpu.vector_load %arg8[%get3A_372] {strides = array<i32>} : memref<2048xf32, #tpu.memory_space<vmem>>, vector<16xf32>,
      %max3A_374 = arith.maximumf %max3A_371, %get3A_373 : vector<16xf32>
      %get3A_375 = arith.constant 1520 : index
      %get3A_376 = tpu.vector_load %arg8[%get3A_375] {strides = array<i32>} : memref<2048xf32, #tpu.memory_space<vmem>>, vector<16xf32>,
      %max3A_377 = arith.maximumf %max3A_374, %get3A_376 : vector<16xf32>
      %reduce_max3A_378 = arith.constant true
      %reduce_max3A_379 = vector.broadcast %reduce_max3A_378 : i1 to vector<16xi1>
      %reduce_max3A_380 = tpu.scan <max>, %max3A_377 masked %reduce_max3A_379 : vector<16xf32>, vector<16xi1> -> vector<16xf32>
      %reduce_max3A_381 = vector.extract %reduce_max3A_380[15] : f32 from vector<16xf32>
      %broadcast_in_dim3A_382 = vector.broadcast %reduce_max3A_381 : f32 to vector<16xf32>
      %select_n3A_383 = arith.select %eq3A_354, %broadcast_in_dim3A_382, %select_n3A_351 : vector<16xi1>, vector<16xf32>
      %eq3A_384 = arith.constant 12 : i32
      %eq3A_385 = vector.broadcast %eq3A_384 : i32 to vector<16xi32>
      %eq3A_386 = arith.cmpi eq, %iota3A, %eq3A_385 : vector<16xi32>
      %get3A_387 = arith.constant 1536 : index
      %get3A_388 = tpu.vector_load %arg8[%get3A_387] {strides = array<i32>} : memref<2048xf32, #tpu.memory_space<vmem>>, vector<16xf32>,
      %get3A_389 = arith.constant 1552 : index
      %get3A_390 = tpu.vector_load %arg8[%get3A_389] {strides = array<i32>} : memref<2048xf32, #tpu.memory_space<vmem>>, vector<16xf32>,
      %max3A_391 = arith.maximumf %get3A_388, %get3A_390 : vector<16xf32>
      %get3A_392 = arith.constant 1568 : index
      %get3A_393 = tpu.vector_load %arg8[%get3A_392] {strides = array<i32>} : memref<2048xf32, #tpu.memory_space<vmem>>, vector<16xf32>,
      %max3A_394 = arith.maximumf %max3A_391, %get3A_393 : vector<16xf32>
      %get3A_395 = arith.constant 1584 : index
      %get3A_396 = tpu.vector_load %arg8[%get3A_395] {strides = array<i32>} : memref<2048xf32, #tpu.memory_space<vmem>>, vector<16xf32>,
      %max3A_397 = arith.maximumf %max3A_394, %get3A_396 : vector<16xf32>
      %get3A_398 = arith.constant 1600 : index
      %get3A_399 = tpu.vector_load %arg8[%get3A_398] {strides = array<i32>} : memref<2048xf32, #tpu.memory_space<vmem>>, vector<16xf32>,
      %max3A_400 = arith.maximumf %max3A_397, %get3A_399 : vector<16xf32>
      %get3A_401 = arith.constant 1616 : index
      %get3A_402 = tpu.vector_load %arg8[%get3A_401] {strides = array<i32>} : memref<2048xf32, #tpu.memory_space<vmem>>, vector<16xf32>,
      %max3A_403 = arith.maximumf %max3A_400, %get3A_402 : vector<16xf32>
      %get3A_404 = arith.constant 1632 : index
      %get3A_405 = tpu.vector_load %arg8[%get3A_404] {strides = array<i32>} : memref<2048xf32, #tpu.memory_space<vmem>>, vector<16xf32>,
      %max3A_406 = arith.maximumf %max3A_403, %get3A_405 : vector<16xf32>
      %get3A_407 = arith.constant 1648 : index
      %get3A_408 = tpu.vector_load %arg8[%get3A_407] {strides = array<i32>} : memref<2048xf32, #tpu.memory_space<vmem>>, vector<16xf32>,
      %max3A_409 = arith.maximumf %max3A_406, %get3A_408 : vector<16xf32>
      %reduce_max3A_410 = arith.constant true
      %reduce_max3A_411 = vector.broadcast %reduce_max3A_410 : i1 to vector<16xi1>
      %reduce_max3A_412 = tpu.scan <max>, %max3A_409 masked %reduce_max3A_411 : vector<16xf32>, vector<16xi1> -> vector<16xf32>
      %reduce_max3A_413 = vector.extract %reduce_max3A_412[15] : f32 from vector<16xf32>
      %broadcast_in_dim3A_414 = vector.broadcast %reduce_max3A_413 : f32 to vector<16xf32>
      %select_n3A_415 = arith.select %eq3A_386, %broadcast_in_dim3A_414, %select_n3A_383 : vector<16xi1>, vector<16xf32>
      %eq3A_416 = arith.constant 13 : i32
      %eq3A_417 = vector.broadcast %eq3A_416 : i32 to vector<16xi32>
      %eq3A_418 = arith.cmpi eq, %iota3A, %eq3A_417 : vector<16xi32>
      %get3A_419 = arith.constant 1664 : index
      %get3A_420 = tpu.vector_load %arg8[%get3A_419] {strides = array<i32>} : memref<2048xf32, #tpu.memory_space<vmem>>, vector<16xf32>,
      %get3A_421 = arith.constant 1680 : index
      %get3A_422 = tpu.vector_load %arg8[%get3A_421] {strides = array<i32>} : memref<2048xf32, #tpu.memory_space<vmem>>, vector<16xf32>,
      %max3A_423 = arith.maximumf %get3A_420, %get3A_422 : vector<16xf32>
      %get3A_424 = arith.constant 1696 : index
      %get3A_425 = tpu.vector_load %arg8[%get3A_424] {strides = array<i32>} : memref<2048xf32, #tpu.memory_space<vmem>>, vector<16xf32>,
      %max3A_426 = arith.maximumf %max3A_423, %get3A_425 : vector<16xf32>
      %get3A_427 = arith.constant 1712 : index
      %get3A_428 = tpu.vector_load %arg8[%get3A_427] {strides = array<i32>} : memref<2048xf32, #tpu.memory_space<vmem>>, vector<16xf32>,
      %max3A_429 = arith.maximumf %max3A_426, %get3A_428 : vector<16xf32>
      %get3A_430 = arith.constant 1728 : index
      %get3A_431 = tpu.vector_load %arg8[%get3A_430] {strides = array<i32>} : memref<2048xf32, #tpu.memory_space<vmem>>, vector<16xf32>,
      %max3A_432 = arith.maximumf %max3A_429, %get3A_431 : vector<16xf32>
      %get3A_433 = arith.constant 1744 : index
      %get3A_434 = tpu.vector_load %arg8[%get3A_433] {strides = array<i32>} : memref<2048xf32, #tpu.memory_space<vmem>>, vector<16xf32>,
      %max3A_435 = arith.maximumf %max3A_432, %get3A_434 : vector<16xf32>
      %get3A_436 = arith.constant 1760 : index
      %get3A_437 = tpu.vector_load %arg8[%get3A_436] {strides = array<i32>} : memref<2048xf32, #tpu.memory_space<vmem>>, vector<16xf32>,
      %max3A_438 = arith.maximumf %max3A_435, %get3A_437 : vector<16xf32>
      %get3A_439 = arith.constant 1776 : index
      %get3A_440 = tpu.vector_load %arg8[%get3A_439] {strides = array<i32>} : memref<2048xf32, #tpu.memory_space<vmem>>, vector<16xf32>,
      %max3A_441 = arith.maximumf %max3A_438, %get3A_440 : vector<16xf32>
      %reduce_max3A_442 = arith.constant true
      %reduce_max3A_443 = vector.broadcast %reduce_max3A_442 : i1 to vector<16xi1>
      %reduce_max3A_444 = tpu.scan <max>, %max3A_441 masked %reduce_max3A_443 : vector<16xf32>, vector<16xi1> -> vector<16xf32>
      %reduce_max3A_445 = vector.extract %reduce_max3A_444[15] : f32 from vector<16xf32>
      %broadcast_in_dim3A_446 = vector.broadcast %reduce_max3A_445 : f32 to vector<16xf32>
      %select_n3A_447 = arith.select %eq3A_418, %broadcast_in_dim3A_446, %select_n3A_415 : vector<16xi1>, vector<16xf32>
      %eq3A_448 = arith.constant 14 : i32
      %eq3A_449 = vector.broadcast %eq3A_448 : i32 to vector<16xi32>
      %eq3A_450 = arith.cmpi eq, %iota3A, %eq3A_449 : vector<16xi32>
      %get3A_451 = arith.constant 1792 : index
      %get3A_452 = tpu.vector_load %arg8[%get3A_451] {strides = array<i32>} : memref<2048xf32, #tpu.memory_space<vmem>>, vector<16xf32>,
      %get3A_453 = arith.constant 1808 : index
      %get3A_454 = tpu.vector_load %arg8[%get3A_453] {strides = array<i32>} : memref<2048xf32, #tpu.memory_space<vmem>>, vector<16xf32>,
      %max3A_455 = arith.maximumf %get3A_452, %get3A_454 : vector<16xf32>
      %get3A_456 = arith.constant 1824 : index
      %get3A_457 = tpu.vector_load %arg8[%get3A_456] {strides = array<i32>} : memref<2048xf32, #tpu.memory_space<vmem>>, vector<16xf32>,
      %max3A_458 = arith.maximumf %max3A_455, %get3A_457 : vector<16xf32>
      %get3A_459 = arith.constant 1840 : index
      %get3A_460 = tpu.vector_load %arg8[%get3A_459] {strides = array<i32>} : memref<2048xf32, #tpu.memory_space<vmem>>, vector<16xf32>,
      %max3A_461 = arith.maximumf %max3A_458, %get3A_460 : vector<16xf32>
      %get3A_462 = arith.constant 1856 : index
      %get3A_463 = tpu.vector_load %arg8[%get3A_462] {strides = array<i32>} : memref<2048xf32, #tpu.memory_space<vmem>>, vector<16xf32>,
      %max3A_464 = arith.maximumf %max3A_461, %get3A_463 : vector<16xf32>
      %get3A_465 = arith.constant 1872 : index
      %get3A_466 = tpu.vector_load %arg8[%get3A_465] {strides = array<i32>} : memref<2048xf32, #tpu.memory_space<vmem>>, vector<16xf32>,
      %max3A_467 = arith.maximumf %max3A_464, %get3A_466 : vector<16xf32>
      %get3A_468 = arith.constant 1888 : index
      %get3A_469 = tpu.vector_load %arg8[%get3A_468] {strides = array<i32>} : memref<2048xf32, #tpu.memory_space<vmem>>, vector<16xf32>,
      %max3A_470 = arith.maximumf %max3A_467, %get3A_469 : vector<16xf32>
      %get3A_471 = arith.constant 1904 : index
      %get3A_472 = tpu.vector_load %arg8[%get3A_471] {strides = array<i32>} : memref<2048xf32, #tpu.memory_space<vmem>>, vector<16xf32>,
      %max3A_473 = arith.maximumf %max3A_470, %get3A_472 : vector<16xf32>
      %reduce_max3A_474 = arith.constant true
      %reduce_max3A_475 = vector.broadcast %reduce_max3A_474 : i1 to vector<16xi1>
      %reduce_max3A_476 = tpu.scan <max>, %max3A_473 masked %reduce_max3A_475 : vector<16xf32>, vector<16xi1> -> vector<16xf32>
      %reduce_max3A_477 = vector.extract %reduce_max3A_476[15] : f32 from vector<16xf32>
      %broadcast_in_dim3A_478 = vector.broadcast %reduce_max3A_477 : f32 to vector<16xf32>
      %select_n3A_479 = arith.select %eq3A_450, %broadcast_in_dim3A_478, %select_n3A_447 : vector<16xi1>, vector<16xf32>
      %eq3A_480 = arith.constant 15 : i32
      %eq3A_481 = vector.broadcast %eq3A_480 : i32 to vector<16xi32>
      %eq3A_482 = arith.cmpi eq, %iota3A, %eq3A_481 : vector<16xi32>
      %get3A_483 = arith.constant 1920 : index
      %get3A_484 = tpu.vector_load %arg8[%get3A_483] {strides = array<i32>} : memref<2048xf32, #tpu.memory_space<vmem>>, vector<16xf32>,
      %get3A_485 = arith.constant 1936 : index
      %get3A_486 = tpu.vector_load %arg8[%get3A_485] {strides = array<i32>} : memref<2048xf32, #tpu.memory_space<vmem>>, vector<16xf32>,
      %max3A_487 = arith.maximumf %get3A_484, %get3A_486 : vector<16xf32>
      %get3A_488 = arith.constant 1952 : index
      %get3A_489 = tpu.vector_load %arg8[%get3A_488] {strides = array<i32>} : memref<2048xf32, #tpu.memory_space<vmem>>, vector<16xf32>,
      %max3A_490 = arith.maximumf %max3A_487, %get3A_489 : vector<16xf32>
      %get3A_491 = arith.constant 1968 : index
      %get3A_492 = tpu.vector_load %arg8[%get3A_491] {strides = array<i32>} : memref<2048xf32, #tpu.memory_space<vmem>>, vector<16xf32>,
      %max3A_493 = arith.maximumf %max3A_490, %get3A_492 : vector<16xf32>
      %get3A_494 = arith.constant 1984 : index
      %get3A_495 = tpu.vector_load %arg8[%get3A_494] {strides = array<i32>} : memref<2048xf32, #tpu.memory_space<vmem>>, vector<16xf32>,
      %max3A_496 = arith.maximumf %max3A_493, %get3A_495 : vector<16xf32>
      %get3A_497 = arith.constant 2000 : index
      %get3A_498 = tpu.vector_load %arg8[%get3A_497] {strides = array<i32>} : memref<2048xf32, #tpu.memory_space<vmem>>, vector<16xf32>,
      %max3A_499 = arith.maximumf %max3A_496, %get3A_498 : vector<16xf32>
      %get3A_500 = arith.constant 2016 : index
      %get3A_501 = tpu.vector_load %arg8[%get3A_500] {strides = array<i32>} : memref<2048xf32, #tpu.memory_space<vmem>>, vector<16xf32>,
      %max3A_502 = arith.maximumf %max3A_499, %get3A_501 : vector<16xf32>
      %get3A_503 = arith.constant 2032 : index
      %get3A_504 = tpu.vector_load %arg8[%get3A_503] {strides = array<i32>} : memref<2048xf32, #tpu.memory_space<vmem>>, vector<16xf32>,
      %max3A_505 = arith.maximumf %max3A_502, %get3A_504 : vector<16xf32>
      %reduce_max3A_506 = arith.constant true
      %reduce_max3A_507 = vector.broadcast %reduce_max3A_506 : i1 to vector<16xi1>
      %reduce_max3A_508 = tpu.scan <max>, %max3A_505 masked %reduce_max3A_507 : vector<16xf32>, vector<16xi1> -> vector<16xf32>
      %reduce_max3A_509 = vector.extract %reduce_max3A_508[15] : f32 from vector<16xf32>
      %broadcast_in_dim3A_510 = vector.broadcast %reduce_max3A_509 : f32 to vector<16xf32>
      %select_n3A_511 = arith.select %eq3A_482, %broadcast_in_dim3A_510, %select_n3A_479 : vector<16xi1>, vector<16xf32>
      %scan3A = arith.constant 0 : i32
      %scan3A_512 = arith.constant 64 : i32
      %scan3A_513 = arith.addi %scan3A, %scan3A_512 : i32
      %scan3A_514 = arith.constant 1 : i32
      %scan3A_515 = scf.for %scan3A_2754 = %scan3A to %scan3A_513 step %scan3A_514 iter_args(%scan3A_2755 = %select_n3A_511) -> (vector<16xf32>)  : i32 {
        %reduce_max3A_2756 = arith.constant true
        %reduce_max3A_2757 = vector.broadcast %reduce_max3A_2756 : i1 to vector<16xi1>
        %reduce_max3A_2758 = tpu.scan <max>, %scan3A_2755 masked %reduce_max3A_2757 : vector<16xf32>, vector<16xi1> -> vector<16xf32>
        %reduce_max3A_2759 = vector.extract %reduce_max3A_2758[15] : f32 from vector<16xf32>
        %eq3A_2760 = vector.broadcast %reduce_max3A_2759 : f32 to vector<16xf32>
        %eq3A_2761 = arith.cmpf oeq, %scan3A_2755, %eq3A_2760 : vector<16xf32>
        %jit3A_2762 = arith.constant 9999 : i32
        %broadcast_in_dim3A_2763 = vector.broadcast %jit3A_2762 : i32 to vector<16xi32>
        %select_n3A_2764 = arith.select %eq3A_2761, %iota3A, %broadcast_in_dim3A_2763 : vector<16xi1>, vector<16xi32>
        %reduce_min3A = arith.constant true
        %reduce_min3A_2765 = vector.broadcast %reduce_min3A : i1 to vector<16xi1>
        %reduce_min3A_2766 = arith.constant -2147483648 : i32
        %reduce_min3A_2767 = vector.broadcast %reduce_min3A_2766 : i32 to vector<16xi32>
        %reduce_min3A_2768 = arith.xori %select_n3A_2764, %reduce_min3A_2767 : vector<16xi32>
        %reduce_min3A_2769 = tpu.scan <min>, %reduce_min3A_2768 masked %reduce_min3A_2765 : vector<16xi32>, vector<16xi1> -> vector<16xi32>
        %reduce_min3A_2770 = arith.xori %reduce_min3A_2769, %reduce_min3A_2767 : vector<16xi32>
        %reduce_min3A_2771 = vector.extract %reduce_min3A_2770[15] : i32 from vector<16xi32>
        %mul3A_2772 = arith.constant 128 : i32
        %mul3A_2773 = arith.muli %reduce_min3A_2771, %mul3A_2772 : i32
        %add3A_2774 = arith.constant 0 : i32
        %add3A_2775 = arith.addi %mul3A_2773, %add3A_2774 : i32
        %get3A_2776 = arith.index_cast %add3A_2775 : i32 to index
        %get3A_2777 = tpu.vector_load %arg8[%get3A_2776] {strides = array<i32>} : memref<2048xf32, #tpu.memory_space<vmem>>, vector<16xf32>,
        %eq3A_2778 = vector.broadcast %reduce_max3A_2759 : f32 to vector<16xf32>
        %eq3A_2779 = arith.cmpf oeq, %get3A_2777, %eq3A_2778 : vector<16xf32>
        %add3A_2780 = arith.constant 0 : i32
        %add3A_2781 = vector.broadcast %add3A_2780 : i32 to vector<16xi32>
        %add3A_2782 = arith.addi %iota3A, %add3A_2781 : vector<16xi32>
        %jit3A_2783 = arith.constant 9999 : i32
        %broadcast_in_dim3A_2784 = vector.broadcast %jit3A_2783 : i32 to vector<16xi32>
        %select_n3A_2785 = arith.select %eq3A_2779, %add3A_2782, %broadcast_in_dim3A_2784 : vector<16xi1>, vector<16xi32>
        %reduce_min3A_2786 = arith.constant true
        %reduce_min3A_2787 = vector.broadcast %reduce_min3A_2786 : i1 to vector<16xi1>
        %reduce_min3A_2788 = arith.constant -2147483648 : i32
        %reduce_min3A_2789 = vector.broadcast %reduce_min3A_2788 : i32 to vector<16xi32>
        %reduce_min3A_2790 = arith.xori %select_n3A_2785, %reduce_min3A_2789 : vector<16xi32>
        %reduce_min3A_2791 = tpu.scan <min>, %reduce_min3A_2790 masked %reduce_min3A_2787 : vector<16xi32>, vector<16xi1> -> vector<16xi32>
        %reduce_min3A_2792 = arith.xori %reduce_min3A_2791, %reduce_min3A_2789 : vector<16xi32>
        %reduce_min3A_2793 = vector.extract %reduce_min3A_2792[15] : i32 from vector<16xi32>
        %min3A = arith.constant 9999 : i32
        %min3A_2794 = arith.minsi %min3A, %reduce_min3A_2793 : i32
        %mul3A_2795 = arith.constant 128 : i32
        %mul3A_2796 = arith.muli %reduce_min3A_2771, %mul3A_2795 : i32
        %add3A_2797 = arith.constant 16 : i32
        %add3A_2798 = arith.addi %mul3A_2796, %add3A_2797 : i32
        %get3A_2799 = arith.index_cast %add3A_2798 : i32 to index
        %get3A_2800 = tpu.vector_load %arg8[%get3A_2799] {strides = array<i32>} : memref<2048xf32, #tpu.memory_space<vmem>>, vector<16xf32>,
        %eq3A_2801 = vector.broadcast %reduce_max3A_2759 : f32 to vector<16xf32>
        %eq3A_2802 = arith.cmpf oeq, %get3A_2800, %eq3A_2801 : vector<16xf32>
        %add3A_2803 = arith.constant 16 : i32
        %add3A_2804 = vector.broadcast %add3A_2803 : i32 to vector<16xi32>
        %add3A_2805 = arith.addi %iota3A, %add3A_2804 : vector<16xi32>
        %jit3A_2806 = arith.constant 9999 : i32
        %broadcast_in_dim3A_2807 = vector.broadcast %jit3A_2806 : i32 to vector<16xi32>
        %select_n3A_2808 = arith.select %eq3A_2802, %add3A_2805, %broadcast_in_dim3A_2807 : vector<16xi1>, vector<16xi32>
        %reduce_min3A_2809 = arith.constant true
        %reduce_min3A_2810 = vector.broadcast %reduce_min3A_2809 : i1 to vector<16xi1>
        %reduce_min3A_2811 = arith.constant -2147483648 : i32
        %reduce_min3A_2812 = vector.broadcast %reduce_min3A_2811 : i32 to vector<16xi32>
        %reduce_min3A_2813 = arith.xori %select_n3A_2808, %reduce_min3A_2812 : vector<16xi32>
        %reduce_min3A_2814 = tpu.scan <min>, %reduce_min3A_2813 masked %reduce_min3A_2810 : vector<16xi32>, vector<16xi1> -> vector<16xi32>
        %reduce_min3A_2815 = arith.xori %reduce_min3A_2814, %reduce_min3A_2812 : vector<16xi32>
        %reduce_min3A_2816 = vector.extract %reduce_min3A_2815[15] : i32 from vector<16xi32>
        %min3A_2817 = arith.minsi %min3A_2794, %reduce_min3A_2816 : i32
        %mul3A_2818 = arith.constant 128 : i32
        %mul3A_2819 = arith.muli %reduce_min3A_2771, %mul3A_2818 : i32
        %add3A_2820 = arith.constant 32 : i32
        %add3A_2821 = arith.addi %mul3A_2819, %add3A_2820 : i32
        %get3A_2822 = arith.index_cast %add3A_2821 : i32 to index
        %get3A_2823 = tpu.vector_load %arg8[%get3A_2822] {strides = array<i32>} : memref<2048xf32, #tpu.memory_space<vmem>>, vector<16xf32>,
        %eq3A_2824 = vector.broadcast %reduce_max3A_2759 : f32 to vector<16xf32>
        %eq3A_2825 = arith.cmpf oeq, %get3A_2823, %eq3A_2824 : vector<16xf32>
        %add3A_2826 = arith.constant 32 : i32
        %add3A_2827 = vector.broadcast %add3A_2826 : i32 to vector<16xi32>
        %add3A_2828 = arith.addi %iota3A, %add3A_2827 : vector<16xi32>
        %jit3A_2829 = arith.constant 9999 : i32
        %broadcast_in_dim3A_2830 = vector.broadcast %jit3A_2829 : i32 to vector<16xi32>
        %select_n3A_2831 = arith.select %eq3A_2825, %add3A_2828, %broadcast_in_dim3A_2830 : vector<16xi1>, vector<16xi32>
        %reduce_min3A_2832 = arith.constant true
        %reduce_min3A_2833 = vector.broadcast %reduce_min3A_2832 : i1 to vector<16xi1>
        %reduce_min3A_2834 = arith.constant -2147483648 : i32
        %reduce_min3A_2835 = vector.broadcast %reduce_min3A_2834 : i32 to vector<16xi32>
        %reduce_min3A_2836 = arith.xori %select_n3A_2831, %reduce_min3A_2835 : vector<16xi32>
        %reduce_min3A_2837 = tpu.scan <min>, %reduce_min3A_2836 masked %reduce_min3A_2833 : vector<16xi32>, vector<16xi1> -> vector<16xi32>
        %reduce_min3A_2838 = arith.xori %reduce_min3A_2837, %reduce_min3A_2835 : vector<16xi32>
        %reduce_min3A_2839 = vector.extract %reduce_min3A_2838[15] : i32 from vector<16xi32>
        %min3A_2840 = arith.minsi %min3A_2817, %reduce_min3A_2839 : i32
        %mul3A_2841 = arith.constant 128 : i32
        %mul3A_2842 = arith.muli %reduce_min3A_2771, %mul3A_2841 : i32
        %add3A_2843 = arith.constant 48 : i32
        %add3A_2844 = arith.addi %mul3A_2842, %add3A_2843 : i32
        %get3A_2845 = arith.index_cast %add3A_2844 : i32 to index
        %get3A_2846 = tpu.vector_load %arg8[%get3A_2845] {strides = array<i32>} : memref<2048xf32, #tpu.memory_space<vmem>>, vector<16xf32>,
        %eq3A_2847 = vector.broadcast %reduce_max3A_2759 : f32 to vector<16xf32>
        %eq3A_2848 = arith.cmpf oeq, %get3A_2846, %eq3A_2847 : vector<16xf32>
        %add3A_2849 = arith.constant 48 : i32
        %add3A_2850 = vector.broadcast %add3A_2849 : i32 to vector<16xi32>
        %add3A_2851 = arith.addi %iota3A, %add3A_2850 : vector<16xi32>
        %jit3A_2852 = arith.constant 9999 : i32
        %broadcast_in_dim3A_2853 = vector.broadcast %jit3A_2852 : i32 to vector<16xi32>
        %select_n3A_2854 = arith.select %eq3A_2848, %add3A_2851, %broadcast_in_dim3A_2853 : vector<16xi1>, vector<16xi32>
        %reduce_min3A_2855 = arith.constant true
        %reduce_min3A_2856 = vector.broadcast %reduce_min3A_2855 : i1 to vector<16xi1>
        %reduce_min3A_2857 = arith.constant -2147483648 : i32
        %reduce_min3A_2858 = vector.broadcast %reduce_min3A_2857 : i32 to vector<16xi32>
        %reduce_min3A_2859 = arith.xori %select_n3A_2854, %reduce_min3A_2858 : vector<16xi32>
        %reduce_min3A_2860 = tpu.scan <min>, %reduce_min3A_2859 masked %reduce_min3A_2856 : vector<16xi32>, vector<16xi1> -> vector<16xi32>
        %reduce_min3A_2861 = arith.xori %reduce_min3A_2860, %reduce_min3A_2858 : vector<16xi32>
        %reduce_min3A_2862 = vector.extract %reduce_min3A_2861[15] : i32 from vector<16xi32>
        %min3A_2863 = arith.minsi %min3A_2840, %reduce_min3A_2862 : i32
        %mul3A_2864 = arith.constant 128 : i32
        %mul3A_2865 = arith.muli %reduce_min3A_2771, %mul3A_2864 : i32
        %add3A_2866 = arith.constant 64 : i32
        %add3A_2867 = arith.addi %mul3A_2865, %add3A_2866 : i32
        %get3A_2868 = arith.index_cast %add3A_2867 : i32 to index
        %get3A_2869 = tpu.vector_load %arg8[%get3A_2868] {strides = array<i32>} : memref<2048xf32, #tpu.memory_space<vmem>>, vector<16xf32>,
        %eq3A_2870 = vector.broadcast %reduce_max3A_2759 : f32 to vector<16xf32>
        %eq3A_2871 = arith.cmpf oeq, %get3A_2869, %eq3A_2870 : vector<16xf32>
        %add3A_2872 = arith.constant 64 : i32
        %add3A_2873 = vector.broadcast %add3A_2872 : i32 to vector<16xi32>
        %add3A_2874 = arith.addi %iota3A, %add3A_2873 : vector<16xi32>
        %jit3A_2875 = arith.constant 9999 : i32
        %broadcast_in_dim3A_2876 = vector.broadcast %jit3A_2875 : i32 to vector<16xi32>
        %select_n3A_2877 = arith.select %eq3A_2871, %add3A_2874, %broadcast_in_dim3A_2876 : vector<16xi1>, vector<16xi32>
        %reduce_min3A_2878 = arith.constant true
        %reduce_min3A_2879 = vector.broadcast %reduce_min3A_2878 : i1 to vector<16xi1>
        %reduce_min3A_2880 = arith.constant -2147483648 : i32
        %reduce_min3A_2881 = vector.broadcast %reduce_min3A_2880 : i32 to vector<16xi32>
        %reduce_min3A_2882 = arith.xori %select_n3A_2877, %reduce_min3A_2881 : vector<16xi32>
        %reduce_min3A_2883 = tpu.scan <min>, %reduce_min3A_2882 masked %reduce_min3A_2879 : vector<16xi32>, vector<16xi1> -> vector<16xi32>
        %reduce_min3A_2884 = arith.xori %reduce_min3A_2883, %reduce_min3A_2881 : vector<16xi32>
        %reduce_min3A_2885 = vector.extract %reduce_min3A_2884[15] : i32 from vector<16xi32>
        %min3A_2886 = arith.minsi %min3A_2863, %reduce_min3A_2885 : i32
        %mul3A_2887 = arith.constant 128 : i32
        %mul3A_2888 = arith.muli %reduce_min3A_2771, %mul3A_2887 : i32
        %add3A_2889 = arith.constant 80 : i32
        %add3A_2890 = arith.addi %mul3A_2888, %add3A_2889 : i32
        %get3A_2891 = arith.index_cast %add3A_2890 : i32 to index
        %get3A_2892 = tpu.vector_load %arg8[%get3A_2891] {strides = array<i32>} : memref<2048xf32, #tpu.memory_space<vmem>>, vector<16xf32>,
        %eq3A_2893 = vector.broadcast %reduce_max3A_2759 : f32 to vector<16xf32>
        %eq3A_2894 = arith.cmpf oeq, %get3A_2892, %eq3A_2893 : vector<16xf32>
        %add3A_2895 = arith.constant 80 : i32
        %add3A_2896 = vector.broadcast %add3A_2895 : i32 to vector<16xi32>
        %add3A_2897 = arith.addi %iota3A, %add3A_2896 : vector<16xi32>
        %jit3A_2898 = arith.constant 9999 : i32
        %broadcast_in_dim3A_2899 = vector.broadcast %jit3A_2898 : i32 to vector<16xi32>
        %select_n3A_2900 = arith.select %eq3A_2894, %add3A_2897, %broadcast_in_dim3A_2899 : vector<16xi1>, vector<16xi32>
        %reduce_min3A_2901 = arith.constant true
        %reduce_min3A_2902 = vector.broadcast %reduce_min3A_2901 : i1 to vector<16xi1>
        %reduce_min3A_2903 = arith.constant -2147483648 : i32
        %reduce_min3A_2904 = vector.broadcast %reduce_min3A_2903 : i32 to vector<16xi32>
        %reduce_min3A_2905 = arith.xori %select_n3A_2900, %reduce_min3A_2904 : vector<16xi32>
        %reduce_min3A_2906 = tpu.scan <min>, %reduce_min3A_2905 masked %reduce_min3A_2902 : vector<16xi32>, vector<16xi1> -> vector<16xi32>
        %reduce_min3A_2907 = arith.xori %reduce_min3A_2906, %reduce_min3A_2904 : vector<16xi32>
        %reduce_min3A_2908 = vector.extract %reduce_min3A_2907[15] : i32 from vector<16xi32>
        %min3A_2909 = arith.minsi %min3A_2886, %reduce_min3A_2908 : i32
        %mul3A_2910 = arith.constant 128 : i32
        %mul3A_2911 = arith.muli %reduce_min3A_2771, %mul3A_2910 : i32
        %add3A_2912 = arith.constant 96 : i32
        %add3A_2913 = arith.addi %mul3A_2911, %add3A_2912 : i32
        %get3A_2914 = arith.index_cast %add3A_2913 : i32 to index
        %get3A_2915 = tpu.vector_load %arg8[%get3A_2914] {strides = array<i32>} : memref<2048xf32, #tpu.memory_space<vmem>>, vector<16xf32>,
        %eq3A_2916 = vector.broadcast %reduce_max3A_2759 : f32 to vector<16xf32>
        %eq3A_2917 = arith.cmpf oeq, %get3A_2915, %eq3A_2916 : vector<16xf32>
        %add3A_2918 = arith.constant 96 : i32
        %add3A_2919 = vector.broadcast %add3A_2918 : i32 to vector<16xi32>
        %add3A_2920 = arith.addi %iota3A, %add3A_2919 : vector<16xi32>
        %jit3A_2921 = arith.constant 9999 : i32
        %broadcast_in_dim3A_2922 = vector.broadcast %jit3A_2921 : i32 to vector<16xi32>
        %select_n3A_2923 = arith.select %eq3A_2917, %add3A_2920, %broadcast_in_dim3A_2922 : vector<16xi1>, vector<16xi32>
        %reduce_min3A_2924 = arith.constant true
        %reduce_min3A_2925 = vector.broadcast %reduce_min3A_2924 : i1 to vector<16xi1>
        %reduce_min3A_2926 = arith.constant -2147483648 : i32
        %reduce_min3A_2927 = vector.broadcast %reduce_min3A_2926 : i32 to vector<16xi32>
        %reduce_min3A_2928 = arith.xori %select_n3A_2923, %reduce_min3A_2927 : vector<16xi32>
        %reduce_min3A_2929 = tpu.scan <min>, %reduce_min3A_2928 masked %reduce_min3A_2925 : vector<16xi32>, vector<16xi1> -> vector<16xi32>
        %reduce_min3A_2930 = arith.xori %reduce_min3A_2929, %reduce_min3A_2927 : vector<16xi32>
        %reduce_min3A_2931 = vector.extract %reduce_min3A_2930[15] : i32 from vector<16xi32>
        %min3A_2932 = arith.minsi %min3A_2909, %reduce_min3A_2931 : i32
        %mul3A_2933 = arith.constant 128 : i32
        %mul3A_2934 = arith.muli %reduce_min3A_2771, %mul3A_2933 : i32
        %add3A_2935 = arith.constant 112 : i32
        %add3A_2936 = arith.addi %mul3A_2934, %add3A_2935 : i32
        %get3A_2937 = arith.index_cast %add3A_2936 : i32 to index
        %get3A_2938 = tpu.vector_load %arg8[%get3A_2937] {strides = array<i32>} : memref<2048xf32, #tpu.memory_space<vmem>>, vector<16xf32>,
        %eq3A_2939 = vector.broadcast %reduce_max3A_2759 : f32 to vector<16xf32>
        %eq3A_2940 = arith.cmpf oeq, %get3A_2938, %eq3A_2939 : vector<16xf32>
        %add3A_2941 = arith.constant 112 : i32
        %add3A_2942 = vector.broadcast %add3A_2941 : i32 to vector<16xi32>
        %add3A_2943 = arith.addi %iota3A, %add3A_2942 : vector<16xi32>
        %jit3A_2944 = arith.constant 9999 : i32
        %broadcast_in_dim3A_2945 = vector.broadcast %jit3A_2944 : i32 to vector<16xi32>
        %select_n3A_2946 = arith.select %eq3A_2940, %add3A_2943, %broadcast_in_dim3A_2945 : vector<16xi1>, vector<16xi32>
        %reduce_min3A_2947 = arith.constant true
        %reduce_min3A_2948 = vector.broadcast %reduce_min3A_2947 : i1 to vector<16xi1>
        %reduce_min3A_2949 = arith.constant -2147483648 : i32
        %reduce_min3A_2950 = vector.broadcast %reduce_min3A_2949 : i32 to vector<16xi32>
        %reduce_min3A_2951 = arith.xori %select_n3A_2946, %reduce_min3A_2950 : vector<16xi32>
        %reduce_min3A_2952 = tpu.scan <min>, %reduce_min3A_2951 masked %reduce_min3A_2948 : vector<16xi32>, vector<16xi1> -> vector<16xi32>
        %reduce_min3A_2953 = arith.xori %reduce_min3A_2952, %reduce_min3A_2950 : vector<16xi32>
        %reduce_min3A_2954 = vector.extract %reduce_min3A_2953[15] : i32 from vector<16xi32>
        %min3A_2955 = arith.minsi %min3A_2932, %reduce_min3A_2954 : i32
        %jit3A_2956 = arith.constant 16 : i32
        %div3A_2957 = arith.divsi %min3A_2955, %jit3A_2956 : i32
        %sign3A_2958 = arith.constant 0 : i32
        %sign3A_2959 = arith.cmpi sgt, %min3A_2955, %sign3A_2958 : i32
        %sign3A_2960 = arith.extui %sign3A_2959 : i1 to i32
        %sign3A_2961 = arith.constant 0 : i32
        %sign3A_2962 = arith.cmpi slt, %min3A_2955, %sign3A_2961 : i32
        %sign3A_2963 = arith.extui %sign3A_2962 : i1 to i32
        %sign3A_2964 = arith.subi %sign3A_2960, %sign3A_2963 : i32
        %sign3A_2965 = arith.constant 0 : i32
        %sign3A_2966 = arith.cmpi sgt, %jit3A_2956, %sign3A_2965 : i32
        %sign3A_2967 = arith.extui %sign3A_2966 : i1 to i32
        %sign3A_2968 = arith.constant 0 : i32
        %sign3A_2969 = arith.cmpi slt, %jit3A_2956, %sign3A_2968 : i32
        %sign3A_2970 = arith.extui %sign3A_2969 : i1 to i32
        %sign3A_2971 = arith.subi %sign3A_2967, %sign3A_2970 : i32
        %ne3A_2972 = arith.cmpi ne, %sign3A_2964, %sign3A_2971 : i32
        %rem3A_2973 = arith.remsi %min3A_2955, %jit3A_2956 : i32
        %ne3A_2974 = arith.constant 0 : i32
        %ne3A_2975 = arith.cmpi ne, %rem3A_2973, %ne3A_2974 : i32
        %and3A_2976 = arith.andi %ne3A_2972, %ne3A_2975 : i1
        %sub3A_2977 = arith.constant 1 : i32
        %sub3A_2978 = arith.subi %div3A_2957, %sub3A_2977 : i32
        %select_n3A_2979 = arith.select %and3A_2976, %sub3A_2978, %div3A_2957 : i32
        %mul3A_2980 = arith.constant 16 : i32
        %mul3A_2981 = arith.muli %select_n3A_2979, %mul3A_2980 : i32
        %sub3A_2982 = arith.subi %min3A_2955, %mul3A_2981 : i32
        %mul3A_2983 = arith.constant 128 : i32
        %mul3A_2984 = arith.muli %reduce_min3A_2771, %mul3A_2983 : i32
        %mul3A_2985 = arith.constant 16 : i32
        %mul3A_2986 = arith.muli %select_n3A_2979, %mul3A_2985 : i32
        %add3A_2987 = arith.addi %mul3A_2984, %mul3A_2986 : i32
        %get3A_2988 = arith.index_cast %add3A_2987 : i32 to index
        %get3A_2989 = tpu.vector_load %arg8[%get3A_2988] {strides = array<i32>} : memref<2048xf32, #tpu.memory_space<vmem>>, vector<16xf32>,
        %eq3A_2990 = vector.broadcast %sub3A_2982 : i32 to vector<16xi32>
        %eq3A_2991 = arith.cmpi eq, %iota3A, %eq3A_2990 : vector<16xi32>
        %jit3A_2992 = arith.constant -3.000000e+38 : f32
        %broadcast_in_dim3A_2993 = vector.broadcast %jit3A_2992 : f32 to vector<16xf32>
        %select_n3A_2994 = arith.select %eq3A_2991, %broadcast_in_dim3A_2993, %get3A_2989 : vector<16xi1>, vector<16xf32>
        %swap3A_2995 = arith.index_cast %add3A_2987 : i32 to index
        %swap3A_2996 = tpu.vector_load %arg8[%swap3A_2995] {strides = array<i32>} : memref<2048xf32, #tpu.memory_space<vmem>>, vector<16xf32>,
        tpu.vector_store %arg8[%swap3A_2995], %select_n3A_2994 {strides = array<i32>} : memref<2048xf32, #tpu.memory_space<vmem>>, vector<16xf32>,
        %mul3A_2997 = arith.constant 128 : i32
        %mul3A_2998 = arith.muli %reduce_min3A_2771, %mul3A_2997 : i32
        %get3A_2999 = arith.index_cast %mul3A_2998 : i32 to index
        %get3A_3000 = tpu.vector_load %arg8[%get3A_2999] {strides = array<i32>} : memref<2048xf32, #tpu.memory_space<vmem>>, vector<16xf32>,
        %mul3A_3001 = arith.constant 128 : i32
        %mul3A_3002 = arith.muli %reduce_min3A_2771, %mul3A_3001 : i32
        %add3A_3003 = arith.constant 16 : i32
        %add3A_3004 = arith.addi %mul3A_3002, %add3A_3003 : i32
        %get3A_3005 = arith.index_cast %add3A_3004 : i32 to index
        %get3A_3006 = tpu.vector_load %arg8[%get3A_3005] {strides = array<i32>} : memref<2048xf32, #tpu.memory_space<vmem>>, vector<16xf32>,
        %max3A_3007 = arith.maximumf %get3A_3000, %get3A_3006 : vector<16xf32>
        %mul3A_3008 = arith.constant 128 : i32
        %mul3A_3009 = arith.muli %reduce_min3A_2771, %mul3A_3008 : i32
        %add3A_3010 = arith.constant 32 : i32
        %add3A_3011 = arith.addi %mul3A_3009, %add3A_3010 : i32
        %get3A_3012 = arith.index_cast %add3A_3011 : i32 to index
        %get3A_3013 = tpu.vector_load %arg8[%get3A_3012] {strides = array<i32>} : memref<2048xf32, #tpu.memory_space<vmem>>, vector<16xf32>,
        %max3A_3014 = arith.maximumf %max3A_3007, %get3A_3013 : vector<16xf32>
        %mul3A_3015 = arith.constant 128 : i32
        %mul3A_3016 = arith.muli %reduce_min3A_2771, %mul3A_3015 : i32
        %add3A_3017 = arith.constant 48 : i32
        %add3A_3018 = arith.addi %mul3A_3016, %add3A_3017 : i32
        %get3A_3019 = arith.index_cast %add3A_3018 : i32 to index
        %get3A_3020 = tpu.vector_load %arg8[%get3A_3019] {strides = array<i32>} : memref<2048xf32, #tpu.memory_space<vmem>>, vector<16xf32>,
        %max3A_3021 = arith.maximumf %max3A_3014, %get3A_3020 : vector<16xf32>
        %mul3A_3022 = arith.constant 128 : i32
        %mul3A_3023 = arith.muli %reduce_min3A_2771, %mul3A_3022 : i32
        %add3A_3024 = arith.constant 64 : i32
        %add3A_3025 = arith.addi %mul3A_3023, %add3A_3024 : i32
        %get3A_3026 = arith.index_cast %add3A_3025 : i32 to index
        %get3A_3027 = tpu.vector_load %arg8[%get3A_3026] {strides = array<i32>} : memref<2048xf32, #tpu.memory_space<vmem>>, vector<16xf32>,
        %max3A_3028 = arith.maximumf %max3A_3021, %get3A_3027 : vector<16xf32>
        %mul3A_3029 = arith.constant 128 : i32
        %mul3A_3030 = arith.muli %reduce_min3A_2771, %mul3A_3029 : i32
        %add3A_3031 = arith.constant 80 : i32
        %add3A_3032 = arith.addi %mul3A_3030, %add3A_3031 : i32
        %get3A_3033 = arith.index_cast %add3A_3032 : i32 to index
        %get3A_3034 = tpu.vector_load %arg8[%get3A_3033] {strides = array<i32>} : memref<2048xf32, #tpu.memory_space<vmem>>, vector<16xf32>,
        %max3A_3035 = arith.maximumf %max3A_3028, %get3A_3034 : vector<16xf32>
        %mul3A_3036 = arith.constant 128 : i32
        %mul3A_3037 = arith.muli %reduce_min3A_2771, %mul3A_3036 : i32
        %add3A_3038 = arith.constant 96 : i32
        %add3A_3039 = arith.addi %mul3A_3037, %add3A_3038 : i32
        %get3A_3040 = arith.index_cast %add3A_3039 : i32 to index
        %get3A_3041 = tpu.vector_load %arg8[%get3A_3040] {strides = array<i32>} : memref<2048xf32, #tpu.memory_space<vmem>>, vector<16xf32>,
        %max3A_3042 = arith.maximumf %max3A_3035, %get3A_3041 : vector<16xf32>
        %mul3A_3043 = arith.constant 128 : i32
        %mul3A_3044 = arith.muli %reduce_min3A_2771, %mul3A_3043 : i32
        %add3A_3045 = arith.constant 112 : i32
        %add3A_3046 = arith.addi %mul3A_3044, %add3A_3045 : i32
        %get3A_3047 = arith.index_cast %add3A_3046 : i32 to index
        %get3A_3048 = tpu.vector_load %arg8[%get3A_3047] {strides = array<i32>} : memref<2048xf32, #tpu.memory_space<vmem>>, vector<16xf32>,
        %max3A_3049 = arith.maximumf %max3A_3042, %get3A_3048 : vector<16xf32>
        %eq3A_3050 = vector.broadcast %reduce_min3A_2771 : i32 to vector<16xi32>
        %eq3A_3051 = arith.cmpi eq, %iota3A, %eq3A_3050 : vector<16xi32>
        %reduce_max3A_3052 = arith.constant true
        %reduce_max3A_3053 = vector.broadcast %reduce_max3A_3052 : i1 to vector<16xi1>
        %reduce_max3A_3054 = tpu.scan <max>, %max3A_3049 masked %reduce_max3A_3053 : vector<16xf32>, vector<16xi1> -> vector<16xf32>
        %reduce_max3A_3055 = vector.extract %reduce_max3A_3054[15] : f32 from vector<16xf32>
        %broadcast_in_dim3A_3056 = vector.broadcast %reduce_max3A_3055 : f32 to vector<16xf32>
        %select_n3A_3057 = arith.select %eq3A_3051, %broadcast_in_dim3A_3056, %scan3A_2755 : vector<16xi1>, vector<16xf32>
        %jit3A_3058 = arith.constant 16 : i32
        %div3A_3059 = arith.divsi %scan3A_2754, %jit3A_3058 : i32
        %sign3A_3060 = arith.constant 0 : i32
        %sign3A_3061 = arith.cmpi sgt, %scan3A_2754, %sign3A_3060 : i32
        %sign3A_3062 = arith.extui %sign3A_3061 : i1 to i32
        %sign3A_3063 = arith.constant 0 : i32
        %sign3A_3064 = arith.cmpi slt, %scan3A_2754, %sign3A_3063 : i32
        %sign3A_3065 = arith.extui %sign3A_3064 : i1 to i32
        %sign3A_3066 = arith.subi %sign3A_3062, %sign3A_3065 : i32
        %sign3A_3067 = arith.constant 0 : i32
        %sign3A_3068 = arith.cmpi sgt, %jit3A_3058, %sign3A_3067 : i32
        %sign3A_3069 = arith.extui %sign3A_3068 : i1 to i32
        %sign3A_3070 = arith.constant 0 : i32
        %sign3A_3071 = arith.cmpi slt, %jit3A_3058, %sign3A_3070 : i32
        %sign3A_3072 = arith.extui %sign3A_3071 : i1 to i32
        %sign3A_3073 = arith.subi %sign3A_3069, %sign3A_3072 : i32
        %ne3A_3074 = arith.cmpi ne, %sign3A_3066, %sign3A_3073 : i32
        %rem3A_3075 = arith.remsi %scan3A_2754, %jit3A_3058 : i32
        %ne3A_3076 = arith.constant 0 : i32
        %ne3A_3077 = arith.cmpi ne, %rem3A_3075, %ne3A_3076 : i32
        %and3A_3078 = arith.andi %ne3A_3074, %ne3A_3077 : i1
        %sub3A_3079 = arith.constant 1 : i32
        %sub3A_3080 = arith.subi %div3A_3059, %sub3A_3079 : i32
        %select_n3A_3081 = arith.select %and3A_3078, %sub3A_3080, %div3A_3059 : i32
        %mul3A_3082 = arith.constant 16 : i32
        %mul3A_3083 = arith.muli %select_n3A_3081, %mul3A_3082 : i32
        %sub3A_3084 = arith.subi %scan3A_2754, %mul3A_3083 : i32
        %get3A_3085 = arith.index_cast %mul3A_3083 : i32 to index
        %get3A_3086 = tpu.vector_load %arg9[%get3A_3085] {strides = array<i32>} : memref<64xf32, #tpu.memory_space<vmem>>, vector<16xf32>,
        %eq3A_3087 = vector.broadcast %sub3A_3084 : i32 to vector<16xi32>
        %eq3A_3088 = arith.cmpi eq, %iota3A, %eq3A_3087 : vector<16xi32>
        %broadcast_in_dim3A_3089 = vector.broadcast %reduce_max3A_2759 : f32 to vector<16xf32>
        %select_n3A_3090 = arith.select %eq3A_3088, %broadcast_in_dim3A_3089, %get3A_3086 : vector<16xi1>, vector<16xf32>
        %swap3A_3091 = arith.index_cast %mul3A_3083 : i32 to index
        %swap3A_3092 = tpu.vector_load %arg9[%swap3A_3091] {strides = array<i32>} : memref<64xf32, #tpu.memory_space<vmem>>, vector<16xf32>,
        tpu.vector_store %arg9[%swap3A_3091], %select_n3A_3090 {strides = array<i32>} : memref<64xf32, #tpu.memory_space<vmem>>, vector<16xf32>,
        %get3A_3093 = arith.index_cast %mul3A_3083 : i32 to index
        %get3A_3094 = tpu.vector_load %arg10[%get3A_3093] {strides = array<i32>} : memref<64xi32, #tpu.memory_space<vmem>>, vector<16xi32>,
        %eq3A_3095 = vector.broadcast %sub3A_3084 : i32 to vector<16xi32>
        %eq3A_3096 = arith.cmpi eq, %iota3A, %eq3A_3095 : vector<16xi32>
        %mul3A_3097 = arith.constant 2048 : i32
        %mul3A_3098 = arith.muli %arg1, %mul3A_3097 : i32
        %mul3A_3099 = arith.constant 128 : i32
        %mul3A_3100 = arith.muli %reduce_min3A_2771, %mul3A_3099 : i32
        %add3A_3101 = arith.addi %mul3A_3098, %mul3A_3100 : i32
        %add3A_3102 = arith.addi %add3A_3101, %min3A_2955 : i32
        %broadcast_in_dim3A_3103 = vector.broadcast %add3A_3102 : i32 to vector<16xi32>
        %select_n3A_3104 = arith.select %eq3A_3096, %broadcast_in_dim3A_3103, %get3A_3094 : vector<16xi1>, vector<16xi32>
        %swap3A_3105 = arith.index_cast %mul3A_3083 : i32 to index
        %swap3A_3106 = tpu.vector_load %arg10[%swap3A_3105] {strides = array<i32>} : memref<64xi32, #tpu.memory_space<vmem>>, vector<16xi32>,
        tpu.vector_store %arg10[%swap3A_3105], %select_n3A_3104 {strides = array<i32>} : memref<64xi32, #tpu.memory_space<vmem>>, vector<16xi32>,
        scf.yield %select_n3A_3057 : vector<16xf32>
      }
      %scan3A_516 = arith.constant 64 : i32
      "tpu.region"() ({
        %run_scoped3A_2754 = tpu.sem_alloc : memref<!tpu.dma_semaphore, #tpu.memory_space<semaphore_mem>>
        %dma_start3A_2755 = arith.constant 0 : i32
        %dma_start3A_2756 = tpu.memref_slice %arg11[%arg1, %dma_start3A_2755] : memref<32x64xf32, #tpu.memory_space<vmem_shared>> -> memref<1x64xf32, #tpu.memory_space<vmem_shared>>
        %dma_start3A_2757 = tpu.memref_squeeze %dma_start3A_2756 : memref<1x64xf32, #tpu.memory_space<vmem_shared>> -> memref<64xf32, #tpu.memory_space<vmem_shared>>
        %dma_start3A_2758 = arith.constant 0 : i32
        %dma_start3A_2759 = tpu.memref_slice %arg11[%arg1, %dma_start3A_2758] : memref<32x64xf32, #tpu.memory_space<vmem_shared>> -> memref<1x64xf32, #tpu.memory_space<vmem_shared>>
        %dma_start3A_2760 = tpu.memref_squeeze %dma_start3A_2759 : memref<1x64xf32, #tpu.memory_space<vmem_shared>> -> memref<64xf32, #tpu.memory_space<vmem_shared>>
        tpu.enqueue_dma source(%arg9 : memref<64xf32, #tpu.memory_space<vmem>>) target(%dma_start3A_2760 : memref<64xf32, #tpu.memory_space<vmem_shared>>) target_semaphore(%run_scoped3A_2754 : memref<!tpu.dma_semaphore, #tpu.memory_space<semaphore_mem>>)
        %dma_wait3A_2761 = arith.constant 0 : i32
        %dma_wait3A_2762 = tpu.memref_slice %arg11[%arg1, %dma_wait3A_2761] : memref<32x64xf32, #tpu.memory_space<vmem_shared>> -> memref<1x64xf32, #tpu.memory_space<vmem_shared>>
        %dma_wait3A_2763 = tpu.memref_squeeze %dma_wait3A_2762 : memref<1x64xf32, #tpu.memory_space<vmem_shared>> -> memref<64xf32, #tpu.memory_space<vmem_shared>>
        %dma_wait3A_2764 = arith.constant 0 : i32
        %dma_wait3A_2765 = tpu.memref_slice %arg11[%arg1, %dma_wait3A_2764] : memref<32x64xf32, #tpu.memory_space<vmem_shared>> -> memref<1x64xf32, #tpu.memory_space<vmem_shared>>
        %dma_wait3A_2766 = tpu.memref_squeeze %dma_wait3A_2765 : memref<1x64xf32, #tpu.memory_space<vmem_shared>> -> memref<64xf32, #tpu.memory_space<vmem_shared>>
        tpu.wait_dma2 semaphore(%run_scoped3A_2754 : memref<!tpu.dma_semaphore, #tpu.memory_space<semaphore_mem>>) src(%arg9 : memref<64xf32, #tpu.memory_space<vmem>>) dst(%dma_wait3A_2766 : memref<64xf32, #tpu.memory_space<vmem_shared>>)
        tpu.yield
      }) : () -> ()
      "tpu.region"() ({
        %run_scoped3A_2754 = tpu.sem_alloc : memref<!tpu.dma_semaphore, #tpu.memory_space<semaphore_mem>>
        %dma_start3A_2755 = arith.constant 0 : i32
        %dma_start3A_2756 = tpu.memref_slice %arg12[%arg1, %dma_start3A_2755] : memref<32x64xi32, #tpu.memory_space<vmem_shared>> -> memref<1x64xi32, #tpu.memory_space<vmem_shared>>
        %dma_start3A_2757 = tpu.memref_squeeze %dma_start3A_2756 : memref<1x64xi32, #tpu.memory_space<vmem_shared>> -> memref<64xi32, #tpu.memory_space<vmem_shared>>
        %dma_start3A_2758 = arith.constant 0 : i32
        %dma_start3A_2759 = tpu.memref_slice %arg12[%arg1, %dma_start3A_2758] : memref<32x64xi32, #tpu.memory_space<vmem_shared>> -> memref<1x64xi32, #tpu.memory_space<vmem_shared>>
        %dma_start3A_2760 = tpu.memref_squeeze %dma_start3A_2759 : memref<1x64xi32, #tpu.memory_space<vmem_shared>> -> memref<64xi32, #tpu.memory_space<vmem_shared>>
        tpu.enqueue_dma source(%arg10 : memref<64xi32, #tpu.memory_space<vmem>>) target(%dma_start3A_2760 : memref<64xi32, #tpu.memory_space<vmem_shared>>) target_semaphore(%run_scoped3A_2754 : memref<!tpu.dma_semaphore, #tpu.memory_space<semaphore_mem>>)
        %dma_wait3A_2761 = arith.constant 0 : i32
        %dma_wait3A_2762 = tpu.memref_slice %arg12[%arg1, %dma_wait3A_2761] : memref<32x64xi32, #tpu.memory_space<vmem_shared>> -> memref<1x64xi32, #tpu.memory_space<vmem_shared>>
        %dma_wait3A_2763 = tpu.memref_squeeze %dma_wait3A_2762 : memref<1x64xi32, #tpu.memory_space<vmem_shared>> -> memref<64xi32, #tpu.memory_space<vmem_shared>>
        %dma_wait3A_2764 = arith.constant 0 : i32
        %dma_wait3A_2765 = tpu.memref_slice %arg12[%arg1, %dma_wait3A_2764] : memref<32x64xi32, #tpu.memory_space<vmem_shared>> -> memref<1x64xi32, #tpu.memory_space<vmem_shared>>
        %dma_wait3A_2766 = tpu.memref_squeeze %dma_wait3A_2765 : memref<1x64xi32, #tpu.memory_space<vmem_shared>> -> memref<64xi32, #tpu.memory_space<vmem_shared>>
        tpu.wait_dma2 semaphore(%run_scoped3A_2754 : memref<!tpu.dma_semaphore, #tpu.memory_space<semaphore_mem>>) src(%arg10 : memref<64xi32, #tpu.memory_space<vmem>>) dst(%dma_wait3A_2766 : memref<64xi32, #tpu.memory_space<vmem_shared>>)
        tpu.yield
      }) : () -> ()
      %barrier3A = arith.constant 0 : index
      tpu.barrier barrier_id(%barrier3A)
      %eq3A_517 = arith.constant 0 : i32
      %eq3A_518 = arith.cmpi eq, %arg1, %eq3A_517 : i32
      %convert_element_type3A_519 = arith.extui %eq3A_518 : i1 to i32
      %cond3A_520 = arith.constant 0 : i32
      %cond3A_521 = arith.cmpi ne, %convert_element_type3A_519, %cond3A_520 : i32
      scf.if %cond3A_521 {
        "tpu.region"() ({
          %run_scoped3A_2813 = tpu.sem_alloc : memref<!tpu.dma_semaphore, #tpu.memory_space<semaphore_mem>>
          %dma_start3A_2814 = arith.constant 0 : i32
          %dma_start3A_2815 = arith.constant 0 : i32
          %dma_start3A_2816 = tpu.memref_slice %arg11[%dma_start3A_2814, %dma_start3A_2815] : memref<32x64xf32, #tpu.memory_space<vmem_shared>> -> memref<16x64xf32, #tpu.memory_space<vmem_shared>>
          %dma_start3A_2817 = arith.constant 0 : i32
          %dma_start3A_2818 = arith.constant 0 : i32
          %dma_start3A_2819 = tpu.memref_slice %arg11[%dma_start3A_2817, %dma_start3A_2818] : memref<32x64xf32, #tpu.memory_space<vmem_shared>> -> memref<16x64xf32, #tpu.memory_space<vmem_shared>>
          tpu.enqueue_dma source(%dma_start3A_2819 : memref<16x64xf32, #tpu.memory_space<vmem_shared>>) target(%arg13 : memref<16x64xf32, #tpu.memory_space<vmem>>) target_semaphore(%run_scoped3A_2813 : memref<!tpu.dma_semaphore, #tpu.memory_space<semaphore_mem>>)
          %dma_wait3A_2820 = arith.constant 0 : i32
          %dma_wait3A_2821 = arith.constant 0 : i32
          %dma_wait3A_2822 = tpu.memref_slice %arg11[%dma_wait3A_2820, %dma_wait3A_2821] : memref<32x64xf32, #tpu.memory_space<vmem_shared>> -> memref<16x64xf32, #tpu.memory_space<vmem_shared>>
          %dma_wait3A_2823 = arith.constant 0 : i32
          %dma_wait3A_2824 = arith.constant 0 : i32
          %dma_wait3A_2825 = tpu.memref_slice %arg11[%dma_wait3A_2823, %dma_wait3A_2824] : memref<32x64xf32, #tpu.memory_space<vmem_shared>> -> memref<16x64xf32, #tpu.memory_space<vmem_shared>>
          tpu.wait_dma2 semaphore(%run_scoped3A_2813 : memref<!tpu.dma_semaphore, #tpu.memory_space<semaphore_mem>>) src(%dma_wait3A_2825 : memref<16x64xf32, #tpu.memory_space<vmem_shared>>) dst(%arg13 : memref<16x64xf32, #tpu.memory_space<vmem>>)
          tpu.yield
        }) : () -> ()
        "tpu.region"() ({
          %run_scoped3A_2813 = tpu.sem_alloc : memref<!tpu.dma_semaphore, #tpu.memory_space<semaphore_mem>>
          %dma_start3A_2814 = arith.constant 0 : i32
          %dma_start3A_2815 = arith.constant 0 : i32
          %dma_start3A_2816 = tpu.memref_slice %arg12[%dma_start3A_2814, %dma_start3A_2815] : memref<32x64xi32, #tpu.memory_space<vmem_shared>> -> memref<16x64xi32, #tpu.memory_space<vmem_shared>>
          %dma_start3A_2817 = arith.constant 0 : i32
          %dma_start3A_2818 = arith.constant 0 : i32
          %dma_start3A_2819 = tpu.memref_slice %arg12[%dma_start3A_2817, %dma_start3A_2818] : memref<32x64xi32, #tpu.memory_space<vmem_shared>> -> memref<16x64xi32, #tpu.memory_space<vmem_shared>>
          tpu.enqueue_dma source(%dma_start3A_2819 : memref<16x64xi32, #tpu.memory_space<vmem_shared>>) target(%arg14 : memref<16x64xi32, #tpu.memory_space<vmem>>) target_semaphore(%run_scoped3A_2813 : memref<!tpu.dma_semaphore, #tpu.memory_space<semaphore_mem>>)
          %dma_wait3A_2820 = arith.constant 0 : i32
          %dma_wait3A_2821 = arith.constant 0 : i32
          %dma_wait3A_2822 = tpu.memref_slice %arg12[%dma_wait3A_2820, %dma_wait3A_2821] : memref<32x64xi32, #tpu.memory_space<vmem_shared>> -> memref<16x64xi32, #tpu.memory_space<vmem_shared>>
          %dma_wait3A_2823 = arith.constant 0 : i32
          %dma_wait3A_2824 = arith.constant 0 : i32
          %dma_wait3A_2825 = tpu.memref_slice %arg12[%dma_wait3A_2823, %dma_wait3A_2824] : memref<32x64xi32, #tpu.memory_space<vmem_shared>> -> memref<16x64xi32, #tpu.memory_space<vmem_shared>>
          tpu.wait_dma2 semaphore(%run_scoped3A_2813 : memref<!tpu.dma_semaphore, #tpu.memory_space<semaphore_mem>>) src(%dma_wait3A_2825 : memref<16x64xi32, #tpu.memory_space<vmem_shared>>) dst(%arg14 : memref<16x64xi32, #tpu.memory_space<vmem>>)
          tpu.yield
        }) : () -> ()
        %broadcast_in_dim3A_2754 = arith.constant 0 : i32
        %broadcast_in_dim3A_2755 = vector.broadcast %broadcast_in_dim3A_2754 : i32 to vector<16xi32>
        %scan3A_2756 = arith.constant 0 : i32
        %scan3A_2757 = arith.constant 64 : i32
        %scan3A_2758 = arith.addi %scan3A_2756, %scan3A_2757 : i32
        %scan3A_2759 = arith.constant 1 : i32
        %scan3A_2760 = scf.for %scan3A_2813 = %scan3A_2756 to %scan3A_2758 step %scan3A_2759 iter_args(%scan3A_2814 = %broadcast_in_dim3A_2755) -> (vector<16xi32>)  : i32 {
          %gather3A = tpu.vector_load_idx %arg13[%iota3A, %scan3A_2814] : memref<16x64xf32, #tpu.memory_space<vmem>>[vector<16xi32>, vector<16xi32>], vector<16xf32>,
          %reduce_max3A_2815 = arith.constant true
          %reduce_max3A_2816 = vector.broadcast %reduce_max3A_2815 : i1 to vector<16xi1>
          %reduce_max3A_2817 = tpu.scan <max>, %gather3A masked %reduce_max3A_2816 : vector<16xf32>, vector<16xi1> -> vector<16xf32>
          %reduce_max3A_2818 = vector.extract %reduce_max3A_2817[15] : f32 from vector<16xf32>
          %eq3A_2819 = vector.broadcast %reduce_max3A_2818 : f32 to vector<16xf32>
          %eq3A_2820 = arith.cmpf oeq, %gather3A, %eq3A_2819 : vector<16xf32>
          %jit3A_2821 = arith.constant 9999 : i32
          %broadcast_in_dim3A_2822 = vector.broadcast %jit3A_2821 : i32 to vector<16xi32>
          %select_n3A_2823 = arith.select %eq3A_2820, %iota3A, %broadcast_in_dim3A_2822 : vector<16xi1>, vector<16xi32>
          %reduce_min3A = arith.constant true
          %reduce_min3A_2824 = vector.broadcast %reduce_min3A : i1 to vector<16xi1>
          %reduce_min3A_2825 = arith.constant -2147483648 : i32
          %reduce_min3A_2826 = vector.broadcast %reduce_min3A_2825 : i32 to vector<16xi32>
          %reduce_min3A_2827 = arith.xori %select_n3A_2823, %reduce_min3A_2826 : vector<16xi32>
          %reduce_min3A_2828 = tpu.scan <min>, %reduce_min3A_2827 masked %reduce_min3A_2824 : vector<16xi32>, vector<16xi1> -> vector<16xi32>
          %reduce_min3A_2829 = arith.xori %reduce_min3A_2828, %reduce_min3A_2826 : vector<16xi32>
          %reduce_min3A_2830 = vector.extract %reduce_min3A_2829[15] : i32 from vector<16xi32>
          %eq3A_2831 = vector.broadcast %reduce_min3A_2830 : i32 to vector<16xi32>
          %eq3A_2832 = arith.cmpi eq, %iota3A, %eq3A_2831 : vector<16xi32>
          %jit3A_2833 = arith.constant 0 : i32
          %broadcast_in_dim3A_2834 = vector.broadcast %jit3A_2833 : i32 to vector<16xi32>
          %select_n3A_2835 = arith.select %eq3A_2832, %scan3A_2814, %broadcast_in_dim3A_2834 : vector<16xi1>, vector<16xi32>
          %reduce_sum3A_2836 = arith.constant true
          %reduce_sum3A_2837 = vector.broadcast %reduce_sum3A_2836 : i1 to vector<16xi1>
          %reduce_sum3A_2838 = tpu.scan <sum>, %select_n3A_2835 masked %reduce_sum3A_2837 : vector<16xi32>, vector<16xi1> -> vector<16xi32>
          %reduce_sum3A_2839 = vector.extract %reduce_sum3A_2838[15] : i32 from vector<16xi32>
          %broadcast_in_dim3A_2840 = vector.broadcast %reduce_min3A_2830 : i32 to vector<16xi32>
          %broadcast_in_dim3A_2841 = vector.broadcast %reduce_sum3A_2839 : i32 to vector<16xi32>
          %gather3A_2842 = tpu.vector_load_idx %arg14[%broadcast_in_dim3A_2840, %broadcast_in_dim3A_2841] : memref<16x64xi32, #tpu.memory_space<vmem>>[vector<16xi32>, vector<16xi32>], vector<16xi32>,
          %jit3A_2843 = arith.constant 16 : i32
          %div3A_2844 = arith.divsi %scan3A_2813, %jit3A_2843 : i32
          %sign3A_2845 = arith.constant 0 : i32
          %sign3A_2846 = arith.cmpi sgt, %scan3A_2813, %sign3A_2845 : i32
          %sign3A_2847 = arith.extui %sign3A_2846 : i1 to i32
          %sign3A_2848 = arith.constant 0 : i32
          %sign3A_2849 = arith.cmpi slt, %scan3A_2813, %sign3A_2848 : i32
          %sign3A_2850 = arith.extui %sign3A_2849 : i1 to i32
          %sign3A_2851 = arith.subi %sign3A_2847, %sign3A_2850 : i32
          %sign3A_2852 = arith.constant 0 : i32
          %sign3A_2853 = arith.cmpi sgt, %jit3A_2843, %sign3A_2852 : i32
          %sign3A_2854 = arith.extui %sign3A_2853 : i1 to i32
          %sign3A_2855 = arith.constant 0 : i32
          %sign3A_2856 = arith.cmpi slt, %jit3A_2843, %sign3A_2855 : i32
          %sign3A_2857 = arith.extui %sign3A_2856 : i1 to i32
          %sign3A_2858 = arith.subi %sign3A_2854, %sign3A_2857 : i32
          %ne3A_2859 = arith.cmpi ne, %sign3A_2851, %sign3A_2858 : i32
          %rem3A_2860 = arith.remsi %scan3A_2813, %jit3A_2843 : i32
          %ne3A_2861 = arith.constant 0 : i32
          %ne3A_2862 = arith.cmpi ne, %rem3A_2860, %ne3A_2861 : i32
          %and3A_2863 = arith.andi %ne3A_2859, %ne3A_2862 : i1
          %sub3A_2864 = arith.constant 1 : i32
          %sub3A_2865 = arith.subi %div3A_2844, %sub3A_2864 : i32
          %select_n3A_2866 = arith.select %and3A_2863, %sub3A_2865, %div3A_2844 : i32
          %mul3A_2867 = arith.constant 16 : i32
          %mul3A_2868 = arith.muli %select_n3A_2866, %mul3A_2867 : i32
          %sub3A_2869 = arith.subi %scan3A_2813, %mul3A_2868 : i32
          %get3A_2870 = arith.index_cast %mul3A_2868 : i32 to index
          %get3A_2871 = tpu.vector_load %arg15[%get3A_2870] {strides = array<i32>} : memref<64xf32, #tpu.memory_space<vmem>>, vector<16xf32>,
          %eq3A_2872 = vector.broadcast %sub3A_2869 : i32 to vector<16xi32>
          %eq3A_2873 = arith.cmpi eq, %iota3A, %eq3A_2872 : vector<16xi32>
          %broadcast_in_dim3A_2874 = vector.broadcast %reduce_max3A_2818 : f32 to vector<16xf32>
          %select_n3A_2875 = arith.select %eq3A_2873, %broadcast_in_dim3A_2874, %get3A_2871 : vector<16xi1>, vector<16xf32>
          %swap3A_2876 = arith.index_cast %mul3A_2868 : i32 to index
          %swap3A_2877 = tpu.vector_load %arg15[%swap3A_2876] {strides = array<i32>} : memref<64xf32, #tpu.memory_space<vmem>>, vector<16xf32>,
          tpu.vector_store %arg15[%swap3A_2876], %select_n3A_2875 {strides = array<i32>} : memref<64xf32, #tpu.memory_space<vmem>>, vector<16xf32>,
          %get3A_2878 = arith.index_cast %mul3A_2868 : i32 to index
          %get3A_2879 = tpu.vector_load %arg16[%get3A_2878] {strides = array<i32>} : memref<64xi32, #tpu.memory_space<vmem>>, vector<16xi32>,
          %eq3A_2880 = vector.broadcast %sub3A_2869 : i32 to vector<16xi32>
          %eq3A_2881 = arith.cmpi eq, %iota3A, %eq3A_2880 : vector<16xi32>
          %select_n3A_2882 = arith.select %eq3A_2881, %gather3A_2842, %get3A_2879 : vector<16xi1>, vector<16xi32>
          %swap3A_2883 = arith.index_cast %mul3A_2868 : i32 to index
          %swap3A_2884 = tpu.vector_load %arg16[%swap3A_2883] {strides = array<i32>} : memref<64xi32, #tpu.memory_space<vmem>>, vector<16xi32>,
          tpu.vector_store %arg16[%swap3A_2883], %select_n3A_2882 {strides = array<i32>} : memref<64xi32, #tpu.memory_space<vmem>>, vector<16xi32>,
          %eq3A_2885 = vector.broadcast %reduce_min3A_2830 : i32 to vector<16xi32>
          %eq3A_2886 = arith.cmpi eq, %iota3A, %eq3A_2885 : vector<16xi32>
          %add3A_2887 = arith.constant 1 : i32
          %add3A_2888 = vector.broadcast %add3A_2887 : i32 to vector<16xi32>
          %add3A_2889 = arith.addi %scan3A_2814, %add3A_2888 : vector<16xi32>
          %select_n3A_2890 = arith.select %eq3A_2886, %add3A_2889, %scan3A_2814 : vector<16xi1>, vector<16xi32>
          scf.yield %select_n3A_2890 : vector<16xi32>
        }
        %scan3A_2761 = arith.constant 64 : i32
        %get3A_2762 = arith.constant 0 : index
        %get3A_2763 = tpu.vector_load %arg15[%get3A_2762] {strides = array<i32>} : memref<64xf32, #tpu.memory_space<vmem>>, vector<16xf32>,
        %get3A_2764 = arith.constant 16 : index
        %get3A_2765 = tpu.vector_load %arg15[%get3A_2764] {strides = array<i32>} : memref<64xf32, #tpu.memory_space<vmem>>, vector<16xf32>,
        %get3A_2766 = arith.constant 32 : index
        %get3A_2767 = tpu.vector_load %arg15[%get3A_2766] {strides = array<i32>} : memref<64xf32, #tpu.memory_space<vmem>>, vector<16xf32>,
        %get3A_2768 = arith.constant 48 : index
        %get3A_2769 = tpu.vector_load %arg15[%get3A_2768] {strides = array<i32>} : memref<64xf32, #tpu.memory_space<vmem>>, vector<16xf32>,
        %max3A_2770 = arith.maximumf %get3A_2763, %get3A_2765 : vector<16xf32>
        %max3A_2771 = arith.maximumf %get3A_2767, %get3A_2769 : vector<16xf32>
        %max3A_2772 = arith.maximumf %max3A_2770, %max3A_2771 : vector<16xf32>
        %reduce_max3A_2773 = arith.constant true
        %reduce_max3A_2774 = vector.broadcast %reduce_max3A_2773 : i1 to vector<16xi1>
        %reduce_max3A_2775 = tpu.scan <max>, %max3A_2772 masked %reduce_max3A_2774 : vector<16xf32>, vector<16xi1> -> vector<16xf32>
        %reduce_max3A_2776 = vector.extract %reduce_max3A_2775[15] : f32 from vector<16xf32>
        %sub3A_2777 = vector.broadcast %reduce_max3A_2776 : f32 to vector<16xf32>
        %sub3A_2778 = arith.subf %get3A_2763, %sub3A_2777 : vector<16xf32>
        %exp3A = math.exp %sub3A_2778 : vector<16xf32>
        %sub3A_2779 = vector.broadcast %reduce_max3A_2776 : f32 to vector<16xf32>
        %sub3A_2780 = arith.subf %get3A_2765, %sub3A_2779 : vector<16xf32>
        %exp3A_2781 = math.exp %sub3A_2780 : vector<16xf32>
        %sub3A_2782 = vector.broadcast %reduce_max3A_2776 : f32 to vector<16xf32>
        %sub3A_2783 = arith.subf %get3A_2767, %sub3A_2782 : vector<16xf32>
        %exp3A_2784 = math.exp %sub3A_2783 : vector<16xf32>
        %sub3A_2785 = vector.broadcast %reduce_max3A_2776 : f32 to vector<16xf32>
        %sub3A_2786 = arith.subf %get3A_2769, %sub3A_2785 : vector<16xf32>
        %exp3A_2787 = math.exp %sub3A_2786 : vector<16xf32>
        %add3A_2788 = arith.addf %exp3A, %exp3A_2781 : vector<16xf32>
        %add3A_2789 = arith.addf %add3A_2788, %exp3A_2784 : vector<16xf32>
        %add3A_2790 = arith.addf %add3A_2789, %exp3A_2787 : vector<16xf32>
        %reduce_sum3A_2791 = arith.constant true
        %reduce_sum3A_2792 = vector.broadcast %reduce_sum3A_2791 : i1 to vector<16xi1>
        %reduce_sum3A_2793 = tpu.scan <sum>, %add3A_2790 masked %reduce_sum3A_2792 : vector<16xf32>, vector<16xi1> -> vector<16xf32>
        %reduce_sum3A_2794 = vector.extract %reduce_sum3A_2793[15] : f32 from vector<16xf32>
        %broadcast_in_dim3A_2795 = vector.broadcast %reduce_sum3A_2794 : f32 to vector<16xf32>
        %broadcast_in_dim3A_2796 = arith.constant 1.000000e+00 : f32
        %broadcast_in_dim3A_2797 = vector.broadcast %broadcast_in_dim3A_2796 : f32 to vector<16xf32>
        %div3A_2798 = arith.divf %broadcast_in_dim3A_2797, %broadcast_in_dim3A_2795 : vector<16xf32>
        %mul3A_2799 = arith.mulf %exp3A, %div3A_2798 : vector<16xf32>
        %swap3A_2800 = arith.constant 0 : index
        %swap3A_2801 = tpu.vector_load %arg17[%swap3A_2800] {strides = array<i32>} : memref<64xf32, #tpu.memory_space<vmem>>, vector<16xf32>,
        tpu.vector_store %arg17[%swap3A_2800], %mul3A_2799 {strides = array<i32>} : memref<64xf32, #tpu.memory_space<vmem>>, vector<16xf32>,
        %mul3A_2802 = arith.mulf %exp3A_2781, %div3A_2798 : vector<16xf32>
        %swap3A_2803 = arith.constant 16 : index
        %swap3A_2804 = tpu.vector_load %arg17[%swap3A_2803] {strides = array<i32>} : memref<64xf32, #tpu.memory_space<vmem>>, vector<16xf32>,
        tpu.vector_store %arg17[%swap3A_2803], %mul3A_2802 {strides = array<i32>} : memref<64xf32, #tpu.memory_space<vmem>>, vector<16xf32>,
        %mul3A_2805 = arith.mulf %exp3A_2784, %div3A_2798 : vector<16xf32>
        %swap3A_2806 = arith.constant 32 : index
        %swap3A_2807 = tpu.vector_load %arg17[%swap3A_2806] {strides = array<i32>} : memref<64xf32, #tpu.memory_space<vmem>>, vector<16xf32>,
        tpu.vector_store %arg17[%swap3A_2806], %mul3A_2805 {strides = array<i32>} : memref<64xf32, #tpu.memory_space<vmem>>, vector<16xf32>,
        %mul3A_2808 = arith.mulf %exp3A_2787, %div3A_2798 : vector<16xf32>
        %swap3A_2809 = arith.constant 48 : index
        %swap3A_2810 = tpu.vector_load %arg17[%swap3A_2809] {strides = array<i32>} : memref<64xf32, #tpu.memory_space<vmem>>, vector<16xf32>,
        tpu.vector_store %arg17[%swap3A_2809], %mul3A_2808 {strides = array<i32>} : memref<64xf32, #tpu.memory_space<vmem>>, vector<16xf32>,
        %run_scoped3A_2811 = arith.constant 0 : i32
        "tpu.region"() ({
          %run_scoped3A_2813 = tpu.sem_alloc : memref<!tpu.dma_semaphore, #tpu.memory_space<semaphore_mem>>
          %dma_start3A_2814 = arith.constant 0 : i32
          %dma_start3A_2815 = tpu.memref_slice %arg18[%run_scoped3A_2811, %dma_start3A_2814] : memref<2x64xf32, #tpu.memory_space<vmem_shared>> -> memref<1x64xf32, #tpu.memory_space<vmem_shared>>
          %dma_start3A_2816 = tpu.memref_squeeze %dma_start3A_2815 : memref<1x64xf32, #tpu.memory_space<vmem_shared>> -> memref<64xf32, #tpu.memory_space<vmem_shared>>
          %dma_start3A_2817 = arith.constant 0 : i32
          %dma_start3A_2818 = tpu.memref_slice %arg18[%run_scoped3A_2811, %dma_start3A_2817] : memref<2x64xf32, #tpu.memory_space<vmem_shared>> -> memref<1x64xf32, #tpu.memory_space<vmem_shared>>
          %dma_start3A_2819 = tpu.memref_squeeze %dma_start3A_2818 : memref<1x64xf32, #tpu.memory_space<vmem_shared>> -> memref<64xf32, #tpu.memory_space<vmem_shared>>
          tpu.enqueue_dma source(%arg17 : memref<64xf32, #tpu.memory_space<vmem>>) target(%dma_start3A_2819 : memref<64xf32, #tpu.memory_space<vmem_shared>>) target_semaphore(%run_scoped3A_2813 : memref<!tpu.dma_semaphore, #tpu.memory_space<semaphore_mem>>)
          %dma_wait3A_2820 = arith.constant 0 : i32
          %dma_wait3A_2821 = tpu.memref_slice %arg18[%run_scoped3A_2811, %dma_wait3A_2820] : memref<2x64xf32, #tpu.memory_space<vmem_shared>> -> memref<1x64xf32, #tpu.memory_space<vmem_shared>>
          %dma_wait3A_2822 = tpu.memref_squeeze %dma_wait3A_2821 : memref<1x64xf32, #tpu.memory_space<vmem_shared>> -> memref<64xf32, #tpu.memory_space<vmem_shared>>
          %dma_wait3A_2823 = arith.constant 0 : i32
          %dma_wait3A_2824 = tpu.memref_slice %arg18[%run_scoped3A_2811, %dma_wait3A_2823] : memref<2x64xf32, #tpu.memory_space<vmem_shared>> -> memref<1x64xf32, #tpu.memory_space<vmem_shared>>
          %dma_wait3A_2825 = tpu.memref_squeeze %dma_wait3A_2824 : memref<1x64xf32, #tpu.memory_space<vmem_shared>> -> memref<64xf32, #tpu.memory_space<vmem_shared>>
          tpu.wait_dma2 semaphore(%run_scoped3A_2813 : memref<!tpu.dma_semaphore, #tpu.memory_space<semaphore_mem>>) src(%arg17 : memref<64xf32, #tpu.memory_space<vmem>>) dst(%dma_wait3A_2825 : memref<64xf32, #tpu.memory_space<vmem_shared>>)
          tpu.yield
        }) : () -> ()
        %run_scoped3A_2812 = arith.constant 0 : i32
        "tpu.region"() ({
          %run_scoped3A_2813 = tpu.sem_alloc : memref<!tpu.dma_semaphore, #tpu.memory_space<semaphore_mem>>
          %dma_start3A_2814 = arith.constant 0 : i32
          %dma_start3A_2815 = tpu.memref_slice %arg19[%run_scoped3A_2812, %dma_start3A_2814] : memref<2x64xi32, #tpu.memory_space<vmem_shared>> -> memref<1x64xi32, #tpu.memory_space<vmem_shared>>
          %dma_start3A_2816 = tpu.memref_squeeze %dma_start3A_2815 : memref<1x64xi32, #tpu.memory_space<vmem_shared>> -> memref<64xi32, #tpu.memory_space<vmem_shared>>
          %dma_start3A_2817 = arith.constant 0 : i32
          %dma_start3A_2818 = tpu.memref_slice %arg19[%run_scoped3A_2812, %dma_start3A_2817] : memref<2x64xi32, #tpu.memory_space<vmem_shared>> -> memref<1x64xi32, #tpu.memory_space<vmem_shared>>
          %dma_start3A_2819 = tpu.memref_squeeze %dma_start3A_2818 : memref<1x64xi32, #tpu.memory_space<vmem_shared>> -> memref<64xi32, #tpu.memory_space<vmem_shared>>
          tpu.enqueue_dma source(%arg16 : memref<64xi32, #tpu.memory_space<vmem>>) target(%dma_start3A_2819 : memref<64xi32, #tpu.memory_space<vmem_shared>>) target_semaphore(%run_scoped3A_2813 : memref<!tpu.dma_semaphore, #tpu.memory_space<semaphore_mem>>)
          %dma_wait3A_2820 = arith.constant 0 : i32
          %dma_wait3A_2821 = tpu.memref_slice %arg19[%run_scoped3A_2812, %dma_wait3A_2820] : memref<2x64xi32, #tpu.memory_space<vmem_shared>> -> memref<1x64xi32, #tpu.memory_space<vmem_shared>>
          %dma_wait3A_2822 = tpu.memref_squeeze %dma_wait3A_2821 : memref<1x64xi32, #tpu.memory_space<vmem_shared>> -> memref<64xi32, #tpu.memory_space<vmem_shared>>
          %dma_wait3A_2823 = arith.constant 0 : i32
          %dma_wait3A_2824 = tpu.memref_slice %arg19[%run_scoped3A_2812, %dma_wait3A_2823] : memref<2x64xi32, #tpu.memory_space<vmem_shared>> -> memref<1x64xi32, #tpu.memory_space<vmem_shared>>
          %dma_wait3A_2825 = tpu.memref_squeeze %dma_wait3A_2824 : memref<1x64xi32, #tpu.memory_space<vmem_shared>> -> memref<64xi32, #tpu.memory_space<vmem_shared>>
          tpu.wait_dma2 semaphore(%run_scoped3A_2813 : memref<!tpu.dma_semaphore, #tpu.memory_space<semaphore_mem>>) src(%arg16 : memref<64xi32, #tpu.memory_space<vmem>>) dst(%dma_wait3A_2825 : memref<64xi32, #tpu.memory_space<vmem_shared>>)
          tpu.yield
        }) : () -> ()
      } else {
      }
      %barrier3A_522 = arith.constant 0 : index
      tpu.barrier barrier_id(%barrier3A_522)
      %run_scoped3A = arith.constant 0 : i32
      "tpu.region"() ({
        %run_scoped3A_2754 = tpu.sem_alloc : memref<!tpu.dma_semaphore, #tpu.memory_space<semaphore_mem>>
        %dma_start3A_2755 = arith.constant 0 : i32
        %dma_start3A_2756 = tpu.memref_slice %arg18[%run_scoped3A, %dma_start3A_2755] : memref<2x64xf32, #tpu.memory_space<vmem_shared>> -> memref<1x64xf32, #tpu.memory_space<vmem_shared>>
        %dma_start3A_2757 = tpu.memref_squeeze %dma_start3A_2756 : memref<1x64xf32, #tpu.memory_space<vmem_shared>> -> memref<64xf32, #tpu.memory_space<vmem_shared>>
        %dma_start3A_2758 = arith.constant 0 : i32
        %dma_start3A_2759 = tpu.memref_slice %arg18[%run_scoped3A, %dma_start3A_2758] : memref<2x64xf32, #tpu.memory_space<vmem_shared>> -> memref<1x64xf32, #tpu.memory_space<vmem_shared>>
        %dma_start3A_2760 = tpu.memref_squeeze %dma_start3A_2759 : memref<1x64xf32, #tpu.memory_space<vmem_shared>> -> memref<64xf32, #tpu.memory_space<vmem_shared>>
        tpu.enqueue_dma source(%dma_start3A_2760 : memref<64xf32, #tpu.memory_space<vmem_shared>>) target(%arg20 : memref<64xf32, #tpu.memory_space<vmem>>) target_semaphore(%run_scoped3A_2754 : memref<!tpu.dma_semaphore, #tpu.memory_space<semaphore_mem>>)
        %dma_wait3A_2761 = arith.constant 0 : i32
        %dma_wait3A_2762 = tpu.memref_slice %arg18[%run_scoped3A, %dma_wait3A_2761] : memref<2x64xf32, #tpu.memory_space<vmem_shared>> -> memref<1x64xf32, #tpu.memory_space<vmem_shared>>
        %dma_wait3A_2763 = tpu.memref_squeeze %dma_wait3A_2762 : memref<1x64xf32, #tpu.memory_space<vmem_shared>> -> memref<64xf32, #tpu.memory_space<vmem_shared>>
        %dma_wait3A_2764 = arith.constant 0 : i32
        %dma_wait3A_2765 = tpu.memref_slice %arg18[%run_scoped3A, %dma_wait3A_2764] : memref<2x64xf32, #tpu.memory_space<vmem_shared>> -> memref<1x64xf32, #tpu.memory_space<vmem_shared>>
        %dma_wait3A_2766 = tpu.memref_squeeze %dma_wait3A_2765 : memref<1x64xf32, #tpu.memory_space<vmem_shared>> -> memref<64xf32, #tpu.memory_space<vmem_shared>>
        tpu.wait_dma2 semaphore(%run_scoped3A_2754 : memref<!tpu.dma_semaphore, #tpu.memory_space<semaphore_mem>>) src(%dma_wait3A_2766 : memref<64xf32, #tpu.memory_space<vmem_shared>>) dst(%arg20 : memref<64xf32, #tpu.memory_space<vmem>>)
        tpu.yield
      }) : () -> ()
      %run_scoped3A_523 = arith.constant 0 : i32
      "tpu.region"() ({
        %run_scoped3A_2754 = tpu.sem_alloc : memref<!tpu.dma_semaphore, #tpu.memory_space<semaphore_mem>>
        %dma_start3A_2755 = arith.constant 0 : i32
        %dma_start3A_2756 = tpu.memref_slice %arg19[%run_scoped3A_523, %dma_start3A_2755] : memref<2x64xi32, #tpu.memory_space<vmem_shared>> -> memref<1x64xi32, #tpu.memory_space<vmem_shared>>
        %dma_start3A_2757 = tpu.memref_squeeze %dma_start3A_2756 : memref<1x64xi32, #tpu.memory_space<vmem_shared>> -> memref<64xi32, #tpu.memory_space<vmem_shared>>
        %dma_start3A_2758 = arith.constant 0 : i32
        %dma_start3A_2759 = tpu.memref_slice %arg19[%run_scoped3A_523, %dma_start3A_2758] : memref<2x64xi32, #tpu.memory_space<vmem_shared>> -> memref<1x64xi32, #tpu.memory_space<vmem_shared>>
        %dma_start3A_2760 = tpu.memref_squeeze %dma_start3A_2759 : memref<1x64xi32, #tpu.memory_space<vmem_shared>> -> memref<64xi32, #tpu.memory_space<vmem_shared>>
        tpu.enqueue_dma source(%dma_start3A_2760 : memref<64xi32, #tpu.memory_space<vmem_shared>>) target(%arg21 : memref<64xi32, #tpu.memory_space<vmem>>) target_semaphore(%run_scoped3A_2754 : memref<!tpu.dma_semaphore, #tpu.memory_space<semaphore_mem>>)
        %dma_wait3A_2761 = arith.constant 0 : i32
        %dma_wait3A_2762 = tpu.memref_slice %arg19[%run_scoped3A_523, %dma_wait3A_2761] : memref<2x64xi32, #tpu.memory_space<vmem_shared>> -> memref<1x64xi32, #tpu.memory_space<vmem_shared>>
        %dma_wait3A_2763 = tpu.memref_squeeze %dma_wait3A_2762 : memref<1x64xi32, #tpu.memory_space<vmem_shared>> -> memref<64xi32, #tpu.memory_space<vmem_shared>>
        %dma_wait3A_2764 = arith.constant 0 : i32
        %dma_wait3A_2765 = tpu.memref_slice %arg19[%run_scoped3A_523, %dma_wait3A_2764] : memref<2x64xi32, #tpu.memory_space<vmem_shared>> -> memref<1x64xi32, #tpu.memory_space<vmem_shared>>
        %dma_wait3A_2766 = tpu.memref_squeeze %dma_wait3A_2765 : memref<1x64xi32, #tpu.memory_space<vmem_shared>> -> memref<64xi32, #tpu.memory_space<vmem_shared>>
        tpu.wait_dma2 semaphore(%run_scoped3A_2754 : memref<!tpu.dma_semaphore, #tpu.memory_space<semaphore_mem>>) src(%dma_wait3A_2766 : memref<64xi32, #tpu.memory_space<vmem_shared>>) dst(%arg21 : memref<64xi32, #tpu.memory_space<vmem>>)
        tpu.yield
      }) : () -> ()
      "tpu.region"() ({
        %run_scoped3A_2754 = tpu.sem_alloc : memref<!tpu.dma_semaphore, #tpu.memory_space<semaphore_mem>>
        %dma_start3A_2755 = arith.constant 1024 : i32
        %dma_start3A_2756 = tpu.memref_slice %arg5[%dma_start3A_2755] : memref<2048xf32, #tpu.memory_space<hbm>> -> memref<1024xf32, #tpu.memory_space<hbm>>
        %dma_start3A_2757 = arith.constant 1024 : i32
        %dma_start3A_2758 = tpu.memref_slice %arg5[%dma_start3A_2757] : memref<2048xf32, #tpu.memory_space<hbm>> -> memref<1024xf32, #tpu.memory_space<hbm>>
        tpu.enqueue_dma source(%dma_start3A_2758 : memref<1024xf32, #tpu.memory_space<hbm>>) target(%arg23 : memref<1024xf32, #tpu.memory_space<vmem>>) target_semaphore(%run_scoped3A_2754 : memref<!tpu.dma_semaphore, #tpu.memory_space<semaphore_mem>>)
        %dma_wait3A_2759 = arith.constant 1024 : i32
        %dma_wait3A_2760 = tpu.memref_slice %arg5[%dma_wait3A_2759] : memref<2048xf32, #tpu.memory_space<hbm>> -> memref<1024xf32, #tpu.memory_space<hbm>>
        %dma_wait3A_2761 = arith.constant 1024 : i32
        %dma_wait3A_2762 = tpu.memref_slice %arg5[%dma_wait3A_2761] : memref<2048xf32, #tpu.memory_space<hbm>> -> memref<1024xf32, #tpu.memory_space<hbm>>
        tpu.wait_dma2 semaphore(%run_scoped3A_2754 : memref<!tpu.dma_semaphore, #tpu.memory_space<semaphore_mem>>) src(%dma_wait3A_2762 : memref<1024xf32, #tpu.memory_space<hbm>>) dst(%arg23 : memref<1024xf32, #tpu.memory_space<vmem>>)
        tpu.yield
      }) : () -> ()
      %mul3A_524 = arith.constant 64 : i32
      %mul3A_525 = arith.muli %arg1, %mul3A_524 : i32
      "tpu.region"() ({
        %run_scoped3A_2754 = tpu.sem_alloc : memref<!tpu.dma_semaphore, #tpu.memory_space<semaphore_mem>>
        %dma_start3A_2755 = tpu.memref_slice %arg4[%mul3A_525] : memref<1024xf32, #tpu.memory_space<hbm>> -> memref<64xf32, #tpu.memory_space<hbm>>
        %dma_start3A_2756 = tpu.memref_slice %arg4[%mul3A_525] : memref<1024xf32, #tpu.memory_space<hbm>> -> memref<64xf32, #tpu.memory_space<hbm>>
        tpu.enqueue_dma source(%dma_start3A_2756 : memref<64xf32, #tpu.memory_space<hbm>>) target(%arg24 : memref<64xf32, #tpu.memory_space<vmem>>) target_semaphore(%run_scoped3A_2754 : memref<!tpu.dma_semaphore, #tpu.memory_space<semaphore_mem>>)
        %dma_wait3A_2757 = tpu.memref_slice %arg4[%mul3A_525] : memref<1024xf32, #tpu.memory_space<hbm>> -> memref<64xf32, #tpu.memory_space<hbm>>
        %dma_wait3A_2758 = tpu.memref_slice %arg4[%mul3A_525] : memref<1024xf32, #tpu.memory_space<hbm>> -> memref<64xf32, #tpu.memory_space<hbm>>
        tpu.wait_dma2 semaphore(%run_scoped3A_2754 : memref<!tpu.dma_semaphore, #tpu.memory_space<semaphore_mem>>) src(%dma_wait3A_2758 : memref<64xf32, #tpu.memory_space<hbm>>) dst(%arg24 : memref<64xf32, #tpu.memory_space<vmem>>)
        tpu.yield
      }) : () -> ()
      %mul3A_526 = arith.constant 64 : i32
      %mul3A_527 = arith.muli %arg1, %mul3A_526 : i32
      "tpu.region"() ({
        %run_scoped3A_2754 = tpu.sem_alloc : memref<!tpu.dma_semaphore, #tpu.memory_space<semaphore_mem>>
        %dma_start3A_2755 = tpu.memref_slice %arg5[%mul3A_527] : memref<2048xf32, #tpu.memory_space<hbm>> -> memref<64xf32, #tpu.memory_space<hbm>>
        %dma_start3A_2756 = tpu.memref_slice %arg5[%mul3A_527] : memref<2048xf32, #tpu.memory_space<hbm>> -> memref<64xf32, #tpu.memory_space<hbm>>
        tpu.enqueue_dma source(%dma_start3A_2756 : memref<64xf32, #tpu.memory_space<hbm>>) target(%arg25 : memref<64xf32, #tpu.memory_space<vmem>>) target_semaphore(%run_scoped3A_2754 : memref<!tpu.dma_semaphore, #tpu.memory_space<semaphore_mem>>)
        %dma_wait3A_2757 = tpu.memref_slice %arg5[%mul3A_527] : memref<2048xf32, #tpu.memory_space<hbm>> -> memref<64xf32, #tpu.memory_space<hbm>>
        %dma_wait3A_2758 = tpu.memref_slice %arg5[%mul3A_527] : memref<2048xf32, #tpu.memory_space<hbm>> -> memref<64xf32, #tpu.memory_space<hbm>>
        tpu.wait_dma2 semaphore(%run_scoped3A_2754 : memref<!tpu.dma_semaphore, #tpu.memory_space<semaphore_mem>>) src(%dma_wait3A_2758 : memref<64xf32, #tpu.memory_space<hbm>>) dst(%arg25 : memref<64xf32, #tpu.memory_space<vmem>>)
        tpu.yield
      }) : () -> ()
      %mul3A_528 = arith.constant 4 : i32
      %mul3A_529 = arith.muli %arg1, %mul3A_528 : i32
      %jit3A = arith.constant 16 : i32
      %div3A = arith.divsi %mul3A_529, %jit3A : i32
      %sign3A = arith.constant 0 : i32
      %sign3A_530 = arith.cmpi sgt, %mul3A_529, %sign3A : i32
      %sign3A_531 = arith.extui %sign3A_530 : i1 to i32
      %sign3A_532 = arith.constant 0 : i32
      %sign3A_533 = arith.cmpi slt, %mul3A_529, %sign3A_532 : i32
      %sign3A_534 = arith.extui %sign3A_533 : i1 to i32
      %sign3A_535 = arith.subi %sign3A_531, %sign3A_534 : i32
      %sign3A_536 = arith.constant 0 : i32
      %sign3A_537 = arith.cmpi sgt, %jit3A, %sign3A_536 : i32
      %sign3A_538 = arith.extui %sign3A_537 : i1 to i32
      %sign3A_539 = arith.constant 0 : i32
      %sign3A_540 = arith.cmpi slt, %jit3A, %sign3A_539 : i32
      %sign3A_541 = arith.extui %sign3A_540 : i1 to i32
      %sign3A_542 = arith.subi %sign3A_538, %sign3A_541 : i32
      %ne3A = arith.cmpi ne, %sign3A_535, %sign3A_542 : i32
      %rem3A = arith.remsi %mul3A_529, %jit3A : i32
      %ne3A_543 = arith.constant 0 : i32
      %ne3A_544 = arith.cmpi ne, %rem3A, %ne3A_543 : i32
      %and3A = arith.andi %ne3A, %ne3A_544 : i1
      %sub3A = arith.constant 1 : i32
      %sub3A_545 = arith.subi %div3A, %sub3A : i32
      %select_n3A_546 = arith.select %and3A, %sub3A_545, %div3A : i32
      %mul3A_547 = arith.constant 16 : i32
      %mul3A_548 = arith.muli %select_n3A_546, %mul3A_547 : i32
      %sub3A_549 = arith.subi %mul3A_529, %mul3A_548 : i32
      %get3A_550 = arith.index_cast %mul3A_548 : i32 to index
      %get3A_551 = tpu.vector_load %arg20[%get3A_550] {strides = array<i32>} : memref<64xf32, #tpu.memory_space<vmem>>, vector<16xf32>,
      %get3A_552 = arith.index_cast %mul3A_548 : i32 to index
      %get3A_553 = tpu.vector_load %arg21[%get3A_552] {strides = array<i32>} : memref<64xi32, #tpu.memory_space<vmem>>, vector<16xi32>,
      %add3A = arith.constant 0 : i32
      %add3A_554 = arith.addi %sub3A_549, %add3A : i32
      %eq3A_555 = vector.broadcast %add3A_554 : i32 to vector<16xi32>
      %eq3A_556 = arith.cmpi eq, %iota3A, %eq3A_555 : vector<16xi32>
      %jit3A_557 = arith.constant 0.000000e+00 : f32
      %broadcast_in_dim3A_558 = vector.broadcast %jit3A_557 : f32 to vector<16xf32>
      %select_n3A_559 = arith.select %eq3A_556, %get3A_551, %broadcast_in_dim3A_558 : vector<16xi1>, vector<16xf32>
      %reduce_sum3A = arith.constant true
      %reduce_sum3A_560 = vector.broadcast %reduce_sum3A : i1 to vector<16xi1>
      %reduce_sum3A_561 = tpu.scan <sum>, %select_n3A_559 masked %reduce_sum3A_560 : vector<16xf32>, vector<16xi1> -> vector<16xf32>
      %reduce_sum3A_562 = vector.extract %reduce_sum3A_561[15] : f32 from vector<16xf32>
      %add3A_563 = arith.constant 0 : i32
      %add3A_564 = arith.addi %sub3A_549, %add3A_563 : i32
      %eq3A_565 = vector.broadcast %add3A_564 : i32 to vector<16xi32>
      %eq3A_566 = arith.cmpi eq, %iota3A, %eq3A_565 : vector<16xi32>
      %jit3A_567 = arith.constant 0 : i32
      %broadcast_in_dim3A_568 = vector.broadcast %jit3A_567 : i32 to vector<16xi32>
      %select_n3A_569 = arith.select %eq3A_566, %get3A_553, %broadcast_in_dim3A_568 : vector<16xi1>, vector<16xi32>
      %reduce_sum3A_570 = arith.constant true
      %reduce_sum3A_571 = vector.broadcast %reduce_sum3A_570 : i1 to vector<16xi1>
      %reduce_sum3A_572 = tpu.scan <sum>, %select_n3A_569 masked %reduce_sum3A_571 : vector<16xi32>, vector<16xi1> -> vector<16xi32>
      %reduce_sum3A_573 = vector.extract %reduce_sum3A_572[15] : i32 from vector<16xi32>
      %mul3A_574 = arith.constant 1024 : i32
      %mul3A_575 = arith.muli %reduce_sum3A_573, %mul3A_574 : i32
      %dma_start3A = arith.constant 0 : i32
      %dma_start3A_576 = arith.constant 0 : i32
      %dma_start3A_577 = tpu.memref_slice %arg22[%dma_start3A, %dma_start3A_576] : memref<4x1024xf32, #tpu.memory_space<vmem>> -> memref<1x1024xf32, #tpu.memory_space<vmem>>
      %dma_start3A_578 = tpu.memref_squeeze %dma_start3A_577 : memref<1x1024xf32, #tpu.memory_space<vmem>> -> memref<1024xf32, #tpu.memory_space<vmem>>
      %dma_start3A_579 = tpu.memref_slice %arg3[%mul3A_575] : memref<33554432xf32, #tpu.memory_space<hbm>> -> memref<1024xf32, #tpu.memory_space<hbm>>
      %dma_start3A_580 = arith.constant 0 : i32
      %dma_start3A_581 = tpu.memref_slice %arg22[%dma_start3A, %dma_start3A_580] : memref<4x1024xf32, #tpu.memory_space<vmem>> -> memref<1x1024xf32, #tpu.memory_space<vmem>>
      %dma_start3A_582 = tpu.memref_squeeze %dma_start3A_581 : memref<1x1024xf32, #tpu.memory_space<vmem>> -> memref<1024xf32, #tpu.memory_space<vmem>>
      %dma_start3A_583 = tpu.memref_slice %arg3[%mul3A_575] : memref<33554432xf32, #tpu.memory_space<hbm>> -> memref<1024xf32, #tpu.memory_space<hbm>>
      tpu.enqueue_dma source(%dma_start3A_583 : memref<1024xf32, #tpu.memory_space<hbm>>) target(%dma_start3A_582 : memref<1024xf32, #tpu.memory_space<vmem>>) target_semaphore(%arg31 : memref<!tpu.dma_semaphore, #tpu.memory_space<semaphore_mem>>)
      %add3A_584 = arith.constant 1 : i32
      %add3A_585 = arith.addi %sub3A_549, %add3A_584 : i32
      %eq3A_586 = vector.broadcast %add3A_585 : i32 to vector<16xi32>
      %eq3A_587 = arith.cmpi eq, %iota3A, %eq3A_586 : vector<16xi32>
      %jit3A_588 = arith.constant 0.000000e+00 : f32
      %broadcast_in_dim3A_589 = vector.broadcast %jit3A_588 : f32 to vector<16xf32>
      %select_n3A_590 = arith.select %eq3A_587, %get3A_551, %broadcast_in_dim3A_589 : vector<16xi1>, vector<16xf32>
      %reduce_sum3A_591 = arith.constant true
      %reduce_sum3A_592 = vector.broadcast %reduce_sum3A_591 : i1 to vector<16xi1>
      %reduce_sum3A_593 = tpu.scan <sum>, %select_n3A_590 masked %reduce_sum3A_592 : vector<16xf32>, vector<16xi1> -> vector<16xf32>
      %reduce_sum3A_594 = vector.extract %reduce_sum3A_593[15] : f32 from vector<16xf32>
      %add3A_595 = arith.constant 1 : i32
      %add3A_596 = arith.addi %sub3A_549, %add3A_595 : i32
      %eq3A_597 = vector.broadcast %add3A_596 : i32 to vector<16xi32>
      %eq3A_598 = arith.cmpi eq, %iota3A, %eq3A_597 : vector<16xi32>
      %jit3A_599 = arith.constant 0 : i32
      %broadcast_in_dim3A_600 = vector.broadcast %jit3A_599 : i32 to vector<16xi32>
      %select_n3A_601 = arith.select %eq3A_598, %get3A_553, %broadcast_in_dim3A_600 : vector<16xi1>, vector<16xi32>
      %reduce_sum3A_602 = arith.constant true
      %reduce_sum3A_603 = vector.broadcast %reduce_sum3A_602 : i1 to vector<16xi1>
      %reduce_sum3A_604 = tpu.scan <sum>, %select_n3A_601 masked %reduce_sum3A_603 : vector<16xi32>, vector<16xi1> -> vector<16xi32>
      %reduce_sum3A_605 = vector.extract %reduce_sum3A_604[15] : i32 from vector<16xi32>
      %mul3A_606 = arith.constant 1024 : i32
      %mul3A_607 = arith.muli %reduce_sum3A_605, %mul3A_606 : i32
      %dma_start3A_608 = arith.constant 1 : i32
      %dma_start3A_609 = arith.constant 0 : i32
      %dma_start3A_610 = tpu.memref_slice %arg22[%dma_start3A_608, %dma_start3A_609] : memref<4x1024xf32, #tpu.memory_space<vmem>> -> memref<1x1024xf32, #tpu.memory_space<vmem>>
      %dma_start3A_611 = tpu.memref_squeeze %dma_start3A_610 : memref<1x1024xf32, #tpu.memory_space<vmem>> -> memref<1024xf32, #tpu.memory_space<vmem>>
      %dma_start3A_612 = tpu.memref_slice %arg3[%mul3A_607] : memref<33554432xf32, #tpu.memory_space<hbm>> -> memref<1024xf32, #tpu.memory_space<hbm>>
      %dma_start3A_613 = arith.constant 0 : i32
      %dma_start3A_614 = tpu.memref_slice %arg22[%dma_start3A_608, %dma_start3A_613] : memref<4x1024xf32, #tpu.memory_space<vmem>> -> memref<1x1024xf32, #tpu.memory_space<vmem>>
      %dma_start3A_615 = tpu.memref_squeeze %dma_start3A_614 : memref<1x1024xf32, #tpu.memory_space<vmem>> -> memref<1024xf32, #tpu.memory_space<vmem>>
      %dma_start3A_616 = tpu.memref_slice %arg3[%mul3A_607] : memref<33554432xf32, #tpu.memory_space<hbm>> -> memref<1024xf32, #tpu.memory_space<hbm>>
      tpu.enqueue_dma source(%dma_start3A_616 : memref<1024xf32, #tpu.memory_space<hbm>>) target(%dma_start3A_615 : memref<1024xf32, #tpu.memory_space<vmem>>) target_semaphore(%arg31 : memref<!tpu.dma_semaphore, #tpu.memory_space<semaphore_mem>>)
      %add3A_617 = arith.constant 2 : i32
      %add3A_618 = arith.addi %sub3A_549, %add3A_617 : i32
      %eq3A_619 = vector.broadcast %add3A_618 : i32 to vector<16xi32>
      %eq3A_620 = arith.cmpi eq, %iota3A, %eq3A_619 : vector<16xi32>
      %jit3A_621 = arith.constant 0.000000e+00 : f32
      %broadcast_in_dim3A_622 = vector.broadcast %jit3A_621 : f32 to vector<16xf32>
      %select_n3A_623 = arith.select %eq3A_620, %get3A_551, %broadcast_in_dim3A_622 : vector<16xi1>, vector<16xf32>
      %reduce_sum3A_624 = arith.constant true
      %reduce_sum3A_625 = vector.broadcast %reduce_sum3A_624 : i1 to vector<16xi1>
      %reduce_sum3A_626 = tpu.scan <sum>, %select_n3A_623 masked %reduce_sum3A_625 : vector<16xf32>, vector<16xi1> -> vector<16xf32>
      %reduce_sum3A_627 = vector.extract %reduce_sum3A_626[15] : f32 from vector<16xf32>
      %add3A_628 = arith.constant 2 : i32
      %add3A_629 = arith.addi %sub3A_549, %add3A_628 : i32
      %eq3A_630 = vector.broadcast %add3A_629 : i32 to vector<16xi32>
      %eq3A_631 = arith.cmpi eq, %iota3A, %eq3A_630 : vector<16xi32>
      %jit3A_632 = arith.constant 0 : i32
      %broadcast_in_dim3A_633 = vector.broadcast %jit3A_632 : i32 to vector<16xi32>
      %select_n3A_634 = arith.select %eq3A_631, %get3A_553, %broadcast_in_dim3A_633 : vector<16xi1>, vector<16xi32>
      %reduce_sum3A_635 = arith.constant true
      %reduce_sum3A_636 = vector.broadcast %reduce_sum3A_635 : i1 to vector<16xi1>
      %reduce_sum3A_637 = tpu.scan <sum>, %select_n3A_634 masked %reduce_sum3A_636 : vector<16xi32>, vector<16xi1> -> vector<16xi32>
      %reduce_sum3A_638 = vector.extract %reduce_sum3A_637[15] : i32 from vector<16xi32>
      %mul3A_639 = arith.constant 1024 : i32
      %mul3A_640 = arith.muli %reduce_sum3A_638, %mul3A_639 : i32
      %dma_start3A_641 = arith.constant 2 : i32
      %dma_start3A_642 = arith.constant 0 : i32
      %dma_start3A_643 = tpu.memref_slice %arg22[%dma_start3A_641, %dma_start3A_642] : memref<4x1024xf32, #tpu.memory_space<vmem>> -> memref<1x1024xf32, #tpu.memory_space<vmem>>
      %dma_start3A_644 = tpu.memref_squeeze %dma_start3A_643 : memref<1x1024xf32, #tpu.memory_space<vmem>> -> memref<1024xf32, #tpu.memory_space<vmem>>
      %dma_start3A_645 = tpu.memref_slice %arg3[%mul3A_640] : memref<33554432xf32, #tpu.memory_space<hbm>> -> memref<1024xf32, #tpu.memory_space<hbm>>
      %dma_start3A_646 = arith.constant 0 : i32
      %dma_start3A_647 = tpu.memref_slice %arg22[%dma_start3A_641, %dma_start3A_646] : memref<4x1024xf32, #tpu.memory_space<vmem>> -> memref<1x1024xf32, #tpu.memory_space<vmem>>
      %dma_start3A_648 = tpu.memref_squeeze %dma_start3A_647 : memref<1x1024xf32, #tpu.memory_space<vmem>> -> memref<1024xf32, #tpu.memory_space<vmem>>
      %dma_start3A_649 = tpu.memref_slice %arg3[%mul3A_640] : memref<33554432xf32, #tpu.memory_space<hbm>> -> memref<1024xf32, #tpu.memory_space<hbm>>
      tpu.enqueue_dma source(%dma_start3A_649 : memref<1024xf32, #tpu.memory_space<hbm>>) target(%dma_start3A_648 : memref<1024xf32, #tpu.memory_space<vmem>>) target_semaphore(%arg31 : memref<!tpu.dma_semaphore, #tpu.memory_space<semaphore_mem>>)
      %add3A_650 = arith.constant 3 : i32
      %add3A_651 = arith.addi %sub3A_549, %add3A_650 : i32
      %eq3A_652 = vector.broadcast %add3A_651 : i32 to vector<16xi32>
      %eq3A_653 = arith.cmpi eq, %iota3A, %eq3A_652 : vector<16xi32>
      %jit3A_654 = arith.constant 0.000000e+00 : f32
      %broadcast_in_dim3A_655 = vector.broadcast %jit3A_654 : f32 to vector<16xf32>
      %select_n3A_656 = arith.select %eq3A_653, %get3A_551, %broadcast_in_dim3A_655 : vector<16xi1>, vector<16xf32>
      %reduce_sum3A_657 = arith.constant true
      %reduce_sum3A_658 = vector.broadcast %reduce_sum3A_657 : i1 to vector<16xi1>
      %reduce_sum3A_659 = tpu.scan <sum>, %select_n3A_656 masked %reduce_sum3A_658 : vector<16xf32>, vector<16xi1> -> vector<16xf32>
      %reduce_sum3A_660 = vector.extract %reduce_sum3A_659[15] : f32 from vector<16xf32>
      %add3A_661 = arith.constant 3 : i32
      %add3A_662 = arith.addi %sub3A_549, %add3A_661 : i32
      %eq3A_663 = vector.broadcast %add3A_662 : i32 to vector<16xi32>
      %eq3A_664 = arith.cmpi eq, %iota3A, %eq3A_663 : vector<16xi32>
      %jit3A_665 = arith.constant 0 : i32
      %broadcast_in_dim3A_666 = vector.broadcast %jit3A_665 : i32 to vector<16xi32>
      %select_n3A_667 = arith.select %eq3A_664, %get3A_553, %broadcast_in_dim3A_666 : vector<16xi1>, vector<16xi32>
      %reduce_sum3A_668 = arith.constant true
      %reduce_sum3A_669 = vector.broadcast %reduce_sum3A_668 : i1 to vector<16xi1>
      %reduce_sum3A_670 = tpu.scan <sum>, %select_n3A_667 masked %reduce_sum3A_669 : vector<16xi32>, vector<16xi1> -> vector<16xi32>
      %reduce_sum3A_671 = vector.extract %reduce_sum3A_670[15] : i32 from vector<16xi32>
      %mul3A_672 = arith.constant 1024 : i32
      %mul3A_673 = arith.muli %reduce_sum3A_671, %mul3A_672 : i32
      %dma_start3A_674 = arith.constant 3 : i32
      %dma_start3A_675 = arith.constant 0 : i32
      %dma_start3A_676 = tpu.memref_slice %arg22[%dma_start3A_674, %dma_start3A_675] : memref<4x1024xf32, #tpu.memory_space<vmem>> -> memref<1x1024xf32, #tpu.memory_space<vmem>>
      %dma_start3A_677 = tpu.memref_squeeze %dma_start3A_676 : memref<1x1024xf32, #tpu.memory_space<vmem>> -> memref<1024xf32, #tpu.memory_space<vmem>>
      %dma_start3A_678 = tpu.memref_slice %arg3[%mul3A_673] : memref<33554432xf32, #tpu.memory_space<hbm>> -> memref<1024xf32, #tpu.memory_space<hbm>>
      %dma_start3A_679 = arith.constant 0 : i32
      %dma_start3A_680 = tpu.memref_slice %arg22[%dma_start3A_674, %dma_start3A_679] : memref<4x1024xf32, #tpu.memory_space<vmem>> -> memref<1x1024xf32, #tpu.memory_space<vmem>>
      %dma_start3A_681 = tpu.memref_squeeze %dma_start3A_680 : memref<1x1024xf32, #tpu.memory_space<vmem>> -> memref<1024xf32, #tpu.memory_space<vmem>>
      %dma_start3A_682 = tpu.memref_slice %arg3[%mul3A_673] : memref<33554432xf32, #tpu.memory_space<hbm>> -> memref<1024xf32, #tpu.memory_space<hbm>>
      tpu.enqueue_dma source(%dma_start3A_682 : memref<1024xf32, #tpu.memory_space<hbm>>) target(%dma_start3A_681 : memref<1024xf32, #tpu.memory_space<vmem>>) target_semaphore(%arg31 : memref<!tpu.dma_semaphore, #tpu.memory_space<semaphore_mem>>)
      %dma_wait3A = arith.constant 0 : i32
      %dma_wait3A_683 = arith.constant 0 : i32
      %dma_wait3A_684 = tpu.memref_slice %arg22[%dma_wait3A, %dma_wait3A_683] : memref<4x1024xf32, #tpu.memory_space<vmem>> -> memref<1x1024xf32, #tpu.memory_space<vmem>>
      %dma_wait3A_685 = tpu.memref_squeeze %dma_wait3A_684 : memref<1x1024xf32, #tpu.memory_space<vmem>> -> memref<1024xf32, #tpu.memory_space<vmem>>
      %dma_wait3A_686 = tpu.memref_slice %arg3[%mul3A_575] : memref<33554432xf32, #tpu.memory_space<hbm>> -> memref<1024xf32, #tpu.memory_space<hbm>>
      %dma_wait3A_687 = arith.constant 0 : i32
      %dma_wait3A_688 = tpu.memref_slice %arg22[%dma_wait3A, %dma_wait3A_687] : memref<4x1024xf32, #tpu.memory_space<vmem>> -> memref<1x1024xf32, #tpu.memory_space<vmem>>
      %dma_wait3A_689 = tpu.memref_squeeze %dma_wait3A_688 : memref<1x1024xf32, #tpu.memory_space<vmem>> -> memref<1024xf32, #tpu.memory_space<vmem>>
      %dma_wait3A_690 = tpu.memref_slice %arg3[%mul3A_575] : memref<33554432xf32, #tpu.memory_space<hbm>> -> memref<1024xf32, #tpu.memory_space<hbm>>
      tpu.wait_dma2 semaphore(%arg31 : memref<!tpu.dma_semaphore, #tpu.memory_space<semaphore_mem>>) src(%dma_wait3A_690 : memref<1024xf32, #tpu.memory_space<hbm>>) dst(%dma_wait3A_689 : memref<1024xf32, #tpu.memory_space<vmem>>)
      %dma_wait3A_691 = arith.constant 1 : i32
      %dma_wait3A_692 = arith.constant 0 : i32
      %dma_wait3A_693 = tpu.memref_slice %arg22[%dma_wait3A_691, %dma_wait3A_692] : memref<4x1024xf32, #tpu.memory_space<vmem>> -> memref<1x1024xf32, #tpu.memory_space<vmem>>
      %dma_wait3A_694 = tpu.memref_squeeze %dma_wait3A_693 : memref<1x1024xf32, #tpu.memory_space<vmem>> -> memref<1024xf32, #tpu.memory_space<vmem>>
      %dma_wait3A_695 = tpu.memref_slice %arg3[%mul3A_607] : memref<33554432xf32, #tpu.memory_space<hbm>> -> memref<1024xf32, #tpu.memory_space<hbm>>
      %dma_wait3A_696 = arith.constant 0 : i32
      %dma_wait3A_697 = tpu.memref_slice %arg22[%dma_wait3A_691, %dma_wait3A_696] : memref<4x1024xf32, #tpu.memory_space<vmem>> -> memref<1x1024xf32, #tpu.memory_space<vmem>>
      %dma_wait3A_698 = tpu.memref_squeeze %dma_wait3A_697 : memref<1x1024xf32, #tpu.memory_space<vmem>> -> memref<1024xf32, #tpu.memory_space<vmem>>
      %dma_wait3A_699 = tpu.memref_slice %arg3[%mul3A_607] : memref<33554432xf32, #tpu.memory_space<hbm>> -> memref<1024xf32, #tpu.memory_space<hbm>>
      tpu.wait_dma2 semaphore(%arg31 : memref<!tpu.dma_semaphore, #tpu.memory_space<semaphore_mem>>) src(%dma_wait3A_699 : memref<1024xf32, #tpu.memory_space<hbm>>) dst(%dma_wait3A_698 : memref<1024xf32, #tpu.memory_space<vmem>>)
      %dma_wait3A_700 = arith.constant 2 : i32
      %dma_wait3A_701 = arith.constant 0 : i32
      %dma_wait3A_702 = tpu.memref_slice %arg22[%dma_wait3A_700, %dma_wait3A_701] : memref<4x1024xf32, #tpu.memory_space<vmem>> -> memref<1x1024xf32, #tpu.memory_space<vmem>>
      %dma_wait3A_703 = tpu.memref_squeeze %dma_wait3A_702 : memref<1x1024xf32, #tpu.memory_space<vmem>> -> memref<1024xf32, #tpu.memory_space<vmem>>
      %dma_wait3A_704 = tpu.memref_slice %arg3[%mul3A_640] : memref<33554432xf32, #tpu.memory_space<hbm>> -> memref<1024xf32, #tpu.memory_space<hbm>>
      %dma_wait3A_705 = arith.constant 0 : i32
      %dma_wait3A_706 = tpu.memref_slice %arg22[%dma_wait3A_700, %dma_wait3A_705] : memref<4x1024xf32, #tpu.memory_space<vmem>> -> memref<1x1024xf32, #tpu.memory_space<vmem>>
      %dma_wait3A_707 = tpu.memref_squeeze %dma_wait3A_706 : memref<1x1024xf32, #tpu.memory_space<vmem>> -> memref<1024xf32, #tpu.memory_space<vmem>>
      %dma_wait3A_708 = tpu.memref_slice %arg3[%mul3A_640] : memref<33554432xf32, #tpu.memory_space<hbm>> -> memref<1024xf32, #tpu.memory_space<hbm>>
      tpu.wait_dma2 semaphore(%arg31 : memref<!tpu.dma_semaphore, #tpu.memory_space<semaphore_mem>>) src(%dma_wait3A_708 : memref<1024xf32, #tpu.memory_space<hbm>>) dst(%dma_wait3A_707 : memref<1024xf32, #tpu.memory_space<vmem>>)
      %dma_wait3A_709 = arith.constant 3 : i32
      %dma_wait3A_710 = arith.constant 0 : i32
      %dma_wait3A_711 = tpu.memref_slice %arg22[%dma_wait3A_709, %dma_wait3A_710] : memref<4x1024xf32, #tpu.memory_space<vmem>> -> memref<1x1024xf32, #tpu.memory_space<vmem>>
      %dma_wait3A_712 = tpu.memref_squeeze %dma_wait3A_711 : memref<1x1024xf32, #tpu.memory_space<vmem>> -> memref<1024xf32, #tpu.memory_space<vmem>>
      %dma_wait3A_713 = tpu.memref_slice %arg3[%mul3A_673] : memref<33554432xf32, #tpu.memory_space<hbm>> -> memref<1024xf32, #tpu.memory_space<hbm>>
      %dma_wait3A_714 = arith.constant 0 : i32
      %dma_wait3A_715 = tpu.memref_slice %arg22[%dma_wait3A_709, %dma_wait3A_714] : memref<4x1024xf32, #tpu.memory_space<vmem>> -> memref<1x1024xf32, #tpu.memory_space<vmem>>
      %dma_wait3A_716 = tpu.memref_squeeze %dma_wait3A_715 : memref<1x1024xf32, #tpu.memory_space<vmem>> -> memref<1024xf32, #tpu.memory_space<vmem>>
      %dma_wait3A_717 = tpu.memref_slice %arg3[%mul3A_673] : memref<33554432xf32, #tpu.memory_space<hbm>> -> memref<1024xf32, #tpu.memory_space<hbm>>
      tpu.wait_dma2 semaphore(%arg31 : memref<!tpu.dma_semaphore, #tpu.memory_space<semaphore_mem>>) src(%dma_wait3A_717 : memref<1024xf32, #tpu.memory_space<hbm>>) dst(%dma_wait3A_716 : memref<1024xf32, #tpu.memory_space<vmem>>)
      %broadcast_in_dim3A_718 = arith.constant 0.000000e+00 : f32
      %broadcast_in_dim3A_719 = vector.broadcast %broadcast_in_dim3A_718 : f32 to vector<16xf32>
      %get3A_720 = arith.constant 0 : i32
      %get3A_721 = arith.index_cast %get3A_720 : i32 to index
      %get3A_722 = arith.constant 0 : index
      %get3A_723 = tpu.vector_load %arg22[%get3A_721, %get3A_722] {strides = array<i32>} : memref<4x1024xf32, #tpu.memory_space<vmem>>, vector<16xf32>,
      %mul3A_724 = vector.broadcast %reduce_sum3A_562 : f32 to vector<16xf32>
      %mul3A_725 = arith.mulf %mul3A_724, %get3A_723 : vector<16xf32>
      %get3A_726 = arith.constant 1 : i32
      %get3A_727 = arith.index_cast %get3A_726 : i32 to index
      %get3A_728 = arith.constant 0 : index
      %get3A_729 = tpu.vector_load %arg22[%get3A_727, %get3A_728] {strides = array<i32>} : memref<4x1024xf32, #tpu.memory_space<vmem>>, vector<16xf32>,
      %mul3A_730 = vector.broadcast %reduce_sum3A_594 : f32 to vector<16xf32>
      %mul3A_731 = arith.mulf %mul3A_730, %get3A_729 : vector<16xf32>
      %add3A_732 = arith.addf %mul3A_725, %mul3A_731 : vector<16xf32>
      %get3A_733 = arith.constant 2 : i32
      %get3A_734 = arith.index_cast %get3A_733 : i32 to index
      %get3A_735 = arith.constant 0 : index
      %get3A_736 = tpu.vector_load %arg22[%get3A_734, %get3A_735] {strides = array<i32>} : memref<4x1024xf32, #tpu.memory_space<vmem>>, vector<16xf32>,
      %mul3A_737 = vector.broadcast %reduce_sum3A_627 : f32 to vector<16xf32>
      %mul3A_738 = arith.mulf %mul3A_737, %get3A_736 : vector<16xf32>
      %add3A_739 = arith.addf %add3A_732, %mul3A_738 : vector<16xf32>
      %get3A_740 = arith.constant 3 : i32
      %get3A_741 = arith.index_cast %get3A_740 : i32 to index
      %get3A_742 = arith.constant 0 : index
      %get3A_743 = tpu.vector_load %arg22[%get3A_741, %get3A_742] {strides = array<i32>} : memref<4x1024xf32, #tpu.memory_space<vmem>>, vector<16xf32>,
      %mul3A_744 = vector.broadcast %reduce_sum3A_660 : f32 to vector<16xf32>
      %mul3A_745 = arith.mulf %mul3A_744, %get3A_743 : vector<16xf32>
      %add3A_746 = arith.addf %add3A_739, %mul3A_745 : vector<16xf32>
      %get3A_747 = arith.constant 0 : index
      %get3A_748 = tpu.vector_load %arg23[%get3A_747] {strides = array<i32>} : memref<1024xf32, #tpu.memory_space<vmem>>, vector<16xf32>,
      %mul3A_749 = arith.mulf %add3A_746, %get3A_748 : vector<16xf32>
      %add3A_750 = arith.addf %broadcast_in_dim3A_719, %mul3A_749 : vector<16xf32>
      %get3A_751 = arith.constant 0 : i32
      %get3A_752 = arith.index_cast %get3A_751 : i32 to index
      %get3A_753 = arith.constant 16 : index
      %get3A_754 = tpu.vector_load %arg22[%get3A_752, %get3A_753] {strides = array<i32>} : memref<4x1024xf32, #tpu.memory_space<vmem>>, vector<16xf32>,
      %mul3A_755 = vector.broadcast %reduce_sum3A_562 : f32 to vector<16xf32>
      %mul3A_756 = arith.mulf %mul3A_755, %get3A_754 : vector<16xf32>
      %get3A_757 = arith.constant 1 : i32
      %get3A_758 = arith.index_cast %get3A_757 : i32 to index
      %get3A_759 = arith.constant 16 : index
      %get3A_760 = tpu.vector_load %arg22[%get3A_758, %get3A_759] {strides = array<i32>} : memref<4x1024xf32, #tpu.memory_space<vmem>>, vector<16xf32>,
      %mul3A_761 = vector.broadcast %reduce_sum3A_594 : f32 to vector<16xf32>
      %mul3A_762 = arith.mulf %mul3A_761, %get3A_760 : vector<16xf32>
      %add3A_763 = arith.addf %mul3A_756, %mul3A_762 : vector<16xf32>
      %get3A_764 = arith.constant 2 : i32
      %get3A_765 = arith.index_cast %get3A_764 : i32 to index
      %get3A_766 = arith.constant 16 : index
      %get3A_767 = tpu.vector_load %arg22[%get3A_765, %get3A_766] {strides = array<i32>} : memref<4x1024xf32, #tpu.memory_space<vmem>>, vector<16xf32>,
      %mul3A_768 = vector.broadcast %reduce_sum3A_627 : f32 to vector<16xf32>
      %mul3A_769 = arith.mulf %mul3A_768, %get3A_767 : vector<16xf32>
      %add3A_770 = arith.addf %add3A_763, %mul3A_769 : vector<16xf32>
      %get3A_771 = arith.constant 3 : i32
      %get3A_772 = arith.index_cast %get3A_771 : i32 to index
      %get3A_773 = arith.constant 16 : index
      %get3A_774 = tpu.vector_load %arg22[%get3A_772, %get3A_773] {strides = array<i32>} : memref<4x1024xf32, #tpu.memory_space<vmem>>, vector<16xf32>,
      %mul3A_775 = vector.broadcast %reduce_sum3A_660 : f32 to vector<16xf32>
      %mul3A_776 = arith.mulf %mul3A_775, %get3A_774 : vector<16xf32>
      %add3A_777 = arith.addf %add3A_770, %mul3A_776 : vector<16xf32>
      %get3A_778 = arith.constant 16 : index
      %get3A_779 = tpu.vector_load %arg23[%get3A_778] {strides = array<i32>} : memref<1024xf32, #tpu.memory_space<vmem>>, vector<16xf32>,
      %mul3A_780 = arith.mulf %add3A_777, %get3A_779 : vector<16xf32>
      %add3A_781 = arith.addf %add3A_750, %mul3A_780 : vector<16xf32>
      %get3A_782 = arith.constant 0 : i32
      %get3A_783 = arith.index_cast %get3A_782 : i32 to index
      %get3A_784 = arith.constant 32 : index
      %get3A_785 = tpu.vector_load %arg22[%get3A_783, %get3A_784] {strides = array<i32>} : memref<4x1024xf32, #tpu.memory_space<vmem>>, vector<16xf32>,
      %mul3A_786 = vector.broadcast %reduce_sum3A_562 : f32 to vector<16xf32>
      %mul3A_787 = arith.mulf %mul3A_786, %get3A_785 : vector<16xf32>
      %get3A_788 = arith.constant 1 : i32
      %get3A_789 = arith.index_cast %get3A_788 : i32 to index
      %get3A_790 = arith.constant 32 : index
      %get3A_791 = tpu.vector_load %arg22[%get3A_789, %get3A_790] {strides = array<i32>} : memref<4x1024xf32, #tpu.memory_space<vmem>>, vector<16xf32>,
      %mul3A_792 = vector.broadcast %reduce_sum3A_594 : f32 to vector<16xf32>
      %mul3A_793 = arith.mulf %mul3A_792, %get3A_791 : vector<16xf32>
      %add3A_794 = arith.addf %mul3A_787, %mul3A_793 : vector<16xf32>
      %get3A_795 = arith.constant 2 : i32
      %get3A_796 = arith.index_cast %get3A_795 : i32 to index
      %get3A_797 = arith.constant 32 : index
      %get3A_798 = tpu.vector_load %arg22[%get3A_796, %get3A_797] {strides = array<i32>} : memref<4x1024xf32, #tpu.memory_space<vmem>>, vector<16xf32>,
      %mul3A_799 = vector.broadcast %reduce_sum3A_627 : f32 to vector<16xf32>
      %mul3A_800 = arith.mulf %mul3A_799, %get3A_798 : vector<16xf32>
      %add3A_801 = arith.addf %add3A_794, %mul3A_800 : vector<16xf32>
      %get3A_802 = arith.constant 3 : i32
      %get3A_803 = arith.index_cast %get3A_802 : i32 to index
      %get3A_804 = arith.constant 32 : index
      %get3A_805 = tpu.vector_load %arg22[%get3A_803, %get3A_804] {strides = array<i32>} : memref<4x1024xf32, #tpu.memory_space<vmem>>, vector<16xf32>,
      %mul3A_806 = vector.broadcast %reduce_sum3A_660 : f32 to vector<16xf32>
      %mul3A_807 = arith.mulf %mul3A_806, %get3A_805 : vector<16xf32>
      %add3A_808 = arith.addf %add3A_801, %mul3A_807 : vector<16xf32>
      %get3A_809 = arith.constant 32 : index
      %get3A_810 = tpu.vector_load %arg23[%get3A_809] {strides = array<i32>} : memref<1024xf32, #tpu.memory_space<vmem>>, vector<16xf32>,
      %mul3A_811 = arith.mulf %add3A_808, %get3A_810 : vector<16xf32>
      %add3A_812 = arith.addf %add3A_781, %mul3A_811 : vector<16xf32>
      %get3A_813 = arith.constant 0 : i32
      %get3A_814 = arith.index_cast %get3A_813 : i32 to index
      %get3A_815 = arith.constant 48 : index
      %get3A_816 = tpu.vector_load %arg22[%get3A_814, %get3A_815] {strides = array<i32>} : memref<4x1024xf32, #tpu.memory_space<vmem>>, vector<16xf32>,
      %mul3A_817 = vector.broadcast %reduce_sum3A_562 : f32 to vector<16xf32>
      %mul3A_818 = arith.mulf %mul3A_817, %get3A_816 : vector<16xf32>
      %get3A_819 = arith.constant 1 : i32
      %get3A_820 = arith.index_cast %get3A_819 : i32 to index
      %get3A_821 = arith.constant 48 : index
      %get3A_822 = tpu.vector_load %arg22[%get3A_820, %get3A_821] {strides = array<i32>} : memref<4x1024xf32, #tpu.memory_space<vmem>>, vector<16xf32>,
      %mul3A_823 = vector.broadcast %reduce_sum3A_594 : f32 to vector<16xf32>
      %mul3A_824 = arith.mulf %mul3A_823, %get3A_822 : vector<16xf32>
      %add3A_825 = arith.addf %mul3A_818, %mul3A_824 : vector<16xf32>
      %get3A_826 = arith.constant 2 : i32
      %get3A_827 = arith.index_cast %get3A_826 : i32 to index
      %get3A_828 = arith.constant 48 : index
      %get3A_829 = tpu.vector_load %arg22[%get3A_827, %get3A_828] {strides = array<i32>} : memref<4x1024xf32, #tpu.memory_space<vmem>>, vector<16xf32>,
      %mul3A_830 = vector.broadcast %reduce_sum3A_627 : f32 to vector<16xf32>
      %mul3A_831 = arith.mulf %mul3A_830, %get3A_829 : vector<16xf32>
      %add3A_832 = arith.addf %add3A_825, %mul3A_831 : vector<16xf32>
      %get3A_833 = arith.constant 3 : i32
      %get3A_834 = arith.index_cast %get3A_833 : i32 to index
      %get3A_835 = arith.constant 48 : index
      %get3A_836 = tpu.vector_load %arg22[%get3A_834, %get3A_835] {strides = array<i32>} : memref<4x1024xf32, #tpu.memory_space<vmem>>, vector<16xf32>,
      %mul3A_837 = vector.broadcast %reduce_sum3A_660 : f32 to vector<16xf32>
      %mul3A_838 = arith.mulf %mul3A_837, %get3A_836 : vector<16xf32>
      %add3A_839 = arith.addf %add3A_832, %mul3A_838 : vector<16xf32>
      %get3A_840 = arith.constant 48 : index
      %get3A_841 = tpu.vector_load %arg23[%get3A_840] {strides = array<i32>} : memref<1024xf32, #tpu.memory_space<vmem>>, vector<16xf32>,
      %mul3A_842 = arith.mulf %add3A_839, %get3A_841 : vector<16xf32>
      %add3A_843 = arith.addf %add3A_812, %mul3A_842 : vector<16xf32>
      %get3A_844 = arith.constant 0 : i32
      %get3A_845 = arith.index_cast %get3A_844 : i32 to index
      %get3A_846 = arith.constant 64 : index
      %get3A_847 = tpu.vector_load %arg22[%get3A_845, %get3A_846] {strides = array<i32>} : memref<4x1024xf32, #tpu.memory_space<vmem>>, vector<16xf32>,
      %mul3A_848 = vector.broadcast %reduce_sum3A_562 : f32 to vector<16xf32>
      %mul3A_849 = arith.mulf %mul3A_848, %get3A_847 : vector<16xf32>
      %get3A_850 = arith.constant 1 : i32
      %get3A_851 = arith.index_cast %get3A_850 : i32 to index
      %get3A_852 = arith.constant 64 : index
      %get3A_853 = tpu.vector_load %arg22[%get3A_851, %get3A_852] {strides = array<i32>} : memref<4x1024xf32, #tpu.memory_space<vmem>>, vector<16xf32>,
      %mul3A_854 = vector.broadcast %reduce_sum3A_594 : f32 to vector<16xf32>
      %mul3A_855 = arith.mulf %mul3A_854, %get3A_853 : vector<16xf32>
      %add3A_856 = arith.addf %mul3A_849, %mul3A_855 : vector<16xf32>
      %get3A_857 = arith.constant 2 : i32
      %get3A_858 = arith.index_cast %get3A_857 : i32 to index
      %get3A_859 = arith.constant 64 : index
      %get3A_860 = tpu.vector_load %arg22[%get3A_858, %get3A_859] {strides = array<i32>} : memref<4x1024xf32, #tpu.memory_space<vmem>>, vector<16xf32>,
      %mul3A_861 = vector.broadcast %reduce_sum3A_627 : f32 to vector<16xf32>
      %mul3A_862 = arith.mulf %mul3A_861, %get3A_860 : vector<16xf32>
      %add3A_863 = arith.addf %add3A_856, %mul3A_862 : vector<16xf32>
      %get3A_864 = arith.constant 3 : i32
      %get3A_865 = arith.index_cast %get3A_864 : i32 to index
      %get3A_866 = arith.constant 64 : index
      %get3A_867 = tpu.vector_load %arg22[%get3A_865, %get3A_866] {strides = array<i32>} : memref<4x1024xf32, #tpu.memory_space<vmem>>, vector<16xf32>,
      %mul3A_868 = vector.broadcast %reduce_sum3A_660 : f32 to vector<16xf32>
      %mul3A_869 = arith.mulf %mul3A_868, %get3A_867 : vector<16xf32>
      %add3A_870 = arith.addf %add3A_863, %mul3A_869 : vector<16xf32>
      %get3A_871 = arith.constant 64 : index
      %get3A_872 = tpu.vector_load %arg23[%get3A_871] {strides = array<i32>} : memref<1024xf32, #tpu.memory_space<vmem>>, vector<16xf32>,
      %mul3A_873 = arith.mulf %add3A_870, %get3A_872 : vector<16xf32>
      %add3A_874 = arith.addf %add3A_843, %mul3A_873 : vector<16xf32>
      %get3A_875 = arith.constant 0 : i32
      %get3A_876 = arith.index_cast %get3A_875 : i32 to index
      %get3A_877 = arith.constant 80 : index
      %get3A_878 = tpu.vector_load %arg22[%get3A_876, %get3A_877] {strides = array<i32>} : memref<4x1024xf32, #tpu.memory_space<vmem>>, vector<16xf32>,
      %mul3A_879 = vector.broadcast %reduce_sum3A_562 : f32 to vector<16xf32>
      %mul3A_880 = arith.mulf %mul3A_879, %get3A_878 : vector<16xf32>
      %get3A_881 = arith.constant 1 : i32
      %get3A_882 = arith.index_cast %get3A_881 : i32 to index
      %get3A_883 = arith.constant 80 : index
      %get3A_884 = tpu.vector_load %arg22[%get3A_882, %get3A_883] {strides = array<i32>} : memref<4x1024xf32, #tpu.memory_space<vmem>>, vector<16xf32>,
      %mul3A_885 = vector.broadcast %reduce_sum3A_594 : f32 to vector<16xf32>
      %mul3A_886 = arith.mulf %mul3A_885, %get3A_884 : vector<16xf32>
      %add3A_887 = arith.addf %mul3A_880, %mul3A_886 : vector<16xf32>
      %get3A_888 = arith.constant 2 : i32
      %get3A_889 = arith.index_cast %get3A_888 : i32 to index
      %get3A_890 = arith.constant 80 : index
      %get3A_891 = tpu.vector_load %arg22[%get3A_889, %get3A_890] {strides = array<i32>} : memref<4x1024xf32, #tpu.memory_space<vmem>>, vector<16xf32>,
      %mul3A_892 = vector.broadcast %reduce_sum3A_627 : f32 to vector<16xf32>
      %mul3A_893 = arith.mulf %mul3A_892, %get3A_891 : vector<16xf32>
      %add3A_894 = arith.addf %add3A_887, %mul3A_893 : vector<16xf32>
      %get3A_895 = arith.constant 3 : i32
      %get3A_896 = arith.index_cast %get3A_895 : i32 to index
      %get3A_897 = arith.constant 80 : index
      %get3A_898 = tpu.vector_load %arg22[%get3A_896, %get3A_897] {strides = array<i32>} : memref<4x1024xf32, #tpu.memory_space<vmem>>, vector<16xf32>,
      %mul3A_899 = vector.broadcast %reduce_sum3A_660 : f32 to vector<16xf32>
      %mul3A_900 = arith.mulf %mul3A_899, %get3A_898 : vector<16xf32>
      %add3A_901 = arith.addf %add3A_894, %mul3A_900 : vector<16xf32>
      %get3A_902 = arith.constant 80 : index
      %get3A_903 = tpu.vector_load %arg23[%get3A_902] {strides = array<i32>} : memref<1024xf32, #tpu.memory_space<vmem>>, vector<16xf32>,
      %mul3A_904 = arith.mulf %add3A_901, %get3A_903 : vector<16xf32>
      %add3A_905 = arith.addf %add3A_874, %mul3A_904 : vector<16xf32>
      %get3A_906 = arith.constant 0 : i32
      %get3A_907 = arith.index_cast %get3A_906 : i32 to index
      %get3A_908 = arith.constant 96 : index
      %get3A_909 = tpu.vector_load %arg22[%get3A_907, %get3A_908] {strides = array<i32>} : memref<4x1024xf32, #tpu.memory_space<vmem>>, vector<16xf32>,
      %mul3A_910 = vector.broadcast %reduce_sum3A_562 : f32 to vector<16xf32>
      %mul3A_911 = arith.mulf %mul3A_910, %get3A_909 : vector<16xf32>
      %get3A_912 = arith.constant 1 : i32
      %get3A_913 = arith.index_cast %get3A_912 : i32 to index
      %get3A_914 = arith.constant 96 : index
      %get3A_915 = tpu.vector_load %arg22[%get3A_913, %get3A_914] {strides = array<i32>} : memref<4x1024xf32, #tpu.memory_space<vmem>>, vector<16xf32>,
      %mul3A_916 = vector.broadcast %reduce_sum3A_594 : f32 to vector<16xf32>
      %mul3A_917 = arith.mulf %mul3A_916, %get3A_915 : vector<16xf32>
      %add3A_918 = arith.addf %mul3A_911, %mul3A_917 : vector<16xf32>
      %get3A_919 = arith.constant 2 : i32
      %get3A_920 = arith.index_cast %get3A_919 : i32 to index
      %get3A_921 = arith.constant 96 : index
      %get3A_922 = tpu.vector_load %arg22[%get3A_920, %get3A_921] {strides = array<i32>} : memref<4x1024xf32, #tpu.memory_space<vmem>>, vector<16xf32>,
      %mul3A_923 = vector.broadcast %reduce_sum3A_627 : f32 to vector<16xf32>
      %mul3A_924 = arith.mulf %mul3A_923, %get3A_922 : vector<16xf32>
      %add3A_925 = arith.addf %add3A_918, %mul3A_924 : vector<16xf32>
      %get3A_926 = arith.constant 3 : i32
      %get3A_927 = arith.index_cast %get3A_926 : i32 to index
      %get3A_928 = arith.constant 96 : index
      %get3A_929 = tpu.vector_load %arg22[%get3A_927, %get3A_928] {strides = array<i32>} : memref<4x1024xf32, #tpu.memory_space<vmem>>, vector<16xf32>,
      %mul3A_930 = vector.broadcast %reduce_sum3A_660 : f32 to vector<16xf32>
      %mul3A_931 = arith.mulf %mul3A_930, %get3A_929 : vector<16xf32>
      %add3A_932 = arith.addf %add3A_925, %mul3A_931 : vector<16xf32>
      %get3A_933 = arith.constant 96 : index
      %get3A_934 = tpu.vector_load %arg23[%get3A_933] {strides = array<i32>} : memref<1024xf32, #tpu.memory_space<vmem>>, vector<16xf32>,
      %mul3A_935 = arith.mulf %add3A_932, %get3A_934 : vector<16xf32>
      %add3A_936 = arith.addf %add3A_905, %mul3A_935 : vector<16xf32>
      %get3A_937 = arith.constant 0 : i32
      %get3A_938 = arith.index_cast %get3A_937 : i32 to index
      %get3A_939 = arith.constant 112 : index
      %get3A_940 = tpu.vector_load %arg22[%get3A_938, %get3A_939] {strides = array<i32>} : memref<4x1024xf32, #tpu.memory_space<vmem>>, vector<16xf32>,
      %mul3A_941 = vector.broadcast %reduce_sum3A_562 : f32 to vector<16xf32>
      %mul3A_942 = arith.mulf %mul3A_941, %get3A_940 : vector<16xf32>
      %get3A_943 = arith.constant 1 : i32
      %get3A_944 = arith.index_cast %get3A_943 : i32 to index
      %get3A_945 = arith.constant 112 : index
      %get3A_946 = tpu.vector_load %arg22[%get3A_944, %get3A_945] {strides = array<i32>} : memref<4x1024xf32, #tpu.memory_space<vmem>>, vector<16xf32>,
      %mul3A_947 = vector.broadcast %reduce_sum3A_594 : f32 to vector<16xf32>
      %mul3A_948 = arith.mulf %mul3A_947, %get3A_946 : vector<16xf32>
      %add3A_949 = arith.addf %mul3A_942, %mul3A_948 : vector<16xf32>
      %get3A_950 = arith.constant 2 : i32
      %get3A_951 = arith.index_cast %get3A_950 : i32 to index
      %get3A_952 = arith.constant 112 : index
      %get3A_953 = tpu.vector_load %arg22[%get3A_951, %get3A_952] {strides = array<i32>} : memref<4x1024xf32, #tpu.memory_space<vmem>>, vector<16xf32>,
      %mul3A_954 = vector.broadcast %reduce_sum3A_627 : f32 to vector<16xf32>
      %mul3A_955 = arith.mulf %mul3A_954, %get3A_953 : vector<16xf32>
      %add3A_956 = arith.addf %add3A_949, %mul3A_955 : vector<16xf32>
      %get3A_957 = arith.constant 3 : i32
      %get3A_958 = arith.index_cast %get3A_957 : i32 to index
      %get3A_959 = arith.constant 112 : index
      %get3A_960 = tpu.vector_load %arg22[%get3A_958, %get3A_959] {strides = array<i32>} : memref<4x1024xf32, #tpu.memory_space<vmem>>, vector<16xf32>,
      %mul3A_961 = vector.broadcast %reduce_sum3A_660 : f32 to vector<16xf32>
      %mul3A_962 = arith.mulf %mul3A_961, %get3A_960 : vector<16xf32>
      %add3A_963 = arith.addf %add3A_956, %mul3A_962 : vector<16xf32>
      %get3A_964 = arith.constant 112 : index
      %get3A_965 = tpu.vector_load %arg23[%get3A_964] {strides = array<i32>} : memref<1024xf32, #tpu.memory_space<vmem>>, vector<16xf32>,
      %mul3A_966 = arith.mulf %add3A_963, %get3A_965 : vector<16xf32>
      %add3A_967 = arith.addf %add3A_936, %mul3A_966 : vector<16xf32>
      %get3A_968 = arith.constant 0 : i32
      %get3A_969 = arith.index_cast %get3A_968 : i32 to index
      %get3A_970 = arith.constant 128 : index
      %get3A_971 = tpu.vector_load %arg22[%get3A_969, %get3A_970] {strides = array<i32>} : memref<4x1024xf32, #tpu.memory_space<vmem>>, vector<16xf32>,
      %mul3A_972 = vector.broadcast %reduce_sum3A_562 : f32 to vector<16xf32>
      %mul3A_973 = arith.mulf %mul3A_972, %get3A_971 : vector<16xf32>
      %get3A_974 = arith.constant 1 : i32
      %get3A_975 = arith.index_cast %get3A_974 : i32 to index
      %get3A_976 = arith.constant 128 : index
      %get3A_977 = tpu.vector_load %arg22[%get3A_975, %get3A_976] {strides = array<i32>} : memref<4x1024xf32, #tpu.memory_space<vmem>>, vector<16xf32>,
      %mul3A_978 = vector.broadcast %reduce_sum3A_594 : f32 to vector<16xf32>
      %mul3A_979 = arith.mulf %mul3A_978, %get3A_977 : vector<16xf32>
      %add3A_980 = arith.addf %mul3A_973, %mul3A_979 : vector<16xf32>
      %get3A_981 = arith.constant 2 : i32
      %get3A_982 = arith.index_cast %get3A_981 : i32 to index
      %get3A_983 = arith.constant 128 : index
      %get3A_984 = tpu.vector_load %arg22[%get3A_982, %get3A_983] {strides = array<i32>} : memref<4x1024xf32, #tpu.memory_space<vmem>>, vector<16xf32>,
      %mul3A_985 = vector.broadcast %reduce_sum3A_627 : f32 to vector<16xf32>
      %mul3A_986 = arith.mulf %mul3A_985, %get3A_984 : vector<16xf32>
      %add3A_987 = arith.addf %add3A_980, %mul3A_986 : vector<16xf32>
      %get3A_988 = arith.constant 3 : i32
      %get3A_989 = arith.index_cast %get3A_988 : i32 to index
      %get3A_990 = arith.constant 128 : index
      %get3A_991 = tpu.vector_load %arg22[%get3A_989, %get3A_990] {strides = array<i32>} : memref<4x1024xf32, #tpu.memory_space<vmem>>, vector<16xf32>,
      %mul3A_992 = vector.broadcast %reduce_sum3A_660 : f32 to vector<16xf32>
      %mul3A_993 = arith.mulf %mul3A_992, %get3A_991 : vector<16xf32>
      %add3A_994 = arith.addf %add3A_987, %mul3A_993 : vector<16xf32>
      %get3A_995 = arith.constant 128 : index
      %get3A_996 = tpu.vector_load %arg23[%get3A_995] {strides = array<i32>} : memref<1024xf32, #tpu.memory_space<vmem>>, vector<16xf32>,
      %mul3A_997 = arith.mulf %add3A_994, %get3A_996 : vector<16xf32>
      %add3A_998 = arith.addf %add3A_967, %mul3A_997 : vector<16xf32>
      %get3A_999 = arith.constant 0 : i32
      %get3A_1000 = arith.index_cast %get3A_999 : i32 to index
      %get3A_1001 = arith.constant 144 : index
      %get3A_1002 = tpu.vector_load %arg22[%get3A_1000, %get3A_1001] {strides = array<i32>} : memref<4x1024xf32, #tpu.memory_space<vmem>>, vector<16xf32>,
      %mul3A_1003 = vector.broadcast %reduce_sum3A_562 : f32 to vector<16xf32>
      %mul3A_1004 = arith.mulf %mul3A_1003, %get3A_1002 : vector<16xf32>
      %get3A_1005 = arith.constant 1 : i32
      %get3A_1006 = arith.index_cast %get3A_1005 : i32 to index
      %get3A_1007 = arith.constant 144 : index
      %get3A_1008 = tpu.vector_load %arg22[%get3A_1006, %get3A_1007] {strides = array<i32>} : memref<4x1024xf32, #tpu.memory_space<vmem>>, vector<16xf32>,
      %mul3A_1009 = vector.broadcast %reduce_sum3A_594 : f32 to vector<16xf32>
      %mul3A_1010 = arith.mulf %mul3A_1009, %get3A_1008 : vector<16xf32>
      %add3A_1011 = arith.addf %mul3A_1004, %mul3A_1010 : vector<16xf32>
      %get3A_1012 = arith.constant 2 : i32
      %get3A_1013 = arith.index_cast %get3A_1012 : i32 to index
      %get3A_1014 = arith.constant 144 : index
      %get3A_1015 = tpu.vector_load %arg22[%get3A_1013, %get3A_1014] {strides = array<i32>} : memref<4x1024xf32, #tpu.memory_space<vmem>>, vector<16xf32>,
      %mul3A_1016 = vector.broadcast %reduce_sum3A_627 : f32 to vector<16xf32>
      %mul3A_1017 = arith.mulf %mul3A_1016, %get3A_1015 : vector<16xf32>
      %add3A_1018 = arith.addf %add3A_1011, %mul3A_1017 : vector<16xf32>
      %get3A_1019 = arith.constant 3 : i32
      %get3A_1020 = arith.index_cast %get3A_1019 : i32 to index
      %get3A_1021 = arith.constant 144 : index
      %get3A_1022 = tpu.vector_load %arg22[%get3A_1020, %get3A_1021] {strides = array<i32>} : memref<4x1024xf32, #tpu.memory_space<vmem>>, vector<16xf32>,
      %mul3A_1023 = vector.broadcast %reduce_sum3A_660 : f32 to vector<16xf32>
      %mul3A_1024 = arith.mulf %mul3A_1023, %get3A_1022 : vector<16xf32>
      %add3A_1025 = arith.addf %add3A_1018, %mul3A_1024 : vector<16xf32>
      %get3A_1026 = arith.constant 144 : index
      %get3A_1027 = tpu.vector_load %arg23[%get3A_1026] {strides = array<i32>} : memref<1024xf32, #tpu.memory_space<vmem>>, vector<16xf32>,
      %mul3A_1028 = arith.mulf %add3A_1025, %get3A_1027 : vector<16xf32>
      %add3A_1029 = arith.addf %add3A_998, %mul3A_1028 : vector<16xf32>
      %get3A_1030 = arith.constant 0 : i32
      %get3A_1031 = arith.index_cast %get3A_1030 : i32 to index
      %get3A_1032 = arith.constant 160 : index
      %get3A_1033 = tpu.vector_load %arg22[%get3A_1031, %get3A_1032] {strides = array<i32>} : memref<4x1024xf32, #tpu.memory_space<vmem>>, vector<16xf32>,
      %mul3A_1034 = vector.broadcast %reduce_sum3A_562 : f32 to vector<16xf32>
      %mul3A_1035 = arith.mulf %mul3A_1034, %get3A_1033 : vector<16xf32>
      %get3A_1036 = arith.constant 1 : i32
      %get3A_1037 = arith.index_cast %get3A_1036 : i32 to index
      %get3A_1038 = arith.constant 160 : index
      %get3A_1039 = tpu.vector_load %arg22[%get3A_1037, %get3A_1038] {strides = array<i32>} : memref<4x1024xf32, #tpu.memory_space<vmem>>, vector<16xf32>,
      %mul3A_1040 = vector.broadcast %reduce_sum3A_594 : f32 to vector<16xf32>
      %mul3A_1041 = arith.mulf %mul3A_1040, %get3A_1039 : vector<16xf32>
      %add3A_1042 = arith.addf %mul3A_1035, %mul3A_1041 : vector<16xf32>
      %get3A_1043 = arith.constant 2 : i32
      %get3A_1044 = arith.index_cast %get3A_1043 : i32 to index
      %get3A_1045 = arith.constant 160 : index
      %get3A_1046 = tpu.vector_load %arg22[%get3A_1044, %get3A_1045] {strides = array<i32>} : memref<4x1024xf32, #tpu.memory_space<vmem>>, vector<16xf32>,
      %mul3A_1047 = vector.broadcast %reduce_sum3A_627 : f32 to vector<16xf32>
      %mul3A_1048 = arith.mulf %mul3A_1047, %get3A_1046 : vector<16xf32>
      %add3A_1049 = arith.addf %add3A_1042, %mul3A_1048 : vector<16xf32>
      %get3A_1050 = arith.constant 3 : i32
      %get3A_1051 = arith.index_cast %get3A_1050 : i32 to index
      %get3A_1052 = arith.constant 160 : index
      %get3A_1053 = tpu.vector_load %arg22[%get3A_1051, %get3A_1052] {strides = array<i32>} : memref<4x1024xf32, #tpu.memory_space<vmem>>, vector<16xf32>,
      %mul3A_1054 = vector.broadcast %reduce_sum3A_660 : f32 to vector<16xf32>
      %mul3A_1055 = arith.mulf %mul3A_1054, %get3A_1053 : vector<16xf32>
      %add3A_1056 = arith.addf %add3A_1049, %mul3A_1055 : vector<16xf32>
      %get3A_1057 = arith.constant 160 : index
      %get3A_1058 = tpu.vector_load %arg23[%get3A_1057] {strides = array<i32>} : memref<1024xf32, #tpu.memory_space<vmem>>, vector<16xf32>,
      %mul3A_1059 = arith.mulf %add3A_1056, %get3A_1058 : vector<16xf32>
      %add3A_1060 = arith.addf %add3A_1029, %mul3A_1059 : vector<16xf32>
      %get3A_1061 = arith.constant 0 : i32
      %get3A_1062 = arith.index_cast %get3A_1061 : i32 to index
      %get3A_1063 = arith.constant 176 : index
      %get3A_1064 = tpu.vector_load %arg22[%get3A_1062, %get3A_1063] {strides = array<i32>} : memref<4x1024xf32, #tpu.memory_space<vmem>>, vector<16xf32>,
      %mul3A_1065 = vector.broadcast %reduce_sum3A_562 : f32 to vector<16xf32>
      %mul3A_1066 = arith.mulf %mul3A_1065, %get3A_1064 : vector<16xf32>
      %get3A_1067 = arith.constant 1 : i32
      %get3A_1068 = arith.index_cast %get3A_1067 : i32 to index
      %get3A_1069 = arith.constant 176 : index
      %get3A_1070 = tpu.vector_load %arg22[%get3A_1068, %get3A_1069] {strides = array<i32>} : memref<4x1024xf32, #tpu.memory_space<vmem>>, vector<16xf32>,
      %mul3A_1071 = vector.broadcast %reduce_sum3A_594 : f32 to vector<16xf32>
      %mul3A_1072 = arith.mulf %mul3A_1071, %get3A_1070 : vector<16xf32>
      %add3A_1073 = arith.addf %mul3A_1066, %mul3A_1072 : vector<16xf32>
      %get3A_1074 = arith.constant 2 : i32
      %get3A_1075 = arith.index_cast %get3A_1074 : i32 to index
      %get3A_1076 = arith.constant 176 : index
      %get3A_1077 = tpu.vector_load %arg22[%get3A_1075, %get3A_1076] {strides = array<i32>} : memref<4x1024xf32, #tpu.memory_space<vmem>>, vector<16xf32>,
      %mul3A_1078 = vector.broadcast %reduce_sum3A_627 : f32 to vector<16xf32>
      %mul3A_1079 = arith.mulf %mul3A_1078, %get3A_1077 : vector<16xf32>
      %add3A_1080 = arith.addf %add3A_1073, %mul3A_1079 : vector<16xf32>
      %get3A_1081 = arith.constant 3 : i32
      %get3A_1082 = arith.index_cast %get3A_1081 : i32 to index
      %get3A_1083 = arith.constant 176 : index
      %get3A_1084 = tpu.vector_load %arg22[%get3A_1082, %get3A_1083] {strides = array<i32>} : memref<4x1024xf32, #tpu.memory_space<vmem>>, vector<16xf32>,
      %mul3A_1085 = vector.broadcast %reduce_sum3A_660 : f32 to vector<16xf32>
      %mul3A_1086 = arith.mulf %mul3A_1085, %get3A_1084 : vector<16xf32>
      %add3A_1087 = arith.addf %add3A_1080, %mul3A_1086 : vector<16xf32>
      %get3A_1088 = arith.constant 176 : index
      %get3A_1089 = tpu.vector_load %arg23[%get3A_1088] {strides = array<i32>} : memref<1024xf32, #tpu.memory_space<vmem>>, vector<16xf32>,
      %mul3A_1090 = arith.mulf %add3A_1087, %get3A_1089 : vector<16xf32>
      %add3A_1091 = arith.addf %add3A_1060, %mul3A_1090 : vector<16xf32>
      %get3A_1092 = arith.constant 0 : i32
      %get3A_1093 = arith.index_cast %get3A_1092 : i32 to index
      %get3A_1094 = arith.constant 192 : index
      %get3A_1095 = tpu.vector_load %arg22[%get3A_1093, %get3A_1094] {strides = array<i32>} : memref<4x1024xf32, #tpu.memory_space<vmem>>, vector<16xf32>,
      %mul3A_1096 = vector.broadcast %reduce_sum3A_562 : f32 to vector<16xf32>
      %mul3A_1097 = arith.mulf %mul3A_1096, %get3A_1095 : vector<16xf32>
      %get3A_1098 = arith.constant 1 : i32
      %get3A_1099 = arith.index_cast %get3A_1098 : i32 to index
      %get3A_1100 = arith.constant 192 : index
      %get3A_1101 = tpu.vector_load %arg22[%get3A_1099, %get3A_1100] {strides = array<i32>} : memref<4x1024xf32, #tpu.memory_space<vmem>>, vector<16xf32>,
      %mul3A_1102 = vector.broadcast %reduce_sum3A_594 : f32 to vector<16xf32>
      %mul3A_1103 = arith.mulf %mul3A_1102, %get3A_1101 : vector<16xf32>
      %add3A_1104 = arith.addf %mul3A_1097, %mul3A_1103 : vector<16xf32>
      %get3A_1105 = arith.constant 2 : i32
      %get3A_1106 = arith.index_cast %get3A_1105 : i32 to index
      %get3A_1107 = arith.constant 192 : index
      %get3A_1108 = tpu.vector_load %arg22[%get3A_1106, %get3A_1107] {strides = array<i32>} : memref<4x1024xf32, #tpu.memory_space<vmem>>, vector<16xf32>,
      %mul3A_1109 = vector.broadcast %reduce_sum3A_627 : f32 to vector<16xf32>
      %mul3A_1110 = arith.mulf %mul3A_1109, %get3A_1108 : vector<16xf32>
      %add3A_1111 = arith.addf %add3A_1104, %mul3A_1110 : vector<16xf32>
      %get3A_1112 = arith.constant 3 : i32
      %get3A_1113 = arith.index_cast %get3A_1112 : i32 to index
      %get3A_1114 = arith.constant 192 : index
      %get3A_1115 = tpu.vector_load %arg22[%get3A_1113, %get3A_1114] {strides = array<i32>} : memref<4x1024xf32, #tpu.memory_space<vmem>>, vector<16xf32>,
      %mul3A_1116 = vector.broadcast %reduce_sum3A_660 : f32 to vector<16xf32>
      %mul3A_1117 = arith.mulf %mul3A_1116, %get3A_1115 : vector<16xf32>
      %add3A_1118 = arith.addf %add3A_1111, %mul3A_1117 : vector<16xf32>
      %get3A_1119 = arith.constant 192 : index
      %get3A_1120 = tpu.vector_load %arg23[%get3A_1119] {strides = array<i32>} : memref<1024xf32, #tpu.memory_space<vmem>>, vector<16xf32>,
      %mul3A_1121 = arith.mulf %add3A_1118, %get3A_1120 : vector<16xf32>
      %add3A_1122 = arith.addf %add3A_1091, %mul3A_1121 : vector<16xf32>
      %get3A_1123 = arith.constant 0 : i32
      %get3A_1124 = arith.index_cast %get3A_1123 : i32 to index
      %get3A_1125 = arith.constant 208 : index
      %get3A_1126 = tpu.vector_load %arg22[%get3A_1124, %get3A_1125] {strides = array<i32>} : memref<4x1024xf32, #tpu.memory_space<vmem>>, vector<16xf32>,
      %mul3A_1127 = vector.broadcast %reduce_sum3A_562 : f32 to vector<16xf32>
      %mul3A_1128 = arith.mulf %mul3A_1127, %get3A_1126 : vector<16xf32>
      %get3A_1129 = arith.constant 1 : i32
      %get3A_1130 = arith.index_cast %get3A_1129 : i32 to index
      %get3A_1131 = arith.constant 208 : index
      %get3A_1132 = tpu.vector_load %arg22[%get3A_1130, %get3A_1131] {strides = array<i32>} : memref<4x1024xf32, #tpu.memory_space<vmem>>, vector<16xf32>,
      %mul3A_1133 = vector.broadcast %reduce_sum3A_594 : f32 to vector<16xf32>
      %mul3A_1134 = arith.mulf %mul3A_1133, %get3A_1132 : vector<16xf32>
      %add3A_1135 = arith.addf %mul3A_1128, %mul3A_1134 : vector<16xf32>
      %get3A_1136 = arith.constant 2 : i32
      %get3A_1137 = arith.index_cast %get3A_1136 : i32 to index
      %get3A_1138 = arith.constant 208 : index
      %get3A_1139 = tpu.vector_load %arg22[%get3A_1137, %get3A_1138] {strides = array<i32>} : memref<4x1024xf32, #tpu.memory_space<vmem>>, vector<16xf32>,
      %mul3A_1140 = vector.broadcast %reduce_sum3A_627 : f32 to vector<16xf32>
      %mul3A_1141 = arith.mulf %mul3A_1140, %get3A_1139 : vector<16xf32>
      %add3A_1142 = arith.addf %add3A_1135, %mul3A_1141 : vector<16xf32>
      %get3A_1143 = arith.constant 3 : i32
      %get3A_1144 = arith.index_cast %get3A_1143 : i32 to index
      %get3A_1145 = arith.constant 208 : index
      %get3A_1146 = tpu.vector_load %arg22[%get3A_1144, %get3A_1145] {strides = array<i32>} : memref<4x1024xf32, #tpu.memory_space<vmem>>, vector<16xf32>,
      %mul3A_1147 = vector.broadcast %reduce_sum3A_660 : f32 to vector<16xf32>
      %mul3A_1148 = arith.mulf %mul3A_1147, %get3A_1146 : vector<16xf32>
      %add3A_1149 = arith.addf %add3A_1142, %mul3A_1148 : vector<16xf32>
      %get3A_1150 = arith.constant 208 : index
      %get3A_1151 = tpu.vector_load %arg23[%get3A_1150] {strides = array<i32>} : memref<1024xf32, #tpu.memory_space<vmem>>, vector<16xf32>,
      %mul3A_1152 = arith.mulf %add3A_1149, %get3A_1151 : vector<16xf32>
      %add3A_1153 = arith.addf %add3A_1122, %mul3A_1152 : vector<16xf32>
      %get3A_1154 = arith.constant 0 : i32
      %get3A_1155 = arith.index_cast %get3A_1154 : i32 to index
      %get3A_1156 = arith.constant 224 : index
      %get3A_1157 = tpu.vector_load %arg22[%get3A_1155, %get3A_1156] {strides = array<i32>} : memref<4x1024xf32, #tpu.memory_space<vmem>>, vector<16xf32>,
      %mul3A_1158 = vector.broadcast %reduce_sum3A_562 : f32 to vector<16xf32>
      %mul3A_1159 = arith.mulf %mul3A_1158, %get3A_1157 : vector<16xf32>
      %get3A_1160 = arith.constant 1 : i32
      %get3A_1161 = arith.index_cast %get3A_1160 : i32 to index
      %get3A_1162 = arith.constant 224 : index
      %get3A_1163 = tpu.vector_load %arg22[%get3A_1161, %get3A_1162] {strides = array<i32>} : memref<4x1024xf32, #tpu.memory_space<vmem>>, vector<16xf32>,
      %mul3A_1164 = vector.broadcast %reduce_sum3A_594 : f32 to vector<16xf32>
      %mul3A_1165 = arith.mulf %mul3A_1164, %get3A_1163 : vector<16xf32>
      %add3A_1166 = arith.addf %mul3A_1159, %mul3A_1165 : vector<16xf32>
      %get3A_1167 = arith.constant 2 : i32
      %get3A_1168 = arith.index_cast %get3A_1167 : i32 to index
      %get3A_1169 = arith.constant 224 : index
      %get3A_1170 = tpu.vector_load %arg22[%get3A_1168, %get3A_1169] {strides = array<i32>} : memref<4x1024xf32, #tpu.memory_space<vmem>>, vector<16xf32>,
      %mul3A_1171 = vector.broadcast %reduce_sum3A_627 : f32 to vector<16xf32>
      %mul3A_1172 = arith.mulf %mul3A_1171, %get3A_1170 : vector<16xf32>
      %add3A_1173 = arith.addf %add3A_1166, %mul3A_1172 : vector<16xf32>
      %get3A_1174 = arith.constant 3 : i32
      %get3A_1175 = arith.index_cast %get3A_1174 : i32 to index
      %get3A_1176 = arith.constant 224 : index
      %get3A_1177 = tpu.vector_load %arg22[%get3A_1175, %get3A_1176] {strides = array<i32>} : memref<4x1024xf32, #tpu.memory_space<vmem>>, vector<16xf32>,
      %mul3A_1178 = vector.broadcast %reduce_sum3A_660 : f32 to vector<16xf32>
      %mul3A_1179 = arith.mulf %mul3A_1178, %get3A_1177 : vector<16xf32>
      %add3A_1180 = arith.addf %add3A_1173, %mul3A_1179 : vector<16xf32>
      %get3A_1181 = arith.constant 224 : index
      %get3A_1182 = tpu.vector_load %arg23[%get3A_1181] {strides = array<i32>} : memref<1024xf32, #tpu.memory_space<vmem>>, vector<16xf32>,
      %mul3A_1183 = arith.mulf %add3A_1180, %get3A_1182 : vector<16xf32>
      %add3A_1184 = arith.addf %add3A_1153, %mul3A_1183 : vector<16xf32>
      %get3A_1185 = arith.constant 0 : i32
      %get3A_1186 = arith.index_cast %get3A_1185 : i32 to index
      %get3A_1187 = arith.constant 240 : index
      %get3A_1188 = tpu.vector_load %arg22[%get3A_1186, %get3A_1187] {strides = array<i32>} : memref<4x1024xf32, #tpu.memory_space<vmem>>, vector<16xf32>,
      %mul3A_1189 = vector.broadcast %reduce_sum3A_562 : f32 to vector<16xf32>
      %mul3A_1190 = arith.mulf %mul3A_1189, %get3A_1188 : vector<16xf32>
      %get3A_1191 = arith.constant 1 : i32
      %get3A_1192 = arith.index_cast %get3A_1191 : i32 to index
      %get3A_1193 = arith.constant 240 : index
      %get3A_1194 = tpu.vector_load %arg22[%get3A_1192, %get3A_1193] {strides = array<i32>} : memref<4x1024xf32, #tpu.memory_space<vmem>>, vector<16xf32>,
      %mul3A_1195 = vector.broadcast %reduce_sum3A_594 : f32 to vector<16xf32>
      %mul3A_1196 = arith.mulf %mul3A_1195, %get3A_1194 : vector<16xf32>
      %add3A_1197 = arith.addf %mul3A_1190, %mul3A_1196 : vector<16xf32>
      %get3A_1198 = arith.constant 2 : i32
      %get3A_1199 = arith.index_cast %get3A_1198 : i32 to index
      %get3A_1200 = arith.constant 240 : index
      %get3A_1201 = tpu.vector_load %arg22[%get3A_1199, %get3A_1200] {strides = array<i32>} : memref<4x1024xf32, #tpu.memory_space<vmem>>, vector<16xf32>,
      %mul3A_1202 = vector.broadcast %reduce_sum3A_627 : f32 to vector<16xf32>
      %mul3A_1203 = arith.mulf %mul3A_1202, %get3A_1201 : vector<16xf32>
      %add3A_1204 = arith.addf %add3A_1197, %mul3A_1203 : vector<16xf32>
      %get3A_1205 = arith.constant 3 : i32
      %get3A_1206 = arith.index_cast %get3A_1205 : i32 to index
      %get3A_1207 = arith.constant 240 : index
      %get3A_1208 = tpu.vector_load %arg22[%get3A_1206, %get3A_1207] {strides = array<i32>} : memref<4x1024xf32, #tpu.memory_space<vmem>>, vector<16xf32>,
      %mul3A_1209 = vector.broadcast %reduce_sum3A_660 : f32 to vector<16xf32>
      %mul3A_1210 = arith.mulf %mul3A_1209, %get3A_1208 : vector<16xf32>
      %add3A_1211 = arith.addf %add3A_1204, %mul3A_1210 : vector<16xf32>
      %get3A_1212 = arith.constant 240 : index
      %get3A_1213 = tpu.vector_load %arg23[%get3A_1212] {strides = array<i32>} : memref<1024xf32, #tpu.memory_space<vmem>>, vector<16xf32>,
      %mul3A_1214 = arith.mulf %add3A_1211, %get3A_1213 : vector<16xf32>
      %add3A_1215 = arith.addf %add3A_1184, %mul3A_1214 : vector<16xf32>
      %get3A_1216 = arith.constant 0 : i32
      %get3A_1217 = arith.index_cast %get3A_1216 : i32 to index
      %get3A_1218 = arith.constant 256 : index
      %get3A_1219 = tpu.vector_load %arg22[%get3A_1217, %get3A_1218] {strides = array<i32>} : memref<4x1024xf32, #tpu.memory_space<vmem>>, vector<16xf32>,
      %mul3A_1220 = vector.broadcast %reduce_sum3A_562 : f32 to vector<16xf32>
      %mul3A_1221 = arith.mulf %mul3A_1220, %get3A_1219 : vector<16xf32>
      %get3A_1222 = arith.constant 1 : i32
      %get3A_1223 = arith.index_cast %get3A_1222 : i32 to index
      %get3A_1224 = arith.constant 256 : index
      %get3A_1225 = tpu.vector_load %arg22[%get3A_1223, %get3A_1224] {strides = array<i32>} : memref<4x1024xf32, #tpu.memory_space<vmem>>, vector<16xf32>,
      %mul3A_1226 = vector.broadcast %reduce_sum3A_594 : f32 to vector<16xf32>
      %mul3A_1227 = arith.mulf %mul3A_1226, %get3A_1225 : vector<16xf32>
      %add3A_1228 = arith.addf %mul3A_1221, %mul3A_1227 : vector<16xf32>
      %get3A_1229 = arith.constant 2 : i32
      %get3A_1230 = arith.index_cast %get3A_1229 : i32 to index
      %get3A_1231 = arith.constant 256 : index
      %get3A_1232 = tpu.vector_load %arg22[%get3A_1230, %get3A_1231] {strides = array<i32>} : memref<4x1024xf32, #tpu.memory_space<vmem>>, vector<16xf32>,
      %mul3A_1233 = vector.broadcast %reduce_sum3A_627 : f32 to vector<16xf32>
      %mul3A_1234 = arith.mulf %mul3A_1233, %get3A_1232 : vector<16xf32>
      %add3A_1235 = arith.addf %add3A_1228, %mul3A_1234 : vector<16xf32>
      %get3A_1236 = arith.constant 3 : i32
      %get3A_1237 = arith.index_cast %get3A_1236 : i32 to index
      %get3A_1238 = arith.constant 256 : index
      %get3A_1239 = tpu.vector_load %arg22[%get3A_1237, %get3A_1238] {strides = array<i32>} : memref<4x1024xf32, #tpu.memory_space<vmem>>, vector<16xf32>,
      %mul3A_1240 = vector.broadcast %reduce_sum3A_660 : f32 to vector<16xf32>
      %mul3A_1241 = arith.mulf %mul3A_1240, %get3A_1239 : vector<16xf32>
      %add3A_1242 = arith.addf %add3A_1235, %mul3A_1241 : vector<16xf32>
      %get3A_1243 = arith.constant 256 : index
      %get3A_1244 = tpu.vector_load %arg23[%get3A_1243] {strides = array<i32>} : memref<1024xf32, #tpu.memory_space<vmem>>, vector<16xf32>,
      %mul3A_1245 = arith.mulf %add3A_1242, %get3A_1244 : vector<16xf32>
      %add3A_1246 = arith.addf %add3A_1215, %mul3A_1245 : vector<16xf32>
      %get3A_1247 = arith.constant 0 : i32
      %get3A_1248 = arith.index_cast %get3A_1247 : i32 to index
      %get3A_1249 = arith.constant 272 : index
      %get3A_1250 = tpu.vector_load %arg22[%get3A_1248, %get3A_1249] {strides = array<i32>} : memref<4x1024xf32, #tpu.memory_space<vmem>>, vector<16xf32>,
      %mul3A_1251 = vector.broadcast %reduce_sum3A_562 : f32 to vector<16xf32>
      %mul3A_1252 = arith.mulf %mul3A_1251, %get3A_1250 : vector<16xf32>
      %get3A_1253 = arith.constant 1 : i32
      %get3A_1254 = arith.index_cast %get3A_1253 : i32 to index
      %get3A_1255 = arith.constant 272 : index
      %get3A_1256 = tpu.vector_load %arg22[%get3A_1254, %get3A_1255] {strides = array<i32>} : memref<4x1024xf32, #tpu.memory_space<vmem>>, vector<16xf32>,
      %mul3A_1257 = vector.broadcast %reduce_sum3A_594 : f32 to vector<16xf32>
      %mul3A_1258 = arith.mulf %mul3A_1257, %get3A_1256 : vector<16xf32>
      %add3A_1259 = arith.addf %mul3A_1252, %mul3A_1258 : vector<16xf32>
      %get3A_1260 = arith.constant 2 : i32
      %get3A_1261 = arith.index_cast %get3A_1260 : i32 to index
      %get3A_1262 = arith.constant 272 : index
      %get3A_1263 = tpu.vector_load %arg22[%get3A_1261, %get3A_1262] {strides = array<i32>} : memref<4x1024xf32, #tpu.memory_space<vmem>>, vector<16xf32>,
      %mul3A_1264 = vector.broadcast %reduce_sum3A_627 : f32 to vector<16xf32>
      %mul3A_1265 = arith.mulf %mul3A_1264, %get3A_1263 : vector<16xf32>
      %add3A_1266 = arith.addf %add3A_1259, %mul3A_1265 : vector<16xf32>
      %get3A_1267 = arith.constant 3 : i32
      %get3A_1268 = arith.index_cast %get3A_1267 : i32 to index
      %get3A_1269 = arith.constant 272 : index
      %get3A_1270 = tpu.vector_load %arg22[%get3A_1268, %get3A_1269] {strides = array<i32>} : memref<4x1024xf32, #tpu.memory_space<vmem>>, vector<16xf32>,
      %mul3A_1271 = vector.broadcast %reduce_sum3A_660 : f32 to vector<16xf32>
      %mul3A_1272 = arith.mulf %mul3A_1271, %get3A_1270 : vector<16xf32>
      %add3A_1273 = arith.addf %add3A_1266, %mul3A_1272 : vector<16xf32>
      %get3A_1274 = arith.constant 272 : index
      %get3A_1275 = tpu.vector_load %arg23[%get3A_1274] {strides = array<i32>} : memref<1024xf32, #tpu.memory_space<vmem>>, vector<16xf32>,
      %mul3A_1276 = arith.mulf %add3A_1273, %get3A_1275 : vector<16xf32>
      %add3A_1277 = arith.addf %add3A_1246, %mul3A_1276 : vector<16xf32>
      %get3A_1278 = arith.constant 0 : i32
      %get3A_1279 = arith.index_cast %get3A_1278 : i32 to index
      %get3A_1280 = arith.constant 288 : index
      %get3A_1281 = tpu.vector_load %arg22[%get3A_1279, %get3A_1280] {strides = array<i32>} : memref<4x1024xf32, #tpu.memory_space<vmem>>, vector<16xf32>,
      %mul3A_1282 = vector.broadcast %reduce_sum3A_562 : f32 to vector<16xf32>
      %mul3A_1283 = arith.mulf %mul3A_1282, %get3A_1281 : vector<16xf32>
      %get3A_1284 = arith.constant 1 : i32
      %get3A_1285 = arith.index_cast %get3A_1284 : i32 to index
      %get3A_1286 = arith.constant 288 : index
      %get3A_1287 = tpu.vector_load %arg22[%get3A_1285, %get3A_1286] {strides = array<i32>} : memref<4x1024xf32, #tpu.memory_space<vmem>>, vector<16xf32>,
      %mul3A_1288 = vector.broadcast %reduce_sum3A_594 : f32 to vector<16xf32>
      %mul3A_1289 = arith.mulf %mul3A_1288, %get3A_1287 : vector<16xf32>
      %add3A_1290 = arith.addf %mul3A_1283, %mul3A_1289 : vector<16xf32>
      %get3A_1291 = arith.constant 2 : i32
      %get3A_1292 = arith.index_cast %get3A_1291 : i32 to index
      %get3A_1293 = arith.constant 288 : index
      %get3A_1294 = tpu.vector_load %arg22[%get3A_1292, %get3A_1293] {strides = array<i32>} : memref<4x1024xf32, #tpu.memory_space<vmem>>, vector<16xf32>,
      %mul3A_1295 = vector.broadcast %reduce_sum3A_627 : f32 to vector<16xf32>
      %mul3A_1296 = arith.mulf %mul3A_1295, %get3A_1294 : vector<16xf32>
      %add3A_1297 = arith.addf %add3A_1290, %mul3A_1296 : vector<16xf32>
      %get3A_1298 = arith.constant 3 : i32
      %get3A_1299 = arith.index_cast %get3A_1298 : i32 to index
      %get3A_1300 = arith.constant 288 : index
      %get3A_1301 = tpu.vector_load %arg22[%get3A_1299, %get3A_1300] {strides = array<i32>} : memref<4x1024xf32, #tpu.memory_space<vmem>>, vector<16xf32>,
      %mul3A_1302 = vector.broadcast %reduce_sum3A_660 : f32 to vector<16xf32>
      %mul3A_1303 = arith.mulf %mul3A_1302, %get3A_1301 : vector<16xf32>
      %add3A_1304 = arith.addf %add3A_1297, %mul3A_1303 : vector<16xf32>
      %get3A_1305 = arith.constant 288 : index
      %get3A_1306 = tpu.vector_load %arg23[%get3A_1305] {strides = array<i32>} : memref<1024xf32, #tpu.memory_space<vmem>>, vector<16xf32>,
      %mul3A_1307 = arith.mulf %add3A_1304, %get3A_1306 : vector<16xf32>
      %add3A_1308 = arith.addf %add3A_1277, %mul3A_1307 : vector<16xf32>
      %get3A_1309 = arith.constant 0 : i32
      %get3A_1310 = arith.index_cast %get3A_1309 : i32 to index
      %get3A_1311 = arith.constant 304 : index
      %get3A_1312 = tpu.vector_load %arg22[%get3A_1310, %get3A_1311] {strides = array<i32>} : memref<4x1024xf32, #tpu.memory_space<vmem>>, vector<16xf32>,
      %mul3A_1313 = vector.broadcast %reduce_sum3A_562 : f32 to vector<16xf32>
      %mul3A_1314 = arith.mulf %mul3A_1313, %get3A_1312 : vector<16xf32>
      %get3A_1315 = arith.constant 1 : i32
      %get3A_1316 = arith.index_cast %get3A_1315 : i32 to index
      %get3A_1317 = arith.constant 304 : index
      %get3A_1318 = tpu.vector_load %arg22[%get3A_1316, %get3A_1317] {strides = array<i32>} : memref<4x1024xf32, #tpu.memory_space<vmem>>, vector<16xf32>,
      %mul3A_1319 = vector.broadcast %reduce_sum3A_594 : f32 to vector<16xf32>
      %mul3A_1320 = arith.mulf %mul3A_1319, %get3A_1318 : vector<16xf32>
      %add3A_1321 = arith.addf %mul3A_1314, %mul3A_1320 : vector<16xf32>
      %get3A_1322 = arith.constant 2 : i32
      %get3A_1323 = arith.index_cast %get3A_1322 : i32 to index
      %get3A_1324 = arith.constant 304 : index
      %get3A_1325 = tpu.vector_load %arg22[%get3A_1323, %get3A_1324] {strides = array<i32>} : memref<4x1024xf32, #tpu.memory_space<vmem>>, vector<16xf32>,
      %mul3A_1326 = vector.broadcast %reduce_sum3A_627 : f32 to vector<16xf32>
      %mul3A_1327 = arith.mulf %mul3A_1326, %get3A_1325 : vector<16xf32>
      %add3A_1328 = arith.addf %add3A_1321, %mul3A_1327 : vector<16xf32>
      %get3A_1329 = arith.constant 3 : i32
      %get3A_1330 = arith.index_cast %get3A_1329 : i32 to index
      %get3A_1331 = arith.constant 304 : index
      %get3A_1332 = tpu.vector_load %arg22[%get3A_1330, %get3A_1331] {strides = array<i32>} : memref<4x1024xf32, #tpu.memory_space<vmem>>, vector<16xf32>,
      %mul3A_1333 = vector.broadcast %reduce_sum3A_660 : f32 to vector<16xf32>
      %mul3A_1334 = arith.mulf %mul3A_1333, %get3A_1332 : vector<16xf32>
      %add3A_1335 = arith.addf %add3A_1328, %mul3A_1334 : vector<16xf32>
      %get3A_1336 = arith.constant 304 : index
      %get3A_1337 = tpu.vector_load %arg23[%get3A_1336] {strides = array<i32>} : memref<1024xf32, #tpu.memory_space<vmem>>, vector<16xf32>,
      %mul3A_1338 = arith.mulf %add3A_1335, %get3A_1337 : vector<16xf32>
      %add3A_1339 = arith.addf %add3A_1308, %mul3A_1338 : vector<16xf32>
      %get3A_1340 = arith.constant 0 : i32
      %get3A_1341 = arith.index_cast %get3A_1340 : i32 to index
      %get3A_1342 = arith.constant 320 : index
      %get3A_1343 = tpu.vector_load %arg22[%get3A_1341, %get3A_1342] {strides = array<i32>} : memref<4x1024xf32, #tpu.memory_space<vmem>>, vector<16xf32>,
      %mul3A_1344 = vector.broadcast %reduce_sum3A_562 : f32 to vector<16xf32>
      %mul3A_1345 = arith.mulf %mul3A_1344, %get3A_1343 : vector<16xf32>
      %get3A_1346 = arith.constant 1 : i32
      %get3A_1347 = arith.index_cast %get3A_1346 : i32 to index
      %get3A_1348 = arith.constant 320 : index
      %get3A_1349 = tpu.vector_load %arg22[%get3A_1347, %get3A_1348] {strides = array<i32>} : memref<4x1024xf32, #tpu.memory_space<vmem>>, vector<16xf32>,
      %mul3A_1350 = vector.broadcast %reduce_sum3A_594 : f32 to vector<16xf32>
      %mul3A_1351 = arith.mulf %mul3A_1350, %get3A_1349 : vector<16xf32>
      %add3A_1352 = arith.addf %mul3A_1345, %mul3A_1351 : vector<16xf32>
      %get3A_1353 = arith.constant 2 : i32
      %get3A_1354 = arith.index_cast %get3A_1353 : i32 to index
      %get3A_1355 = arith.constant 320 : index
      %get3A_1356 = tpu.vector_load %arg22[%get3A_1354, %get3A_1355] {strides = array<i32>} : memref<4x1024xf32, #tpu.memory_space<vmem>>, vector<16xf32>,
      %mul3A_1357 = vector.broadcast %reduce_sum3A_627 : f32 to vector<16xf32>
      %mul3A_1358 = arith.mulf %mul3A_1357, %get3A_1356 : vector<16xf32>
      %add3A_1359 = arith.addf %add3A_1352, %mul3A_1358 : vector<16xf32>
      %get3A_1360 = arith.constant 3 : i32
      %get3A_1361 = arith.index_cast %get3A_1360 : i32 to index
      %get3A_1362 = arith.constant 320 : index
      %get3A_1363 = tpu.vector_load %arg22[%get3A_1361, %get3A_1362] {strides = array<i32>} : memref<4x1024xf32, #tpu.memory_space<vmem>>, vector<16xf32>,
      %mul3A_1364 = vector.broadcast %reduce_sum3A_660 : f32 to vector<16xf32>
      %mul3A_1365 = arith.mulf %mul3A_1364, %get3A_1363 : vector<16xf32>
      %add3A_1366 = arith.addf %add3A_1359, %mul3A_1365 : vector<16xf32>
      %get3A_1367 = arith.constant 320 : index
      %get3A_1368 = tpu.vector_load %arg23[%get3A_1367] {strides = array<i32>} : memref<1024xf32, #tpu.memory_space<vmem>>, vector<16xf32>,
      %mul3A_1369 = arith.mulf %add3A_1366, %get3A_1368 : vector<16xf32>
      %add3A_1370 = arith.addf %add3A_1339, %mul3A_1369 : vector<16xf32>
      %get3A_1371 = arith.constant 0 : i32
      %get3A_1372 = arith.index_cast %get3A_1371 : i32 to index
      %get3A_1373 = arith.constant 336 : index
      %get3A_1374 = tpu.vector_load %arg22[%get3A_1372, %get3A_1373] {strides = array<i32>} : memref<4x1024xf32, #tpu.memory_space<vmem>>, vector<16xf32>,
      %mul3A_1375 = vector.broadcast %reduce_sum3A_562 : f32 to vector<16xf32>
      %mul3A_1376 = arith.mulf %mul3A_1375, %get3A_1374 : vector<16xf32>
      %get3A_1377 = arith.constant 1 : i32
      %get3A_1378 = arith.index_cast %get3A_1377 : i32 to index
      %get3A_1379 = arith.constant 336 : index
      %get3A_1380 = tpu.vector_load %arg22[%get3A_1378, %get3A_1379] {strides = array<i32>} : memref<4x1024xf32, #tpu.memory_space<vmem>>, vector<16xf32>,
      %mul3A_1381 = vector.broadcast %reduce_sum3A_594 : f32 to vector<16xf32>
      %mul3A_1382 = arith.mulf %mul3A_1381, %get3A_1380 : vector<16xf32>
      %add3A_1383 = arith.addf %mul3A_1376, %mul3A_1382 : vector<16xf32>
      %get3A_1384 = arith.constant 2 : i32
      %get3A_1385 = arith.index_cast %get3A_1384 : i32 to index
      %get3A_1386 = arith.constant 336 : index
      %get3A_1387 = tpu.vector_load %arg22[%get3A_1385, %get3A_1386] {strides = array<i32>} : memref<4x1024xf32, #tpu.memory_space<vmem>>, vector<16xf32>,
      %mul3A_1388 = vector.broadcast %reduce_sum3A_627 : f32 to vector<16xf32>
      %mul3A_1389 = arith.mulf %mul3A_1388, %get3A_1387 : vector<16xf32>
      %add3A_1390 = arith.addf %add3A_1383, %mul3A_1389 : vector<16xf32>
      %get3A_1391 = arith.constant 3 : i32
      %get3A_1392 = arith.index_cast %get3A_1391 : i32 to index
      %get3A_1393 = arith.constant 336 : index
      %get3A_1394 = tpu.vector_load %arg22[%get3A_1392, %get3A_1393] {strides = array<i32>} : memref<4x1024xf32, #tpu.memory_space<vmem>>, vector<16xf32>,
      %mul3A_1395 = vector.broadcast %reduce_sum3A_660 : f32 to vector<16xf32>
      %mul3A_1396 = arith.mulf %mul3A_1395, %get3A_1394 : vector<16xf32>
      %add3A_1397 = arith.addf %add3A_1390, %mul3A_1396 : vector<16xf32>
      %get3A_1398 = arith.constant 336 : index
      %get3A_1399 = tpu.vector_load %arg23[%get3A_1398] {strides = array<i32>} : memref<1024xf32, #tpu.memory_space<vmem>>, vector<16xf32>,
      %mul3A_1400 = arith.mulf %add3A_1397, %get3A_1399 : vector<16xf32>
      %add3A_1401 = arith.addf %add3A_1370, %mul3A_1400 : vector<16xf32>
      %get3A_1402 = arith.constant 0 : i32
      %get3A_1403 = arith.index_cast %get3A_1402 : i32 to index
      %get3A_1404 = arith.constant 352 : index
      %get3A_1405 = tpu.vector_load %arg22[%get3A_1403, %get3A_1404] {strides = array<i32>} : memref<4x1024xf32, #tpu.memory_space<vmem>>, vector<16xf32>,
      %mul3A_1406 = vector.broadcast %reduce_sum3A_562 : f32 to vector<16xf32>
      %mul3A_1407 = arith.mulf %mul3A_1406, %get3A_1405 : vector<16xf32>
      %get3A_1408 = arith.constant 1 : i32
      %get3A_1409 = arith.index_cast %get3A_1408 : i32 to index
      %get3A_1410 = arith.constant 352 : index
      %get3A_1411 = tpu.vector_load %arg22[%get3A_1409, %get3A_1410] {strides = array<i32>} : memref<4x1024xf32, #tpu.memory_space<vmem>>, vector<16xf32>,
      %mul3A_1412 = vector.broadcast %reduce_sum3A_594 : f32 to vector<16xf32>
      %mul3A_1413 = arith.mulf %mul3A_1412, %get3A_1411 : vector<16xf32>
      %add3A_1414 = arith.addf %mul3A_1407, %mul3A_1413 : vector<16xf32>
      %get3A_1415 = arith.constant 2 : i32
      %get3A_1416 = arith.index_cast %get3A_1415 : i32 to index
      %get3A_1417 = arith.constant 352 : index
      %get3A_1418 = tpu.vector_load %arg22[%get3A_1416, %get3A_1417] {strides = array<i32>} : memref<4x1024xf32, #tpu.memory_space<vmem>>, vector<16xf32>,
      %mul3A_1419 = vector.broadcast %reduce_sum3A_627 : f32 to vector<16xf32>
      %mul3A_1420 = arith.mulf %mul3A_1419, %get3A_1418 : vector<16xf32>
      %add3A_1421 = arith.addf %add3A_1414, %mul3A_1420 : vector<16xf32>
      %get3A_1422 = arith.constant 3 : i32
      %get3A_1423 = arith.index_cast %get3A_1422 : i32 to index
      %get3A_1424 = arith.constant 352 : index
      %get3A_1425 = tpu.vector_load %arg22[%get3A_1423, %get3A_1424] {strides = array<i32>} : memref<4x1024xf32, #tpu.memory_space<vmem>>, vector<16xf32>,
      %mul3A_1426 = vector.broadcast %reduce_sum3A_660 : f32 to vector<16xf32>
      %mul3A_1427 = arith.mulf %mul3A_1426, %get3A_1425 : vector<16xf32>
      %add3A_1428 = arith.addf %add3A_1421, %mul3A_1427 : vector<16xf32>
      %get3A_1429 = arith.constant 352 : index
      %get3A_1430 = tpu.vector_load %arg23[%get3A_1429] {strides = array<i32>} : memref<1024xf32, #tpu.memory_space<vmem>>, vector<16xf32>,
      %mul3A_1431 = arith.mulf %add3A_1428, %get3A_1430 : vector<16xf32>
      %add3A_1432 = arith.addf %add3A_1401, %mul3A_1431 : vector<16xf32>
      %get3A_1433 = arith.constant 0 : i32
      %get3A_1434 = arith.index_cast %get3A_1433 : i32 to index
      %get3A_1435 = arith.constant 368 : index
      %get3A_1436 = tpu.vector_load %arg22[%get3A_1434, %get3A_1435] {strides = array<i32>} : memref<4x1024xf32, #tpu.memory_space<vmem>>, vector<16xf32>,
      %mul3A_1437 = vector.broadcast %reduce_sum3A_562 : f32 to vector<16xf32>
      %mul3A_1438 = arith.mulf %mul3A_1437, %get3A_1436 : vector<16xf32>
      %get3A_1439 = arith.constant 1 : i32
      %get3A_1440 = arith.index_cast %get3A_1439 : i32 to index
      %get3A_1441 = arith.constant 368 : index
      %get3A_1442 = tpu.vector_load %arg22[%get3A_1440, %get3A_1441] {strides = array<i32>} : memref<4x1024xf32, #tpu.memory_space<vmem>>, vector<16xf32>,
      %mul3A_1443 = vector.broadcast %reduce_sum3A_594 : f32 to vector<16xf32>
      %mul3A_1444 = arith.mulf %mul3A_1443, %get3A_1442 : vector<16xf32>
      %add3A_1445 = arith.addf %mul3A_1438, %mul3A_1444 : vector<16xf32>
      %get3A_1446 = arith.constant 2 : i32
      %get3A_1447 = arith.index_cast %get3A_1446 : i32 to index
      %get3A_1448 = arith.constant 368 : index
      %get3A_1449 = tpu.vector_load %arg22[%get3A_1447, %get3A_1448] {strides = array<i32>} : memref<4x1024xf32, #tpu.memory_space<vmem>>, vector<16xf32>,
      %mul3A_1450 = vector.broadcast %reduce_sum3A_627 : f32 to vector<16xf32>
      %mul3A_1451 = arith.mulf %mul3A_1450, %get3A_1449 : vector<16xf32>
      %add3A_1452 = arith.addf %add3A_1445, %mul3A_1451 : vector<16xf32>
      %get3A_1453 = arith.constant 3 : i32
      %get3A_1454 = arith.index_cast %get3A_1453 : i32 to index
      %get3A_1455 = arith.constant 368 : index
      %get3A_1456 = tpu.vector_load %arg22[%get3A_1454, %get3A_1455] {strides = array<i32>} : memref<4x1024xf32, #tpu.memory_space<vmem>>, vector<16xf32>,
      %mul3A_1457 = vector.broadcast %reduce_sum3A_660 : f32 to vector<16xf32>
      %mul3A_1458 = arith.mulf %mul3A_1457, %get3A_1456 : vector<16xf32>
      %add3A_1459 = arith.addf %add3A_1452, %mul3A_1458 : vector<16xf32>
      %get3A_1460 = arith.constant 368 : index
      %get3A_1461 = tpu.vector_load %arg23[%get3A_1460] {strides = array<i32>} : memref<1024xf32, #tpu.memory_space<vmem>>, vector<16xf32>,
      %mul3A_1462 = arith.mulf %add3A_1459, %get3A_1461 : vector<16xf32>
      %add3A_1463 = arith.addf %add3A_1432, %mul3A_1462 : vector<16xf32>
      %get3A_1464 = arith.constant 0 : i32
      %get3A_1465 = arith.index_cast %get3A_1464 : i32 to index
      %get3A_1466 = arith.constant 384 : index
      %get3A_1467 = tpu.vector_load %arg22[%get3A_1465, %get3A_1466] {strides = array<i32>} : memref<4x1024xf32, #tpu.memory_space<vmem>>, vector<16xf32>,
      %mul3A_1468 = vector.broadcast %reduce_sum3A_562 : f32 to vector<16xf32>
      %mul3A_1469 = arith.mulf %mul3A_1468, %get3A_1467 : vector<16xf32>
      %get3A_1470 = arith.constant 1 : i32
      %get3A_1471 = arith.index_cast %get3A_1470 : i32 to index
      %get3A_1472 = arith.constant 384 : index
      %get3A_1473 = tpu.vector_load %arg22[%get3A_1471, %get3A_1472] {strides = array<i32>} : memref<4x1024xf32, #tpu.memory_space<vmem>>, vector<16xf32>,
      %mul3A_1474 = vector.broadcast %reduce_sum3A_594 : f32 to vector<16xf32>
      %mul3A_1475 = arith.mulf %mul3A_1474, %get3A_1473 : vector<16xf32>
      %add3A_1476 = arith.addf %mul3A_1469, %mul3A_1475 : vector<16xf32>
      %get3A_1477 = arith.constant 2 : i32
      %get3A_1478 = arith.index_cast %get3A_1477 : i32 to index
      %get3A_1479 = arith.constant 384 : index
      %get3A_1480 = tpu.vector_load %arg22[%get3A_1478, %get3A_1479] {strides = array<i32>} : memref<4x1024xf32, #tpu.memory_space<vmem>>, vector<16xf32>,
      %mul3A_1481 = vector.broadcast %reduce_sum3A_627 : f32 to vector<16xf32>
      %mul3A_1482 = arith.mulf %mul3A_1481, %get3A_1480 : vector<16xf32>
      %add3A_1483 = arith.addf %add3A_1476, %mul3A_1482 : vector<16xf32>
      %get3A_1484 = arith.constant 3 : i32
      %get3A_1485 = arith.index_cast %get3A_1484 : i32 to index
      %get3A_1486 = arith.constant 384 : index
      %get3A_1487 = tpu.vector_load %arg22[%get3A_1485, %get3A_1486] {strides = array<i32>} : memref<4x1024xf32, #tpu.memory_space<vmem>>, vector<16xf32>,
      %mul3A_1488 = vector.broadcast %reduce_sum3A_660 : f32 to vector<16xf32>
      %mul3A_1489 = arith.mulf %mul3A_1488, %get3A_1487 : vector<16xf32>
      %add3A_1490 = arith.addf %add3A_1483, %mul3A_1489 : vector<16xf32>
      %get3A_1491 = arith.constant 384 : index
      %get3A_1492 = tpu.vector_load %arg23[%get3A_1491] {strides = array<i32>} : memref<1024xf32, #tpu.memory_space<vmem>>, vector<16xf32>,
      %mul3A_1493 = arith.mulf %add3A_1490, %get3A_1492 : vector<16xf32>
      %add3A_1494 = arith.addf %add3A_1463, %mul3A_1493 : vector<16xf32>
      %get3A_1495 = arith.constant 0 : i32
      %get3A_1496 = arith.index_cast %get3A_1495 : i32 to index
      %get3A_1497 = arith.constant 400 : index
      %get3A_1498 = tpu.vector_load %arg22[%get3A_1496, %get3A_1497] {strides = array<i32>} : memref<4x1024xf32, #tpu.memory_space<vmem>>, vector<16xf32>,
      %mul3A_1499 = vector.broadcast %reduce_sum3A_562 : f32 to vector<16xf32>
      %mul3A_1500 = arith.mulf %mul3A_1499, %get3A_1498 : vector<16xf32>
      %get3A_1501 = arith.constant 1 : i32
      %get3A_1502 = arith.index_cast %get3A_1501 : i32 to index
      %get3A_1503 = arith.constant 400 : index
      %get3A_1504 = tpu.vector_load %arg22[%get3A_1502, %get3A_1503] {strides = array<i32>} : memref<4x1024xf32, #tpu.memory_space<vmem>>, vector<16xf32>,
      %mul3A_1505 = vector.broadcast %reduce_sum3A_594 : f32 to vector<16xf32>
      %mul3A_1506 = arith.mulf %mul3A_1505, %get3A_1504 : vector<16xf32>
      %add3A_1507 = arith.addf %mul3A_1500, %mul3A_1506 : vector<16xf32>
      %get3A_1508 = arith.constant 2 : i32
      %get3A_1509 = arith.index_cast %get3A_1508 : i32 to index
      %get3A_1510 = arith.constant 400 : index
      %get3A_1511 = tpu.vector_load %arg22[%get3A_1509, %get3A_1510] {strides = array<i32>} : memref<4x1024xf32, #tpu.memory_space<vmem>>, vector<16xf32>,
      %mul3A_1512 = vector.broadcast %reduce_sum3A_627 : f32 to vector<16xf32>
      %mul3A_1513 = arith.mulf %mul3A_1512, %get3A_1511 : vector<16xf32>
      %add3A_1514 = arith.addf %add3A_1507, %mul3A_1513 : vector<16xf32>
      %get3A_1515 = arith.constant 3 : i32
      %get3A_1516 = arith.index_cast %get3A_1515 : i32 to index
      %get3A_1517 = arith.constant 400 : index
      %get3A_1518 = tpu.vector_load %arg22[%get3A_1516, %get3A_1517] {strides = array<i32>} : memref<4x1024xf32, #tpu.memory_space<vmem>>, vector<16xf32>,
      %mul3A_1519 = vector.broadcast %reduce_sum3A_660 : f32 to vector<16xf32>
      %mul3A_1520 = arith.mulf %mul3A_1519, %get3A_1518 : vector<16xf32>
      %add3A_1521 = arith.addf %add3A_1514, %mul3A_1520 : vector<16xf32>
      %get3A_1522 = arith.constant 400 : index
      %get3A_1523 = tpu.vector_load %arg23[%get3A_1522] {strides = array<i32>} : memref<1024xf32, #tpu.memory_space<vmem>>, vector<16xf32>,
      %mul3A_1524 = arith.mulf %add3A_1521, %get3A_1523 : vector<16xf32>
      %add3A_1525 = arith.addf %add3A_1494, %mul3A_1524 : vector<16xf32>
      %get3A_1526 = arith.constant 0 : i32
      %get3A_1527 = arith.index_cast %get3A_1526 : i32 to index
      %get3A_1528 = arith.constant 416 : index
      %get3A_1529 = tpu.vector_load %arg22[%get3A_1527, %get3A_1528] {strides = array<i32>} : memref<4x1024xf32, #tpu.memory_space<vmem>>, vector<16xf32>,
      %mul3A_1530 = vector.broadcast %reduce_sum3A_562 : f32 to vector<16xf32>
      %mul3A_1531 = arith.mulf %mul3A_1530, %get3A_1529 : vector<16xf32>
      %get3A_1532 = arith.constant 1 : i32
      %get3A_1533 = arith.index_cast %get3A_1532 : i32 to index
      %get3A_1534 = arith.constant 416 : index
      %get3A_1535 = tpu.vector_load %arg22[%get3A_1533, %get3A_1534] {strides = array<i32>} : memref<4x1024xf32, #tpu.memory_space<vmem>>, vector<16xf32>,
      %mul3A_1536 = vector.broadcast %reduce_sum3A_594 : f32 to vector<16xf32>
      %mul3A_1537 = arith.mulf %mul3A_1536, %get3A_1535 : vector<16xf32>
      %add3A_1538 = arith.addf %mul3A_1531, %mul3A_1537 : vector<16xf32>
      %get3A_1539 = arith.constant 2 : i32
      %get3A_1540 = arith.index_cast %get3A_1539 : i32 to index
      %get3A_1541 = arith.constant 416 : index
      %get3A_1542 = tpu.vector_load %arg22[%get3A_1540, %get3A_1541] {strides = array<i32>} : memref<4x1024xf32, #tpu.memory_space<vmem>>, vector<16xf32>,
      %mul3A_1543 = vector.broadcast %reduce_sum3A_627 : f32 to vector<16xf32>
      %mul3A_1544 = arith.mulf %mul3A_1543, %get3A_1542 : vector<16xf32>
      %add3A_1545 = arith.addf %add3A_1538, %mul3A_1544 : vector<16xf32>
      %get3A_1546 = arith.constant 3 : i32
      %get3A_1547 = arith.index_cast %get3A_1546 : i32 to index
      %get3A_1548 = arith.constant 416 : index
      %get3A_1549 = tpu.vector_load %arg22[%get3A_1547, %get3A_1548] {strides = array<i32>} : memref<4x1024xf32, #tpu.memory_space<vmem>>, vector<16xf32>,
      %mul3A_1550 = vector.broadcast %reduce_sum3A_660 : f32 to vector<16xf32>
      %mul3A_1551 = arith.mulf %mul3A_1550, %get3A_1549 : vector<16xf32>
      %add3A_1552 = arith.addf %add3A_1545, %mul3A_1551 : vector<16xf32>
      %get3A_1553 = arith.constant 416 : index
      %get3A_1554 = tpu.vector_load %arg23[%get3A_1553] {strides = array<i32>} : memref<1024xf32, #tpu.memory_space<vmem>>, vector<16xf32>,
      %mul3A_1555 = arith.mulf %add3A_1552, %get3A_1554 : vector<16xf32>
      %add3A_1556 = arith.addf %add3A_1525, %mul3A_1555 : vector<16xf32>
      %get3A_1557 = arith.constant 0 : i32
      %get3A_1558 = arith.index_cast %get3A_1557 : i32 to index
      %get3A_1559 = arith.constant 432 : index
      %get3A_1560 = tpu.vector_load %arg22[%get3A_1558, %get3A_1559] {strides = array<i32>} : memref<4x1024xf32, #tpu.memory_space<vmem>>, vector<16xf32>,
      %mul3A_1561 = vector.broadcast %reduce_sum3A_562 : f32 to vector<16xf32>
      %mul3A_1562 = arith.mulf %mul3A_1561, %get3A_1560 : vector<16xf32>
      %get3A_1563 = arith.constant 1 : i32
      %get3A_1564 = arith.index_cast %get3A_1563 : i32 to index
      %get3A_1565 = arith.constant 432 : index
      %get3A_1566 = tpu.vector_load %arg22[%get3A_1564, %get3A_1565] {strides = array<i32>} : memref<4x1024xf32, #tpu.memory_space<vmem>>, vector<16xf32>,
      %mul3A_1567 = vector.broadcast %reduce_sum3A_594 : f32 to vector<16xf32>
      %mul3A_1568 = arith.mulf %mul3A_1567, %get3A_1566 : vector<16xf32>
      %add3A_1569 = arith.addf %mul3A_1562, %mul3A_1568 : vector<16xf32>
      %get3A_1570 = arith.constant 2 : i32
      %get3A_1571 = arith.index_cast %get3A_1570 : i32 to index
      %get3A_1572 = arith.constant 432 : index
      %get3A_1573 = tpu.vector_load %arg22[%get3A_1571, %get3A_1572] {strides = array<i32>} : memref<4x1024xf32, #tpu.memory_space<vmem>>, vector<16xf32>,
      %mul3A_1574 = vector.broadcast %reduce_sum3A_627 : f32 to vector<16xf32>
      %mul3A_1575 = arith.mulf %mul3A_1574, %get3A_1573 : vector<16xf32>
      %add3A_1576 = arith.addf %add3A_1569, %mul3A_1575 : vector<16xf32>
      %get3A_1577 = arith.constant 3 : i32
      %get3A_1578 = arith.index_cast %get3A_1577 : i32 to index
      %get3A_1579 = arith.constant 432 : index
      %get3A_1580 = tpu.vector_load %arg22[%get3A_1578, %get3A_1579] {strides = array<i32>} : memref<4x1024xf32, #tpu.memory_space<vmem>>, vector<16xf32>,
      %mul3A_1581 = vector.broadcast %reduce_sum3A_660 : f32 to vector<16xf32>
      %mul3A_1582 = arith.mulf %mul3A_1581, %get3A_1580 : vector<16xf32>
      %add3A_1583 = arith.addf %add3A_1576, %mul3A_1582 : vector<16xf32>
      %get3A_1584 = arith.constant 432 : index
      %get3A_1585 = tpu.vector_load %arg23[%get3A_1584] {strides = array<i32>} : memref<1024xf32, #tpu.memory_space<vmem>>, vector<16xf32>,
      %mul3A_1586 = arith.mulf %add3A_1583, %get3A_1585 : vector<16xf32>
      %add3A_1587 = arith.addf %add3A_1556, %mul3A_1586 : vector<16xf32>
      %get3A_1588 = arith.constant 0 : i32
      %get3A_1589 = arith.index_cast %get3A_1588 : i32 to index
      %get3A_1590 = arith.constant 448 : index
      %get3A_1591 = tpu.vector_load %arg22[%get3A_1589, %get3A_1590] {strides = array<i32>} : memref<4x1024xf32, #tpu.memory_space<vmem>>, vector<16xf32>,
      %mul3A_1592 = vector.broadcast %reduce_sum3A_562 : f32 to vector<16xf32>
      %mul3A_1593 = arith.mulf %mul3A_1592, %get3A_1591 : vector<16xf32>
      %get3A_1594 = arith.constant 1 : i32
      %get3A_1595 = arith.index_cast %get3A_1594 : i32 to index
      %get3A_1596 = arith.constant 448 : index
      %get3A_1597 = tpu.vector_load %arg22[%get3A_1595, %get3A_1596] {strides = array<i32>} : memref<4x1024xf32, #tpu.memory_space<vmem>>, vector<16xf32>,
      %mul3A_1598 = vector.broadcast %reduce_sum3A_594 : f32 to vector<16xf32>
      %mul3A_1599 = arith.mulf %mul3A_1598, %get3A_1597 : vector<16xf32>
      %add3A_1600 = arith.addf %mul3A_1593, %mul3A_1599 : vector<16xf32>
      %get3A_1601 = arith.constant 2 : i32
      %get3A_1602 = arith.index_cast %get3A_1601 : i32 to index
      %get3A_1603 = arith.constant 448 : index
      %get3A_1604 = tpu.vector_load %arg22[%get3A_1602, %get3A_1603] {strides = array<i32>} : memref<4x1024xf32, #tpu.memory_space<vmem>>, vector<16xf32>,
      %mul3A_1605 = vector.broadcast %reduce_sum3A_627 : f32 to vector<16xf32>
      %mul3A_1606 = arith.mulf %mul3A_1605, %get3A_1604 : vector<16xf32>
      %add3A_1607 = arith.addf %add3A_1600, %mul3A_1606 : vector<16xf32>
      %get3A_1608 = arith.constant 3 : i32
      %get3A_1609 = arith.index_cast %get3A_1608 : i32 to index
      %get3A_1610 = arith.constant 448 : index
      %get3A_1611 = tpu.vector_load %arg22[%get3A_1609, %get3A_1610] {strides = array<i32>} : memref<4x1024xf32, #tpu.memory_space<vmem>>, vector<16xf32>,
      %mul3A_1612 = vector.broadcast %reduce_sum3A_660 : f32 to vector<16xf32>
      %mul3A_1613 = arith.mulf %mul3A_1612, %get3A_1611 : vector<16xf32>
      %add3A_1614 = arith.addf %add3A_1607, %mul3A_1613 : vector<16xf32>
      %get3A_1615 = arith.constant 448 : index
      %get3A_1616 = tpu.vector_load %arg23[%get3A_1615] {strides = array<i32>} : memref<1024xf32, #tpu.memory_space<vmem>>, vector<16xf32>,
      %mul3A_1617 = arith.mulf %add3A_1614, %get3A_1616 : vector<16xf32>
      %add3A_1618 = arith.addf %add3A_1587, %mul3A_1617 : vector<16xf32>
      %get3A_1619 = arith.constant 0 : i32
      %get3A_1620 = arith.index_cast %get3A_1619 : i32 to index
      %get3A_1621 = arith.constant 464 : index
      %get3A_1622 = tpu.vector_load %arg22[%get3A_1620, %get3A_1621] {strides = array<i32>} : memref<4x1024xf32, #tpu.memory_space<vmem>>, vector<16xf32>,
      %mul3A_1623 = vector.broadcast %reduce_sum3A_562 : f32 to vector<16xf32>
      %mul3A_1624 = arith.mulf %mul3A_1623, %get3A_1622 : vector<16xf32>
      %get3A_1625 = arith.constant 1 : i32
      %get3A_1626 = arith.index_cast %get3A_1625 : i32 to index
      %get3A_1627 = arith.constant 464 : index
      %get3A_1628 = tpu.vector_load %arg22[%get3A_1626, %get3A_1627] {strides = array<i32>} : memref<4x1024xf32, #tpu.memory_space<vmem>>, vector<16xf32>,
      %mul3A_1629 = vector.broadcast %reduce_sum3A_594 : f32 to vector<16xf32>
      %mul3A_1630 = arith.mulf %mul3A_1629, %get3A_1628 : vector<16xf32>
      %add3A_1631 = arith.addf %mul3A_1624, %mul3A_1630 : vector<16xf32>
      %get3A_1632 = arith.constant 2 : i32
      %get3A_1633 = arith.index_cast %get3A_1632 : i32 to index
      %get3A_1634 = arith.constant 464 : index
      %get3A_1635 = tpu.vector_load %arg22[%get3A_1633, %get3A_1634] {strides = array<i32>} : memref<4x1024xf32, #tpu.memory_space<vmem>>, vector<16xf32>,
      %mul3A_1636 = vector.broadcast %reduce_sum3A_627 : f32 to vector<16xf32>
      %mul3A_1637 = arith.mulf %mul3A_1636, %get3A_1635 : vector<16xf32>
      %add3A_1638 = arith.addf %add3A_1631, %mul3A_1637 : vector<16xf32>
      %get3A_1639 = arith.constant 3 : i32
      %get3A_1640 = arith.index_cast %get3A_1639 : i32 to index
      %get3A_1641 = arith.constant 464 : index
      %get3A_1642 = tpu.vector_load %arg22[%get3A_1640, %get3A_1641] {strides = array<i32>} : memref<4x1024xf32, #tpu.memory_space<vmem>>, vector<16xf32>,
      %mul3A_1643 = vector.broadcast %reduce_sum3A_660 : f32 to vector<16xf32>
      %mul3A_1644 = arith.mulf %mul3A_1643, %get3A_1642 : vector<16xf32>
      %add3A_1645 = arith.addf %add3A_1638, %mul3A_1644 : vector<16xf32>
      %get3A_1646 = arith.constant 464 : index
      %get3A_1647 = tpu.vector_load %arg23[%get3A_1646] {strides = array<i32>} : memref<1024xf32, #tpu.memory_space<vmem>>, vector<16xf32>,
      %mul3A_1648 = arith.mulf %add3A_1645, %get3A_1647 : vector<16xf32>
      %add3A_1649 = arith.addf %add3A_1618, %mul3A_1648 : vector<16xf32>
      %get3A_1650 = arith.constant 0 : i32
      %get3A_1651 = arith.index_cast %get3A_1650 : i32 to index
      %get3A_1652 = arith.constant 480 : index
      %get3A_1653 = tpu.vector_load %arg22[%get3A_1651, %get3A_1652] {strides = array<i32>} : memref<4x1024xf32, #tpu.memory_space<vmem>>, vector<16xf32>,
      %mul3A_1654 = vector.broadcast %reduce_sum3A_562 : f32 to vector<16xf32>
      %mul3A_1655 = arith.mulf %mul3A_1654, %get3A_1653 : vector<16xf32>
      %get3A_1656 = arith.constant 1 : i32
      %get3A_1657 = arith.index_cast %get3A_1656 : i32 to index
      %get3A_1658 = arith.constant 480 : index
      %get3A_1659 = tpu.vector_load %arg22[%get3A_1657, %get3A_1658] {strides = array<i32>} : memref<4x1024xf32, #tpu.memory_space<vmem>>, vector<16xf32>,
      %mul3A_1660 = vector.broadcast %reduce_sum3A_594 : f32 to vector<16xf32>
      %mul3A_1661 = arith.mulf %mul3A_1660, %get3A_1659 : vector<16xf32>
      %add3A_1662 = arith.addf %mul3A_1655, %mul3A_1661 : vector<16xf32>
      %get3A_1663 = arith.constant 2 : i32
      %get3A_1664 = arith.index_cast %get3A_1663 : i32 to index
      %get3A_1665 = arith.constant 480 : index
      %get3A_1666 = tpu.vector_load %arg22[%get3A_1664, %get3A_1665] {strides = array<i32>} : memref<4x1024xf32, #tpu.memory_space<vmem>>, vector<16xf32>,
      %mul3A_1667 = vector.broadcast %reduce_sum3A_627 : f32 to vector<16xf32>
      %mul3A_1668 = arith.mulf %mul3A_1667, %get3A_1666 : vector<16xf32>
      %add3A_1669 = arith.addf %add3A_1662, %mul3A_1668 : vector<16xf32>
      %get3A_1670 = arith.constant 3 : i32
      %get3A_1671 = arith.index_cast %get3A_1670 : i32 to index
      %get3A_1672 = arith.constant 480 : index
      %get3A_1673 = tpu.vector_load %arg22[%get3A_1671, %get3A_1672] {strides = array<i32>} : memref<4x1024xf32, #tpu.memory_space<vmem>>, vector<16xf32>,
      %mul3A_1674 = vector.broadcast %reduce_sum3A_660 : f32 to vector<16xf32>
      %mul3A_1675 = arith.mulf %mul3A_1674, %get3A_1673 : vector<16xf32>
      %add3A_1676 = arith.addf %add3A_1669, %mul3A_1675 : vector<16xf32>
      %get3A_1677 = arith.constant 480 : index
      %get3A_1678 = tpu.vector_load %arg23[%get3A_1677] {strides = array<i32>} : memref<1024xf32, #tpu.memory_space<vmem>>, vector<16xf32>,
      %mul3A_1679 = arith.mulf %add3A_1676, %get3A_1678 : vector<16xf32>
      %add3A_1680 = arith.addf %add3A_1649, %mul3A_1679 : vector<16xf32>
      %get3A_1681 = arith.constant 0 : i32
      %get3A_1682 = arith.index_cast %get3A_1681 : i32 to index
      %get3A_1683 = arith.constant 496 : index
      %get3A_1684 = tpu.vector_load %arg22[%get3A_1682, %get3A_1683] {strides = array<i32>} : memref<4x1024xf32, #tpu.memory_space<vmem>>, vector<16xf32>,
      %mul3A_1685 = vector.broadcast %reduce_sum3A_562 : f32 to vector<16xf32>
      %mul3A_1686 = arith.mulf %mul3A_1685, %get3A_1684 : vector<16xf32>
      %get3A_1687 = arith.constant 1 : i32
      %get3A_1688 = arith.index_cast %get3A_1687 : i32 to index
      %get3A_1689 = arith.constant 496 : index
      %get3A_1690 = tpu.vector_load %arg22[%get3A_1688, %get3A_1689] {strides = array<i32>} : memref<4x1024xf32, #tpu.memory_space<vmem>>, vector<16xf32>,
      %mul3A_1691 = vector.broadcast %reduce_sum3A_594 : f32 to vector<16xf32>
      %mul3A_1692 = arith.mulf %mul3A_1691, %get3A_1690 : vector<16xf32>
      %add3A_1693 = arith.addf %mul3A_1686, %mul3A_1692 : vector<16xf32>
      %get3A_1694 = arith.constant 2 : i32
      %get3A_1695 = arith.index_cast %get3A_1694 : i32 to index
      %get3A_1696 = arith.constant 496 : index
      %get3A_1697 = tpu.vector_load %arg22[%get3A_1695, %get3A_1696] {strides = array<i32>} : memref<4x1024xf32, #tpu.memory_space<vmem>>, vector<16xf32>,
      %mul3A_1698 = vector.broadcast %reduce_sum3A_627 : f32 to vector<16xf32>
      %mul3A_1699 = arith.mulf %mul3A_1698, %get3A_1697 : vector<16xf32>
      %add3A_1700 = arith.addf %add3A_1693, %mul3A_1699 : vector<16xf32>
      %get3A_1701 = arith.constant 3 : i32
      %get3A_1702 = arith.index_cast %get3A_1701 : i32 to index
      %get3A_1703 = arith.constant 496 : index
      %get3A_1704 = tpu.vector_load %arg22[%get3A_1702, %get3A_1703] {strides = array<i32>} : memref<4x1024xf32, #tpu.memory_space<vmem>>, vector<16xf32>,
      %mul3A_1705 = vector.broadcast %reduce_sum3A_660 : f32 to vector<16xf32>
      %mul3A_1706 = arith.mulf %mul3A_1705, %get3A_1704 : vector<16xf32>
      %add3A_1707 = arith.addf %add3A_1700, %mul3A_1706 : vector<16xf32>
      %get3A_1708 = arith.constant 496 : index
      %get3A_1709 = tpu.vector_load %arg23[%get3A_1708] {strides = array<i32>} : memref<1024xf32, #tpu.memory_space<vmem>>, vector<16xf32>,
      %mul3A_1710 = arith.mulf %add3A_1707, %get3A_1709 : vector<16xf32>
      %add3A_1711 = arith.addf %add3A_1680, %mul3A_1710 : vector<16xf32>
      %get3A_1712 = arith.constant 0 : i32
      %get3A_1713 = arith.index_cast %get3A_1712 : i32 to index
      %get3A_1714 = arith.constant 512 : index
      %get3A_1715 = tpu.vector_load %arg22[%get3A_1713, %get3A_1714] {strides = array<i32>} : memref<4x1024xf32, #tpu.memory_space<vmem>>, vector<16xf32>,
      %mul3A_1716 = vector.broadcast %reduce_sum3A_562 : f32 to vector<16xf32>
      %mul3A_1717 = arith.mulf %mul3A_1716, %get3A_1715 : vector<16xf32>
      %get3A_1718 = arith.constant 1 : i32
      %get3A_1719 = arith.index_cast %get3A_1718 : i32 to index
      %get3A_1720 = arith.constant 512 : index
      %get3A_1721 = tpu.vector_load %arg22[%get3A_1719, %get3A_1720] {strides = array<i32>} : memref<4x1024xf32, #tpu.memory_space<vmem>>, vector<16xf32>,
      %mul3A_1722 = vector.broadcast %reduce_sum3A_594 : f32 to vector<16xf32>
      %mul3A_1723 = arith.mulf %mul3A_1722, %get3A_1721 : vector<16xf32>
      %add3A_1724 = arith.addf %mul3A_1717, %mul3A_1723 : vector<16xf32>
      %get3A_1725 = arith.constant 2 : i32
      %get3A_1726 = arith.index_cast %get3A_1725 : i32 to index
      %get3A_1727 = arith.constant 512 : index
      %get3A_1728 = tpu.vector_load %arg22[%get3A_1726, %get3A_1727] {strides = array<i32>} : memref<4x1024xf32, #tpu.memory_space<vmem>>, vector<16xf32>,
      %mul3A_1729 = vector.broadcast %reduce_sum3A_627 : f32 to vector<16xf32>
      %mul3A_1730 = arith.mulf %mul3A_1729, %get3A_1728 : vector<16xf32>
      %add3A_1731 = arith.addf %add3A_1724, %mul3A_1730 : vector<16xf32>
      %get3A_1732 = arith.constant 3 : i32
      %get3A_1733 = arith.index_cast %get3A_1732 : i32 to index
      %get3A_1734 = arith.constant 512 : index
      %get3A_1735 = tpu.vector_load %arg22[%get3A_1733, %get3A_1734] {strides = array<i32>} : memref<4x1024xf32, #tpu.memory_space<vmem>>, vector<16xf32>,
      %mul3A_1736 = vector.broadcast %reduce_sum3A_660 : f32 to vector<16xf32>
      %mul3A_1737 = arith.mulf %mul3A_1736, %get3A_1735 : vector<16xf32>
      %add3A_1738 = arith.addf %add3A_1731, %mul3A_1737 : vector<16xf32>
      %get3A_1739 = arith.constant 512 : index
      %get3A_1740 = tpu.vector_load %arg23[%get3A_1739] {strides = array<i32>} : memref<1024xf32, #tpu.memory_space<vmem>>, vector<16xf32>,
      %mul3A_1741 = arith.mulf %add3A_1738, %get3A_1740 : vector<16xf32>
      %add3A_1742 = arith.addf %add3A_1711, %mul3A_1741 : vector<16xf32>
      %get3A_1743 = arith.constant 0 : i32
      %get3A_1744 = arith.index_cast %get3A_1743 : i32 to index
      %get3A_1745 = arith.constant 528 : index
      %get3A_1746 = tpu.vector_load %arg22[%get3A_1744, %get3A_1745] {strides = array<i32>} : memref<4x1024xf32, #tpu.memory_space<vmem>>, vector<16xf32>,
      %mul3A_1747 = vector.broadcast %reduce_sum3A_562 : f32 to vector<16xf32>
      %mul3A_1748 = arith.mulf %mul3A_1747, %get3A_1746 : vector<16xf32>
      %get3A_1749 = arith.constant 1 : i32
      %get3A_1750 = arith.index_cast %get3A_1749 : i32 to index
      %get3A_1751 = arith.constant 528 : index
      %get3A_1752 = tpu.vector_load %arg22[%get3A_1750, %get3A_1751] {strides = array<i32>} : memref<4x1024xf32, #tpu.memory_space<vmem>>, vector<16xf32>,
      %mul3A_1753 = vector.broadcast %reduce_sum3A_594 : f32 to vector<16xf32>
      %mul3A_1754 = arith.mulf %mul3A_1753, %get3A_1752 : vector<16xf32>
      %add3A_1755 = arith.addf %mul3A_1748, %mul3A_1754 : vector<16xf32>
      %get3A_1756 = arith.constant 2 : i32
      %get3A_1757 = arith.index_cast %get3A_1756 : i32 to index
      %get3A_1758 = arith.constant 528 : index
      %get3A_1759 = tpu.vector_load %arg22[%get3A_1757, %get3A_1758] {strides = array<i32>} : memref<4x1024xf32, #tpu.memory_space<vmem>>, vector<16xf32>,
      %mul3A_1760 = vector.broadcast %reduce_sum3A_627 : f32 to vector<16xf32>
      %mul3A_1761 = arith.mulf %mul3A_1760, %get3A_1759 : vector<16xf32>
      %add3A_1762 = arith.addf %add3A_1755, %mul3A_1761 : vector<16xf32>
      %get3A_1763 = arith.constant 3 : i32
      %get3A_1764 = arith.index_cast %get3A_1763 : i32 to index
      %get3A_1765 = arith.constant 528 : index
      %get3A_1766 = tpu.vector_load %arg22[%get3A_1764, %get3A_1765] {strides = array<i32>} : memref<4x1024xf32, #tpu.memory_space<vmem>>, vector<16xf32>,
      %mul3A_1767 = vector.broadcast %reduce_sum3A_660 : f32 to vector<16xf32>
      %mul3A_1768 = arith.mulf %mul3A_1767, %get3A_1766 : vector<16xf32>
      %add3A_1769 = arith.addf %add3A_1762, %mul3A_1768 : vector<16xf32>
      %get3A_1770 = arith.constant 528 : index
      %get3A_1771 = tpu.vector_load %arg23[%get3A_1770] {strides = array<i32>} : memref<1024xf32, #tpu.memory_space<vmem>>, vector<16xf32>,
      %mul3A_1772 = arith.mulf %add3A_1769, %get3A_1771 : vector<16xf32>
      %add3A_1773 = arith.addf %add3A_1742, %mul3A_1772 : vector<16xf32>
      %get3A_1774 = arith.constant 0 : i32
      %get3A_1775 = arith.index_cast %get3A_1774 : i32 to index
      %get3A_1776 = arith.constant 544 : index
      %get3A_1777 = tpu.vector_load %arg22[%get3A_1775, %get3A_1776] {strides = array<i32>} : memref<4x1024xf32, #tpu.memory_space<vmem>>, vector<16xf32>,
      %mul3A_1778 = vector.broadcast %reduce_sum3A_562 : f32 to vector<16xf32>
      %mul3A_1779 = arith.mulf %mul3A_1778, %get3A_1777 : vector<16xf32>
      %get3A_1780 = arith.constant 1 : i32
      %get3A_1781 = arith.index_cast %get3A_1780 : i32 to index
      %get3A_1782 = arith.constant 544 : index
      %get3A_1783 = tpu.vector_load %arg22[%get3A_1781, %get3A_1782] {strides = array<i32>} : memref<4x1024xf32, #tpu.memory_space<vmem>>, vector<16xf32>,
      %mul3A_1784 = vector.broadcast %reduce_sum3A_594 : f32 to vector<16xf32>
      %mul3A_1785 = arith.mulf %mul3A_1784, %get3A_1783 : vector<16xf32>
      %add3A_1786 = arith.addf %mul3A_1779, %mul3A_1785 : vector<16xf32>
      %get3A_1787 = arith.constant 2 : i32
      %get3A_1788 = arith.index_cast %get3A_1787 : i32 to index
      %get3A_1789 = arith.constant 544 : index
      %get3A_1790 = tpu.vector_load %arg22[%get3A_1788, %get3A_1789] {strides = array<i32>} : memref<4x1024xf32, #tpu.memory_space<vmem>>, vector<16xf32>,
      %mul3A_1791 = vector.broadcast %reduce_sum3A_627 : f32 to vector<16xf32>
      %mul3A_1792 = arith.mulf %mul3A_1791, %get3A_1790 : vector<16xf32>
      %add3A_1793 = arith.addf %add3A_1786, %mul3A_1792 : vector<16xf32>
      %get3A_1794 = arith.constant 3 : i32
      %get3A_1795 = arith.index_cast %get3A_1794 : i32 to index
      %get3A_1796 = arith.constant 544 : index
      %get3A_1797 = tpu.vector_load %arg22[%get3A_1795, %get3A_1796] {strides = array<i32>} : memref<4x1024xf32, #tpu.memory_space<vmem>>, vector<16xf32>,
      %mul3A_1798 = vector.broadcast %reduce_sum3A_660 : f32 to vector<16xf32>
      %mul3A_1799 = arith.mulf %mul3A_1798, %get3A_1797 : vector<16xf32>
      %add3A_1800 = arith.addf %add3A_1793, %mul3A_1799 : vector<16xf32>
      %get3A_1801 = arith.constant 544 : index
      %get3A_1802 = tpu.vector_load %arg23[%get3A_1801] {strides = array<i32>} : memref<1024xf32, #tpu.memory_space<vmem>>, vector<16xf32>,
      %mul3A_1803 = arith.mulf %add3A_1800, %get3A_1802 : vector<16xf32>
      %add3A_1804 = arith.addf %add3A_1773, %mul3A_1803 : vector<16xf32>
      %get3A_1805 = arith.constant 0 : i32
      %get3A_1806 = arith.index_cast %get3A_1805 : i32 to index
      %get3A_1807 = arith.constant 560 : index
      %get3A_1808 = tpu.vector_load %arg22[%get3A_1806, %get3A_1807] {strides = array<i32>} : memref<4x1024xf32, #tpu.memory_space<vmem>>, vector<16xf32>,
      %mul3A_1809 = vector.broadcast %reduce_sum3A_562 : f32 to vector<16xf32>
      %mul3A_1810 = arith.mulf %mul3A_1809, %get3A_1808 : vector<16xf32>
      %get3A_1811 = arith.constant 1 : i32
      %get3A_1812 = arith.index_cast %get3A_1811 : i32 to index
      %get3A_1813 = arith.constant 560 : index
      %get3A_1814 = tpu.vector_load %arg22[%get3A_1812, %get3A_1813] {strides = array<i32>} : memref<4x1024xf32, #tpu.memory_space<vmem>>, vector<16xf32>,
      %mul3A_1815 = vector.broadcast %reduce_sum3A_594 : f32 to vector<16xf32>
      %mul3A_1816 = arith.mulf %mul3A_1815, %get3A_1814 : vector<16xf32>
      %add3A_1817 = arith.addf %mul3A_1810, %mul3A_1816 : vector<16xf32>
      %get3A_1818 = arith.constant 2 : i32
      %get3A_1819 = arith.index_cast %get3A_1818 : i32 to index
      %get3A_1820 = arith.constant 560 : index
      %get3A_1821 = tpu.vector_load %arg22[%get3A_1819, %get3A_1820] {strides = array<i32>} : memref<4x1024xf32, #tpu.memory_space<vmem>>, vector<16xf32>,
      %mul3A_1822 = vector.broadcast %reduce_sum3A_627 : f32 to vector<16xf32>
      %mul3A_1823 = arith.mulf %mul3A_1822, %get3A_1821 : vector<16xf32>
      %add3A_1824 = arith.addf %add3A_1817, %mul3A_1823 : vector<16xf32>
      %get3A_1825 = arith.constant 3 : i32
      %get3A_1826 = arith.index_cast %get3A_1825 : i32 to index
      %get3A_1827 = arith.constant 560 : index
      %get3A_1828 = tpu.vector_load %arg22[%get3A_1826, %get3A_1827] {strides = array<i32>} : memref<4x1024xf32, #tpu.memory_space<vmem>>, vector<16xf32>,
      %mul3A_1829 = vector.broadcast %reduce_sum3A_660 : f32 to vector<16xf32>
      %mul3A_1830 = arith.mulf %mul3A_1829, %get3A_1828 : vector<16xf32>
      %add3A_1831 = arith.addf %add3A_1824, %mul3A_1830 : vector<16xf32>
      %get3A_1832 = arith.constant 560 : index
      %get3A_1833 = tpu.vector_load %arg23[%get3A_1832] {strides = array<i32>} : memref<1024xf32, #tpu.memory_space<vmem>>, vector<16xf32>,
      %mul3A_1834 = arith.mulf %add3A_1831, %get3A_1833 : vector<16xf32>
      %add3A_1835 = arith.addf %add3A_1804, %mul3A_1834 : vector<16xf32>
      %get3A_1836 = arith.constant 0 : i32
      %get3A_1837 = arith.index_cast %get3A_1836 : i32 to index
      %get3A_1838 = arith.constant 576 : index
      %get3A_1839 = tpu.vector_load %arg22[%get3A_1837, %get3A_1838] {strides = array<i32>} : memref<4x1024xf32, #tpu.memory_space<vmem>>, vector<16xf32>,
      %mul3A_1840 = vector.broadcast %reduce_sum3A_562 : f32 to vector<16xf32>
      %mul3A_1841 = arith.mulf %mul3A_1840, %get3A_1839 : vector<16xf32>
      %get3A_1842 = arith.constant 1 : i32
      %get3A_1843 = arith.index_cast %get3A_1842 : i32 to index
      %get3A_1844 = arith.constant 576 : index
      %get3A_1845 = tpu.vector_load %arg22[%get3A_1843, %get3A_1844] {strides = array<i32>} : memref<4x1024xf32, #tpu.memory_space<vmem>>, vector<16xf32>,
      %mul3A_1846 = vector.broadcast %reduce_sum3A_594 : f32 to vector<16xf32>
      %mul3A_1847 = arith.mulf %mul3A_1846, %get3A_1845 : vector<16xf32>
      %add3A_1848 = arith.addf %mul3A_1841, %mul3A_1847 : vector<16xf32>
      %get3A_1849 = arith.constant 2 : i32
      %get3A_1850 = arith.index_cast %get3A_1849 : i32 to index
      %get3A_1851 = arith.constant 576 : index
      %get3A_1852 = tpu.vector_load %arg22[%get3A_1850, %get3A_1851] {strides = array<i32>} : memref<4x1024xf32, #tpu.memory_space<vmem>>, vector<16xf32>,
      %mul3A_1853 = vector.broadcast %reduce_sum3A_627 : f32 to vector<16xf32>
      %mul3A_1854 = arith.mulf %mul3A_1853, %get3A_1852 : vector<16xf32>
      %add3A_1855 = arith.addf %add3A_1848, %mul3A_1854 : vector<16xf32>
      %get3A_1856 = arith.constant 3 : i32
      %get3A_1857 = arith.index_cast %get3A_1856 : i32 to index
      %get3A_1858 = arith.constant 576 : index
      %get3A_1859 = tpu.vector_load %arg22[%get3A_1857, %get3A_1858] {strides = array<i32>} : memref<4x1024xf32, #tpu.memory_space<vmem>>, vector<16xf32>,
      %mul3A_1860 = vector.broadcast %reduce_sum3A_660 : f32 to vector<16xf32>
      %mul3A_1861 = arith.mulf %mul3A_1860, %get3A_1859 : vector<16xf32>
      %add3A_1862 = arith.addf %add3A_1855, %mul3A_1861 : vector<16xf32>
      %get3A_1863 = arith.constant 576 : index
      %get3A_1864 = tpu.vector_load %arg23[%get3A_1863] {strides = array<i32>} : memref<1024xf32, #tpu.memory_space<vmem>>, vector<16xf32>,
      %mul3A_1865 = arith.mulf %add3A_1862, %get3A_1864 : vector<16xf32>
      %add3A_1866 = arith.addf %add3A_1835, %mul3A_1865 : vector<16xf32>
      %get3A_1867 = arith.constant 0 : i32
      %get3A_1868 = arith.index_cast %get3A_1867 : i32 to index
      %get3A_1869 = arith.constant 592 : index
      %get3A_1870 = tpu.vector_load %arg22[%get3A_1868, %get3A_1869] {strides = array<i32>} : memref<4x1024xf32, #tpu.memory_space<vmem>>, vector<16xf32>,
      %mul3A_1871 = vector.broadcast %reduce_sum3A_562 : f32 to vector<16xf32>
      %mul3A_1872 = arith.mulf %mul3A_1871, %get3A_1870 : vector<16xf32>
      %get3A_1873 = arith.constant 1 : i32
      %get3A_1874 = arith.index_cast %get3A_1873 : i32 to index
      %get3A_1875 = arith.constant 592 : index
      %get3A_1876 = tpu.vector_load %arg22[%get3A_1874, %get3A_1875] {strides = array<i32>} : memref<4x1024xf32, #tpu.memory_space<vmem>>, vector<16xf32>,
      %mul3A_1877 = vector.broadcast %reduce_sum3A_594 : f32 to vector<16xf32>
      %mul3A_1878 = arith.mulf %mul3A_1877, %get3A_1876 : vector<16xf32>
      %add3A_1879 = arith.addf %mul3A_1872, %mul3A_1878 : vector<16xf32>
      %get3A_1880 = arith.constant 2 : i32
      %get3A_1881 = arith.index_cast %get3A_1880 : i32 to index
      %get3A_1882 = arith.constant 592 : index
      %get3A_1883 = tpu.vector_load %arg22[%get3A_1881, %get3A_1882] {strides = array<i32>} : memref<4x1024xf32, #tpu.memory_space<vmem>>, vector<16xf32>,
      %mul3A_1884 = vector.broadcast %reduce_sum3A_627 : f32 to vector<16xf32>
      %mul3A_1885 = arith.mulf %mul3A_1884, %get3A_1883 : vector<16xf32>
      %add3A_1886 = arith.addf %add3A_1879, %mul3A_1885 : vector<16xf32>
      %get3A_1887 = arith.constant 3 : i32
      %get3A_1888 = arith.index_cast %get3A_1887 : i32 to index
      %get3A_1889 = arith.constant 592 : index
      %get3A_1890 = tpu.vector_load %arg22[%get3A_1888, %get3A_1889] {strides = array<i32>} : memref<4x1024xf32, #tpu.memory_space<vmem>>, vector<16xf32>,
      %mul3A_1891 = vector.broadcast %reduce_sum3A_660 : f32 to vector<16xf32>
      %mul3A_1892 = arith.mulf %mul3A_1891, %get3A_1890 : vector<16xf32>
      %add3A_1893 = arith.addf %add3A_1886, %mul3A_1892 : vector<16xf32>
      %get3A_1894 = arith.constant 592 : index
      %get3A_1895 = tpu.vector_load %arg23[%get3A_1894] {strides = array<i32>} : memref<1024xf32, #tpu.memory_space<vmem>>, vector<16xf32>,
      %mul3A_1896 = arith.mulf %add3A_1893, %get3A_1895 : vector<16xf32>
      %add3A_1897 = arith.addf %add3A_1866, %mul3A_1896 : vector<16xf32>
      %get3A_1898 = arith.constant 0 : i32
      %get3A_1899 = arith.index_cast %get3A_1898 : i32 to index
      %get3A_1900 = arith.constant 608 : index
      %get3A_1901 = tpu.vector_load %arg22[%get3A_1899, %get3A_1900] {strides = array<i32>} : memref<4x1024xf32, #tpu.memory_space<vmem>>, vector<16xf32>,
      %mul3A_1902 = vector.broadcast %reduce_sum3A_562 : f32 to vector<16xf32>
      %mul3A_1903 = arith.mulf %mul3A_1902, %get3A_1901 : vector<16xf32>
      %get3A_1904 = arith.constant 1 : i32
      %get3A_1905 = arith.index_cast %get3A_1904 : i32 to index
      %get3A_1906 = arith.constant 608 : index
      %get3A_1907 = tpu.vector_load %arg22[%get3A_1905, %get3A_1906] {strides = array<i32>} : memref<4x1024xf32, #tpu.memory_space<vmem>>, vector<16xf32>,
      %mul3A_1908 = vector.broadcast %reduce_sum3A_594 : f32 to vector<16xf32>
      %mul3A_1909 = arith.mulf %mul3A_1908, %get3A_1907 : vector<16xf32>
      %add3A_1910 = arith.addf %mul3A_1903, %mul3A_1909 : vector<16xf32>
      %get3A_1911 = arith.constant 2 : i32
      %get3A_1912 = arith.index_cast %get3A_1911 : i32 to index
      %get3A_1913 = arith.constant 608 : index
      %get3A_1914 = tpu.vector_load %arg22[%get3A_1912, %get3A_1913] {strides = array<i32>} : memref<4x1024xf32, #tpu.memory_space<vmem>>, vector<16xf32>,
      %mul3A_1915 = vector.broadcast %reduce_sum3A_627 : f32 to vector<16xf32>
      %mul3A_1916 = arith.mulf %mul3A_1915, %get3A_1914 : vector<16xf32>
      %add3A_1917 = arith.addf %add3A_1910, %mul3A_1916 : vector<16xf32>
      %get3A_1918 = arith.constant 3 : i32
      %get3A_1919 = arith.index_cast %get3A_1918 : i32 to index
      %get3A_1920 = arith.constant 608 : index
      %get3A_1921 = tpu.vector_load %arg22[%get3A_1919, %get3A_1920] {strides = array<i32>} : memref<4x1024xf32, #tpu.memory_space<vmem>>, vector<16xf32>,
      %mul3A_1922 = vector.broadcast %reduce_sum3A_660 : f32 to vector<16xf32>
      %mul3A_1923 = arith.mulf %mul3A_1922, %get3A_1921 : vector<16xf32>
      %add3A_1924 = arith.addf %add3A_1917, %mul3A_1923 : vector<16xf32>
      %get3A_1925 = arith.constant 608 : index
      %get3A_1926 = tpu.vector_load %arg23[%get3A_1925] {strides = array<i32>} : memref<1024xf32, #tpu.memory_space<vmem>>, vector<16xf32>,
      %mul3A_1927 = arith.mulf %add3A_1924, %get3A_1926 : vector<16xf32>
      %add3A_1928 = arith.addf %add3A_1897, %mul3A_1927 : vector<16xf32>
      %get3A_1929 = arith.constant 0 : i32
      %get3A_1930 = arith.index_cast %get3A_1929 : i32 to index
      %get3A_1931 = arith.constant 624 : index
      %get3A_1932 = tpu.vector_load %arg22[%get3A_1930, %get3A_1931] {strides = array<i32>} : memref<4x1024xf32, #tpu.memory_space<vmem>>, vector<16xf32>,
      %mul3A_1933 = vector.broadcast %reduce_sum3A_562 : f32 to vector<16xf32>
      %mul3A_1934 = arith.mulf %mul3A_1933, %get3A_1932 : vector<16xf32>
      %get3A_1935 = arith.constant 1 : i32
      %get3A_1936 = arith.index_cast %get3A_1935 : i32 to index
      %get3A_1937 = arith.constant 624 : index
      %get3A_1938 = tpu.vector_load %arg22[%get3A_1936, %get3A_1937] {strides = array<i32>} : memref<4x1024xf32, #tpu.memory_space<vmem>>, vector<16xf32>,
      %mul3A_1939 = vector.broadcast %reduce_sum3A_594 : f32 to vector<16xf32>
      %mul3A_1940 = arith.mulf %mul3A_1939, %get3A_1938 : vector<16xf32>
      %add3A_1941 = arith.addf %mul3A_1934, %mul3A_1940 : vector<16xf32>
      %get3A_1942 = arith.constant 2 : i32
      %get3A_1943 = arith.index_cast %get3A_1942 : i32 to index
      %get3A_1944 = arith.constant 624 : index
      %get3A_1945 = tpu.vector_load %arg22[%get3A_1943, %get3A_1944] {strides = array<i32>} : memref<4x1024xf32, #tpu.memory_space<vmem>>, vector<16xf32>,
      %mul3A_1946 = vector.broadcast %reduce_sum3A_627 : f32 to vector<16xf32>
      %mul3A_1947 = arith.mulf %mul3A_1946, %get3A_1945 : vector<16xf32>
      %add3A_1948 = arith.addf %add3A_1941, %mul3A_1947 : vector<16xf32>
      %get3A_1949 = arith.constant 3 : i32
      %get3A_1950 = arith.index_cast %get3A_1949 : i32 to index
      %get3A_1951 = arith.constant 624 : index
      %get3A_1952 = tpu.vector_load %arg22[%get3A_1950, %get3A_1951] {strides = array<i32>} : memref<4x1024xf32, #tpu.memory_space<vmem>>, vector<16xf32>,
      %mul3A_1953 = vector.broadcast %reduce_sum3A_660 : f32 to vector<16xf32>
      %mul3A_1954 = arith.mulf %mul3A_1953, %get3A_1952 : vector<16xf32>
      %add3A_1955 = arith.addf %add3A_1948, %mul3A_1954 : vector<16xf32>
      %get3A_1956 = arith.constant 624 : index
      %get3A_1957 = tpu.vector_load %arg23[%get3A_1956] {strides = array<i32>} : memref<1024xf32, #tpu.memory_space<vmem>>, vector<16xf32>,
      %mul3A_1958 = arith.mulf %add3A_1955, %get3A_1957 : vector<16xf32>
      %add3A_1959 = arith.addf %add3A_1928, %mul3A_1958 : vector<16xf32>
      %get3A_1960 = arith.constant 0 : i32
      %get3A_1961 = arith.index_cast %get3A_1960 : i32 to index
      %get3A_1962 = arith.constant 640 : index
      %get3A_1963 = tpu.vector_load %arg22[%get3A_1961, %get3A_1962] {strides = array<i32>} : memref<4x1024xf32, #tpu.memory_space<vmem>>, vector<16xf32>,
      %mul3A_1964 = vector.broadcast %reduce_sum3A_562 : f32 to vector<16xf32>
      %mul3A_1965 = arith.mulf %mul3A_1964, %get3A_1963 : vector<16xf32>
      %get3A_1966 = arith.constant 1 : i32
      %get3A_1967 = arith.index_cast %get3A_1966 : i32 to index
      %get3A_1968 = arith.constant 640 : index
      %get3A_1969 = tpu.vector_load %arg22[%get3A_1967, %get3A_1968] {strides = array<i32>} : memref<4x1024xf32, #tpu.memory_space<vmem>>, vector<16xf32>,
      %mul3A_1970 = vector.broadcast %reduce_sum3A_594 : f32 to vector<16xf32>
      %mul3A_1971 = arith.mulf %mul3A_1970, %get3A_1969 : vector<16xf32>
      %add3A_1972 = arith.addf %mul3A_1965, %mul3A_1971 : vector<16xf32>
      %get3A_1973 = arith.constant 2 : i32
      %get3A_1974 = arith.index_cast %get3A_1973 : i32 to index
      %get3A_1975 = arith.constant 640 : index
      %get3A_1976 = tpu.vector_load %arg22[%get3A_1974, %get3A_1975] {strides = array<i32>} : memref<4x1024xf32, #tpu.memory_space<vmem>>, vector<16xf32>,
      %mul3A_1977 = vector.broadcast %reduce_sum3A_627 : f32 to vector<16xf32>
      %mul3A_1978 = arith.mulf %mul3A_1977, %get3A_1976 : vector<16xf32>
      %add3A_1979 = arith.addf %add3A_1972, %mul3A_1978 : vector<16xf32>
      %get3A_1980 = arith.constant 3 : i32
      %get3A_1981 = arith.index_cast %get3A_1980 : i32 to index
      %get3A_1982 = arith.constant 640 : index
      %get3A_1983 = tpu.vector_load %arg22[%get3A_1981, %get3A_1982] {strides = array<i32>} : memref<4x1024xf32, #tpu.memory_space<vmem>>, vector<16xf32>,
      %mul3A_1984 = vector.broadcast %reduce_sum3A_660 : f32 to vector<16xf32>
      %mul3A_1985 = arith.mulf %mul3A_1984, %get3A_1983 : vector<16xf32>
      %add3A_1986 = arith.addf %add3A_1979, %mul3A_1985 : vector<16xf32>
      %get3A_1987 = arith.constant 640 : index
      %get3A_1988 = tpu.vector_load %arg23[%get3A_1987] {strides = array<i32>} : memref<1024xf32, #tpu.memory_space<vmem>>, vector<16xf32>,
      %mul3A_1989 = arith.mulf %add3A_1986, %get3A_1988 : vector<16xf32>
      %add3A_1990 = arith.addf %add3A_1959, %mul3A_1989 : vector<16xf32>
      %get3A_1991 = arith.constant 0 : i32
      %get3A_1992 = arith.index_cast %get3A_1991 : i32 to index
      %get3A_1993 = arith.constant 656 : index
      %get3A_1994 = tpu.vector_load %arg22[%get3A_1992, %get3A_1993] {strides = array<i32>} : memref<4x1024xf32, #tpu.memory_space<vmem>>, vector<16xf32>,
      %mul3A_1995 = vector.broadcast %reduce_sum3A_562 : f32 to vector<16xf32>
      %mul3A_1996 = arith.mulf %mul3A_1995, %get3A_1994 : vector<16xf32>
      %get3A_1997 = arith.constant 1 : i32
      %get3A_1998 = arith.index_cast %get3A_1997 : i32 to index
      %get3A_1999 = arith.constant 656 : index
      %get3A_2000 = tpu.vector_load %arg22[%get3A_1998, %get3A_1999] {strides = array<i32>} : memref<4x1024xf32, #tpu.memory_space<vmem>>, vector<16xf32>,
      %mul3A_2001 = vector.broadcast %reduce_sum3A_594 : f32 to vector<16xf32>
      %mul3A_2002 = arith.mulf %mul3A_2001, %get3A_2000 : vector<16xf32>
      %add3A_2003 = arith.addf %mul3A_1996, %mul3A_2002 : vector<16xf32>
      %get3A_2004 = arith.constant 2 : i32
      %get3A_2005 = arith.index_cast %get3A_2004 : i32 to index
      %get3A_2006 = arith.constant 656 : index
      %get3A_2007 = tpu.vector_load %arg22[%get3A_2005, %get3A_2006] {strides = array<i32>} : memref<4x1024xf32, #tpu.memory_space<vmem>>, vector<16xf32>,
      %mul3A_2008 = vector.broadcast %reduce_sum3A_627 : f32 to vector<16xf32>
      %mul3A_2009 = arith.mulf %mul3A_2008, %get3A_2007 : vector<16xf32>
      %add3A_2010 = arith.addf %add3A_2003, %mul3A_2009 : vector<16xf32>
      %get3A_2011 = arith.constant 3 : i32
      %get3A_2012 = arith.index_cast %get3A_2011 : i32 to index
      %get3A_2013 = arith.constant 656 : index
      %get3A_2014 = tpu.vector_load %arg22[%get3A_2012, %get3A_2013] {strides = array<i32>} : memref<4x1024xf32, #tpu.memory_space<vmem>>, vector<16xf32>,
      %mul3A_2015 = vector.broadcast %reduce_sum3A_660 : f32 to vector<16xf32>
      %mul3A_2016 = arith.mulf %mul3A_2015, %get3A_2014 : vector<16xf32>
      %add3A_2017 = arith.addf %add3A_2010, %mul3A_2016 : vector<16xf32>
      %get3A_2018 = arith.constant 656 : index
      %get3A_2019 = tpu.vector_load %arg23[%get3A_2018] {strides = array<i32>} : memref<1024xf32, #tpu.memory_space<vmem>>, vector<16xf32>,
      %mul3A_2020 = arith.mulf %add3A_2017, %get3A_2019 : vector<16xf32>
      %add3A_2021 = arith.addf %add3A_1990, %mul3A_2020 : vector<16xf32>
      %get3A_2022 = arith.constant 0 : i32
      %get3A_2023 = arith.index_cast %get3A_2022 : i32 to index
      %get3A_2024 = arith.constant 672 : index
      %get3A_2025 = tpu.vector_load %arg22[%get3A_2023, %get3A_2024] {strides = array<i32>} : memref<4x1024xf32, #tpu.memory_space<vmem>>, vector<16xf32>,
      %mul3A_2026 = vector.broadcast %reduce_sum3A_562 : f32 to vector<16xf32>
      %mul3A_2027 = arith.mulf %mul3A_2026, %get3A_2025 : vector<16xf32>
      %get3A_2028 = arith.constant 1 : i32
      %get3A_2029 = arith.index_cast %get3A_2028 : i32 to index
      %get3A_2030 = arith.constant 672 : index
      %get3A_2031 = tpu.vector_load %arg22[%get3A_2029, %get3A_2030] {strides = array<i32>} : memref<4x1024xf32, #tpu.memory_space<vmem>>, vector<16xf32>,
      %mul3A_2032 = vector.broadcast %reduce_sum3A_594 : f32 to vector<16xf32>
      %mul3A_2033 = arith.mulf %mul3A_2032, %get3A_2031 : vector<16xf32>
      %add3A_2034 = arith.addf %mul3A_2027, %mul3A_2033 : vector<16xf32>
      %get3A_2035 = arith.constant 2 : i32
      %get3A_2036 = arith.index_cast %get3A_2035 : i32 to index
      %get3A_2037 = arith.constant 672 : index
      %get3A_2038 = tpu.vector_load %arg22[%get3A_2036, %get3A_2037] {strides = array<i32>} : memref<4x1024xf32, #tpu.memory_space<vmem>>, vector<16xf32>,
      %mul3A_2039 = vector.broadcast %reduce_sum3A_627 : f32 to vector<16xf32>
      %mul3A_2040 = arith.mulf %mul3A_2039, %get3A_2038 : vector<16xf32>
      %add3A_2041 = arith.addf %add3A_2034, %mul3A_2040 : vector<16xf32>
      %get3A_2042 = arith.constant 3 : i32
      %get3A_2043 = arith.index_cast %get3A_2042 : i32 to index
      %get3A_2044 = arith.constant 672 : index
      %get3A_2045 = tpu.vector_load %arg22[%get3A_2043, %get3A_2044] {strides = array<i32>} : memref<4x1024xf32, #tpu.memory_space<vmem>>, vector<16xf32>,
      %mul3A_2046 = vector.broadcast %reduce_sum3A_660 : f32 to vector<16xf32>
      %mul3A_2047 = arith.mulf %mul3A_2046, %get3A_2045 : vector<16xf32>
      %add3A_2048 = arith.addf %add3A_2041, %mul3A_2047 : vector<16xf32>
      %get3A_2049 = arith.constant 672 : index
      %get3A_2050 = tpu.vector_load %arg23[%get3A_2049] {strides = array<i32>} : memref<1024xf32, #tpu.memory_space<vmem>>, vector<16xf32>,
      %mul3A_2051 = arith.mulf %add3A_2048, %get3A_2050 : vector<16xf32>
      %add3A_2052 = arith.addf %add3A_2021, %mul3A_2051 : vector<16xf32>
      %get3A_2053 = arith.constant 0 : i32
      %get3A_2054 = arith.index_cast %get3A_2053 : i32 to index
      %get3A_2055 = arith.constant 688 : index
      %get3A_2056 = tpu.vector_load %arg22[%get3A_2054, %get3A_2055] {strides = array<i32>} : memref<4x1024xf32, #tpu.memory_space<vmem>>, vector<16xf32>,
      %mul3A_2057 = vector.broadcast %reduce_sum3A_562 : f32 to vector<16xf32>
      %mul3A_2058 = arith.mulf %mul3A_2057, %get3A_2056 : vector<16xf32>
      %get3A_2059 = arith.constant 1 : i32
      %get3A_2060 = arith.index_cast %get3A_2059 : i32 to index
      %get3A_2061 = arith.constant 688 : index
      %get3A_2062 = tpu.vector_load %arg22[%get3A_2060, %get3A_2061] {strides = array<i32>} : memref<4x1024xf32, #tpu.memory_space<vmem>>, vector<16xf32>,
      %mul3A_2063 = vector.broadcast %reduce_sum3A_594 : f32 to vector<16xf32>
      %mul3A_2064 = arith.mulf %mul3A_2063, %get3A_2062 : vector<16xf32>
      %add3A_2065 = arith.addf %mul3A_2058, %mul3A_2064 : vector<16xf32>
      %get3A_2066 = arith.constant 2 : i32
      %get3A_2067 = arith.index_cast %get3A_2066 : i32 to index
      %get3A_2068 = arith.constant 688 : index
      %get3A_2069 = tpu.vector_load %arg22[%get3A_2067, %get3A_2068] {strides = array<i32>} : memref<4x1024xf32, #tpu.memory_space<vmem>>, vector<16xf32>,
      %mul3A_2070 = vector.broadcast %reduce_sum3A_627 : f32 to vector<16xf32>
      %mul3A_2071 = arith.mulf %mul3A_2070, %get3A_2069 : vector<16xf32>
      %add3A_2072 = arith.addf %add3A_2065, %mul3A_2071 : vector<16xf32>
      %get3A_2073 = arith.constant 3 : i32
      %get3A_2074 = arith.index_cast %get3A_2073 : i32 to index
      %get3A_2075 = arith.constant 688 : index
      %get3A_2076 = tpu.vector_load %arg22[%get3A_2074, %get3A_2075] {strides = array<i32>} : memref<4x1024xf32, #tpu.memory_space<vmem>>, vector<16xf32>,
      %mul3A_2077 = vector.broadcast %reduce_sum3A_660 : f32 to vector<16xf32>
      %mul3A_2078 = arith.mulf %mul3A_2077, %get3A_2076 : vector<16xf32>
      %add3A_2079 = arith.addf %add3A_2072, %mul3A_2078 : vector<16xf32>
      %get3A_2080 = arith.constant 688 : index
      %get3A_2081 = tpu.vector_load %arg23[%get3A_2080] {strides = array<i32>} : memref<1024xf32, #tpu.memory_space<vmem>>, vector<16xf32>,
      %mul3A_2082 = arith.mulf %add3A_2079, %get3A_2081 : vector<16xf32>
      %add3A_2083 = arith.addf %add3A_2052, %mul3A_2082 : vector<16xf32>
      %get3A_2084 = arith.constant 0 : i32
      %get3A_2085 = arith.index_cast %get3A_2084 : i32 to index
      %get3A_2086 = arith.constant 704 : index
      %get3A_2087 = tpu.vector_load %arg22[%get3A_2085, %get3A_2086] {strides = array<i32>} : memref<4x1024xf32, #tpu.memory_space<vmem>>, vector<16xf32>,
      %mul3A_2088 = vector.broadcast %reduce_sum3A_562 : f32 to vector<16xf32>
      %mul3A_2089 = arith.mulf %mul3A_2088, %get3A_2087 : vector<16xf32>
      %get3A_2090 = arith.constant 1 : i32
      %get3A_2091 = arith.index_cast %get3A_2090 : i32 to index
      %get3A_2092 = arith.constant 704 : index
      %get3A_2093 = tpu.vector_load %arg22[%get3A_2091, %get3A_2092] {strides = array<i32>} : memref<4x1024xf32, #tpu.memory_space<vmem>>, vector<16xf32>,
      %mul3A_2094 = vector.broadcast %reduce_sum3A_594 : f32 to vector<16xf32>
      %mul3A_2095 = arith.mulf %mul3A_2094, %get3A_2093 : vector<16xf32>
      %add3A_2096 = arith.addf %mul3A_2089, %mul3A_2095 : vector<16xf32>
      %get3A_2097 = arith.constant 2 : i32
      %get3A_2098 = arith.index_cast %get3A_2097 : i32 to index
      %get3A_2099 = arith.constant 704 : index
      %get3A_2100 = tpu.vector_load %arg22[%get3A_2098, %get3A_2099] {strides = array<i32>} : memref<4x1024xf32, #tpu.memory_space<vmem>>, vector<16xf32>,
      %mul3A_2101 = vector.broadcast %reduce_sum3A_627 : f32 to vector<16xf32>
      %mul3A_2102 = arith.mulf %mul3A_2101, %get3A_2100 : vector<16xf32>
      %add3A_2103 = arith.addf %add3A_2096, %mul3A_2102 : vector<16xf32>
      %get3A_2104 = arith.constant 3 : i32
      %get3A_2105 = arith.index_cast %get3A_2104 : i32 to index
      %get3A_2106 = arith.constant 704 : index
      %get3A_2107 = tpu.vector_load %arg22[%get3A_2105, %get3A_2106] {strides = array<i32>} : memref<4x1024xf32, #tpu.memory_space<vmem>>, vector<16xf32>,
      %mul3A_2108 = vector.broadcast %reduce_sum3A_660 : f32 to vector<16xf32>
      %mul3A_2109 = arith.mulf %mul3A_2108, %get3A_2107 : vector<16xf32>
      %add3A_2110 = arith.addf %add3A_2103, %mul3A_2109 : vector<16xf32>
      %get3A_2111 = arith.constant 704 : index
      %get3A_2112 = tpu.vector_load %arg23[%get3A_2111] {strides = array<i32>} : memref<1024xf32, #tpu.memory_space<vmem>>, vector<16xf32>,
      %mul3A_2113 = arith.mulf %add3A_2110, %get3A_2112 : vector<16xf32>
      %add3A_2114 = arith.addf %add3A_2083, %mul3A_2113 : vector<16xf32>
      %get3A_2115 = arith.constant 0 : i32
      %get3A_2116 = arith.index_cast %get3A_2115 : i32 to index
      %get3A_2117 = arith.constant 720 : index
      %get3A_2118 = tpu.vector_load %arg22[%get3A_2116, %get3A_2117] {strides = array<i32>} : memref<4x1024xf32, #tpu.memory_space<vmem>>, vector<16xf32>,
      %mul3A_2119 = vector.broadcast %reduce_sum3A_562 : f32 to vector<16xf32>
      %mul3A_2120 = arith.mulf %mul3A_2119, %get3A_2118 : vector<16xf32>
      %get3A_2121 = arith.constant 1 : i32
      %get3A_2122 = arith.index_cast %get3A_2121 : i32 to index
      %get3A_2123 = arith.constant 720 : index
      %get3A_2124 = tpu.vector_load %arg22[%get3A_2122, %get3A_2123] {strides = array<i32>} : memref<4x1024xf32, #tpu.memory_space<vmem>>, vector<16xf32>,
      %mul3A_2125 = vector.broadcast %reduce_sum3A_594 : f32 to vector<16xf32>
      %mul3A_2126 = arith.mulf %mul3A_2125, %get3A_2124 : vector<16xf32>
      %add3A_2127 = arith.addf %mul3A_2120, %mul3A_2126 : vector<16xf32>
      %get3A_2128 = arith.constant 2 : i32
      %get3A_2129 = arith.index_cast %get3A_2128 : i32 to index
      %get3A_2130 = arith.constant 720 : index
      %get3A_2131 = tpu.vector_load %arg22[%get3A_2129, %get3A_2130] {strides = array<i32>} : memref<4x1024xf32, #tpu.memory_space<vmem>>, vector<16xf32>,
      %mul3A_2132 = vector.broadcast %reduce_sum3A_627 : f32 to vector<16xf32>
      %mul3A_2133 = arith.mulf %mul3A_2132, %get3A_2131 : vector<16xf32>
      %add3A_2134 = arith.addf %add3A_2127, %mul3A_2133 : vector<16xf32>
      %get3A_2135 = arith.constant 3 : i32
      %get3A_2136 = arith.index_cast %get3A_2135 : i32 to index
      %get3A_2137 = arith.constant 720 : index
      %get3A_2138 = tpu.vector_load %arg22[%get3A_2136, %get3A_2137] {strides = array<i32>} : memref<4x1024xf32, #tpu.memory_space<vmem>>, vector<16xf32>,
      %mul3A_2139 = vector.broadcast %reduce_sum3A_660 : f32 to vector<16xf32>
      %mul3A_2140 = arith.mulf %mul3A_2139, %get3A_2138 : vector<16xf32>
      %add3A_2141 = arith.addf %add3A_2134, %mul3A_2140 : vector<16xf32>
      %get3A_2142 = arith.constant 720 : index
      %get3A_2143 = tpu.vector_load %arg23[%get3A_2142] {strides = array<i32>} : memref<1024xf32, #tpu.memory_space<vmem>>, vector<16xf32>,
      %mul3A_2144 = arith.mulf %add3A_2141, %get3A_2143 : vector<16xf32>
      %add3A_2145 = arith.addf %add3A_2114, %mul3A_2144 : vector<16xf32>
      %get3A_2146 = arith.constant 0 : i32
      %get3A_2147 = arith.index_cast %get3A_2146 : i32 to index
      %get3A_2148 = arith.constant 736 : index
      %get3A_2149 = tpu.vector_load %arg22[%get3A_2147, %get3A_2148] {strides = array<i32>} : memref<4x1024xf32, #tpu.memory_space<vmem>>, vector<16xf32>,
      %mul3A_2150 = vector.broadcast %reduce_sum3A_562 : f32 to vector<16xf32>
      %mul3A_2151 = arith.mulf %mul3A_2150, %get3A_2149 : vector<16xf32>
      %get3A_2152 = arith.constant 1 : i32
      %get3A_2153 = arith.index_cast %get3A_2152 : i32 to index
      %get3A_2154 = arith.constant 736 : index
      %get3A_2155 = tpu.vector_load %arg22[%get3A_2153, %get3A_2154] {strides = array<i32>} : memref<4x1024xf32, #tpu.memory_space<vmem>>, vector<16xf32>,
      %mul3A_2156 = vector.broadcast %reduce_sum3A_594 : f32 to vector<16xf32>
      %mul3A_2157 = arith.mulf %mul3A_2156, %get3A_2155 : vector<16xf32>
      %add3A_2158 = arith.addf %mul3A_2151, %mul3A_2157 : vector<16xf32>
      %get3A_2159 = arith.constant 2 : i32
      %get3A_2160 = arith.index_cast %get3A_2159 : i32 to index
      %get3A_2161 = arith.constant 736 : index
      %get3A_2162 = tpu.vector_load %arg22[%get3A_2160, %get3A_2161] {strides = array<i32>} : memref<4x1024xf32, #tpu.memory_space<vmem>>, vector<16xf32>,
      %mul3A_2163 = vector.broadcast %reduce_sum3A_627 : f32 to vector<16xf32>
      %mul3A_2164 = arith.mulf %mul3A_2163, %get3A_2162 : vector<16xf32>
      %add3A_2165 = arith.addf %add3A_2158, %mul3A_2164 : vector<16xf32>
      %get3A_2166 = arith.constant 3 : i32
      %get3A_2167 = arith.index_cast %get3A_2166 : i32 to index
      %get3A_2168 = arith.constant 736 : index
      %get3A_2169 = tpu.vector_load %arg22[%get3A_2167, %get3A_2168] {strides = array<i32>} : memref<4x1024xf32, #tpu.memory_space<vmem>>, vector<16xf32>,
      %mul3A_2170 = vector.broadcast %reduce_sum3A_660 : f32 to vector<16xf32>
      %mul3A_2171 = arith.mulf %mul3A_2170, %get3A_2169 : vector<16xf32>
      %add3A_2172 = arith.addf %add3A_2165, %mul3A_2171 : vector<16xf32>
      %get3A_2173 = arith.constant 736 : index
      %get3A_2174 = tpu.vector_load %arg23[%get3A_2173] {strides = array<i32>} : memref<1024xf32, #tpu.memory_space<vmem>>, vector<16xf32>,
      %mul3A_2175 = arith.mulf %add3A_2172, %get3A_2174 : vector<16xf32>
      %add3A_2176 = arith.addf %add3A_2145, %mul3A_2175 : vector<16xf32>
      %get3A_2177 = arith.constant 0 : i32
      %get3A_2178 = arith.index_cast %get3A_2177 : i32 to index
      %get3A_2179 = arith.constant 752 : index
      %get3A_2180 = tpu.vector_load %arg22[%get3A_2178, %get3A_2179] {strides = array<i32>} : memref<4x1024xf32, #tpu.memory_space<vmem>>, vector<16xf32>,
      %mul3A_2181 = vector.broadcast %reduce_sum3A_562 : f32 to vector<16xf32>
      %mul3A_2182 = arith.mulf %mul3A_2181, %get3A_2180 : vector<16xf32>
      %get3A_2183 = arith.constant 1 : i32
      %get3A_2184 = arith.index_cast %get3A_2183 : i32 to index
      %get3A_2185 = arith.constant 752 : index
      %get3A_2186 = tpu.vector_load %arg22[%get3A_2184, %get3A_2185] {strides = array<i32>} : memref<4x1024xf32, #tpu.memory_space<vmem>>, vector<16xf32>,
      %mul3A_2187 = vector.broadcast %reduce_sum3A_594 : f32 to vector<16xf32>
      %mul3A_2188 = arith.mulf %mul3A_2187, %get3A_2186 : vector<16xf32>
      %add3A_2189 = arith.addf %mul3A_2182, %mul3A_2188 : vector<16xf32>
      %get3A_2190 = arith.constant 2 : i32
      %get3A_2191 = arith.index_cast %get3A_2190 : i32 to index
      %get3A_2192 = arith.constant 752 : index
      %get3A_2193 = tpu.vector_load %arg22[%get3A_2191, %get3A_2192] {strides = array<i32>} : memref<4x1024xf32, #tpu.memory_space<vmem>>, vector<16xf32>,
      %mul3A_2194 = vector.broadcast %reduce_sum3A_627 : f32 to vector<16xf32>
      %mul3A_2195 = arith.mulf %mul3A_2194, %get3A_2193 : vector<16xf32>
      %add3A_2196 = arith.addf %add3A_2189, %mul3A_2195 : vector<16xf32>
      %get3A_2197 = arith.constant 3 : i32
      %get3A_2198 = arith.index_cast %get3A_2197 : i32 to index
      %get3A_2199 = arith.constant 752 : index
      %get3A_2200 = tpu.vector_load %arg22[%get3A_2198, %get3A_2199] {strides = array<i32>} : memref<4x1024xf32, #tpu.memory_space<vmem>>, vector<16xf32>,
      %mul3A_2201 = vector.broadcast %reduce_sum3A_660 : f32 to vector<16xf32>
      %mul3A_2202 = arith.mulf %mul3A_2201, %get3A_2200 : vector<16xf32>
      %add3A_2203 = arith.addf %add3A_2196, %mul3A_2202 : vector<16xf32>
      %get3A_2204 = arith.constant 752 : index
      %get3A_2205 = tpu.vector_load %arg23[%get3A_2204] {strides = array<i32>} : memref<1024xf32, #tpu.memory_space<vmem>>, vector<16xf32>,
      %mul3A_2206 = arith.mulf %add3A_2203, %get3A_2205 : vector<16xf32>
      %add3A_2207 = arith.addf %add3A_2176, %mul3A_2206 : vector<16xf32>
      %get3A_2208 = arith.constant 0 : i32
      %get3A_2209 = arith.index_cast %get3A_2208 : i32 to index
      %get3A_2210 = arith.constant 768 : index
      %get3A_2211 = tpu.vector_load %arg22[%get3A_2209, %get3A_2210] {strides = array<i32>} : memref<4x1024xf32, #tpu.memory_space<vmem>>, vector<16xf32>,
      %mul3A_2212 = vector.broadcast %reduce_sum3A_562 : f32 to vector<16xf32>
      %mul3A_2213 = arith.mulf %mul3A_2212, %get3A_2211 : vector<16xf32>
      %get3A_2214 = arith.constant 1 : i32
      %get3A_2215 = arith.index_cast %get3A_2214 : i32 to index
      %get3A_2216 = arith.constant 768 : index
      %get3A_2217 = tpu.vector_load %arg22[%get3A_2215, %get3A_2216] {strides = array<i32>} : memref<4x1024xf32, #tpu.memory_space<vmem>>, vector<16xf32>,
      %mul3A_2218 = vector.broadcast %reduce_sum3A_594 : f32 to vector<16xf32>
      %mul3A_2219 = arith.mulf %mul3A_2218, %get3A_2217 : vector<16xf32>
      %add3A_2220 = arith.addf %mul3A_2213, %mul3A_2219 : vector<16xf32>
      %get3A_2221 = arith.constant 2 : i32
      %get3A_2222 = arith.index_cast %get3A_2221 : i32 to index
      %get3A_2223 = arith.constant 768 : index
      %get3A_2224 = tpu.vector_load %arg22[%get3A_2222, %get3A_2223] {strides = array<i32>} : memref<4x1024xf32, #tpu.memory_space<vmem>>, vector<16xf32>,
      %mul3A_2225 = vector.broadcast %reduce_sum3A_627 : f32 to vector<16xf32>
      %mul3A_2226 = arith.mulf %mul3A_2225, %get3A_2224 : vector<16xf32>
      %add3A_2227 = arith.addf %add3A_2220, %mul3A_2226 : vector<16xf32>
      %get3A_2228 = arith.constant 3 : i32
      %get3A_2229 = arith.index_cast %get3A_2228 : i32 to index
      %get3A_2230 = arith.constant 768 : index
      %get3A_2231 = tpu.vector_load %arg22[%get3A_2229, %get3A_2230] {strides = array<i32>} : memref<4x1024xf32, #tpu.memory_space<vmem>>, vector<16xf32>,
      %mul3A_2232 = vector.broadcast %reduce_sum3A_660 : f32 to vector<16xf32>
      %mul3A_2233 = arith.mulf %mul3A_2232, %get3A_2231 : vector<16xf32>
      %add3A_2234 = arith.addf %add3A_2227, %mul3A_2233 : vector<16xf32>
      %get3A_2235 = arith.constant 768 : index
      %get3A_2236 = tpu.vector_load %arg23[%get3A_2235] {strides = array<i32>} : memref<1024xf32, #tpu.memory_space<vmem>>, vector<16xf32>,
      %mul3A_2237 = arith.mulf %add3A_2234, %get3A_2236 : vector<16xf32>
      %add3A_2238 = arith.addf %add3A_2207, %mul3A_2237 : vector<16xf32>
      %get3A_2239 = arith.constant 0 : i32
      %get3A_2240 = arith.index_cast %get3A_2239 : i32 to index
      %get3A_2241 = arith.constant 784 : index
      %get3A_2242 = tpu.vector_load %arg22[%get3A_2240, %get3A_2241] {strides = array<i32>} : memref<4x1024xf32, #tpu.memory_space<vmem>>, vector<16xf32>,
      %mul3A_2243 = vector.broadcast %reduce_sum3A_562 : f32 to vector<16xf32>
      %mul3A_2244 = arith.mulf %mul3A_2243, %get3A_2242 : vector<16xf32>
      %get3A_2245 = arith.constant 1 : i32
      %get3A_2246 = arith.index_cast %get3A_2245 : i32 to index
      %get3A_2247 = arith.constant 784 : index
      %get3A_2248 = tpu.vector_load %arg22[%get3A_2246, %get3A_2247] {strides = array<i32>} : memref<4x1024xf32, #tpu.memory_space<vmem>>, vector<16xf32>,
      %mul3A_2249 = vector.broadcast %reduce_sum3A_594 : f32 to vector<16xf32>
      %mul3A_2250 = arith.mulf %mul3A_2249, %get3A_2248 : vector<16xf32>
      %add3A_2251 = arith.addf %mul3A_2244, %mul3A_2250 : vector<16xf32>
      %get3A_2252 = arith.constant 2 : i32
      %get3A_2253 = arith.index_cast %get3A_2252 : i32 to index
      %get3A_2254 = arith.constant 784 : index
      %get3A_2255 = tpu.vector_load %arg22[%get3A_2253, %get3A_2254] {strides = array<i32>} : memref<4x1024xf32, #tpu.memory_space<vmem>>, vector<16xf32>,
      %mul3A_2256 = vector.broadcast %reduce_sum3A_627 : f32 to vector<16xf32>
      %mul3A_2257 = arith.mulf %mul3A_2256, %get3A_2255 : vector<16xf32>
      %add3A_2258 = arith.addf %add3A_2251, %mul3A_2257 : vector<16xf32>
      %get3A_2259 = arith.constant 3 : i32
      %get3A_2260 = arith.index_cast %get3A_2259 : i32 to index
      %get3A_2261 = arith.constant 784 : index
      %get3A_2262 = tpu.vector_load %arg22[%get3A_2260, %get3A_2261] {strides = array<i32>} : memref<4x1024xf32, #tpu.memory_space<vmem>>, vector<16xf32>,
      %mul3A_2263 = vector.broadcast %reduce_sum3A_660 : f32 to vector<16xf32>
      %mul3A_2264 = arith.mulf %mul3A_2263, %get3A_2262 : vector<16xf32>
      %add3A_2265 = arith.addf %add3A_2258, %mul3A_2264 : vector<16xf32>
      %get3A_2266 = arith.constant 784 : index
      %get3A_2267 = tpu.vector_load %arg23[%get3A_2266] {strides = array<i32>} : memref<1024xf32, #tpu.memory_space<vmem>>, vector<16xf32>,
      %mul3A_2268 = arith.mulf %add3A_2265, %get3A_2267 : vector<16xf32>
      %add3A_2269 = arith.addf %add3A_2238, %mul3A_2268 : vector<16xf32>
      %get3A_2270 = arith.constant 0 : i32
      %get3A_2271 = arith.index_cast %get3A_2270 : i32 to index
      %get3A_2272 = arith.constant 800 : index
      %get3A_2273 = tpu.vector_load %arg22[%get3A_2271, %get3A_2272] {strides = array<i32>} : memref<4x1024xf32, #tpu.memory_space<vmem>>, vector<16xf32>,
      %mul3A_2274 = vector.broadcast %reduce_sum3A_562 : f32 to vector<16xf32>
      %mul3A_2275 = arith.mulf %mul3A_2274, %get3A_2273 : vector<16xf32>
      %get3A_2276 = arith.constant 1 : i32
      %get3A_2277 = arith.index_cast %get3A_2276 : i32 to index
      %get3A_2278 = arith.constant 800 : index
      %get3A_2279 = tpu.vector_load %arg22[%get3A_2277, %get3A_2278] {strides = array<i32>} : memref<4x1024xf32, #tpu.memory_space<vmem>>, vector<16xf32>,
      %mul3A_2280 = vector.broadcast %reduce_sum3A_594 : f32 to vector<16xf32>
      %mul3A_2281 = arith.mulf %mul3A_2280, %get3A_2279 : vector<16xf32>
      %add3A_2282 = arith.addf %mul3A_2275, %mul3A_2281 : vector<16xf32>
      %get3A_2283 = arith.constant 2 : i32
      %get3A_2284 = arith.index_cast %get3A_2283 : i32 to index
      %get3A_2285 = arith.constant 800 : index
      %get3A_2286 = tpu.vector_load %arg22[%get3A_2284, %get3A_2285] {strides = array<i32>} : memref<4x1024xf32, #tpu.memory_space<vmem>>, vector<16xf32>,
      %mul3A_2287 = vector.broadcast %reduce_sum3A_627 : f32 to vector<16xf32>
      %mul3A_2288 = arith.mulf %mul3A_2287, %get3A_2286 : vector<16xf32>
      %add3A_2289 = arith.addf %add3A_2282, %mul3A_2288 : vector<16xf32>
      %get3A_2290 = arith.constant 3 : i32
      %get3A_2291 = arith.index_cast %get3A_2290 : i32 to index
      %get3A_2292 = arith.constant 800 : index
      %get3A_2293 = tpu.vector_load %arg22[%get3A_2291, %get3A_2292] {strides = array<i32>} : memref<4x1024xf32, #tpu.memory_space<vmem>>, vector<16xf32>,
      %mul3A_2294 = vector.broadcast %reduce_sum3A_660 : f32 to vector<16xf32>
      %mul3A_2295 = arith.mulf %mul3A_2294, %get3A_2293 : vector<16xf32>
      %add3A_2296 = arith.addf %add3A_2289, %mul3A_2295 : vector<16xf32>
      %get3A_2297 = arith.constant 800 : index
      %get3A_2298 = tpu.vector_load %arg23[%get3A_2297] {strides = array<i32>} : memref<1024xf32, #tpu.memory_space<vmem>>, vector<16xf32>,
      %mul3A_2299 = arith.mulf %add3A_2296, %get3A_2298 : vector<16xf32>
      %add3A_2300 = arith.addf %add3A_2269, %mul3A_2299 : vector<16xf32>
      %get3A_2301 = arith.constant 0 : i32
      %get3A_2302 = arith.index_cast %get3A_2301 : i32 to index
      %get3A_2303 = arith.constant 816 : index
      %get3A_2304 = tpu.vector_load %arg22[%get3A_2302, %get3A_2303] {strides = array<i32>} : memref<4x1024xf32, #tpu.memory_space<vmem>>, vector<16xf32>,
      %mul3A_2305 = vector.broadcast %reduce_sum3A_562 : f32 to vector<16xf32>
      %mul3A_2306 = arith.mulf %mul3A_2305, %get3A_2304 : vector<16xf32>
      %get3A_2307 = arith.constant 1 : i32
      %get3A_2308 = arith.index_cast %get3A_2307 : i32 to index
      %get3A_2309 = arith.constant 816 : index
      %get3A_2310 = tpu.vector_load %arg22[%get3A_2308, %get3A_2309] {strides = array<i32>} : memref<4x1024xf32, #tpu.memory_space<vmem>>, vector<16xf32>,
      %mul3A_2311 = vector.broadcast %reduce_sum3A_594 : f32 to vector<16xf32>
      %mul3A_2312 = arith.mulf %mul3A_2311, %get3A_2310 : vector<16xf32>
      %add3A_2313 = arith.addf %mul3A_2306, %mul3A_2312 : vector<16xf32>
      %get3A_2314 = arith.constant 2 : i32
      %get3A_2315 = arith.index_cast %get3A_2314 : i32 to index
      %get3A_2316 = arith.constant 816 : index
      %get3A_2317 = tpu.vector_load %arg22[%get3A_2315, %get3A_2316] {strides = array<i32>} : memref<4x1024xf32, #tpu.memory_space<vmem>>, vector<16xf32>,
      %mul3A_2318 = vector.broadcast %reduce_sum3A_627 : f32 to vector<16xf32>
      %mul3A_2319 = arith.mulf %mul3A_2318, %get3A_2317 : vector<16xf32>
      %add3A_2320 = arith.addf %add3A_2313, %mul3A_2319 : vector<16xf32>
      %get3A_2321 = arith.constant 3 : i32
      %get3A_2322 = arith.index_cast %get3A_2321 : i32 to index
      %get3A_2323 = arith.constant 816 : index
      %get3A_2324 = tpu.vector_load %arg22[%get3A_2322, %get3A_2323] {strides = array<i32>} : memref<4x1024xf32, #tpu.memory_space<vmem>>, vector<16xf32>,
      %mul3A_2325 = vector.broadcast %reduce_sum3A_660 : f32 to vector<16xf32>
      %mul3A_2326 = arith.mulf %mul3A_2325, %get3A_2324 : vector<16xf32>
      %add3A_2327 = arith.addf %add3A_2320, %mul3A_2326 : vector<16xf32>
      %get3A_2328 = arith.constant 816 : index
      %get3A_2329 = tpu.vector_load %arg23[%get3A_2328] {strides = array<i32>} : memref<1024xf32, #tpu.memory_space<vmem>>, vector<16xf32>,
      %mul3A_2330 = arith.mulf %add3A_2327, %get3A_2329 : vector<16xf32>
      %add3A_2331 = arith.addf %add3A_2300, %mul3A_2330 : vector<16xf32>
      %get3A_2332 = arith.constant 0 : i32
      %get3A_2333 = arith.index_cast %get3A_2332 : i32 to index
      %get3A_2334 = arith.constant 832 : index
      %get3A_2335 = tpu.vector_load %arg22[%get3A_2333, %get3A_2334] {strides = array<i32>} : memref<4x1024xf32, #tpu.memory_space<vmem>>, vector<16xf32>,
      %mul3A_2336 = vector.broadcast %reduce_sum3A_562 : f32 to vector<16xf32>
      %mul3A_2337 = arith.mulf %mul3A_2336, %get3A_2335 : vector<16xf32>
      %get3A_2338 = arith.constant 1 : i32
      %get3A_2339 = arith.index_cast %get3A_2338 : i32 to index
      %get3A_2340 = arith.constant 832 : index
      %get3A_2341 = tpu.vector_load %arg22[%get3A_2339, %get3A_2340] {strides = array<i32>} : memref<4x1024xf32, #tpu.memory_space<vmem>>, vector<16xf32>,
      %mul3A_2342 = vector.broadcast %reduce_sum3A_594 : f32 to vector<16xf32>
      %mul3A_2343 = arith.mulf %mul3A_2342, %get3A_2341 : vector<16xf32>
      %add3A_2344 = arith.addf %mul3A_2337, %mul3A_2343 : vector<16xf32>
      %get3A_2345 = arith.constant 2 : i32
      %get3A_2346 = arith.index_cast %get3A_2345 : i32 to index
      %get3A_2347 = arith.constant 832 : index
      %get3A_2348 = tpu.vector_load %arg22[%get3A_2346, %get3A_2347] {strides = array<i32>} : memref<4x1024xf32, #tpu.memory_space<vmem>>, vector<16xf32>,
      %mul3A_2349 = vector.broadcast %reduce_sum3A_627 : f32 to vector<16xf32>
      %mul3A_2350 = arith.mulf %mul3A_2349, %get3A_2348 : vector<16xf32>
      %add3A_2351 = arith.addf %add3A_2344, %mul3A_2350 : vector<16xf32>
      %get3A_2352 = arith.constant 3 : i32
      %get3A_2353 = arith.index_cast %get3A_2352 : i32 to index
      %get3A_2354 = arith.constant 832 : index
      %get3A_2355 = tpu.vector_load %arg22[%get3A_2353, %get3A_2354] {strides = array<i32>} : memref<4x1024xf32, #tpu.memory_space<vmem>>, vector<16xf32>,
      %mul3A_2356 = vector.broadcast %reduce_sum3A_660 : f32 to vector<16xf32>
      %mul3A_2357 = arith.mulf %mul3A_2356, %get3A_2355 : vector<16xf32>
      %add3A_2358 = arith.addf %add3A_2351, %mul3A_2357 : vector<16xf32>
      %get3A_2359 = arith.constant 832 : index
      %get3A_2360 = tpu.vector_load %arg23[%get3A_2359] {strides = array<i32>} : memref<1024xf32, #tpu.memory_space<vmem>>, vector<16xf32>,
      %mul3A_2361 = arith.mulf %add3A_2358, %get3A_2360 : vector<16xf32>
      %add3A_2362 = arith.addf %add3A_2331, %mul3A_2361 : vector<16xf32>
      %get3A_2363 = arith.constant 0 : i32
      %get3A_2364 = arith.index_cast %get3A_2363 : i32 to index
      %get3A_2365 = arith.constant 848 : index
      %get3A_2366 = tpu.vector_load %arg22[%get3A_2364, %get3A_2365] {strides = array<i32>} : memref<4x1024xf32, #tpu.memory_space<vmem>>, vector<16xf32>,
      %mul3A_2367 = vector.broadcast %reduce_sum3A_562 : f32 to vector<16xf32>
      %mul3A_2368 = arith.mulf %mul3A_2367, %get3A_2366 : vector<16xf32>
      %get3A_2369 = arith.constant 1 : i32
      %get3A_2370 = arith.index_cast %get3A_2369 : i32 to index
      %get3A_2371 = arith.constant 848 : index
      %get3A_2372 = tpu.vector_load %arg22[%get3A_2370, %get3A_2371] {strides = array<i32>} : memref<4x1024xf32, #tpu.memory_space<vmem>>, vector<16xf32>,
      %mul3A_2373 = vector.broadcast %reduce_sum3A_594 : f32 to vector<16xf32>
      %mul3A_2374 = arith.mulf %mul3A_2373, %get3A_2372 : vector<16xf32>
      %add3A_2375 = arith.addf %mul3A_2368, %mul3A_2374 : vector<16xf32>
      %get3A_2376 = arith.constant 2 : i32
      %get3A_2377 = arith.index_cast %get3A_2376 : i32 to index
      %get3A_2378 = arith.constant 848 : index
      %get3A_2379 = tpu.vector_load %arg22[%get3A_2377, %get3A_2378] {strides = array<i32>} : memref<4x1024xf32, #tpu.memory_space<vmem>>, vector<16xf32>,
      %mul3A_2380 = vector.broadcast %reduce_sum3A_627 : f32 to vector<16xf32>
      %mul3A_2381 = arith.mulf %mul3A_2380, %get3A_2379 : vector<16xf32>
      %add3A_2382 = arith.addf %add3A_2375, %mul3A_2381 : vector<16xf32>
      %get3A_2383 = arith.constant 3 : i32
      %get3A_2384 = arith.index_cast %get3A_2383 : i32 to index
      %get3A_2385 = arith.constant 848 : index
      %get3A_2386 = tpu.vector_load %arg22[%get3A_2384, %get3A_2385] {strides = array<i32>} : memref<4x1024xf32, #tpu.memory_space<vmem>>, vector<16xf32>,
      %mul3A_2387 = vector.broadcast %reduce_sum3A_660 : f32 to vector<16xf32>
      %mul3A_2388 = arith.mulf %mul3A_2387, %get3A_2386 : vector<16xf32>
      %add3A_2389 = arith.addf %add3A_2382, %mul3A_2388 : vector<16xf32>
      %get3A_2390 = arith.constant 848 : index
      %get3A_2391 = tpu.vector_load %arg23[%get3A_2390] {strides = array<i32>} : memref<1024xf32, #tpu.memory_space<vmem>>, vector<16xf32>,
      %mul3A_2392 = arith.mulf %add3A_2389, %get3A_2391 : vector<16xf32>
      %add3A_2393 = arith.addf %add3A_2362, %mul3A_2392 : vector<16xf32>
      %get3A_2394 = arith.constant 0 : i32
      %get3A_2395 = arith.index_cast %get3A_2394 : i32 to index
      %get3A_2396 = arith.constant 864 : index
      %get3A_2397 = tpu.vector_load %arg22[%get3A_2395, %get3A_2396] {strides = array<i32>} : memref<4x1024xf32, #tpu.memory_space<vmem>>, vector<16xf32>,
      %mul3A_2398 = vector.broadcast %reduce_sum3A_562 : f32 to vector<16xf32>
      %mul3A_2399 = arith.mulf %mul3A_2398, %get3A_2397 : vector<16xf32>
      %get3A_2400 = arith.constant 1 : i32
      %get3A_2401 = arith.index_cast %get3A_2400 : i32 to index
      %get3A_2402 = arith.constant 864 : index
      %get3A_2403 = tpu.vector_load %arg22[%get3A_2401, %get3A_2402] {strides = array<i32>} : memref<4x1024xf32, #tpu.memory_space<vmem>>, vector<16xf32>,
      %mul3A_2404 = vector.broadcast %reduce_sum3A_594 : f32 to vector<16xf32>
      %mul3A_2405 = arith.mulf %mul3A_2404, %get3A_2403 : vector<16xf32>
      %add3A_2406 = arith.addf %mul3A_2399, %mul3A_2405 : vector<16xf32>
      %get3A_2407 = arith.constant 2 : i32
      %get3A_2408 = arith.index_cast %get3A_2407 : i32 to index
      %get3A_2409 = arith.constant 864 : index
      %get3A_2410 = tpu.vector_load %arg22[%get3A_2408, %get3A_2409] {strides = array<i32>} : memref<4x1024xf32, #tpu.memory_space<vmem>>, vector<16xf32>,
      %mul3A_2411 = vector.broadcast %reduce_sum3A_627 : f32 to vector<16xf32>
      %mul3A_2412 = arith.mulf %mul3A_2411, %get3A_2410 : vector<16xf32>
      %add3A_2413 = arith.addf %add3A_2406, %mul3A_2412 : vector<16xf32>
      %get3A_2414 = arith.constant 3 : i32
      %get3A_2415 = arith.index_cast %get3A_2414 : i32 to index
      %get3A_2416 = arith.constant 864 : index
      %get3A_2417 = tpu.vector_load %arg22[%get3A_2415, %get3A_2416] {strides = array<i32>} : memref<4x1024xf32, #tpu.memory_space<vmem>>, vector<16xf32>,
      %mul3A_2418 = vector.broadcast %reduce_sum3A_660 : f32 to vector<16xf32>
      %mul3A_2419 = arith.mulf %mul3A_2418, %get3A_2417 : vector<16xf32>
      %add3A_2420 = arith.addf %add3A_2413, %mul3A_2419 : vector<16xf32>
      %get3A_2421 = arith.constant 864 : index
      %get3A_2422 = tpu.vector_load %arg23[%get3A_2421] {strides = array<i32>} : memref<1024xf32, #tpu.memory_space<vmem>>, vector<16xf32>,
      %mul3A_2423 = arith.mulf %add3A_2420, %get3A_2422 : vector<16xf32>
      %add3A_2424 = arith.addf %add3A_2393, %mul3A_2423 : vector<16xf32>
      %get3A_2425 = arith.constant 0 : i32
      %get3A_2426 = arith.index_cast %get3A_2425 : i32 to index
      %get3A_2427 = arith.constant 880 : index
      %get3A_2428 = tpu.vector_load %arg22[%get3A_2426, %get3A_2427] {strides = array<i32>} : memref<4x1024xf32, #tpu.memory_space<vmem>>, vector<16xf32>,
      %mul3A_2429 = vector.broadcast %reduce_sum3A_562 : f32 to vector<16xf32>
      %mul3A_2430 = arith.mulf %mul3A_2429, %get3A_2428 : vector<16xf32>
      %get3A_2431 = arith.constant 1 : i32
      %get3A_2432 = arith.index_cast %get3A_2431 : i32 to index
      %get3A_2433 = arith.constant 880 : index
      %get3A_2434 = tpu.vector_load %arg22[%get3A_2432, %get3A_2433] {strides = array<i32>} : memref<4x1024xf32, #tpu.memory_space<vmem>>, vector<16xf32>,
      %mul3A_2435 = vector.broadcast %reduce_sum3A_594 : f32 to vector<16xf32>
      %mul3A_2436 = arith.mulf %mul3A_2435, %get3A_2434 : vector<16xf32>
      %add3A_2437 = arith.addf %mul3A_2430, %mul3A_2436 : vector<16xf32>
      %get3A_2438 = arith.constant 2 : i32
      %get3A_2439 = arith.index_cast %get3A_2438 : i32 to index
      %get3A_2440 = arith.constant 880 : index
      %get3A_2441 = tpu.vector_load %arg22[%get3A_2439, %get3A_2440] {strides = array<i32>} : memref<4x1024xf32, #tpu.memory_space<vmem>>, vector<16xf32>,
      %mul3A_2442 = vector.broadcast %reduce_sum3A_627 : f32 to vector<16xf32>
      %mul3A_2443 = arith.mulf %mul3A_2442, %get3A_2441 : vector<16xf32>
      %add3A_2444 = arith.addf %add3A_2437, %mul3A_2443 : vector<16xf32>
      %get3A_2445 = arith.constant 3 : i32
      %get3A_2446 = arith.index_cast %get3A_2445 : i32 to index
      %get3A_2447 = arith.constant 880 : index
      %get3A_2448 = tpu.vector_load %arg22[%get3A_2446, %get3A_2447] {strides = array<i32>} : memref<4x1024xf32, #tpu.memory_space<vmem>>, vector<16xf32>,
      %mul3A_2449 = vector.broadcast %reduce_sum3A_660 : f32 to vector<16xf32>
      %mul3A_2450 = arith.mulf %mul3A_2449, %get3A_2448 : vector<16xf32>
      %add3A_2451 = arith.addf %add3A_2444, %mul3A_2450 : vector<16xf32>
      %get3A_2452 = arith.constant 880 : index
      %get3A_2453 = tpu.vector_load %arg23[%get3A_2452] {strides = array<i32>} : memref<1024xf32, #tpu.memory_space<vmem>>, vector<16xf32>,
      %mul3A_2454 = arith.mulf %add3A_2451, %get3A_2453 : vector<16xf32>
      %add3A_2455 = arith.addf %add3A_2424, %mul3A_2454 : vector<16xf32>
      %get3A_2456 = arith.constant 0 : i32
      %get3A_2457 = arith.index_cast %get3A_2456 : i32 to index
      %get3A_2458 = arith.constant 896 : index
      %get3A_2459 = tpu.vector_load %arg22[%get3A_2457, %get3A_2458] {strides = array<i32>} : memref<4x1024xf32, #tpu.memory_space<vmem>>, vector<16xf32>,
      %mul3A_2460 = vector.broadcast %reduce_sum3A_562 : f32 to vector<16xf32>
      %mul3A_2461 = arith.mulf %mul3A_2460, %get3A_2459 : vector<16xf32>
      %get3A_2462 = arith.constant 1 : i32
      %get3A_2463 = arith.index_cast %get3A_2462 : i32 to index
      %get3A_2464 = arith.constant 896 : index
      %get3A_2465 = tpu.vector_load %arg22[%get3A_2463, %get3A_2464] {strides = array<i32>} : memref<4x1024xf32, #tpu.memory_space<vmem>>, vector<16xf32>,
      %mul3A_2466 = vector.broadcast %reduce_sum3A_594 : f32 to vector<16xf32>
      %mul3A_2467 = arith.mulf %mul3A_2466, %get3A_2465 : vector<16xf32>
      %add3A_2468 = arith.addf %mul3A_2461, %mul3A_2467 : vector<16xf32>
      %get3A_2469 = arith.constant 2 : i32
      %get3A_2470 = arith.index_cast %get3A_2469 : i32 to index
      %get3A_2471 = arith.constant 896 : index
      %get3A_2472 = tpu.vector_load %arg22[%get3A_2470, %get3A_2471] {strides = array<i32>} : memref<4x1024xf32, #tpu.memory_space<vmem>>, vector<16xf32>,
      %mul3A_2473 = vector.broadcast %reduce_sum3A_627 : f32 to vector<16xf32>
      %mul3A_2474 = arith.mulf %mul3A_2473, %get3A_2472 : vector<16xf32>
      %add3A_2475 = arith.addf %add3A_2468, %mul3A_2474 : vector<16xf32>
      %get3A_2476 = arith.constant 3 : i32
      %get3A_2477 = arith.index_cast %get3A_2476 : i32 to index
      %get3A_2478 = arith.constant 896 : index
      %get3A_2479 = tpu.vector_load %arg22[%get3A_2477, %get3A_2478] {strides = array<i32>} : memref<4x1024xf32, #tpu.memory_space<vmem>>, vector<16xf32>,
      %mul3A_2480 = vector.broadcast %reduce_sum3A_660 : f32 to vector<16xf32>
      %mul3A_2481 = arith.mulf %mul3A_2480, %get3A_2479 : vector<16xf32>
      %add3A_2482 = arith.addf %add3A_2475, %mul3A_2481 : vector<16xf32>
      %get3A_2483 = arith.constant 896 : index
      %get3A_2484 = tpu.vector_load %arg23[%get3A_2483] {strides = array<i32>} : memref<1024xf32, #tpu.memory_space<vmem>>, vector<16xf32>,
      %mul3A_2485 = arith.mulf %add3A_2482, %get3A_2484 : vector<16xf32>
      %add3A_2486 = arith.addf %add3A_2455, %mul3A_2485 : vector<16xf32>
      %get3A_2487 = arith.constant 0 : i32
      %get3A_2488 = arith.index_cast %get3A_2487 : i32 to index
      %get3A_2489 = arith.constant 912 : index
      %get3A_2490 = tpu.vector_load %arg22[%get3A_2488, %get3A_2489] {strides = array<i32>} : memref<4x1024xf32, #tpu.memory_space<vmem>>, vector<16xf32>,
      %mul3A_2491 = vector.broadcast %reduce_sum3A_562 : f32 to vector<16xf32>
      %mul3A_2492 = arith.mulf %mul3A_2491, %get3A_2490 : vector<16xf32>
      %get3A_2493 = arith.constant 1 : i32
      %get3A_2494 = arith.index_cast %get3A_2493 : i32 to index
      %get3A_2495 = arith.constant 912 : index
      %get3A_2496 = tpu.vector_load %arg22[%get3A_2494, %get3A_2495] {strides = array<i32>} : memref<4x1024xf32, #tpu.memory_space<vmem>>, vector<16xf32>,
      %mul3A_2497 = vector.broadcast %reduce_sum3A_594 : f32 to vector<16xf32>
      %mul3A_2498 = arith.mulf %mul3A_2497, %get3A_2496 : vector<16xf32>
      %add3A_2499 = arith.addf %mul3A_2492, %mul3A_2498 : vector<16xf32>
      %get3A_2500 = arith.constant 2 : i32
      %get3A_2501 = arith.index_cast %get3A_2500 : i32 to index
      %get3A_2502 = arith.constant 912 : index
      %get3A_2503 = tpu.vector_load %arg22[%get3A_2501, %get3A_2502] {strides = array<i32>} : memref<4x1024xf32, #tpu.memory_space<vmem>>, vector<16xf32>,
      %mul3A_2504 = vector.broadcast %reduce_sum3A_627 : f32 to vector<16xf32>
      %mul3A_2505 = arith.mulf %mul3A_2504, %get3A_2503 : vector<16xf32>
      %add3A_2506 = arith.addf %add3A_2499, %mul3A_2505 : vector<16xf32>
      %get3A_2507 = arith.constant 3 : i32
      %get3A_2508 = arith.index_cast %get3A_2507 : i32 to index
      %get3A_2509 = arith.constant 912 : index
      %get3A_2510 = tpu.vector_load %arg22[%get3A_2508, %get3A_2509] {strides = array<i32>} : memref<4x1024xf32, #tpu.memory_space<vmem>>, vector<16xf32>,
      %mul3A_2511 = vector.broadcast %reduce_sum3A_660 : f32 to vector<16xf32>
      %mul3A_2512 = arith.mulf %mul3A_2511, %get3A_2510 : vector<16xf32>
      %add3A_2513 = arith.addf %add3A_2506, %mul3A_2512 : vector<16xf32>
      %get3A_2514 = arith.constant 912 : index
      %get3A_2515 = tpu.vector_load %arg23[%get3A_2514] {strides = array<i32>} : memref<1024xf32, #tpu.memory_space<vmem>>, vector<16xf32>,
      %mul3A_2516 = arith.mulf %add3A_2513, %get3A_2515 : vector<16xf32>
      %add3A_2517 = arith.addf %add3A_2486, %mul3A_2516 : vector<16xf32>
      %get3A_2518 = arith.constant 0 : i32
      %get3A_2519 = arith.index_cast %get3A_2518 : i32 to index
      %get3A_2520 = arith.constant 928 : index
      %get3A_2521 = tpu.vector_load %arg22[%get3A_2519, %get3A_2520] {strides = array<i32>} : memref<4x1024xf32, #tpu.memory_space<vmem>>, vector<16xf32>,
      %mul3A_2522 = vector.broadcast %reduce_sum3A_562 : f32 to vector<16xf32>
      %mul3A_2523 = arith.mulf %mul3A_2522, %get3A_2521 : vector<16xf32>
      %get3A_2524 = arith.constant 1 : i32
      %get3A_2525 = arith.index_cast %get3A_2524 : i32 to index
      %get3A_2526 = arith.constant 928 : index
      %get3A_2527 = tpu.vector_load %arg22[%get3A_2525, %get3A_2526] {strides = array<i32>} : memref<4x1024xf32, #tpu.memory_space<vmem>>, vector<16xf32>,
      %mul3A_2528 = vector.broadcast %reduce_sum3A_594 : f32 to vector<16xf32>
      %mul3A_2529 = arith.mulf %mul3A_2528, %get3A_2527 : vector<16xf32>
      %add3A_2530 = arith.addf %mul3A_2523, %mul3A_2529 : vector<16xf32>
      %get3A_2531 = arith.constant 2 : i32
      %get3A_2532 = arith.index_cast %get3A_2531 : i32 to index
      %get3A_2533 = arith.constant 928 : index
      %get3A_2534 = tpu.vector_load %arg22[%get3A_2532, %get3A_2533] {strides = array<i32>} : memref<4x1024xf32, #tpu.memory_space<vmem>>, vector<16xf32>,
      %mul3A_2535 = vector.broadcast %reduce_sum3A_627 : f32 to vector<16xf32>
      %mul3A_2536 = arith.mulf %mul3A_2535, %get3A_2534 : vector<16xf32>
      %add3A_2537 = arith.addf %add3A_2530, %mul3A_2536 : vector<16xf32>
      %get3A_2538 = arith.constant 3 : i32
      %get3A_2539 = arith.index_cast %get3A_2538 : i32 to index
      %get3A_2540 = arith.constant 928 : index
      %get3A_2541 = tpu.vector_load %arg22[%get3A_2539, %get3A_2540] {strides = array<i32>} : memref<4x1024xf32, #tpu.memory_space<vmem>>, vector<16xf32>,
      %mul3A_2542 = vector.broadcast %reduce_sum3A_660 : f32 to vector<16xf32>
      %mul3A_2543 = arith.mulf %mul3A_2542, %get3A_2541 : vector<16xf32>
      %add3A_2544 = arith.addf %add3A_2537, %mul3A_2543 : vector<16xf32>
      %get3A_2545 = arith.constant 928 : index
      %get3A_2546 = tpu.vector_load %arg23[%get3A_2545] {strides = array<i32>} : memref<1024xf32, #tpu.memory_space<vmem>>, vector<16xf32>,
      %mul3A_2547 = arith.mulf %add3A_2544, %get3A_2546 : vector<16xf32>
      %add3A_2548 = arith.addf %add3A_2517, %mul3A_2547 : vector<16xf32>
      %get3A_2549 = arith.constant 0 : i32
      %get3A_2550 = arith.index_cast %get3A_2549 : i32 to index
      %get3A_2551 = arith.constant 944 : index
      %get3A_2552 = tpu.vector_load %arg22[%get3A_2550, %get3A_2551] {strides = array<i32>} : memref<4x1024xf32, #tpu.memory_space<vmem>>, vector<16xf32>,
      %mul3A_2553 = vector.broadcast %reduce_sum3A_562 : f32 to vector<16xf32>
      %mul3A_2554 = arith.mulf %mul3A_2553, %get3A_2552 : vector<16xf32>
      %get3A_2555 = arith.constant 1 : i32
      %get3A_2556 = arith.index_cast %get3A_2555 : i32 to index
      %get3A_2557 = arith.constant 944 : index
      %get3A_2558 = tpu.vector_load %arg22[%get3A_2556, %get3A_2557] {strides = array<i32>} : memref<4x1024xf32, #tpu.memory_space<vmem>>, vector<16xf32>,
      %mul3A_2559 = vector.broadcast %reduce_sum3A_594 : f32 to vector<16xf32>
      %mul3A_2560 = arith.mulf %mul3A_2559, %get3A_2558 : vector<16xf32>
      %add3A_2561 = arith.addf %mul3A_2554, %mul3A_2560 : vector<16xf32>
      %get3A_2562 = arith.constant 2 : i32
      %get3A_2563 = arith.index_cast %get3A_2562 : i32 to index
      %get3A_2564 = arith.constant 944 : index
      %get3A_2565 = tpu.vector_load %arg22[%get3A_2563, %get3A_2564] {strides = array<i32>} : memref<4x1024xf32, #tpu.memory_space<vmem>>, vector<16xf32>,
      %mul3A_2566 = vector.broadcast %reduce_sum3A_627 : f32 to vector<16xf32>
      %mul3A_2567 = arith.mulf %mul3A_2566, %get3A_2565 : vector<16xf32>
      %add3A_2568 = arith.addf %add3A_2561, %mul3A_2567 : vector<16xf32>
      %get3A_2569 = arith.constant 3 : i32
      %get3A_2570 = arith.index_cast %get3A_2569 : i32 to index
      %get3A_2571 = arith.constant 944 : index
      %get3A_2572 = tpu.vector_load %arg22[%get3A_2570, %get3A_2571] {strides = array<i32>} : memref<4x1024xf32, #tpu.memory_space<vmem>>, vector<16xf32>,
      %mul3A_2573 = vector.broadcast %reduce_sum3A_660 : f32 to vector<16xf32>
      %mul3A_2574 = arith.mulf %mul3A_2573, %get3A_2572 : vector<16xf32>
      %add3A_2575 = arith.addf %add3A_2568, %mul3A_2574 : vector<16xf32>
      %get3A_2576 = arith.constant 944 : index
      %get3A_2577 = tpu.vector_load %arg23[%get3A_2576] {strides = array<i32>} : memref<1024xf32, #tpu.memory_space<vmem>>, vector<16xf32>,
      %mul3A_2578 = arith.mulf %add3A_2575, %get3A_2577 : vector<16xf32>
      %add3A_2579 = arith.addf %add3A_2548, %mul3A_2578 : vector<16xf32>
      %get3A_2580 = arith.constant 0 : i32
      %get3A_2581 = arith.index_cast %get3A_2580 : i32 to index
      %get3A_2582 = arith.constant 960 : index
      %get3A_2583 = tpu.vector_load %arg22[%get3A_2581, %get3A_2582] {strides = array<i32>} : memref<4x1024xf32, #tpu.memory_space<vmem>>, vector<16xf32>,
      %mul3A_2584 = vector.broadcast %reduce_sum3A_562 : f32 to vector<16xf32>
      %mul3A_2585 = arith.mulf %mul3A_2584, %get3A_2583 : vector<16xf32>
      %get3A_2586 = arith.constant 1 : i32
      %get3A_2587 = arith.index_cast %get3A_2586 : i32 to index
      %get3A_2588 = arith.constant 960 : index
      %get3A_2589 = tpu.vector_load %arg22[%get3A_2587, %get3A_2588] {strides = array<i32>} : memref<4x1024xf32, #tpu.memory_space<vmem>>, vector<16xf32>,
      %mul3A_2590 = vector.broadcast %reduce_sum3A_594 : f32 to vector<16xf32>
      %mul3A_2591 = arith.mulf %mul3A_2590, %get3A_2589 : vector<16xf32>
      %add3A_2592 = arith.addf %mul3A_2585, %mul3A_2591 : vector<16xf32>
      %get3A_2593 = arith.constant 2 : i32
      %get3A_2594 = arith.index_cast %get3A_2593 : i32 to index
      %get3A_2595 = arith.constant 960 : index
      %get3A_2596 = tpu.vector_load %arg22[%get3A_2594, %get3A_2595] {strides = array<i32>} : memref<4x1024xf32, #tpu.memory_space<vmem>>, vector<16xf32>,
      %mul3A_2597 = vector.broadcast %reduce_sum3A_627 : f32 to vector<16xf32>
      %mul3A_2598 = arith.mulf %mul3A_2597, %get3A_2596 : vector<16xf32>
      %add3A_2599 = arith.addf %add3A_2592, %mul3A_2598 : vector<16xf32>
      %get3A_2600 = arith.constant 3 : i32
      %get3A_2601 = arith.index_cast %get3A_2600 : i32 to index
      %get3A_2602 = arith.constant 960 : index
      %get3A_2603 = tpu.vector_load %arg22[%get3A_2601, %get3A_2602] {strides = array<i32>} : memref<4x1024xf32, #tpu.memory_space<vmem>>, vector<16xf32>,
      %mul3A_2604 = vector.broadcast %reduce_sum3A_660 : f32 to vector<16xf32>
      %mul3A_2605 = arith.mulf %mul3A_2604, %get3A_2603 : vector<16xf32>
      %add3A_2606 = arith.addf %add3A_2599, %mul3A_2605 : vector<16xf32>
      %get3A_2607 = arith.constant 960 : index
      %get3A_2608 = tpu.vector_load %arg23[%get3A_2607] {strides = array<i32>} : memref<1024xf32, #tpu.memory_space<vmem>>, vector<16xf32>,
      %mul3A_2609 = arith.mulf %add3A_2606, %get3A_2608 : vector<16xf32>
      %add3A_2610 = arith.addf %add3A_2579, %mul3A_2609 : vector<16xf32>
      %get3A_2611 = arith.constant 0 : i32
      %get3A_2612 = arith.index_cast %get3A_2611 : i32 to index
      %get3A_2613 = arith.constant 976 : index
      %get3A_2614 = tpu.vector_load %arg22[%get3A_2612, %get3A_2613] {strides = array<i32>} : memref<4x1024xf32, #tpu.memory_space<vmem>>, vector<16xf32>,
      %mul3A_2615 = vector.broadcast %reduce_sum3A_562 : f32 to vector<16xf32>
      %mul3A_2616 = arith.mulf %mul3A_2615, %get3A_2614 : vector<16xf32>
      %get3A_2617 = arith.constant 1 : i32
      %get3A_2618 = arith.index_cast %get3A_2617 : i32 to index
      %get3A_2619 = arith.constant 976 : index
      %get3A_2620 = tpu.vector_load %arg22[%get3A_2618, %get3A_2619] {strides = array<i32>} : memref<4x1024xf32, #tpu.memory_space<vmem>>, vector<16xf32>,
      %mul3A_2621 = vector.broadcast %reduce_sum3A_594 : f32 to vector<16xf32>
      %mul3A_2622 = arith.mulf %mul3A_2621, %get3A_2620 : vector<16xf32>
      %add3A_2623 = arith.addf %mul3A_2616, %mul3A_2622 : vector<16xf32>
      %get3A_2624 = arith.constant 2 : i32
      %get3A_2625 = arith.index_cast %get3A_2624 : i32 to index
      %get3A_2626 = arith.constant 976 : index
      %get3A_2627 = tpu.vector_load %arg22[%get3A_2625, %get3A_2626] {strides = array<i32>} : memref<4x1024xf32, #tpu.memory_space<vmem>>, vector<16xf32>,
      %mul3A_2628 = vector.broadcast %reduce_sum3A_627 : f32 to vector<16xf32>
      %mul3A_2629 = arith.mulf %mul3A_2628, %get3A_2627 : vector<16xf32>
      %add3A_2630 = arith.addf %add3A_2623, %mul3A_2629 : vector<16xf32>
      %get3A_2631 = arith.constant 3 : i32
      %get3A_2632 = arith.index_cast %get3A_2631 : i32 to index
      %get3A_2633 = arith.constant 976 : index
      %get3A_2634 = tpu.vector_load %arg22[%get3A_2632, %get3A_2633] {strides = array<i32>} : memref<4x1024xf32, #tpu.memory_space<vmem>>, vector<16xf32>,
      %mul3A_2635 = vector.broadcast %reduce_sum3A_660 : f32 to vector<16xf32>
      %mul3A_2636 = arith.mulf %mul3A_2635, %get3A_2634 : vector<16xf32>
      %add3A_2637 = arith.addf %add3A_2630, %mul3A_2636 : vector<16xf32>
      %get3A_2638 = arith.constant 976 : index
      %get3A_2639 = tpu.vector_load %arg23[%get3A_2638] {strides = array<i32>} : memref<1024xf32, #tpu.memory_space<vmem>>, vector<16xf32>,
      %mul3A_2640 = arith.mulf %add3A_2637, %get3A_2639 : vector<16xf32>
      %add3A_2641 = arith.addf %add3A_2610, %mul3A_2640 : vector<16xf32>
      %get3A_2642 = arith.constant 0 : i32
      %get3A_2643 = arith.index_cast %get3A_2642 : i32 to index
      %get3A_2644 = arith.constant 992 : index
      %get3A_2645 = tpu.vector_load %arg22[%get3A_2643, %get3A_2644] {strides = array<i32>} : memref<4x1024xf32, #tpu.memory_space<vmem>>, vector<16xf32>,
      %mul3A_2646 = vector.broadcast %reduce_sum3A_562 : f32 to vector<16xf32>
      %mul3A_2647 = arith.mulf %mul3A_2646, %get3A_2645 : vector<16xf32>
      %get3A_2648 = arith.constant 1 : i32
      %get3A_2649 = arith.index_cast %get3A_2648 : i32 to index
      %get3A_2650 = arith.constant 992 : index
      %get3A_2651 = tpu.vector_load %arg22[%get3A_2649, %get3A_2650] {strides = array<i32>} : memref<4x1024xf32, #tpu.memory_space<vmem>>, vector<16xf32>,
      %mul3A_2652 = vector.broadcast %reduce_sum3A_594 : f32 to vector<16xf32>
      %mul3A_2653 = arith.mulf %mul3A_2652, %get3A_2651 : vector<16xf32>
      %add3A_2654 = arith.addf %mul3A_2647, %mul3A_2653 : vector<16xf32>
      %get3A_2655 = arith.constant 2 : i32
      %get3A_2656 = arith.index_cast %get3A_2655 : i32 to index
      %get3A_2657 = arith.constant 992 : index
      %get3A_2658 = tpu.vector_load %arg22[%get3A_2656, %get3A_2657] {strides = array<i32>} : memref<4x1024xf32, #tpu.memory_space<vmem>>, vector<16xf32>,
      %mul3A_2659 = vector.broadcast %reduce_sum3A_627 : f32 to vector<16xf32>
      %mul3A_2660 = arith.mulf %mul3A_2659, %get3A_2658 : vector<16xf32>
      %add3A_2661 = arith.addf %add3A_2654, %mul3A_2660 : vector<16xf32>
      %get3A_2662 = arith.constant 3 : i32
      %get3A_2663 = arith.index_cast %get3A_2662 : i32 to index
      %get3A_2664 = arith.constant 992 : index
      %get3A_2665 = tpu.vector_load %arg22[%get3A_2663, %get3A_2664] {strides = array<i32>} : memref<4x1024xf32, #tpu.memory_space<vmem>>, vector<16xf32>,
      %mul3A_2666 = vector.broadcast %reduce_sum3A_660 : f32 to vector<16xf32>
      %mul3A_2667 = arith.mulf %mul3A_2666, %get3A_2665 : vector<16xf32>
      %add3A_2668 = arith.addf %add3A_2661, %mul3A_2667 : vector<16xf32>
      %get3A_2669 = arith.constant 992 : index
      %get3A_2670 = tpu.vector_load %arg23[%get3A_2669] {strides = array<i32>} : memref<1024xf32, #tpu.memory_space<vmem>>, vector<16xf32>,
      %mul3A_2671 = arith.mulf %add3A_2668, %get3A_2670 : vector<16xf32>
      %add3A_2672 = arith.addf %add3A_2641, %mul3A_2671 : vector<16xf32>
      %get3A_2673 = arith.constant 0 : i32
      %get3A_2674 = arith.index_cast %get3A_2673 : i32 to index
      %get3A_2675 = arith.constant 1008 : index
      %get3A_2676 = tpu.vector_load %arg22[%get3A_2674, %get3A_2675] {strides = array<i32>} : memref<4x1024xf32, #tpu.memory_space<vmem>>, vector<16xf32>,
      %mul3A_2677 = vector.broadcast %reduce_sum3A_562 : f32 to vector<16xf32>
      %mul3A_2678 = arith.mulf %mul3A_2677, %get3A_2676 : vector<16xf32>
      %get3A_2679 = arith.constant 1 : i32
      %get3A_2680 = arith.index_cast %get3A_2679 : i32 to index
      %get3A_2681 = arith.constant 1008 : index
      %get3A_2682 = tpu.vector_load %arg22[%get3A_2680, %get3A_2681] {strides = array<i32>} : memref<4x1024xf32, #tpu.memory_space<vmem>>, vector<16xf32>,
      %mul3A_2683 = vector.broadcast %reduce_sum3A_594 : f32 to vector<16xf32>
      %mul3A_2684 = arith.mulf %mul3A_2683, %get3A_2682 : vector<16xf32>
      %add3A_2685 = arith.addf %mul3A_2678, %mul3A_2684 : vector<16xf32>
      %get3A_2686 = arith.constant 2 : i32
      %get3A_2687 = arith.index_cast %get3A_2686 : i32 to index
      %get3A_2688 = arith.constant 1008 : index
      %get3A_2689 = tpu.vector_load %arg22[%get3A_2687, %get3A_2688] {strides = array<i32>} : memref<4x1024xf32, #tpu.memory_space<vmem>>, vector<16xf32>,
      %mul3A_2690 = vector.broadcast %reduce_sum3A_627 : f32 to vector<16xf32>
      %mul3A_2691 = arith.mulf %mul3A_2690, %get3A_2689 : vector<16xf32>
      %add3A_2692 = arith.addf %add3A_2685, %mul3A_2691 : vector<16xf32>
      %get3A_2693 = arith.constant 3 : i32
      %get3A_2694 = arith.index_cast %get3A_2693 : i32 to index
      %get3A_2695 = arith.constant 1008 : index
      %get3A_2696 = tpu.vector_load %arg22[%get3A_2694, %get3A_2695] {strides = array<i32>} : memref<4x1024xf32, #tpu.memory_space<vmem>>, vector<16xf32>,
      %mul3A_2697 = vector.broadcast %reduce_sum3A_660 : f32 to vector<16xf32>
      %mul3A_2698 = arith.mulf %mul3A_2697, %get3A_2696 : vector<16xf32>
      %add3A_2699 = arith.addf %add3A_2692, %mul3A_2698 : vector<16xf32>
      %get3A_2700 = arith.constant 1008 : index
      %get3A_2701 = tpu.vector_load %arg23[%get3A_2700] {strides = array<i32>} : memref<1024xf32, #tpu.memory_space<vmem>>, vector<16xf32>,
      %mul3A_2702 = arith.mulf %add3A_2699, %get3A_2701 : vector<16xf32>
      %add3A_2703 = arith.addf %add3A_2672, %mul3A_2702 : vector<16xf32>
      %get3A_2704 = arith.constant 0 : index
      %get3A_2705 = tpu.vector_load %arg24[%get3A_2704] {strides = array<i32>} : memref<64xf32, #tpu.memory_space<vmem>>, vector<16xf32>,
      %get3A_2706 = arith.constant 0 : index
      %get3A_2707 = tpu.vector_load %arg25[%get3A_2706] {strides = array<i32>} : memref<64xf32, #tpu.memory_space<vmem>>, vector<16xf32>,
      %mul3A_2708 = arith.mulf %get3A_2705, %get3A_2707 : vector<16xf32>
      %add3A_2709 = arith.addf %add3A_2703, %mul3A_2708 : vector<16xf32>
      %get3A_2710 = arith.constant 16 : index
      %get3A_2711 = tpu.vector_load %arg24[%get3A_2710] {strides = array<i32>} : memref<64xf32, #tpu.memory_space<vmem>>, vector<16xf32>,
      %get3A_2712 = arith.constant 16 : index
      %get3A_2713 = tpu.vector_load %arg25[%get3A_2712] {strides = array<i32>} : memref<64xf32, #tpu.memory_space<vmem>>, vector<16xf32>,
      %mul3A_2714 = arith.mulf %get3A_2711, %get3A_2713 : vector<16xf32>
      %add3A_2715 = arith.addf %add3A_2709, %mul3A_2714 : vector<16xf32>
      %get3A_2716 = arith.constant 32 : index
      %get3A_2717 = tpu.vector_load %arg24[%get3A_2716] {strides = array<i32>} : memref<64xf32, #tpu.memory_space<vmem>>, vector<16xf32>,
      %get3A_2718 = arith.constant 32 : index
      %get3A_2719 = tpu.vector_load %arg25[%get3A_2718] {strides = array<i32>} : memref<64xf32, #tpu.memory_space<vmem>>, vector<16xf32>,
      %mul3A_2720 = arith.mulf %get3A_2717, %get3A_2719 : vector<16xf32>
      %add3A_2721 = arith.addf %add3A_2715, %mul3A_2720 : vector<16xf32>
      %get3A_2722 = arith.constant 48 : index
      %get3A_2723 = tpu.vector_load %arg24[%get3A_2722] {strides = array<i32>} : memref<64xf32, #tpu.memory_space<vmem>>, vector<16xf32>,
      %get3A_2724 = arith.constant 48 : index
      %get3A_2725 = tpu.vector_load %arg25[%get3A_2724] {strides = array<i32>} : memref<64xf32, #tpu.memory_space<vmem>>, vector<16xf32>,
      %mul3A_2726 = arith.mulf %get3A_2723, %get3A_2725 : vector<16xf32>
      %add3A_2727 = arith.addf %add3A_2721, %mul3A_2726 : vector<16xf32>
      %reduce_sum3A_2728 = arith.constant true
      %reduce_sum3A_2729 = vector.broadcast %reduce_sum3A_2728 : i1 to vector<16xi1>
      %reduce_sum3A_2730 = tpu.scan <sum>, %add3A_2727 masked %reduce_sum3A_2729 : vector<16xf32>, vector<16xi1> -> vector<16xf32>
      %reduce_sum3A_2731 = vector.extract %reduce_sum3A_2730[15] : f32 from vector<16xf32>
      %broadcast_in_dim3A_2732 = arith.constant 0.000000e+00 : f32
      %broadcast_in_dim3A_2733 = vector.broadcast %broadcast_in_dim3A_2732 : f32 to vector<16xf32>
      %eq3A_2734 = arith.constant 0 : i32
      %eq3A_2735 = vector.broadcast %eq3A_2734 : i32 to vector<16xi32>
      %eq3A_2736 = arith.cmpi eq, %iota3A, %eq3A_2735 : vector<16xi32>
      %jit3A_2737 = arith.constant 0.000000e+00 : f32
      %broadcast_in_dim3A_2738 = vector.broadcast %reduce_sum3A_2731 : f32 to vector<16xf32>
      %broadcast_in_dim3A_2739 = vector.broadcast %jit3A_2737 : f32 to vector<16xf32>
      %select_n3A_2740 = arith.select %eq3A_2736, %broadcast_in_dim3A_2738, %broadcast_in_dim3A_2739 : vector<16xi1>, vector<16xf32>
      %swap3A = arith.constant 0 : index
      %swap3A_2741 = tpu.vector_load %arg26[%swap3A] {strides = array<i32>} : memref<64xf32, #tpu.memory_space<vmem>>, vector<16xf32>,
      tpu.vector_store %arg26[%swap3A], %select_n3A_2740 {strides = array<i32>} : memref<64xf32, #tpu.memory_space<vmem>>, vector<16xf32>,
      %swap3A_2742 = arith.constant 16 : index
      %swap3A_2743 = tpu.vector_load %arg26[%swap3A_2742] {strides = array<i32>} : memref<64xf32, #tpu.memory_space<vmem>>, vector<16xf32>,
      tpu.vector_store %arg26[%swap3A_2742], %broadcast_in_dim3A_2733 {strides = array<i32>} : memref<64xf32, #tpu.memory_space<vmem>>, vector<16xf32>,
      %swap3A_2744 = arith.constant 32 : index
      %swap3A_2745 = tpu.vector_load %arg26[%swap3A_2744] {strides = array<i32>} : memref<64xf32, #tpu.memory_space<vmem>>, vector<16xf32>,
      tpu.vector_store %arg26[%swap3A_2744], %broadcast_in_dim3A_2733 {strides = array<i32>} : memref<64xf32, #tpu.memory_space<vmem>>, vector<16xf32>,
      %swap3A_2746 = arith.constant 48 : index
      %swap3A_2747 = tpu.vector_load %arg26[%swap3A_2746] {strides = array<i32>} : memref<64xf32, #tpu.memory_space<vmem>>, vector<16xf32>,
      tpu.vector_store %arg26[%swap3A_2746], %broadcast_in_dim3A_2733 {strides = array<i32>} : memref<64xf32, #tpu.memory_space<vmem>>, vector<16xf32>,
      "tpu.region"() ({
        %run_scoped3A_2754 = tpu.sem_alloc : memref<!tpu.dma_semaphore, #tpu.memory_space<semaphore_mem>>
        %dma_start3A_2755 = arith.constant 0 : i32
        %dma_start3A_2756 = tpu.memref_slice %arg27[%arg1, %dma_start3A_2755] : memref<32x64xf32, #tpu.memory_space<vmem_shared>> -> memref<1x64xf32, #tpu.memory_space<vmem_shared>>
        %dma_start3A_2757 = tpu.memref_squeeze %dma_start3A_2756 : memref<1x64xf32, #tpu.memory_space<vmem_shared>> -> memref<64xf32, #tpu.memory_space<vmem_shared>>
        %dma_start3A_2758 = arith.constant 0 : i32
        %dma_start3A_2759 = tpu.memref_slice %arg27[%arg1, %dma_start3A_2758] : memref<32x64xf32, #tpu.memory_space<vmem_shared>> -> memref<1x64xf32, #tpu.memory_space<vmem_shared>>
        %dma_start3A_2760 = tpu.memref_squeeze %dma_start3A_2759 : memref<1x64xf32, #tpu.memory_space<vmem_shared>> -> memref<64xf32, #tpu.memory_space<vmem_shared>>
        tpu.enqueue_dma source(%arg26 : memref<64xf32, #tpu.memory_space<vmem>>) target(%dma_start3A_2760 : memref<64xf32, #tpu.memory_space<vmem_shared>>) target_semaphore(%run_scoped3A_2754 : memref<!tpu.dma_semaphore, #tpu.memory_space<semaphore_mem>>)
        %dma_wait3A_2761 = arith.constant 0 : i32
        %dma_wait3A_2762 = tpu.memref_slice %arg27[%arg1, %dma_wait3A_2761] : memref<32x64xf32, #tpu.memory_space<vmem_shared>> -> memref<1x64xf32, #tpu.memory_space<vmem_shared>>
        %dma_wait3A_2763 = tpu.memref_squeeze %dma_wait3A_2762 : memref<1x64xf32, #tpu.memory_space<vmem_shared>> -> memref<64xf32, #tpu.memory_space<vmem_shared>>
        %dma_wait3A_2764 = arith.constant 0 : i32
        %dma_wait3A_2765 = tpu.memref_slice %arg27[%arg1, %dma_wait3A_2764] : memref<32x64xf32, #tpu.memory_space<vmem_shared>> -> memref<1x64xf32, #tpu.memory_space<vmem_shared>>
        %dma_wait3A_2766 = tpu.memref_squeeze %dma_wait3A_2765 : memref<1x64xf32, #tpu.memory_space<vmem_shared>> -> memref<64xf32, #tpu.memory_space<vmem_shared>>
        tpu.wait_dma2 semaphore(%run_scoped3A_2754 : memref<!tpu.dma_semaphore, #tpu.memory_space<semaphore_mem>>) src(%arg26 : memref<64xf32, #tpu.memory_space<vmem>>) dst(%dma_wait3A_2766 : memref<64xf32, #tpu.memory_space<vmem_shared>>)
        tpu.yield
      }) : () -> ()
      %barrier3A_2748 = arith.constant 0 : index
      tpu.barrier barrier_id(%barrier3A_2748)
      %eq3A_2749 = arith.constant 0 : i32
      %eq3A_2750 = arith.cmpi eq, %arg1, %eq3A_2749 : i32
      %convert_element_type3A_2751 = arith.extui %eq3A_2750 : i1 to i32
      %cond3A_2752 = arith.constant 0 : i32
      %cond3A_2753 = arith.cmpi ne, %convert_element_type3A_2751, %cond3A_2752 : i32
      scf.if %cond3A_2753 {
        "tpu.region"() ({
          %run_scoped3A_2844 = tpu.sem_alloc : memref<!tpu.dma_semaphore, #tpu.memory_space<semaphore_mem>>
          %dma_start3A_2845 = arith.constant 0 : i32
          %dma_start3A_2846 = arith.constant 0 : i32
          %dma_start3A_2847 = tpu.memref_slice %arg27[%dma_start3A_2845, %dma_start3A_2846] : memref<32x64xf32, #tpu.memory_space<vmem_shared>> -> memref<16x64xf32, #tpu.memory_space<vmem_shared>>
          %dma_start3A_2848 = arith.constant 0 : i32
          %dma_start3A_2849 = arith.constant 0 : i32
          %dma_start3A_2850 = tpu.memref_slice %arg27[%dma_start3A_2848, %dma_start3A_2849] : memref<32x64xf32, #tpu.memory_space<vmem_shared>> -> memref<16x64xf32, #tpu.memory_space<vmem_shared>>
          tpu.enqueue_dma source(%dma_start3A_2850 : memref<16x64xf32, #tpu.memory_space<vmem_shared>>) target(%arg28 : memref<16x64xf32, #tpu.memory_space<vmem>>) target_semaphore(%run_scoped3A_2844 : memref<!tpu.dma_semaphore, #tpu.memory_space<semaphore_mem>>)
          %dma_wait3A_2851 = arith.constant 0 : i32
          %dma_wait3A_2852 = arith.constant 0 : i32
          %dma_wait3A_2853 = tpu.memref_slice %arg27[%dma_wait3A_2851, %dma_wait3A_2852] : memref<32x64xf32, #tpu.memory_space<vmem_shared>> -> memref<16x64xf32, #tpu.memory_space<vmem_shared>>
          %dma_wait3A_2854 = arith.constant 0 : i32
          %dma_wait3A_2855 = arith.constant 0 : i32
          %dma_wait3A_2856 = tpu.memref_slice %arg27[%dma_wait3A_2854, %dma_wait3A_2855] : memref<32x64xf32, #tpu.memory_space<vmem_shared>> -> memref<16x64xf32, #tpu.memory_space<vmem_shared>>
          tpu.wait_dma2 semaphore(%run_scoped3A_2844 : memref<!tpu.dma_semaphore, #tpu.memory_space<semaphore_mem>>) src(%dma_wait3A_2856 : memref<16x64xf32, #tpu.memory_space<vmem_shared>>) dst(%arg28 : memref<16x64xf32, #tpu.memory_space<vmem>>)
          tpu.yield
        }) : () -> ()
        "tpu.region"() ({
          %run_scoped3A_2844 = tpu.sem_alloc : memref<!tpu.dma_semaphore, #tpu.memory_space<semaphore_mem>>
          tpu.enqueue_dma source(%arg6 : memref<16xf32, #tpu.memory_space<hbm>>) target(%arg29 : memref<16xf32, #tpu.memory_space<vmem>>) target_semaphore(%run_scoped3A_2844 : memref<!tpu.dma_semaphore, #tpu.memory_space<semaphore_mem>>)
          tpu.wait_dma2 semaphore(%run_scoped3A_2844 : memref<!tpu.dma_semaphore, #tpu.memory_space<semaphore_mem>>) src(%arg6 : memref<16xf32, #tpu.memory_space<hbm>>) dst(%arg29 : memref<16xf32, #tpu.memory_space<vmem>>)
          tpu.yield
        }) : () -> ()
        %get3A_2754 = arith.constant 0 : i32
        %get3A_2755 = arith.index_cast %get3A_2754 : i32 to index
        %get3A_2756 = arith.constant 0 : index
        %get3A_2757 = tpu.vector_load %arg28[%get3A_2755, %get3A_2756] {strides = array<i32>} : memref<16x64xf32, #tpu.memory_space<vmem>>, vector<16xf32>,
        %get3A_2758 = arith.constant 1 : i32
        %get3A_2759 = arith.index_cast %get3A_2758 : i32 to index
        %get3A_2760 = arith.constant 0 : index
        %get3A_2761 = tpu.vector_load %arg28[%get3A_2759, %get3A_2760] {strides = array<i32>} : memref<16x64xf32, #tpu.memory_space<vmem>>, vector<16xf32>,
        %add3A_2762 = arith.addf %get3A_2757, %get3A_2761 : vector<16xf32>
        %get3A_2763 = arith.constant 2 : i32
        %get3A_2764 = arith.index_cast %get3A_2763 : i32 to index
        %get3A_2765 = arith.constant 0 : index
        %get3A_2766 = tpu.vector_load %arg28[%get3A_2764, %get3A_2765] {strides = array<i32>} : memref<16x64xf32, #tpu.memory_space<vmem>>, vector<16xf32>,
        %add3A_2767 = arith.addf %add3A_2762, %get3A_2766 : vector<16xf32>
        %get3A_2768 = arith.constant 3 : i32
        %get3A_2769 = arith.index_cast %get3A_2768 : i32 to index
        %get3A_2770 = arith.constant 0 : index
        %get3A_2771 = tpu.vector_load %arg28[%get3A_2769, %get3A_2770] {strides = array<i32>} : memref<16x64xf32, #tpu.memory_space<vmem>>, vector<16xf32>,
        %add3A_2772 = arith.addf %add3A_2767, %get3A_2771 : vector<16xf32>
        %get3A_2773 = arith.constant 4 : i32
        %get3A_2774 = arith.index_cast %get3A_2773 : i32 to index
        %get3A_2775 = arith.constant 0 : index
        %get3A_2776 = tpu.vector_load %arg28[%get3A_2774, %get3A_2775] {strides = array<i32>} : memref<16x64xf32, #tpu.memory_space<vmem>>, vector<16xf32>,
        %add3A_2777 = arith.addf %add3A_2772, %get3A_2776 : vector<16xf32>
        %get3A_2778 = arith.constant 5 : i32
        %get3A_2779 = arith.index_cast %get3A_2778 : i32 to index
        %get3A_2780 = arith.constant 0 : index
        %get3A_2781 = tpu.vector_load %arg28[%get3A_2779, %get3A_2780] {strides = array<i32>} : memref<16x64xf32, #tpu.memory_space<vmem>>, vector<16xf32>,
        %add3A_2782 = arith.addf %add3A_2777, %get3A_2781 : vector<16xf32>
        %get3A_2783 = arith.constant 6 : i32
        %get3A_2784 = arith.index_cast %get3A_2783 : i32 to index
        %get3A_2785 = arith.constant 0 : index
        %get3A_2786 = tpu.vector_load %arg28[%get3A_2784, %get3A_2785] {strides = array<i32>} : memref<16x64xf32, #tpu.memory_space<vmem>>, vector<16xf32>,
        %add3A_2787 = arith.addf %add3A_2782, %get3A_2786 : vector<16xf32>
        %get3A_2788 = arith.constant 7 : i32
        %get3A_2789 = arith.index_cast %get3A_2788 : i32 to index
        %get3A_2790 = arith.constant 0 : index
        %get3A_2791 = tpu.vector_load %arg28[%get3A_2789, %get3A_2790] {strides = array<i32>} : memref<16x64xf32, #tpu.memory_space<vmem>>, vector<16xf32>,
        %add3A_2792 = arith.addf %add3A_2787, %get3A_2791 : vector<16xf32>
        %get3A_2793 = arith.constant 8 : i32
        %get3A_2794 = arith.index_cast %get3A_2793 : i32 to index
        %get3A_2795 = arith.constant 0 : index
        %get3A_2796 = tpu.vector_load %arg28[%get3A_2794, %get3A_2795] {strides = array<i32>} : memref<16x64xf32, #tpu.memory_space<vmem>>, vector<16xf32>,
        %add3A_2797 = arith.addf %add3A_2792, %get3A_2796 : vector<16xf32>
        %get3A_2798 = arith.constant 9 : i32
        %get3A_2799 = arith.index_cast %get3A_2798 : i32 to index
        %get3A_2800 = arith.constant 0 : index
        %get3A_2801 = tpu.vector_load %arg28[%get3A_2799, %get3A_2800] {strides = array<i32>} : memref<16x64xf32, #tpu.memory_space<vmem>>, vector<16xf32>,
        %add3A_2802 = arith.addf %add3A_2797, %get3A_2801 : vector<16xf32>
        %get3A_2803 = arith.constant 10 : i32
        %get3A_2804 = arith.index_cast %get3A_2803 : i32 to index
        %get3A_2805 = arith.constant 0 : index
        %get3A_2806 = tpu.vector_load %arg28[%get3A_2804, %get3A_2805] {strides = array<i32>} : memref<16x64xf32, #tpu.memory_space<vmem>>, vector<16xf32>,
        %add3A_2807 = arith.addf %add3A_2802, %get3A_2806 : vector<16xf32>
        %get3A_2808 = arith.constant 11 : i32
        %get3A_2809 = arith.index_cast %get3A_2808 : i32 to index
        %get3A_2810 = arith.constant 0 : index
        %get3A_2811 = tpu.vector_load %arg28[%get3A_2809, %get3A_2810] {strides = array<i32>} : memref<16x64xf32, #tpu.memory_space<vmem>>, vector<16xf32>,
        %add3A_2812 = arith.addf %add3A_2807, %get3A_2811 : vector<16xf32>
        %get3A_2813 = arith.constant 12 : i32
        %get3A_2814 = arith.index_cast %get3A_2813 : i32 to index
        %get3A_2815 = arith.constant 0 : index
        %get3A_2816 = tpu.vector_load %arg28[%get3A_2814, %get3A_2815] {strides = array<i32>} : memref<16x64xf32, #tpu.memory_space<vmem>>, vector<16xf32>,
        %add3A_2817 = arith.addf %add3A_2812, %get3A_2816 : vector<16xf32>
        %get3A_2818 = arith.constant 13 : i32
        %get3A_2819 = arith.index_cast %get3A_2818 : i32 to index
        %get3A_2820 = arith.constant 0 : index
        %get3A_2821 = tpu.vector_load %arg28[%get3A_2819, %get3A_2820] {strides = array<i32>} : memref<16x64xf32, #tpu.memory_space<vmem>>, vector<16xf32>,
        %add3A_2822 = arith.addf %add3A_2817, %get3A_2821 : vector<16xf32>
        %get3A_2823 = arith.constant 14 : i32
        %get3A_2824 = arith.index_cast %get3A_2823 : i32 to index
        %get3A_2825 = arith.constant 0 : index
        %get3A_2826 = tpu.vector_load %arg28[%get3A_2824, %get3A_2825] {strides = array<i32>} : memref<16x64xf32, #tpu.memory_space<vmem>>, vector<16xf32>,
        %add3A_2827 = arith.addf %add3A_2822, %get3A_2826 : vector<16xf32>
        %get3A_2828 = arith.constant 15 : i32
        %get3A_2829 = arith.index_cast %get3A_2828 : i32 to index
        %get3A_2830 = arith.constant 0 : index
        %get3A_2831 = tpu.vector_load %arg28[%get3A_2829, %get3A_2830] {strides = array<i32>} : memref<16x64xf32, #tpu.memory_space<vmem>>, vector<16xf32>,
        %add3A_2832 = arith.addf %add3A_2827, %get3A_2831 : vector<16xf32>
        %eq3A_2833 = arith.constant 0 : i32
        %eq3A_2834 = vector.broadcast %eq3A_2833 : i32 to vector<16xi32>
        %eq3A_2835 = arith.cmpi eq, %iota3A, %eq3A_2834 : vector<16xi32>
        %get3A_2836 = arith.constant 0 : index
        %get3A_2837 = tpu.vector_load %arg29[%get3A_2836] {strides = array<i32>} : memref<16xf32, #tpu.memory_space<vmem>>, vector<16xf32>,
        %add3A_2838 = arith.addf %add3A_2832, %get3A_2837 : vector<16xf32>
        %jit3A_2839 = arith.constant 0.000000e+00 : f32
        %broadcast_in_dim3A_2840 = vector.broadcast %jit3A_2839 : f32 to vector<16xf32>
        %select_n3A_2841 = arith.select %eq3A_2835, %add3A_2838, %broadcast_in_dim3A_2840 : vector<16xi1>, vector<16xf32>
        %swap3A_2842 = arith.constant 0 : index
        %swap3A_2843 = tpu.vector_load %arg30[%swap3A_2842] {strides = array<i32>} : memref<16xf32, #tpu.memory_space<vmem>>, vector<16xf32>,
        tpu.vector_store %arg30[%swap3A_2842], %select_n3A_2841 {strides = array<i32>} : memref<16xf32, #tpu.memory_space<vmem>>, vector<16xf32>,
        "tpu.region"() ({
          %run_scoped3A_2844 = tpu.sem_alloc : memref<!tpu.dma_semaphore, #tpu.memory_space<semaphore_mem>>
          tpu.enqueue_dma source(%arg30 : memref<16xf32, #tpu.memory_space<vmem>>) target(%arg7 : memref<16xf32, #tpu.memory_space<hbm>>) target_semaphore(%run_scoped3A_2844 : memref<!tpu.dma_semaphore, #tpu.memory_space<semaphore_mem>>)
          tpu.wait_dma2 semaphore(%run_scoped3A_2844 : memref<!tpu.dma_semaphore, #tpu.memory_space<semaphore_mem>>) src(%arg30 : memref<16xf32, #tpu.memory_space<vmem>>) dst(%arg7 : memref<16xf32, #tpu.memory_space<hbm>>)
          tpu.yield
        }) : () -> ()
      } else {
      }
    } else {
    }
    return
  }
}

module attributes {stable_mosaic.version = 14 : i64} {
  func.func @_gru_body(%arg0: i32, %arg1: memref<3x256x2048xf32, #tpu.memory_space<vmem>>, %arg2: memref<3x256x1024xf32, #tpu.memory_space<vmem>>, %arg3: memref<3x1x1024xf32, #tpu.memory_space<vmem>>, %arg4: memref<3x1x1024xf32, #tpu.memory_space<vmem>>, %arg5: memref<1x1024xf32, #tpu.memory_space<vmem>>, %arg6: memref<1x1xf32, #tpu.memory_space<vmem>>, %arg7: memref<1x1024xf32, #tpu.memory_space<vmem>>, %arg8: memref<1x256xf32, #tpu.memory_space<vmem>>, %arg9: memref<256xf32, #tpu.memory_space<vmem>>) attributes {dimension_semantics = [#tpu.dimension_semantics<arbitrary>], iteration_bounds = array<i64: 4>, scalar_prefetch = 0 : i64, scratch_operands = 0 : i64, tpu.core_type = #tpu.core_type<tc>, window_params = [{transform_indices = @transform_0, window_bounds = array<i64: 3, 256, 2048>}, {transform_indices = @transform_1, window_bounds = array<i64: 3, 256, 1024>}, {pipeline_mode = #tpu.pipeline_mode<synchronous>, transform_indices = @transform_2, window_bounds = array<i64: 3, 1, 1024>}, {pipeline_mode = #tpu.pipeline_mode<synchronous>, transform_indices = @transform_3, window_bounds = array<i64: 3, 1, 1024>}, {pipeline_mode = #tpu.pipeline_mode<synchronous>, transform_indices = @transform_4, window_bounds = array<i64: 1, 1024>}, {pipeline_mode = #tpu.pipeline_mode<synchronous>, transform_indices = @transform_5, window_bounds = array<i64: 1, 1>}, {pipeline_mode = #tpu.pipeline_mode<synchronous>, transform_indices = @transform_6, window_bounds = array<i64: 1, 1024>}, {transform_indices = @transform_7, window_bounds = array<i64: 1, 256>}, {transform_indices = @transform_8, window_bounds = array<i64: 256>}]} {
    %get3A = arith.constant 0 : index
    %get3A_0 = arith.constant 0 : index
    %get3A_1 = vector.load %arg6[%get3A, %get3A_0] : memref<1x1xf32, #tpu.memory_space<vmem>>, vector<1x1xf32>
    %get3A_2 = vector.extract %get3A_1[0, 0] : f32 from vector<1x1xf32>
    %ge3A = arith.constant 5.000000e-01 : f32
    %ge3A_3 = arith.cmpf oge, %get3A_2, %ge3A : f32
    %jit3A = arith.constant 1.000000e+00 : f32
    %jit3A_4 = arith.constant 0.000000e+00 : f32
    %select_n3A = arith.select %ge3A_3, %jit3A, %jit3A_4 : f32
    %get3A_5 = arith.constant 0 : index
    %get3A_6 = arith.constant 0 : index
    %get3A_7 = vector.load %arg5[%get3A_5, %get3A_6] : memref<1x1024xf32, #tpu.memory_space<vmem>>, vector<1x1024xf32>
    %mul3A = vector.broadcast %select_n3A : f32 to vector<1x1024xf32>
    %mul3A_8 = arith.mulf %get3A_7, %mul3A : vector<1x1024xf32>
    %sub3A = arith.constant 1.000000e+00 : f32
    %sub3A_9 = arith.subf %sub3A, %select_n3A : f32
    %mul3A_10 = vector.broadcast %sub3A_9 : f32 to vector<1x1024xf32>
    %mul3A_11 = arith.mulf %get3A_7, %mul3A_10 : vector<1x1024xf32>
    %concatenate3A = tpu.concatenate %mul3A_8, %mul3A_11 in 1 : vector<1x1024xf32>, vector<1x1024xf32> -> vector<1x2048xf32>
    %convert_element_type3A = arith.truncf %concatenate3A : vector<1x2048xf32> to vector<1x2048xbf16>
    %convert_element_type3A_12 = arith.extf %convert_element_type3A : vector<1x2048xbf16> to vector<1x2048xf32>
    %get3A_13 = arith.constant 0 : index
    %get3A_14 = arith.constant 0 : index
    %get3A_15 = vector.load %arg7[%get3A_13, %get3A_14] : memref<1x1024xf32, #tpu.memory_space<vmem>>, vector<1x1024xf32>
    %convert_element_type3A_16 = arith.truncf %get3A_15 : vector<1x1024xf32> to vector<1x1024xbf16>
    %convert_element_type3A_17 = arith.extf %convert_element_type3A_16 : vector<1x1024xbf16> to vector<1x1024xf32>
    %get3A_18 = arith.constant 0 : index
    %get3A_19 = arith.constant 0 : index
    %get3A_20 = arith.constant 0 : index
    %get3A_21 = vector.load %arg1[%get3A_18, %get3A_19, %get3A_20] : memref<3x256x2048xf32, #tpu.memory_space<vmem>>, vector<3x256x2048xf32>
    %convert_element_type3A_22 = arith.truncf %get3A_21 : vector<3x256x2048xf32> to vector<3x256x2048xbf16>
    %convert_element_type3A_23 = arith.extf %convert_element_type3A_22 : vector<3x256x2048xbf16> to vector<3x256x2048xf32>
    %get3A_24 = arith.constant 0 : index
    %get3A_25 = arith.constant 0 : index
    %get3A_26 = arith.constant 0 : index
    %get3A_27 = vector.load %arg2[%get3A_24, %get3A_25, %get3A_26] : memref<3x256x1024xf32, #tpu.memory_space<vmem>>, vector<3x256x1024xf32>
    %convert_element_type3A_28 = arith.truncf %get3A_27 : vector<3x256x1024xf32> to vector<3x256x1024xbf16>
    %convert_element_type3A_29 = arith.extf %convert_element_type3A_28 : vector<3x256x1024xbf16> to vector<3x256x1024xf32>
    %broadcast_in_dim3A = vector.shape_cast %convert_element_type3A_12 : vector<1x2048xf32> to vector<1x1x2048xf32>
    %mul3A_30 = vector.broadcast %broadcast_in_dim3A : vector<1x1x2048xf32> to vector<3x256x2048xf32>
    %mul3A_31 = arith.mulf %convert_element_type3A_23, %mul3A_30 : vector<3x256x2048xf32>
    %reduce_sum3A = arith.constant dense<0.000000e+00> : vector<3x256xf32>
    %reduce_sum3A_32 = vector.multi_reduction <add>, %mul3A_31, %reduce_sum3A [2] : vector<3x256x2048xf32> to vector<3x256xf32>
    %broadcast_in_dim3A_33 = vector.shape_cast %convert_element_type3A_17 : vector<1x1024xf32> to vector<1x1x1024xf32>
    %mul3A_34 = vector.broadcast %broadcast_in_dim3A_33 : vector<1x1x1024xf32> to vector<3x256x1024xf32>
    %mul3A_35 = arith.mulf %convert_element_type3A_29, %mul3A_34 : vector<3x256x1024xf32>
    %reduce_sum3A_36 = arith.constant dense<0.000000e+00> : vector<3x256xf32>
    %reduce_sum3A_37 = vector.multi_reduction <add>, %mul3A_35, %reduce_sum3A_36 [2] : vector<3x256x1024xf32> to vector<3x256xf32>
    %mul3A_38 = arith.constant 256 : i32
    %mul3A_39 = arith.muli %arg0, %mul3A_38 : i32
    %get3A_40 = arith.constant 0 : index
    %get3A_41 = arith.constant 0 : index
    %get3A_42 = arith.index_cast %mul3A_39 : i32 to index
    %get3A_43 = vector.load %arg3[%get3A_40, %get3A_41, %get3A_42] : memref<3x1x1024xf32, #tpu.memory_space<vmem>>, vector<3x1x256xf32>
    %get3A_44 = vector.shape_cast %get3A_43 : vector<3x1x256xf32> to vector<3x256xf32>
    %add3A = arith.addf %reduce_sum3A_32, %get3A_44 : vector<3x256xf32>
    %mul3A_45 = arith.constant 256 : i32
    %mul3A_46 = arith.muli %arg0, %mul3A_45 : i32
    %get3A_47 = arith.constant 0 : index
    %get3A_48 = arith.constant 0 : index
    %get3A_49 = arith.index_cast %mul3A_46 : i32 to index
    %get3A_50 = vector.load %arg4[%get3A_47, %get3A_48, %get3A_49] : memref<3x1x1024xf32, #tpu.memory_space<vmem>>, vector<3x1x256xf32>
    %get3A_51 = vector.shape_cast %get3A_50 : vector<3x1x256xf32> to vector<3x256xf32>
    %add3A_52 = arith.addf %reduce_sum3A_37, %get3A_51 : vector<3x256xf32>
    %slice3A = vector.extract_strided_slice %add3A {offsets = [0, 0], sizes = [1, 256], strides = [1, 1]} : vector<3x256xf32> to vector<1x256xf32>
    %squeeze3A = vector.shape_cast %slice3A : vector<1x256xf32> to vector<256xf32>
    %slice3A_53 = vector.extract_strided_slice %add3A_52 {offsets = [0, 0], sizes = [1, 256], strides = [1, 1]} : vector<3x256xf32> to vector<1x256xf32>
    %squeeze3A_54 = vector.shape_cast %slice3A_53 : vector<1x256xf32> to vector<256xf32>
    %add3A_55 = arith.addf %squeeze3A, %squeeze3A_54 : vector<256xf32>
    %logistic3A = arith.negf %add3A_55 : vector<256xf32>
    %logistic3A_56 = math.exp %logistic3A : vector<256xf32>
    %logistic3A_57 = arith.constant 1.000000e+00 : f32
    %logistic3A_58 = vector.broadcast %logistic3A_57 : f32 to vector<256xf32>
    %logistic3A_59 = arith.addf %logistic3A_58, %logistic3A_56 : vector<256xf32>
    %logistic3A_60 = arith.divf %logistic3A_58, %logistic3A_59 : vector<256xf32>
    %slice3A_61 = vector.extract_strided_slice %add3A {offsets = [1, 0], sizes = [1, 256], strides = [1, 1]} : vector<3x256xf32> to vector<1x256xf32>
    %squeeze3A_62 = vector.shape_cast %slice3A_61 : vector<1x256xf32> to vector<256xf32>
    %slice3A_63 = vector.extract_strided_slice %add3A_52 {offsets = [1, 0], sizes = [1, 256], strides = [1, 1]} : vector<3x256xf32> to vector<1x256xf32>
    %squeeze3A_64 = vector.shape_cast %slice3A_63 : vector<1x256xf32> to vector<256xf32>
    %add3A_65 = arith.addf %squeeze3A_62, %squeeze3A_64 : vector<256xf32>
    %logistic3A_66 = arith.negf %add3A_65 : vector<256xf32>
    %logistic3A_67 = math.exp %logistic3A_66 : vector<256xf32>
    %logistic3A_68 = arith.constant 1.000000e+00 : f32
    %logistic3A_69 = vector.broadcast %logistic3A_68 : f32 to vector<256xf32>
    %logistic3A_70 = arith.addf %logistic3A_69, %logistic3A_67 : vector<256xf32>
    %logistic3A_71 = arith.divf %logistic3A_69, %logistic3A_70 : vector<256xf32>
    %slice3A_72 = vector.extract_strided_slice %add3A {offsets = [2, 0], sizes = [1, 256], strides = [1, 1]} : vector<3x256xf32> to vector<1x256xf32>
    %squeeze3A_73 = vector.shape_cast %slice3A_72 : vector<1x256xf32> to vector<256xf32>
    %slice3A_74 = vector.extract_strided_slice %add3A_52 {offsets = [2, 0], sizes = [1, 256], strides = [1, 1]} : vector<3x256xf32> to vector<1x256xf32>
    %squeeze3A_75 = vector.shape_cast %slice3A_74 : vector<1x256xf32> to vector<256xf32>
    %mul3A_76 = arith.mulf %logistic3A_60, %squeeze3A_75 : vector<256xf32>
    %add3A_77 = arith.addf %squeeze3A_73, %mul3A_76 : vector<256xf32>
    %tanh3A = math.tanh %add3A_77 : vector<256xf32>
    %sub3A_78 = arith.constant 1.000000e+00 : f32
    %sub3A_79 = vector.broadcast %sub3A_78 : f32 to vector<256xf32>
    %sub3A_80 = arith.subf %sub3A_79, %logistic3A_71 : vector<256xf32>
    %mul3A_81 = arith.mulf %sub3A_80, %tanh3A : vector<256xf32>
    %get3A_82 = arith.constant 0 : index
    %get3A_83 = arith.constant 0 : index
    %get3A_84 = vector.load %arg8[%get3A_82, %get3A_83] : memref<1x256xf32, #tpu.memory_space<vmem>>, vector<1x256xf32>
    %get3A_85 = vector.shape_cast %get3A_84 : vector<1x256xf32> to vector<256xf32>
    %mul3A_86 = arith.mulf %logistic3A_71, %get3A_85 : vector<256xf32>
    %add3A_87 = arith.addf %mul3A_81, %mul3A_86 : vector<256xf32>
    %swap3A = arith.constant 0 : index
    %swap3A_88 = vector.load %arg9[%swap3A] : memref<256xf32, #tpu.memory_space<vmem>>, vector<256xf32>
    tpu.vector_store %arg9[%swap3A], %add3A_87 {strides = array<i32>} : memref<256xf32, #tpu.memory_space<vmem>>, vector<256xf32>,
    return
  }
  func.func @transform_0(%arg0: i32) -> (i32, i32, i32) {
    %c0_i32 = arith.constant 0 : i32
    %c0_i32_0 = arith.constant 0 : i32
    %c0_i32_1 = arith.constant 0 : i32
    return %c0_i32, %arg0, %c0_i32_0 : i32, i32, i32
  }
  func.func @transform_1(%arg0: i32) -> (i32, i32, i32) {
    %c0_i32 = arith.constant 0 : i32
    %c0_i32_0 = arith.constant 0 : i32
    %c0_i32_1 = arith.constant 0 : i32
    return %c0_i32, %arg0, %c0_i32_0 : i32, i32, i32
  }
  func.func @transform_2(%arg0: i32) -> (i32, i32, i32) {
    %c0_i32 = arith.constant 0 : i32
    %c0_i32_0 = arith.constant 0 : i32
    %c0_i32_1 = arith.constant 0 : i32
    %c0_i32_2 = arith.constant 0 : i32
    return %c0_i32, %c0_i32_0, %c0_i32_1 : i32, i32, i32
  }
  func.func @transform_3(%arg0: i32) -> (i32, i32, i32) {
    %c0_i32 = arith.constant 0 : i32
    %c0_i32_0 = arith.constant 0 : i32
    %c0_i32_1 = arith.constant 0 : i32
    %c0_i32_2 = arith.constant 0 : i32
    return %c0_i32, %c0_i32_0, %c0_i32_1 : i32, i32, i32
  }
  func.func @transform_4(%arg0: i32) -> (i32, i32) {
    %c0_i32 = arith.constant 0 : i32
    %c0_i32_0 = arith.constant 0 : i32
    %c0_i32_1 = arith.constant 0 : i32
    return %c0_i32, %c0_i32_0 : i32, i32
  }
  func.func @transform_5(%arg0: i32) -> (i32, i32) {
    %c0_i32 = arith.constant 0 : i32
    %c0_i32_0 = arith.constant 0 : i32
    %c0_i32_1 = arith.constant 0 : i32
    return %c0_i32, %c0_i32_0 : i32, i32
  }
  func.func @transform_6(%arg0: i32) -> (i32, i32) {
    %c0_i32 = arith.constant 0 : i32
    %c0_i32_0 = arith.constant 0 : i32
    %c0_i32_1 = arith.constant 0 : i32
    return %c0_i32, %c0_i32_0 : i32, i32
  }
  func.func @transform_7(%arg0: i32) -> (i32, i32) {
    %c0_i32 = arith.constant 0 : i32
    %c0_i32_0 = arith.constant 0 : i32
    return %c0_i32, %arg0 : i32, i32
  }
  func.func @transform_8(%arg0: i32) -> i32 {
    %c0_i32 = arith.constant 0 : i32
    return %arg0 : i32
  }
}

module attributes {stable_mosaic.version = 14 : i64} {
  func.func @_alpha_body(%arg0: i32, %arg1: memref<2097152xf32, #tpu.memory_space<vmem>>, %arg2: memref<8x128xf32, #tpu.memory_space<vmem>>, %arg3: memref<2048xf32, #tpu.memory_space<vmem>>) attributes {dimension_semantics = [#tpu.dimension_semantics<arbitrary>], iteration_bounds = array<i64: 16>, scalar_prefetch = 0 : i64, scratch_operands = 0 : i64, tpu.core_type = #tpu.core_type<tc>, window_params = [{transform_indices = @transform_0, window_bounds = array<i64: 2097152>}, {pipeline_mode = #tpu.pipeline_mode<synchronous>, transform_indices = @transform_1, window_bounds = array<i64: 8, 128>}, {transform_indices = @transform_2, window_bounds = array<i64: 2048>}]} {
    %get3A = arith.constant 0 : index
    %get3A_0 = vector.load %arg1[%get3A] : memref<2097152xf32, #tpu.memory_space<vmem>>, vector<2097152xf32>
    %reshape3A = vector.shape_cast %get3A_0 : vector<2097152xf32> to vector<2048x8x128xf32>
    %get3A_1 = arith.constant 0 : index
    %get3A_2 = arith.constant 0 : index
    %get3A_3 = vector.load %arg2[%get3A_1, %get3A_2] : memref<8x128xf32, #tpu.memory_space<vmem>>, vector<8x128xf32>
    %convert_element_type3A = arith.truncf %reshape3A : vector<2048x8x128xf32> to vector<2048x8x128xbf16>
    %convert_element_type3A_4 = arith.extf %convert_element_type3A : vector<2048x8x128xbf16> to vector<2048x8x128xf32>
    %convert_element_type3A_5 = arith.truncf %get3A_3 : vector<8x128xf32> to vector<8x128xbf16>
    %convert_element_type3A_6 = arith.extf %convert_element_type3A_5 : vector<8x128xbf16> to vector<8x128xf32>
    %broadcast_in_dim3A = vector.shape_cast %convert_element_type3A_6 : vector<8x128xf32> to vector<1x8x128xf32>
    %mul3A = vector.broadcast %broadcast_in_dim3A : vector<1x8x128xf32> to vector<2048x8x128xf32>
    %mul3A_7 = arith.mulf %convert_element_type3A_4, %mul3A : vector<2048x8x128xf32>
    %reduce_sum3A = arith.constant dense<0.000000e+00> : vector<2048xf32>
    %reduce_sum3A_8 = vector.multi_reduction <add>, %mul3A_7, %reduce_sum3A [1, 2] : vector<2048x8x128xf32> to vector<2048xf32>
    %swap3A = arith.constant 0 : index
    %swap3A_9 = vector.load %arg3[%swap3A] : memref<2048xf32, #tpu.memory_space<vmem>>, vector<2048xf32>
    tpu.vector_store %arg3[%swap3A], %reduce_sum3A_8 {strides = array<i32>} : memref<2048xf32, #tpu.memory_space<vmem>>, vector<2048xf32>,
    return
  }
  func.func @transform_0(%arg0: i32) -> i32 {
    %c0_i32 = arith.constant 0 : i32
    return %arg0 : i32
  }
  func.func @transform_1(%arg0: i32) -> (i32, i32) {
    %c0_i32 = arith.constant 0 : i32
    %c0_i32_0 = arith.constant 0 : i32
    %c0_i32_1 = arith.constant 0 : i32
    return %c0_i32, %c0_i32_0 : i32, i32
  }
  func.func @transform_2(%arg0: i32) -> i32 {
    %c0_i32 = arith.constant 0 : i32
    return %arg0 : i32
  }
}

</mosaic_0001>

<sc_bundles>
// kernel: kernel.5.cloned.1.call-start
scs
__scs_entry_jumppad:
0x0: {  	(pc) =	sbr.rel $0x88, $3  }
0x1: {  	(tag) =	ssettag $0x0;
	lr =	simm.s32 $0x1  }
0x2: {  	[smem:$0x3F97] =	sst lr;
	_ =	strace $0xD0000000  }
0x3: {  	_ = 	snop  }
0x4: {  	_ = 	snop  }
0x5: {  	_ = 	snop  }
0x6: {  	_ = 	snop  }
0x7: {  	_ = 	snop  }
__scs_overlays_trampoline_lowered:
0x8: {  	[smem:$0x3FA6] =	sst s0  }
0x9: {  	[smem:$0x3FA7] =	sst s1  }
0xa: {  	[smem:$0x3FA8] =	sst s2  }
0xb: {  	[smem:$0x3FA9] =	sst s3  }
0xc: {  	[smem:$0x3FAA] =	sst s4  }
0xd: {  	[smem:$0x3FAB] =	sst s5  }
0xe: {  	[smem:$0x3FAC] =	sst s6  }
0xf: {  	[smem:$0x3FAD] =	sst s7  }
0x10: {  	[smem:$0x3FAE] =	sst s8  }
0x11: {  	[smem:$0x3FAF] =	sst s9;
	s0 =	simm.s32 @!p0 $0x0  }
0x12: {  	s1 =	sld [smem:$0x3F95];
	s0 =	simm.s32 @p0 $0x1  }
0x13: {  	[smem:$0x3FB0] =	sst s0;
	s0 =	simm.s32 @!p1 $0x0  }
0x14: {  	s2 =	sld [smem:$0x3F94];
	s0 =	simm.s32 @p1 $0x1  }
0x15: {  	[smem:$0x3FB1] =	sst s0;
	s0 =	simm.s32 @!p2 $0x0  }
0x16: {  	s3 =	sld [smem:$0x3FDB];
	s0 =	simm.s32 @p2 $0x1  }
0x17: {  	s4 =	simm.s32 $0x1BF5;
	[smem:$0x3FB3] =	sst s0  }
0x18: {  	s0 =	sld [smem:$0x3F96];
	_ =	swait.ge [sflag:s4], $0x0  }
0x19: {  	s7 =	sld [smem:$0x3F97]  }
0x1a: {  	s8 =	sadd.s32 $0xFFFFE003, lr  }
0x1b: {  	s9 =	sadd.s32 $0xFFFFFEF7, lr;
	s5 =	simm.s32 $0xFFFFFFFF;
	p2 =	slt.u32 s8, $0xFFFFF086  }
0x1c: {  	p1 =	slt.u32 s9, $0xF7A;
	s5 =	simm.s32 @!p2 $0x0  }
0x1d: {  	s5 =	simm.s32 @p1 $0x1;
	p0 =	seq.s32 s7, s2  }
0x1e: {  	s7 =	smul.u32 @!p0 $0xF7A, s2;
	p2 =	seq.s32 @!p0 s5, $0x0  }
0x1f: {  	s9 =	smul.u32 $0xF7A, s1;
	s8 =	simm.s32 @!p0 $0x1BF5;
	p2 =	por !p2, p0  }
0x20: {  	[sflag:s8] =	ssyncset.s32 @!p0 $0xFFFFF086;
	s6 =	sadd.s32 @!p0 s3, s7;
	s7 =	simm.s32 @!p0 $0x108  }
0x21: {  	s3 =	sadd.s32 s3, s9;
	s6 =	sadd.s32 @!p0 $0x88, s6;
	s7 =	simm.s32 @p2 $0x1082  }
0x22: {  	[simem:s7], [sflag:s8] =	dma.local @!p0 [hbm:s6], $0xF7A  }
0x23: {  	s9 =	sor.u32 $0xD0000000, s2;
	s6 =	simm.s32 $0x108;
	_ =	swait.ge @!p0 [sflag:s8], $0x0  }
0x24: {  	s3 =	sadd.s32 $0x88, s3;
	s6 =	simm.s32 @!p1 $0x1082;
	[sflag:s4] =	ssyncset.s32 $0xFFFFF086  }
0x25: {  	[simem:s6], [sflag:s4] =	dma.local [hbm:s3], $0xF7A  }
0x26: {  	[smem:$0x3F97] =	sst s1;
	(tag) =	ssettag s2;
	_ =	strace s9  }
0x27: {  	s1 =	sld [smem:$0x3FA7]  }
0x28: {  	s2 =	sld [smem:$0x3FA8]  }
0x29: {  	s4 =	sld [smem:$0x3FAA]  }
0x2a: {  	p0 =	seq.s32 s5, $0x0;
	s5 =	sld [smem:$0x3FAB]  }
0x2b: {  	s6 =	sld [smem:$0x3FAC]  }
0x2c: {  	s7 =	sld [smem:$0x3FAD]  }
0x2d: {  	s3 =	simm.s32 $0x108;
	s8 =	sld [smem:$0x3FAE]  }
0x2e: {  	s3 =	simm.s32 @!p0 $0x1082;
	s9 =	sld [smem:$0x3FAF]  }
0x2f: {  	lr =	sadd.s32 s0, s3;
	s0 =	sld [smem:$0x3FA6]  }
0x30: {  	s3 =	sld [smem:$0x3FA9]  }
0x31: {  	[smem:$0x3FB2] =	sst s10  }
0x32: {  	s10 =	sld [smem:$0x3FB0];
	_ =	sdelay $0x3  }
0x33: {  	p0 =	seq.s32 s10, $0x1;
	s10 =	sld [smem:$0x3FB2];
	_ =	sdelay $0x3  }
0x34: {  	[smem:$0x3FB2] =	sst s10  }
0x35: {  	s10 =	sld [smem:$0x3FB1];
	_ =	sdelay $0x3  }
0x36: {  	p1 =	seq.s32 s10, $0x1;
	s10 =	sld [smem:$0x3FB2];
	_ =	sdelay $0x3  }
0x37: {  	[smem:$0x3FB2] =	sst s10  }
0x38: {  	s10 =	sld [smem:$0x3FB3]  }
0x39: {  	_ = 	snop;
	(pc) =	sbr.ind lr, $3  }
0x3a: {  	_ = 	snop  }
0x3b: {  	_ = 	snop  }
0x3c: {  	p2 =	seq.s32 s10, $0x1;
	s10 =	sld [smem:$0x3FB2]  }
0x3d: {  	_ =	shalt  }
0x3e: {  	_ =	shalt  }
0x3f: {  	_ =	shalt  }
0x40: {  	_ =	shalt  }
0x41: {  	_ =	shalt  }
0x42: {  	_ =	shalt  }
0x43: {  	_ =	shalt  }
0x44: {  	_ =	shalt  }
0x45: {  	_ =	shalt  }
0x46: {  	_ =	shalt  }
0x47: {  	_ =	shalt  }
0x48: {  	_ =	shalt  }
0x49: {  	_ =	shalt  }
0x4a: {  	_ =	shalt  }
0x4b: {  	_ =	shalt  }
0x4c: {  	_ =	shalt  }
0x4d: {  	_ =	shalt  }
0x4e: {  	_ =	shalt  }
0x4f: {  	_ =	shalt  }
0x50: {  	_ =	shalt  }
0x51: {  	_ =	shalt  }
0x52: {  	_ =	shalt  }
0x53: {  	_ =	shalt  }
0x54: {  	_ =	shalt  }
0x55: {  	_ =	shalt  }
0x56: {  	_ =	shalt  }
0x57: {  	_ =	shalt  }
0x58: {  	_ =	shalt  }
0x59: {  	_ =	shalt  }
0x5a: {  	_ =	shalt  }
0x5b: {  	_ =	shalt  }
0x5c: {  	_ =	shalt  }
0x5d: {  	_ =	shalt  }
0x5e: {  	_ =	shalt  }
0x5f: {  	_ =	shalt  }
0x60: {  	_ =	shalt  }
0x61: {  	_ =	shalt  }
0x62: {  	_ =	shalt  }
0x63: {  	_ =	shalt  }
0x64: {  	_ =	shalt  }
0x65: {  	_ =	shalt  }
0x66: {  	_ =	shalt  }
0x67: {  	_ =	shalt  }
0x68: {  	_ =	shalt  }
0x69: {  	_ =	shalt  }
0x6a: {  	_ =	shalt  }
0x6b: {  	_ =	shalt  }
0x6c: {  	_ =	shalt  }
0x6d: {  	_ =	shalt  }
0x6e: {  	_ =	shalt  }
0x6f: {  	_ =	shalt  }
0x70: {  	_ =	shalt  }
0x71: {  	_ =	shalt  }
0x72: {  	_ =	shalt  }
0x73: {  	_ =	shalt  }
0x74: {  	_ =	shalt  }
0x75: {  	_ =	shalt  }
0x76: {  	_ =	shalt  }
0x77: {  	_ =	shalt  }
0x78: {  	_ =	shalt  }
0x79: {  	_ =	shalt  }
0x7a: {  	_ =	shalt  }
0x7b: {  	_ =	shalt  }
0x7c: {  	_ =	shalt  }
0x7d: {  	_ =	shalt  }
0x7e: {  	_ =	shalt  }
0x7f: {  	_ =	shalt  }
0x80: {  	_ =	shalt  }
0x81: {  	_ =	shalt  }
0x82: {  	_ =	shalt  }
0x83: {  	_ =	shalt  }
0x84: {  	_ =	shalt  }
0x85: {  	_ =	shalt  }
0x86: {  	_ =	shalt  }
0x87: {  	_ =	shalt  }
.Lfunc_end0:
.L_simem_size_0:
called_computation_lowered:
.L_overlay_start_0:
0x88: {  	s2 =	sld [smem:$0x3FD9]  }
0x89: {  	s3 =	sld [smem:$0x3FFE];
	_ =	sdelay $0x1  }
0x8a: {  	s1 =	srdreg.scid  }
0x8b: {  	s0 =	sand.u32 $0x1, s1  }
0x8c: {  	s14 =	sshll.u32 s0, $0xA;
	s2 =	sadd.s32 s3, s2  }
0x8d: {  	s2 =	sadd.s32 s2, s14  }
0x8e: {  	[smem:$0x3FBE] =	sst s2  }
0x8f: {  	_ = 	snop  }
0x90: {  	s2 =	sld [smem:$0x3FD0]  }
0x91: {  	s15 =	sld [smem:$0x3FC9]  }
0x92: {  	s4 =	sld [smem:$0x3FC6]  }
0x93: {  	s6 =	simm.s32 $0xA;
	s7 =	simm.s32 $0x10;
	s5 =	sld [smem:$0x3FC1]  }
0x94: {  	[smem:s7], [sflag:s6] =	dma.local [hbm:s2], $0x1  }
0x95: {  	_ =	swait.eq [sflag:s6], $0x1  }
0x96: {  	[sflag:s6] =	ssyncset.done $0x0  }
0x97: {  	[sflag:s6] =	ssyncadd.s32 $0xFFFFFFFF  }
0x98: {  	s16 =	sld [smem:$0x10];
	(tm) =	ssettm $0x1  }
0x99: {  	s17 =	sld [smem:$0x3FFB];
	_ =	sdelay $0x3  }
0x9a: {  	_ =	strace s17  }
0x9b: {  	s6 =	sld [smem:$0x3FFC];
	_ =	sdelay $0x3  }
0x9c: {  	_ =	strace s6  }
0x9d: {  	s6 =	sld [smem:$0x3FFD];
	_ =	sdelay $0x3  }
0x9e: {  	_ =	strace s6  }
0x9f: {  	_ =	strace $0x8FFFFFFF  }
0xa0: {  	s18 =	sld [smem:$0x3FDB];
	_ =	sdelay $0x1  }
0xa1: {  	s19 =	simm.s32 $_scs_section_size  }
0xa2: {  	s8 =	simm.s32 $_size__tile_overlayer_lowered;
	s9 =	simm.s32 $_tile_overlayer_lowered  }
0xa3: {  	s22 =	simm.s32 $0x1BFF;
	s21 =	sshll.u32 s9, $0x1;
	s6 =	sadd.s32 s19, s18  }
0xa4: {  	s10 =	simm.s32 $0x0;
	s20 =	sshll.u32 s8, $0x1;
	s8 =	sadd.s32 s21, s6  }
0xa5: {  	[timem:s10], [sflag:s22] =	dma.local [hbm:s8], s20  }
0xa6: {  	_ =	swait.ge [sflag:s22], s20  }
0xa7: {  	s7 =	ssub.s32 $0x0, s20;
	[sflag:s22] =	ssyncset.done $0x0  }
0xa8: {  	[sflag:s22] =	ssyncadd.s32 s7;
	_ =	sdelay $0x1  }
0xa9: {  	s23 =	simm.s32 $0x1B8B  }
0xaa: {  	_ =	swait.ge [sflag:s23], $0x1  }
0xab: {  	[sflag:s23] =	ssyncset.done $0x0  }
0xac: {  	s25 =	simm.s32 $0x1B8E;
	s24 =	sld [smem:$0x3FFE];
	[sflag:s23] =	ssyncadd.s32 $0xFFFFFFFF  }
0xad: {  	s26 =	simm.s32 $execute0_lowered;
	[smem:$0x3FD2] =	sst s25  }
0xae: {  	s8 =	sshll.u32 s26, $0x1;
	_ =	strace $0x80000046;
	[dreg:$0x1] =	wrdreg $0xFFFFFFFF  }
0xaf: {  	s28 =	simm.s32 $_size_execute0_lowered;
	s6 =	sadd.s32 s6, s8;
	[dreg:$0x0] =	wrdreg $0x0  }
0xb0: {  	s8 =	sshll.u32 s28, $0x1;
	[dreg:$0x2] =	wrdreg s6  }
0xb1: {  	[dreg:$0x3] =	wrdreg s8  }
0xb2: {  	[dreg:$0x4] =	wrdreg $0xC0  }
0xb3: {  	_ =	task [dreg:s10], $0x5FFFF  }
0xb4: {  	[dreg:$0x1] =	wrdreg $0xFFFFFFFF  }
0xb5: {  	[dreg:$0x0] =	wrdreg $0x60  }
0xb6: {  	[dreg:$0x2] =	wrdreg s24  }
0xb7: {  	[dreg:$0x3] =	wrdreg s4  }
0xb8: {  	[dreg:$0x4] =	wrdreg s15  }
0xb9: {  	[dreg:$0x5] =	wrdreg s5  }
0xba: {  	[dreg:$0x6] =	wrdreg s16  }
0xbb: {  	[dreg:$0x7] =	wrdreg $0x9000  }
0xbc: {  	[dreg:$0x8] =	wrdreg $0x9800  }
0xbd: {  	[dreg:$0x9] =	wrdreg $0x32100  }
0xbe: {  	[dreg:$0xa] =	wrdreg $0x1B800  }
0xbf: {  	[dreg:$0xb] =	wrdreg $0x1B880  }
0xc0: {  	[dreg:$0xc] =	wrdreg $0x9  }
0xc1: {  	_ =	task.clear_ibuf [dreg:s10], $0xDFFFF;
	_ =	strace $0x90000046  }
0xc2: {  	s29 =	simm.s32 $0x9;
	_ =	strace $0x80000048  }
0xc3: {  	_ =	swait.ge [sflag:s29], $0x1  }
0xc4: {  	[sflag:s29] =	ssyncadd.s32 $0xFFFFFFFF  }
0xc5: {  	_ =	strace $0x90000048  }
0xc6: {  	_ =	sfence  }
0xc7: {  	s30 =	sld [smem:$0x0];
	_ =	sdelay $0x2  }
0xc8: {  	s31 =	sshll.u32 s1, $0xD;
	s1 =	sshrl.u32 s1, $0x2  }
0xc9: {  	s3 =	sand.u32 $0x4000, s31;
	s1 =	sadd.s32 s1, s30  }
0xca: {  	s0 =	sor.u32 s3, s0;
	s1 =	sshll.u32 s1, $0x11  }
0xcb: {  	s0 =	sor.u32 s1, s0  }
0xcc: {  	s0 =	sadd.s32 $0x8F2B, s0  }
0xcd: {  	[sflag:s0] =	ssyncadd.remote.s32 $0x1  }
0xce: {  	_ =	sfence.sel $0xFFFF  }
0xcf: {  	[dreg:$0x0] =	wrdreg $0xFFFFFFFF;
	(pc) =	sbr.abs _section_cstart, $3  }
0xd0: {  	[dreg:$0x1] =	wrdreg $0xFFFFFFFF  }
0xd1: {  	_ =	task.clear_ibuf [dreg:s10], $0x2FFFF;
	_ =	strace $0x9FFFFFFF  }
0xd2: {  	(tm) =	ssettm $0x7FFFFFFF  }
0xd3: {  	_ =	shalt  }
tec
execute0_lowered:
.L_overlay_start_1:
0x0: {  	(tag) =	ssettag $0x1  }
0x1: {  	s4 =	rddreg [dreg:$0x0]  }
0x2: {  	s7 =	rddreg [dreg:$0x1]  }
0x3: {  	s12 =	rddreg [dreg:$0x2]  }
0x4: {  	s5 =	rddreg [dreg:$0x3]  }
0x5: {  	s1 =	rddreg [dreg:$0x4];
	s2 =	srdreg.scid  }
0x6: {  	s11 =	rddreg [dreg:$0x5];
	s2 =	sand.u32 $0x1, s2  }
0x7: {  	s10 =	rddreg [dreg:$0x6];
	p0 =	seq.s32 s2, $0x1  }
.Ltmp0:
0x8: {  	s3 =	rddreg [dreg:$0x7];
	(pc) =	sbr.rel @p0 .LBB2_8-.Ltmp0, $4  }
0x9: {  	s9 =	rddreg [dreg:$0x8]  }
0xa: {  	s8 =	rddreg [dreg:$0x9];
	s6 =	simm.s32 $0x0  }
0xb: {  	[smem:$0x7FF] =	sst s6  }
0xc: {  	s0 =	rddreg [dreg:$0xa];
	_ =	strace $0x80000047;
	s2 =	stileid.u32  }
0xd: {  	s13 =	sadd.s32 $0x1000, s4;
	s14 =	sshll.u32 s2, $0x8;
	s15 =	sshll.u32 s2, $0xB  }
0xe: {  	s24 =	simm.s32 $0x2;
	s13 =	sadd.s32 s13, s14;
	[dreg:$0xc] =	wrdreg s15  }
0xf: {  	[tilespmem:s6], [sflag:$0x2] =	stream.linear.gather [hbm4b:s13+s6], $0x800, $0x38;
	[tilespmem:$0x3B90] =	vst v63  }
0x10: {  	_ =	swait.ge [sflag:s24], $0x800  }
0x11: {  	[sflag:s24] =	ssyncset.done $0x0  }
0x12: {  	[sflag:s24] =	ssyncadd.s32 $0xFFFFF800  }
0x13: {  	v6 =	vld [tilespmem:$0x0]  }
0x14: {  	v7 =	vld [tilespmem:$0x10]  }
0x15: {  	v8 =	vld [tilespmem:$0x20]  }
0x16: {  	v9 =	vld [tilespmem:$0x30]  }
0x17: {  	v23 =	vld [tilespmem:$0x40]  }
0x18: {  	v24 =	vld [tilespmem:$0x50]  }
0x19: {  	v25 =	vld [tilespmem:$0x60]  }
0x1a: {  	v26 =	vld [tilespmem:$0x70]  }
0x1b: {  	v27 =	vld [tilespmem:$0x80]  }
0x1c: {  	v28 =	vld [tilespmem:$0x90]  }
0x1d: {  	v29 =	vld [tilespmem:$0xA0]  }
0x1e: {  	v30 =	vld [tilespmem:$0xB0]  }
0x1f: {  	v31 =	vld [tilespmem:$0xC0]  }
0x20: {  	v32 =	vld [tilespmem:$0xD0]  }
0x21: {  	v33 =	vld [tilespmem:$0xE0]  }
0x22: {  	v34 =	vld [tilespmem:$0xF0]  }
0x23: {  	v35 =	vld [tilespmem:$0x100]  }
0x24: {  	v36 =	vld [tilespmem:$0x110]  }
0x25: {  	v37 =	vld [tilespmem:$0x120]  }
0x26: {  	v38 =	vld [tilespmem:$0x130]  }
0x27: {  	v39 =	vld [tilespmem:$0x140]  }
0x28: {  	v40 =	vld [tilespmem:$0x150]  }
0x29: {  	v41 =	vld [tilespmem:$0x160]  }
0x2a: {  	v42 =	vld [tilespmem:$0x170]  }
0x2b: {  	v43 =	vld [tilespmem:$0x180]  }
0x2c: {  	v44 =	vld [tilespmem:$0x190]  }
0x2d: {  	v45 =	vld [tilespmem:$0x1A0]  }
0x2e: {  	v46 =	vld [tilespmem:$0x1B0]  }
0x2f: {  	v47 =	vld [tilespmem:$0x1C0]  }
0x30: {  	v48 =	vld [tilespmem:$0x1D0]  }
0x31: {  	v49 =	vld [tilespmem:$0x1E0]  }
0x32: {  	v50 =	vld [tilespmem:$0x1F0]  }
0x33: {  	v51 =	vld [tilespmem:$0x200]  }
0x34: {  	v52 =	vld [tilespmem:$0x210]  }
0x35: {  	v53 =	vld [tilespmem:$0x220]  }
0x36: {  	v54 =	vld [tilespmem:$0x230]  }
0x37: {  	v55 =	vld [tilespmem:$0x240]  }
0x38: {  	v56 =	vld [tilespmem:$0x250]  }
0x39: {  	v57 =	vld [tilespmem:$0x260]  }
0x3a: {  	v58 =	vld [tilespmem:$0x270]  }
0x3b: {  	v59 =	vld [tilespmem:$0x280]  }
0x3c: {  	v60 =	vld [tilespmem:$0x290]  }
0x3d: {  	v61 =	vld [tilespmem:$0x2A0]  }
0x3e: {  	v62 =	vld [tilespmem:$0x2B0]  }
0x3f: {  	v63 =	vld [tilespmem:$0x2C0]  }
0x40: {  	v0 =	vld [tilespmem:$0x2D0]  }
0x41: {  	v1 =	vld [tilespmem:$0x2E0]  }
0x42: {  	v2 =	vld [tilespmem:$0x2F0]  }
0x43: {  	v4 =	vld [tilespmem:$0x300]  }
0x44: {  	v3 =	vld [tilespmem:$0x310]  }
0x45: {  	v5 =	vld [tilespmem:$0x320]  }
0x46: {  	v12 =	vld [tilespmem:$0x330]  }
0x47: {  	v15 =	vld [tilespmem:$0x340]  }
0x48: {  	v20 =	vld [tilespmem:$0x350]  }
0x49: {  	v10 =	vld [tilespmem:$0x360]  }
0x4a: {  	v19 =	vld [tilespmem:$0x390]  }
0x4b: {  	v16 =	vld [tilespmem:$0x400]  }
0x4c: {  	v14 =	vld [tilespmem:$0x410]  }
0x4d: {  	v17 =	vld [tilespmem:$0x420]  }
0x4e: {  	v22 =	vld [tilespmem:$0x430]  }
0x4f: {  	v21 =	vld [tilespmem:$0x4C0]  }
0x50: {  	v11 =	vld [tilespmem:$0x480]  }
0x51: {  	v13 =	vld [tilespmem:$0x4A0]  }
0x52: {  	v18 =	vld [tilespmem:$0x4B0]  }
0x53: {  	[tilespmem:$0x1FED0] =	vst v10;
	v10 =	vld [tilespmem:$0x370]  }
0x54: {  	[tilespmem:$0x1FF70] =	vst v21;
	v21 =	vld [tilespmem:$0x4D0]  }
0x55: {  	v6 =	vmax.f32 v6, v7;
	v7 =	vld [tilespmem:$0x520]  }
0x56: {  	v36 =	vmax.f32 v35, v36;
	v35 =	vld [tilespmem:$0x5E0]  }
0x57: {  	v3 =	vmax.f32 v4, v3;
	v4 =	vld [tilespmem:$0x670]  }
0x58: {  	v14 =	vmax.f32 v16, v14;
	v16 =	vld [tilespmem:$0x6D0]  }
0x59: {  	v8 =	vmax.f32 v6, v8;
	v6 =	vld [tilespmem:$0x530]  }
0x5a: {  	v3 =	vmax.f32 v3, v5;
	v5 =	vld [tilespmem:$0x680]  }
0x5b: {  	v8 =	vmax.f32 v8, v9;
	v9 =	vmax.f32 v27, v28;
	v27 =	vld [tilespmem:$0x540]  }
0x5c: {  	[tilespmem:$0x1FEF0] =	vst v10;
	v10 =	vld [tilespmem:$0x380]  }
0x5d: {  	v3 =	vmax.f32 v3, v12;
	v12 =	vld [tilespmem:$0x690]  }
0x5e: {  	v44 =	vmax.f32 v43, v44;
	v8 =	vmax.f32 v8, v23;
	v23 =	vld [tilespmem:$0x550]  }
0x5f: {  	v9 =	vmax.f32 v9, v29;
	v29 =	vmax.f32 v44, v45;
	v45 =	vld [tilespmem:$0x640]  }
0x60: {  	[tilespmem:$0x1FFA0] =	vst v21;
	v21 =	vld [tilespmem:$0x4E0]  }
0x61: {  	[tilespmem:$0x1FEE0] =	vst v10;
	v10 =	vld [tilespmem:$0x3A0]  }
0x62: {  	v28 =	vmax.f32 v36, v37;
	v3 =	vmax.f32 v3, v15;
	v15 =	vld [tilespmem:$0x6A0]  }
0x63: {  	v28 =	vmax.f32 v28, v38;
	v38 =	vmax.f32 v59, v60;
	v60 =	vld [tilespmem:$0x730]  }
0x64: {  	v24 =	vmax.f32 v8, v24;
	v8 =	vld [tilespmem:$0x560]  }
0x65: {  	[tilespmem:$0x1FFC0] =	vst v21;
	v21 =	vld [tilespmem:$0x4F0]  }
0x66: {  	[tilespmem:$0x1FF00] =	vst v10;
	v10 =	vld [tilespmem:$0x3B0]  }
0x67: {  	v39 =	vmax.f32 v28, v39;
	v28 =	vld [tilespmem:$0x580]  }
0x68: {  	v9 =	vmax.f32 v9, v30;
	v30 =	vld [tilespmem:$0x590]  }
0x69: {  	v3 =	vmax.f32 v3, v20;
	v20 =	vld [tilespmem:$0x6B0]  }
0x6a: {  	[tilespmem:$0x1FFF0] =	vst v21;
	v21 =	vld [tilespmem:$0x500]  }
0x6b: {  	[tilespmem:$0x1FF10] =	vst v10;
	v10 =	vld [tilespmem:$0x3C0]  }
0x6c: {  	v37 =	vmax.f32 v9, v31;
	v9 =	vld [tilespmem:$0x570]  }
0x6d: {  	v29 =	vmax.f32 v29, v46;
	v31 =	vld [tilespmem:$0x5A0]  }
0x6e: {  	v36 =	vmax.f32 v29, v47;
	v47 =	vld [tilespmem:$0x650]  }
0x6f: {  	[tilespmem:$0x1FFD0] =	vst v21;
	v21 =	vld [tilespmem:$0x510]  }
0x70: {  	[tilespmem:$0x1FF20] =	vst v10;
	v10 =	vld [tilespmem:$0x3D0]  }
0x71: {  	v52 =	vmax.f32 v51, v52;
	v24 =	vmax.f32 v24, v25;
	v25 =	vmax.f32 v37, v32;
	v32 =	vld [tilespmem:$0x5D0]  }
0x72: {  	v37 =	vmax.f32 v52, v53;
	v53 =	vld [tilespmem:$0x1FEF0]  }
0x73: {  	v25 =	vmax.f32 v25, v33;
	v33 =	vld [tilespmem:$0x5B0]  }
0x74: {  	[tilespmem:$0x1FFE0] =	vst v21;
	v21 =	vld [tilespmem:$0x1FED0]  }
0x75: {  	v24 =	vmax.f32 v24, v26;
	[tilespmem:$0x1FF30] =	vst v10;
	v10 =	vld [tilespmem:$0x3E0]  }
0x76: {  	v26 =	vmax.f32 v39, v40;
	v40 =	vmax.f32 v38, v61;
	v5 =	vmax.f32 v5, v12;
	v12 =	vld [tilespmem:$0x7A0]  }
0x77: {  	v29 =	vmax.f32 v40, v62;
	v25 =	vmax.f32 v25, v34;
	v34 =	vld [tilespmem:$0x5C0]  }
0x78: {  	v26 =	vmax.f32 v26, v41;
	v41 =	vmax.f32 v29, v63;
	v29 =	vld [tilespmem:$0x5F0]  }
0x79: {  	v3 =	vmax.f32 v3, v21;
	v21 =	vld [tilespmem:$0x1FEE0]  }
0x7a: {  	[tilespmem:$0x1FF50] =	vst v10;
	v10 =	vld [tilespmem:$0x3F0]  }
0x7b: {  	(xrf0) =	vmax.scan.msk.f32 $0xffff, v24;
	v39 =	vmax.f32 v37, v54;
	v54 =	vld [tilespmem:$0x1FF00]  }
0x7c: {  	(xrf0) =	vmax.scan.msk.f32 $0xffff, v25;
	v25 =	vmax.f32 v39, v55;
	v55 =	vld [tilespmem:$0x1FF10]  }
0x7d: {  	v14 =	vmax.f32 v14, v17;
	v17 =	vld [tilespmem:$0x1FF20]  }
0x7e: {  	v24 =	vmax.f32 v36, v48;
	v63 =	vld [tilespmem:$0x740]  }
0x7f: {  	v24 =	vmax.f32 v24, v49;
	v19 =	vmax.f32 v21, v19;
	[tilespmem:$0x1FF80] =	vst v10;
	v10 =	vld [tilespmem:$0x440]  }
0x80: {  	v24 =	vmax.f32 v24, v50;
	v0 =	vmax.f32 v41, v0;
	v50 =	vld [tilespmem:$0x660];
	v19 =	vmax.f32 v19, v54  }
0x81: {  	v26 =	vmax.f32 v26, v42;
	v0 =	vmax.f32 v0, v1;
	v1 =	vld [tilespmem:$0x610];
	v19 =	vmax.f32 v19, v55  }
0x82: {  	(xrf0) =	vmax.scan.msk.f32 $0xffff, v26;
	v25 =	vmax.f32 v25, v56;
	v17 =	vmax.f32 v19, v17;
	v19 =	vld [tilespmem:$0x1FF30]  }
0x83: {  	v42 =	vmax.f32 v25, v57;
	v25 =	vld [tilespmem:$0x600]  }
0x84: {  	(xrf0) =	vmax.scan.msk.f32 $0xffff, v24;
	v24 =	vmax.f32 v42, v58;
	[tilespmem:$0x1FF40] =	vst v10;
	v10 =	vld [tilespmem:$0x450]  }
0x85: {  	v0 =	vmax.f32 v0, v2;
	v2 =	vld [tilespmem:$0x620];
	(xrf0) =	vmax.scan.msk.f32 $0xffff, v24  }
0x86: {  	v43, _, _ =	vpop (xrf0);
	v58 =	vld [tilespmem:$0x1FFD0]  }
0x87: {  	v44, _, _ =	vpop (xrf0);
	v17 =	vmax.f32 v17, v19;
	v19 =	vld [tilespmem:$0x1FF40]  }
0x88: {  	v26 =	vbroadcast v43, $0xF;
	v24 =	vbroadcast v44, $0xF;
	v46, _, _ =	vpop (xrf0);
	v59 =	vld [tilespmem:$0x1FFE0]  }
0x89: {  	vm0 =	vmmov $0x1;
	v48 =	vbroadcast v46, $0xF;
	[tilespmem:$0x1FF60] =	vst v10;
	v10 =	vld [tilespmem:$0x460]  }
0x8a: {  	vm1 =	vmmov $0x3;
	v57 =	vld [tilespmem:$0x1FFC0];
	v49, _, _ =	vpop (xrf0);
	v24 =	vsel vm0, v26, v24  }
0x8b: {  	v14 =	vmax.f32 v14, v22;
	(xrf0) =	vmax.scan.msk.f32 $0xffff, v0;
	v0 =	vld [tilespmem:$0x630];
	v37 =	vbroadcast v49, $0xF;
	v24 =	vsel vm1, v24, v48;
	v51, _, _ =	vpop (xrf0)  }
0x8c: {  	vm1 =	vmmov $0x7;
	v26 =	vbroadcast v51, $0xF;
	v14 =	vmax.f32 v14, v19;
	v19 =	vld [tilespmem:$0x1FF50]  }
0x8d: {  	v24 =	vsel vm1, v24, v37;
	vm1 =	vmmov $0xf;
	v22 =	vld [tilespmem:$0x1FF80]  }
0x8e: {  	v24 =	vsel vm1, v24, v26;
	v26 =	vmax.f32 v58, v59;
	[tilespmem:$0x1FF90] =	vst v10;
	v10 =	vld [tilespmem:$0x470]  }
0x8f: {  	v61 =	vld [tilespmem:$0x1FFF0];
	v3 =	vmax.f32 v3, v53;
	v7 =	vmax.f32 v26, v7  }
0x90: {  	(xrf0) =	vmax.scan.msk.f32 $0xffff, v3;
	v3 =	vmax.f32 v7, v6;
	v7 =	vld [tilespmem:$0x750]  }
0x91: {  	v17 =	vmax.f32 v17, v19;
	v19 =	vld [tilespmem:$0x1FF60]  }
0x92: {  	v17 =	vmax.f32 v17, v22;
	v22 =	vld [tilespmem:$0x1FF90]  }
0x93: {  	v3 =	vmax.f32 v3, v27;
	[tilespmem:$0x1FFB0] =	vst v10;
	v10 =	vld [tilespmem:$0x490]  }
0x94: {  	v21 =	vld [tilespmem:$0x6C0];
	v3 =	vmax.f32 v3, v23  }
0x95: {  	v3 =	vmax.f32 v3, v8;
	v8 =	vld [tilespmem:$0x780]  }
0x96: {  	v14 =	vmax.f32 v14, v19;
	v19 =	vld [tilespmem:$0x1FF70]  }
0x97: {  	v1 =	vmax.f32 v25, v1;
	v14 =	vmax.f32 v14, v22;
	v22 =	vld [tilespmem:$0x1FFA0]  }
0x98: {  	v1 =	vmax.f32 v1, v2;
	v3 =	vmax.f32 v3, v9;
	v9 =	vld [tilespmem:$0x790];
	v10 =	vmax.f32 v11, v10  }
0x99: {  	v0 =	vmax.f32 v1, v0;
	v56 =	vld [tilespmem:$0x1FFB0];
	v10 =	vmax.f32 v10, v13  }
0x9a: {  	v62 =	vmax.f32 v28, v30;
	v52, _, _ =	vpop (xrf0);
	v0 =	vmax.f32 v0, v45;
	v10 =	vmax.f32 v10, v18;
	v18 =	vld [tilespmem:$0x700]  }
0x9b: {  	v37 =	vbroadcast v52, $0xF;
	v0 =	vmax.f32 v0, v47;
	v10 =	vmax.f32 v10, v19;
	v19 =	vld [tilespmem:$0x710]  }
0x9c: {  	v0 =	vmax.f32 v0, v50;
	v6 =	vmax.f32 v62, v31;
	v10 =	vmax.f32 v10, v22;
	v22 =	vld [tilespmem:$0x720]  }
0x9d: {  	v0 =	vmax.f32 v0, v4;
	v4 =	vmax.f32 v5, v15;
	v6 =	vmax.f32 v6, v33;
	(xrf0) =	vmax.scan.msk.f32 $0xffff, v17;
	v17 =	vld [tilespmem:$0x7B0]  }
0x9e: {  	vm1 =	vmmov $0x1f;
	v4 =	vmax.f32 v4, v20;
	v6 =	vmax.f32 v6, v34;
	v11 =	vld [tilespmem:$0x6E0]  }
0x9f: {  	v6 =	vmax.f32 v6, v32;
	v13 =	vld [tilespmem:$0x6F0];
	v14 =	vmax.f32 v14, v56;
	v10 =	vmax.f32 v10, v57  }
0xa0: {  	v2 =	vld [tilespmem:$0x760];
	v6 =	vmax.f32 v6, v35;
	(xrf0) =	vmax.scan.msk.f32 $0xffff, v14;
	v10 =	vmax.f32 v10, v61;
	v15 =	vmax.f32 v18, v19  }
0xa1: {  	v1 =	vld [tilespmem:$0x770];
	v6 =	vmax.f32 v6, v29;
	v4 =	vmax.f32 v4, v21;
	(xrf0) =	vmax.scan.msk.f32 $0xffff, v10;
	v14 =	vmax.f32 v15, v22  }
0xa2: {  	v8 =	vmax.f32 v8, v9;
	(xrf0) =	vmax.scan.msk.f32 $0xffff, v3;
	v3 =	vmax.f32 v4, v16;
	v15 =	vld [tilespmem:$0x7C0];
	v10 =	vmax.f32 v14, v60  }
0xa3: {  	v5, _, _ =	vpop (xrf0);
	(xrf0) =	vmax.scan.msk.f32 $0xffff, v6;
	v3 =	vmax.f32 v3, v11;
	v6 =	vmax.f32 v8, v12;
	v14 =	vld [tilespmem:$0x7D0];
	v4 =	vmax.f32 v10, v63  }
0xa4: {  	(xrf0) =	vmax.scan.msk.f32 $0xffff, v0;
	v0 =	vmax.f32 v3, v13;
	v3 =	vmax.f32 v6, v17;
	v4 =	vmax.f32 v4, v7  }
0xa5: {  	v24 =	vsel vm1, v24, v37;
	v5 =	vbroadcast v5, $0xF;
	v9 =	vld [tilespmem:$0x7E0];
	v8, _, _ =	vpop (xrf0);
	v2 =	vmax.f32 v4, v2  }
0xa6: {  	vm1 =	vmmov $0x3f;
	(xrf0) =	vmax.scan.msk.f32 $0xffff, v0;
	v7 =	vld [tilespmem:$0x7F0];
	v4 =	vbroadcast v8, $0xF;
	v0 =	vmax.f32 v2, v1  }
0xa7: {  	v1 =	vmax.f32 v3, v15;
	v2 =	vsel vm1, v24, v5;
	vm1 =	vmmov $0x7f;
	v3, _, _ =	vpop (xrf0)  }
0xa8: {  	(xrf0) =	vmax.scan.msk.f32 $0xffff, v0;
	v0 =	vmax.f32 v1, v14;
	v1 =	vsel vm1, v2, v4;
	v2 =	vbroadcast v3, $0xF;
	v3, _, _ =	vpop (xrf0)  }
0xa9: {  	v3 =	vbroadcast v3, $0xF  }
0xaa: {  	v0 =	vmax.f32 v0, v9  }
0xab: {  	vm1 =	vmmov $0xff;
	v4, _, _ =	vpop (xrf0);
	v0 =	vmax.f32 v0, v7  }
0xac: {  	v1 =	vsel vm1, v1, v2;
	vm1 =	vmmov $0x1ff;
	v2 =	vbroadcast v4, $0xF;
	v4, _, _ =	vpop (xrf0)  }
0xad: {  	(xrf0) =	vmax.scan.msk.f32 $0xffff, v0;
	v0 =	vsel vm1, v1, v3;
	vm1 =	vmmov $0x3ff;
	v1 =	vbroadcast v4, $0xF;
	v3, _, _ =	vpop (xrf0)  }
0xae: {  	v0 =	vsel vm1, v0, v2;
	vm1 =	vmmov $0x7ff;
	v2 =	vbroadcast v3, $0xF;
	v3, _, _ =	vpop (xrf0)  }
0xaf: {  	v0 =	vsel vm1, v0, v1;
	v1 =	vbroadcast v3, $0xF  }
0xb0: {  	vm1 =	vmmov $0xfff;
	v3, _, _ =	vpop (xrf0)  }
0xb1: {  	v0 =	vsel vm1, v0, v2;
	vm1 =	vmmov $0x1fff;
	v2 =	vbroadcast v3, $0xF  }
0xb2: {  	v0 =	vsel vm1, v0, v1;
	vm1 =	vmmov $0x3fff  }
0xb3: {  	v0 =	vsel vm1, v0, v2;
	vm1 =	vmmov $0x7fff;
	v1, _, _ =	vpop (xrf0)  }
0xb4: {  	v5 =	vsel vm1, v0, v1  }
0xb5: {  	(xrf0) =	vmax.scan.msk.f32 $0xffff, v5;
	_ =	sdelay $0x5  }
0xb6: {  	v0, _, _ =	vpop (xrf0)  }
0xb7: {  	v9 =	vbroadcast v0, $0xF  }
0xb8: {  	v4 =	vlaneseq.u32  }
0xb9: {  	v6 =	vor.u32 $0x80000000, v4;
	vm1 =	veq.f32 v5, v9  }
0xba: {  	v0 =	vnsel vm1, $0x8000270F, v6  }
0xbb: {  	(xrf0) =	vmin.scan.msk.u32 $0xffff, v0;
	_ =	sdelay $0x5  }
0xbc: {  	v0, _, _ =	vpop (xrf0)  }
0xbd: {  	(v2sf) =	vpush v0, $0xF;
	_ =	sdelay $0xe  }
0xbe: {  	s18 =	spop (v2sf)  }
0xbf: {  	s25 =	sshll.u32 s18, $0x9  }
0xc0: {  	s19 =	sshra.s32 s25, $0x2  }
0xc1: {  	v0 =	vld [tilespmem:s19+$0x0]  }
0xc2: {  	v1 =	vld [tilespmem:s19+$0x10];
	_ =	sdelay $0x2  }
0xc3: {  	v2 =	vld [tilespmem:s19+$0x20]  }
0xc4: {  	v3 =	vld [tilespmem:s19+$0x30];
	vm1 =	veq.f32 v0, v9  }
0xc5: {  	v8 =	vnsel vm1, $0x8000270F, v6;
	vm1 =	veq.f32 v1, v9;
	v1 =	vld [tilespmem:s19+$0x40]  }
0xc6: {  	v7 =	vor.u32 $0x80000010, v4;
	v0 =	vld [tilespmem:s19+$0x50]  }
0xc7: {  	v10 =	vnsel vm1, $0x8000270F, v7;
	(xrf0) =	vmin.scan.msk.u32 $0xffff, v8  }
0xc8: {  	v8 =	vor.u32 $0x80000020, v4;
	vm1 =	veq.f32 v2, v9;
	(xrf0) =	vmin.scan.msk.u32 $0xffff, v10  }
0xc9: {  	v2 =	vnsel vm1, $0x8000270F, v8;
	v10 =	vor.u32 $0x80000030, v4;
	vm1 =	veq.f32 v3, v9  }
0xca: {  	v12 =	vor.u32 $0x80000040, v4;
	(xrf0) =	vmin.scan.msk.u32 $0xffff, v2;
	v3 =	vnsel vm1, $0x8000270F, v10;
	vm2 =	veq.f32 v1, v9  }
0xcb: {  	v11 =	vor.u32 $0x80000050, v4;
	v2 =	vld [tilespmem:s19+$0x60];
	vm1 =	veq.f32 v0, v9;
	v1 =	vnsel vm2, $0x8000270F, v12  }
0xcc: {  	(xrf0) =	vmin.scan.msk.u32 $0xffff, v3;
	v0 =	vnsel vm1, $0x8000270F, v11  }
0xcd: {  	(xrf0) =	vmin.scan.msk.u32 $0xffff, v0;
	v0 =	vld [tilespmem:s19+$0x70];
	v3, _, _ =	vpop (xrf0)  }
0xce: {  	(xrf0) =	vmin.scan.msk.u32 $0xffff, v1;
	(v2sf) =	vpush v3, $0xF;
	v1, _, _ =	vpop (xrf0)  }
0xcf: {  	(v2sf) =	vpush v1, $0xF  }
0xd0: {  	v13 =	vor.u32 $0x80000060, v4;
	vm1 =	veq.f32 v2, v9;
	v1, _, _ =	vpop (xrf0)  }
0xd1: {  	v2 =	vnsel vm1, $0x8000270F, v13;
	(v2sf) =	vpush v1, $0xF  }
0xd2: {  	v14 =	vor.u32 $0x80000070, v4;
	(xrf0) =	vmin.scan.msk.u32 $0xffff, v2;
	v1, _, _ =	vpop (xrf0);
	vm1 =	veq.f32 v0, v9  }
0xd3: {  	(v2sf) =	vpush v1, $0xF;
	v0, _, _ =	vpop (xrf0);
	v1 =	vnsel vm1, $0x8000270F, v14  }
0xd4: {  	v2, _, _ =	vpop (xrf0);
	(v2sf) =	vpush v0, $0xF;
	(xrf0) =	vmin.scan.msk.u32 $0xffff, v1  }
0xd5: {  	(v2sf) =	vpush v2, $0xF;
	_ =	sdelay $0x2  }
0xd6: {  	v0, _, _ =	vpop (xrf0)  }
0xd7: {  	(v2sf) =	vpush v0, $0xF  }
0xd8: {  	v0, _, _ =	vpop (xrf0)  }
0xd9: {  	(v2sf) =	vpush v0, $0xF;
	_ =	sdelay $0x1  }
0xda: {  	s26 =	spop (v2sf)  }
0xdb: {  	s28 =	spop (v2sf)  }
0xdc: {  	s13 =	sxor.u32 $0x80000000, s26;
	s14 =	sxor.u32 $0x80000000, s28  }
0xdd: {  	s29 =	spop (v2sf);
	p0 =	slt.s32 s13, s14  }
0xde: {  	s14 =	smov.u32 @p0 s13;
	s13 =	sxor.u32 $0x80000000, s29  }
0xdf: {  	s30 =	spop (v2sf);
	p0 =	slt.s32 s14, s13  }
0xe0: {  	s16 =	spop (v2sf);
	s13 =	smov.u32 @p0 s14;
	s14 =	sxor.u32 $0x80000000, s30  }
0xe1: {  	s31 =	spop (v2sf);
	p0 =	slt.s32 s13, s14  }
0xe2: {  	s14 =	smov.u32 @p0 s13;
	s13 =	sxor.u32 $0x80000000, s31  }
0xe3: {  	p0 =	slt.s32 s14, s13  }
0xe4: {  	s13 =	smov.u32 @p0 s14;
	s14 =	sxor.u32 $0x80000000, s16  }
0xe5: {  	s17 =	spop (v2sf);
	p0 =	slt.s32 s13, s14  }
0xe6: {  	s14 =	smov.u32 @p0 s13;
	s13 =	sxor.u32 $0x80000000, s17  }
0xe7: {  	s20 =	spop (v2sf);
	p0 =	slt.s32 s14, s13  }
0xe8: {  	s20 =	sxor.u32 $0x80000000, s20;
	s13 =	smov.u32 @p0 s14  }
0xe9: {  	p0 =	slt.s32 s13, s20  }
0xea: {  	s20 =	smov.u32 @p0 s13  }
0xeb: {  	p0 =	slt.s32 s20, $0x270F  }
0xec: {  	p1 =	slt.s32 s20, $0x1;
	s20 =	simm.s32 @!p0 $0x270F  }
0xed: {  	s22 =	sand.u32 $0xF, s20  }
0xee: {  	s21 =	simm.s32 $0x1;
	s23 =	sshra.s32 s20, $0x1F;
	p6 =	sne.s32 s22, $0x0  }
0xef: {  	[dreg:$0xb] =	wrdreg s21;
	s24 =	sshrl.u32 s23, $0x1C;
	p0 =	por !p1, !p6  }
0xf0: {  	s15 =	rddreg [dreg:$0xb];
	s13 =	sadd.s32 s24, s20;
	p0 =	por !p0, !p0  }
0xf1: {  	s13 =	sshrl.u32 s13, $0x4;
	s15 =	simm.s32 @!p0 $0x0  }
0xf2: {  	s13 =	ssub.s32 s13, s15  }
0xf3: {  	s21 =	sshll.u32 s18, $0x7;
	s13 =	sshll.u32 s13, $0x4  }
0xf4: {  	s25 =	sadd.s32 s21, s13  }
0xf5: {  	s26 =	sand.u32 $0x70, s13;
	s14 =	sand.u32 $0xFFFFFF80, s25  }
0xf6: {  	s14 =	sor.u32 s26, s14  }
0xf7: {  	v0 =	vld [tilespmem:s14+$0x0];
	_ =	sdelay $0x1  }
0xf8: {  	s13 =	ssub.s32 s20, s13  }
0xf9: {  	v1 =	vmov s13  }
0xfa: {  	vm1 =	veq.s32 v1, v4  }
0xfb: {  	v0 =	vsel vm1, $0xFF61B1E6, v0  }
0xfc: {  	[tilespmem:s14+$0x0] =	vst v0  }
0xfd: {  	v0 =	vld [tilespmem:s19+$0x0]  }
0xfe: {  	v15 =	vld [tilespmem:s19+$0x10]  }
0xff: {  	s4 =	sadd.s32 $0x2000, s4;
	s28 =	sshll.u32 s2, $0x3;
	s31 =	sxor.u32 $0x80000000, s18;
	v20 =	vld [tilespmem:s19+$0x20]  }
0x100: {  	s18 =	simm.s32 $0x1;
	s22 =	sshll.u32 s2, $0x7;
	s23 =	sshll.u32 s2, $0x2;
	v16 =	vld [tilespmem:s19+$0x30]  }
0x101: {  	s17 =	sadd.s32 s22, s11;
	s16 =	sadd.s32 s22, s10;
	s24 =	sand.u32 $0xC, s23;
	v17 =	vld [tilespmem:s19+$0x40]  }
0x102: {  	v2 =	vmov s24;
	s29 =	sor.u32 $0x1, s24;
	s30 =	sor.u32 $0x3, s24;
	s25 =	sor.u32 $0x2, s24;
	v18 =	vld [tilespmem:s19+$0x50]  }
0x103: {  	v3 =	vmov s29;
	s15 =	sadd.s32 $0x80, s5;
	s13 =	sadd.s32 s5, s28;
	s5 =	sadd.s32 s22, s3;
	v1 =	vmov s25;
	v19 =	vld [tilespmem:s19+$0x60];
	v21 =	vmax.f32 v0, v15  }
0x104: {  	s14 =	sadd.s32 s12, s28;
	s12 =	sand.u32 $0x30, s23;
	v0 =	vmov s30;
	v15 =	vmov s31;
	v21 =	vmax.f32 v21, v20;
	v20 =	vld [tilespmem:s19+$0x70];
	s19 =	sand.u32 $0x30, s6  }
.LBB2_2:
0x105: {  	v16 =	vmax.f32 v21, v16  }
0x106: {  	v16 =	vmax.f32 v16, v17  }
0x107: {  	v16 =	vmax.f32 v16, v18  }
0x108: {  	v16 =	vmax.f32 v16, v19  }
0x109: {  	v16 =	vmax.f32 v16, v20  }
0x10a: {  	(xrf0) =	vmax.scan.msk.f32 $0xffff, v16;
	_ =	sdelay $0x1  }
0x10b: {  	v22 =	vld [tilespmem:s19+$0x800];
	_ =	sdelay $0x1  }
0x10c: {  	s23 =	sand.u32 $0xF, s6  }
0x10d: {  	v17 =	vmov s23  }
0x10e: {  	vm1 =	veq.s32 v17, v4;
	v16, _, _ =	vpop (xrf0)  }
0x10f: {  	vm2 =	veq.s32 v15, v4;
	v9 =	vsel vm1, v9, v22;
	v15 =	vbroadcast v16, $0xF  }
0x110: {  	[tilespmem:s19+$0x800] =	vst v9;
	v9 =	vld [tilespmem:s19+$0x880]  }
0x111: {  	v5 =	vsel vm2, v15, v5  }
0x112: {  	s23 =	rddreg [dreg:$0xc];
	(xrf0) =	vmax.scan.msk.f32 $0xffff, v5  }
0x113: {  	s21 =	sadd.s32 s23, s21  }
0x114: {  	s20 =	sadd.s32 s20, s21  }
0x115: {  	v9 =	vsel vm1, s20, v9;
	_ =	sdelay $0x2  }
0x116: {  	[tilespmem:s19+$0x880] =	vst v9;
	v9, _, _ =	vpop (xrf0)  }
0x117: {  	v9 =	vbroadcast v9, $0xF;
	_ =	sdelay $0x1  }
0x118: {  	vm1 =	veq.f32 v5, v9  }
0x119: {  	v15 =	vnsel vm1, $0x8000270F, v6  }
0x11a: {  	(xrf0) =	vmin.scan.msk.u32 $0xffff, v15;
	_ =	sdelay $0x5  }
0x11b: {  	v15, _, _ =	vpop (xrf0)  }
0x11c: {  	(v2sf) =	vpush v15, $0xF;
	_ =	sdelay $0xe  }
0x11d: {  	s21 =	spop (v2sf)  }
0x11e: {  	s25 =	sshll.u32 s21, $0x9  }
0x11f: {  	s19 =	sshra.s32 s25, $0x2  }
0x120: {  	v16 =	vld [tilespmem:s19+$0x0]  }
0x121: {  	v17 =	vld [tilespmem:s19+$0x10];
	_ =	sdelay $0x1  }
0x122: {  	v18 =	vld [tilespmem:s19+$0x20]  }
0x123: {  	v19 =	vld [tilespmem:s19+$0x30]  }
0x124: {  	vm1 =	veq.f32 v16, v9  }
0x125: {  	v20 =	vld [tilespmem:s19+$0x50];
	v21 =	vnsel vm1, $0x8000270F, v6;
	vm1 =	veq.f32 v17, v9  }
0x126: {  	v16 =	vld [tilespmem:s19+$0x40];
	v17 =	vnsel vm1, $0x8000270F, v7;
	(xrf0) =	vmin.scan.msk.u32 $0xffff, v21  }
0x127: {  	vm1 =	veq.f32 v18, v9;
	(xrf0) =	vmin.scan.msk.u32 $0xffff, v17  }
0x128: {  	v18 =	vnsel vm1, $0x8000270F, v8;
	vm1 =	veq.f32 v19, v9  }
0x129: {  	v17 =	vnsel vm1, $0x8000270F, v10;
	(xrf0) =	vmin.scan.msk.u32 $0xffff, v18  }
0x12a: {  	v19 =	vld [tilespmem:s19+$0x60];
	vm1 =	veq.f32 v20, v9  }
0x12b: {  	vm2 =	veq.f32 v16, v9;
	v16 =	vnsel vm1, $0x8000270F, v11;
	(xrf0) =	vmin.scan.msk.u32 $0xffff, v17  }
0x12c: {  	v18 =	vnsel vm2, $0x8000270F, v12;
	(xrf0) =	vmin.scan.msk.u32 $0xffff, v16;
	v16 =	vld [tilespmem:s19+$0x70];
	v17, _, _ =	vpop (xrf0)  }
0x12d: {  	(xrf0) =	vmin.scan.msk.u32 $0xffff, v18;
	(v2sf) =	vpush v17, $0xF;
	v17, _, _ =	vpop (xrf0)  }
0x12e: {  	(v2sf) =	vpush v17, $0xF  }
0x12f: {  	vm1 =	veq.f32 v19, v9;
	v17, _, _ =	vpop (xrf0)  }
0x130: {  	v18 =	vnsel vm1, $0x8000270F, v13;
	(v2sf) =	vpush v17, $0xF  }
0x131: {  	(xrf0) =	vmin.scan.msk.u32 $0xffff, v18;
	v17, _, _ =	vpop (xrf0);
	vm1 =	veq.f32 v16, v9  }
0x132: {  	(v2sf) =	vpush v17, $0xF;
	v16, _, _ =	vpop (xrf0);
	v17 =	vnsel vm1, $0x8000270F, v14  }
0x133: {  	v18, _, _ =	vpop (xrf0);
	(v2sf) =	vpush v16, $0xF;
	(xrf0) =	vmin.scan.msk.u32 $0xffff, v17  }
0x134: {  	(v2sf) =	vpush v18, $0xF;
	_ =	sdelay $0x2  }
0x135: {  	v16, _, _ =	vpop (xrf0)  }
0x136: {  	(v2sf) =	vpush v16, $0xF  }
0x137: {  	v16, _, _ =	vpop (xrf0)  }
0x138: {  	(v2sf) =	vpush v16, $0xF;
	_ =	sdelay $0x1  }
0x139: {  	s26 =	spop (v2sf)  }
0x13a: {  	s22 =	smov.u32 s18;
	s28 =	spop (v2sf)  }
0x13b: {  	s6 =	smov.u32 s22;
	s20 =	sxor.u32 $0x80000000, s26;
	s22 =	sxor.u32 $0x80000000, s28  }
0x13c: {  	s29 =	spop (v2sf);
	p1 =	slt.s32 s20, s22  }
0x13d: {  	s24 =	sxor.u32 $0x80000000, s21;
	s22 =	smov.u32 @p1 s20;
	s20 =	sxor.u32 $0x80000000, s29  }
0x13e: {  	v15 =	vmov s24;
	s24 =	spop (v2sf);
	p1 =	slt.s32 s22, s20  }
0x13f: {  	s30 =	spop (v2sf);
	s20 =	smov.u32 @p1 s22;
	s22 =	sxor.u32 $0x80000000, s24  }
0x140: {  	s25 =	spop (v2sf);
	p1 =	slt.s32 s20, s22  }
0x141: {  	s22 =	smov.u32 @p1 s20;
	s20 =	sxor.u32 $0x80000000, s25  }
0x142: {  	p1 =	slt.s32 s22, s20  }
0x143: {  	s20 =	smov.u32 @p1 s22;
	s22 =	sxor.u32 $0x80000000, s30  }
0x144: {  	s31 =	spop (v2sf);
	p1 =	slt.s32 s20, s22  }
0x145: {  	s22 =	smov.u32 @p1 s20;
	s20 =	sxor.u32 $0x80000000, s31  }
0x146: {  	s25 =	spop (v2sf);
	p1 =	slt.s32 s22, s20  }
0x147: {  	s20 =	smov.u32 @p1 s22;
	s22 =	sxor.u32 $0x80000000, s25  }
0x148: {  	p1 =	slt.s32 s20, s22  }
0x149: {  	s22 =	smov.u32 @p1 s20  }
0x14a: {  	p1 =	slt.s32 s22, $0x270F;
	s20 =	smov.u32 s22  }
0x14b: {  	s20 =	simm.s32 @!p1 $0x270F  }
0x14c: {  	s28 =	sand.u32 $0xF, s20  }
0x14d: {  	p6 =	slt.s32 s22, $0x1;
	s26 =	sshra.s32 s20, $0x1F;
	p2 =	sne.s32 s28, $0x0  }
0x14e: {  	s23 =	sshrl.u32 s26, $0x1C;
	p1 =	por !p6, !p2  }
0x14f: {  	s25 =	rddreg [dreg:$0xb];
	s29 =	sadd.s32 s23, s20;
	p1 =	por !p1, !p1  }
0x150: {  	s22 =	sshrl.u32 s29, $0x4;
	s25 =	simm.s32 @!p1 $0x0  }
0x151: {  	s22 =	ssub.s32 s22, s25  }
0x152: {  	s21 =	sshll.u32 s21, $0x7;
	s22 =	sshll.u32 s22, $0x4  }
0x153: {  	s31 =	sadd.s32 s21, s22  }
0x154: {  	s30 =	ssub.s32 s20, s22;
	s22 =	sand.u32 $0x70, s22;
	s24 =	sand.u32 $0xFFFFFF80, s31  }
0x155: {  	s22 =	sor.u32 s22, s24  }
0x156: {  	v17 =	vld [tilespmem:s22+$0x0];
	_ =	sdelay $0x2  }
0x157: {  	v16 =	vmov s30  }
0x158: {  	vm1 =	veq.s32 v16, v4  }
0x159: {  	v16 =	vsel vm1, $0xFF61B1E6, v17  }
0x15a: {  	[tilespmem:s22+$0x0] =	vst v16  }
0x15b: {  	v19 =	vld [tilespmem:s19+$0x0]  }
0x15c: {  	v20 =	vld [tilespmem:s19+$0x10]  }
0x15d: {  	p0 =	sne.s32 s18, $0x3F;
	v21 =	vld [tilespmem:s19+$0x20]  }
.Ltmp1:
0x15e: {  	v16 =	vld [tilespmem:s19+$0x30];
	(pc) =	sbr.rel @p0 .LBB2_2-.Ltmp1, $4  }
0x15f: {  	v17 =	vld [tilespmem:s19+$0x40]  }
0x160: {  	v18 =	vld [tilespmem:s19+$0x50]  }
0x161: {  	v20 =	vmax.f32 v19, v20;
	v19 =	vld [tilespmem:s19+$0x60]  }
0x162: {  	s18 =	sadd.s32 $0x1, s18;
	v21 =	vmax.f32 v20, v21;
	v20 =	vld [tilespmem:s19+$0x70];
	s19 =	sand.u32 $0x30, s6  }
0x163: {  	v5 =	vld [tilespmem:s19+$0x800];
	_ =	sdelay $0x1  }
0x164: {  	s6 =	sand.u32 $0xF, s6  }
0x165: {  	v7 =	vmax.f32 v21, v16;
	v6 =	vmov s6  }
0x166: {  	vm1 =	veq.s32 v6, v4;
	v4 =	vmax.f32 v7, v17  }
0x167: {  	v4 =	vmax.f32 v4, v18;
	v5 =	vsel vm1, v9, v5  }
0x168: {  	v4 =	vmax.f32 v4, v19;
	[tilespmem:s19+$0x800] =	vst v5;
	v5 =	vld [tilespmem:s19+$0x880]  }
0x169: {  	v4 =	vmax.f32 v4, v20  }
0x16a: {  	s29 =	rddreg [dreg:$0xc];
	(xrf0) =	vmax.scan.msk.f32 $0xffff, v4  }
0x16b: {  	s6 =	sadd.s32 s29, s21  }
0x16c: {  	s6 =	sadd.s32 s20, s6  }
0x16d: {  	v4 =	vsel vm1, s6, v5;
	_ =	sdelay $0x1  }
0x16e: {  	s30 =	simm.s32 $0x800;
	s6 =	simm.s32 $0x2;
	[tilespmem:s19+$0x880] =	vst v4  }
0x16f: {  	[spmem:s17] =	stream.linear.scatter [tilespmem:s30], [sflag:$0x2], $0x80, $0x38;
	v4, _, _ =	vpop (xrf0);
	[tilespmem:$0x3B90] =	vst v63  }
0x170: {  	_ =	swait.ge [sflag:s6], $0x80  }
0x171: {  	[sflag:s6] =	ssyncset.done $0x0  }
0x172: {  	s31 =	simm.s32 $0x880;
	p0 =	sne.s32 s2, $0x0;
	[sflag:s6] =	ssyncadd.s32 $0xFFFFFF80  }
0x173: {  	[spmem:s16] =	stream.linear.scatter [tilespmem:s31], [sflag:$0x2], $0x80, $0x38;
	[tilespmem:$0x3B90] =	vst v63  }
.Ltmp2:
0x174: {  	_ =	swait.ge [sflag:s6], $0x80;
	(pc) =	sbr.rel @p0 .LBB2_7-.Ltmp2, $3  }
0x175: {  	[sflag:s6] =	ssyncset.done $0x0  }
0x176: {  	[sflag:s6] =	ssyncadd.s32 $0xFFFFFF80  }
0x177: {  	[bflag:$0x0] =	sbarrier.arrive $0xFFFF;
	_ =	sdelay $0x1  }
0x178: {  	s16 =	simm.s32 $0xA00  }
0x179: {  	v4 =	vlaneseq.u32;
	[tilespmem:s16], [sflag:$0x2] =	stream.linear.gather [spmem:s11], $0x800, $0x38;
	[tilespmem:$0x3B90] =	vst v63  }
0x17a: {  	v5 =	vmul.u32 $0x80, v4;
	_ =	swait.ge [sflag:s6], $0x800  }
0x17b: {  	v7 =	vimm.s32 $0x0;
	[sflag:s6] =	ssyncset.done $0x0  }
0x17c: {  	s11 =	simm.s32 $0x1200;
	v6 =	vadd.s32 v5, v7;
	[sflag:s6] =	ssyncadd.s32 $0xFFFFF800  }
0x17d: {  	[tilespmem:s11], [sflag:$0x2] =	stream.linear.gather [spmem:s10], $0x800, $0x38;
	[tilespmem:$0x3B90] =	vst v63  }
0x17e: {  	_ =	swait.ge [sflag:s6], $0x800  }
0x17f: {  	[sflag:s6] =	ssyncset.done $0x0  }
0x180: {  	[sflag:s6] =	ssyncadd.s32 $0xFFFFF800  }
0x181: {  	v8 =	vld.idx.msk [tilespmem:v6+s16+$0x0], $0xffff;
	_ =	sdelay $0x4  }
0x182: {  	(xrf0) =	vmax.scan.msk.f32 $0xffff, v8;
	_ =	sdelay $0x5  }
0x183: {  	v6, _, _ =	vpop (xrf0)  }
0x184: {  	v9 =	vbroadcast v6, $0xF;
	_ =	sdelay $0x1  }
0x185: {  	v6 =	vor.u32 $0x80000000, v4;
	vm1 =	veq.f32 v8, v9  }
0x186: {  	v8 =	vnsel vm1, $0x8000270F, v6  }
0x187: {  	(xrf0) =	vmin.scan.msk.u32 $0xffff, v8;
	_ =	sdelay $0x5  }
0x188: {  	v8, _, _ =	vpop (xrf0)  }
0x189: {  	(v2sf) =	vpush v8, $0xF;
	_ =	sdelay $0xe  }
0x18a: {  	s31 =	spop (v2sf)  }
0x18b: {  	s10 =	sxor.u32 $0x80000000, s31  }
0x18c: {  	v8 =	vmov s10  }
0x18d: {  	vm1 =	veq.s32 v8, v4  }
0x18e: {  	v10 =	vnsel vm1, $0x0, v7  }
0x18f: {  	(xrf0) =	vadd.scan.msk.s32 $0xffff, v10;
	_ =	sdelay $0x5  }
0x190: {  	v10, _, _ =	vpop (xrf0)  }
0x191: {  	v10 =	vbroadcast v10, $0xF  }
0x192: {  	s19 =	simm.s32 $0x0  }
0x193: {  	s18 =	sand.u32 $0x30, s19;
	v8 =	vshll.u32 v8, $0x7;
	v11 =	vand.u32 $0xFFFFFF80, v10  }
0x194: {  	v13 =	vand.u32 $0x7F, v10;
	v10 =	vld [tilespmem:s18+$0x1A00];
	v11 =	vadd.s32 v8, v11  }
0x195: {  	v12 =	vsel vm1, $0x1, v7;
	v11 =	vor.u32 v13, v11  }
0x196: {  	s17 =	simm.s32 $0x2;
	s19 =	sand.u32 $0xF, s19;
	s10 =	simm.s32 $0x1;
	v8 =	vadd.s32 v12, v7  }
.LBB2_5:
0x197: {  	p1 =	sne.s32 s17, $0x3F;
	v12 =	vmov s19  }
0x198: {  	vm1 =	veq.s32 v12, v4  }
0x199: {  	v9 =	vsel vm1, v9, v10  }
0x19a: {  	v10 =	vld.idx.msk [tilespmem:v11+s11+$0x0], $0xffff;
	[tilespmem:s18+$0x1A00] =	vst v9  }
0x19b: {  	v9 =	vld [tilespmem:s18+$0x1A80];
	_ =	sdelay $0x1  }
0x19c: {  	v11 =	vadd.s32 v5, v8;
	_ =	sdelay $0x2  }
0x19d: {  	v9 =	vsel vm1, v10, v9  }
0x19e: {  	[tilespmem:s18+$0x1A80] =	vst v9  }
0x19f: {  	v10 =	vld.idx.msk [tilespmem:v11+s16+$0x0], $0xffff;
	_ =	sdelay $0x5  }
0x1a0: {  	(xrf0) =	vmax.scan.msk.f32 $0xffff, v10;
	_ =	sdelay $0x5  }
0x1a1: {  	v9, _, _ =	vpop (xrf0)  }
0x1a2: {  	v9 =	vbroadcast v9, $0xF;
	_ =	sdelay $0x1  }
0x1a3: {  	vm1 =	veq.f32 v10, v9  }
0x1a4: {  	v10 =	vnsel vm1, $0x8000270F, v6  }
0x1a5: {  	(xrf0) =	vmin.scan.msk.u32 $0xffff, v10;
	_ =	sdelay $0x5  }
0x1a6: {  	v10, _, _ =	vpop (xrf0)  }
0x1a7: {  	(v2sf) =	vpush v10, $0xF;
	_ =	sdelay $0xe  }
0x1a8: {  	s18 =	spop (v2sf)  }
0x1a9: {  	s18 =	sxor.u32 $0x80000000, s18  }
0x1aa: {  	v10 =	vmov s18  }
0x1ab: {  	vm1 =	veq.s32 v10, v4  }
0x1ac: {  	v11 =	vnsel vm1, $0x0, v8;
	v12 =	vsel vm1, $0x1, v7  }
0x1ad: {  	v8 =	vadd.s32 v12, v8;
	(xrf0) =	vadd.scan.msk.s32 $0xffff, v11;
	_ =	sdelay $0x5  }
0x1ae: {  	v11, _, _ =	vpop (xrf0)  }
0x1af: {  	v11 =	vbroadcast v11, $0xF  }
.Ltmp3:
0x1b0: {  	(pc) =	sbr.rel @p1 .LBB2_5-.Ltmp3, $4  }
0x1b1: {  	s18 =	sand.u32 $0x30, s10;
	v10 =	vshll.u32 v10, $0x7;
	v12 =	vand.u32 $0xFFFFFF80, v11  }
0x1b2: {  	v11 =	vand.u32 $0x7F, v11;
	v12 =	vadd.s32 v10, v12;
	v10 =	vld [tilespmem:s18+$0x1A00]  }
0x1b3: {  	v11 =	vor.u32 v11, v12  }
0x1b4: {  	s19 =	sand.u32 $0xF, s10;
	s10 =	smov.u32 s17;
	s17 =	sadd.s32 $0x1, s17  }
0x1b5: {  	_ =	sdelay $0x3  }
0x1b6: {  	v49 =	vld.idx.msk [tilespmem:v11+s11+$0x0], $0xffff  }
0x1b7: {  	v50 =	vld [tilespmem:s18+$0x1A80];
	_ =	sdelay $0x1  }
0x1b8: {  	v7 =	vmov s19;
	v5 =	vadd.s32 v5, v8  }
0x1b9: {  	vm1 =	veq.s32 v7, v4  }
0x1ba: {  	v7 =	vsel vm1, v9, v10  }
0x1bb: {  	[tilespmem:s18+$0x1A00] =	vst v7;
	v7 =	vsel vm1, v49, v50  }
0x1bc: {  	[tilespmem:s18+$0x1A80] =	vst v7  }
0x1bd: {  	v5 =	vld.idx.msk [tilespmem:v5+s16+$0x0], $0xffff;
	_ =	sdelay $0x4  }
0x1be: {  	(xrf0) =	vmax.scan.msk.f32 $0xffff, v5;
	_ =	sdelay $0x5  }
0x1bf: {  	v51, _, _ =	vpop (xrf0)  }
0x1c0: {  	v7 =	vbroadcast v51, $0xF;
	_ =	sdelay $0x1  }
0x1c1: {  	vm1 =	veq.f32 v5, v7  }
0x1c2: {  	v5 =	vnsel vm1, $0x8000270F, v6  }
0x1c3: {  	(xrf0) =	vmin.scan.msk.u32 $0xffff, v5;
	_ =	sdelay $0x5  }
0x1c4: {  	v5, _, _ =	vpop (xrf0)  }
0x1c5: {  	(v2sf) =	vpush v5, $0xF;
	_ =	sdelay $0xe  }
0x1c6: {  	s25 =	spop (v2sf)  }
0x1c7: {  	s16 =	sxor.u32 $0x80000000, s25  }
0x1c8: {  	v5 =	vmov s16  }
0x1c9: {  	vm1 =	veq.s32 v5, v4  }
0x1ca: {  	v52 =	vnsel vm1, $0x0, v8  }
0x1cb: {  	(xrf0) =	vadd.scan.msk.s32 $0xffff, v52;
	_ =	sdelay $0x5  }
0x1cc: {  	v6, _, _ =	vpop (xrf0)  }
0x1cd: {  	v6 =	vbroadcast v6, $0xF;
	_ =	sdelay $0x1  }
0x1ce: {  	v5 =	vshll.u32 v5, $0x7;
	v53 =	vand.u32 $0xFFFFFF80, v6  }
0x1cf: {  	v6 =	vand.u32 $0x7F, v6;
	v5 =	vadd.s32 v5, v53  }
0x1d0: {  	v5 =	vor.u32 v6, v5;
	_ =	sdelay $0x1  }
0x1d1: {  	s26 =	sand.u32 $0x30, s10  }
0x1d2: {  	v54 =	vld [tilespmem:s26+$0x1A00]  }
0x1d3: {  	v55 =	vld [tilespmem:s26+$0x1A80]  }
0x1d4: {  	v5 =	vld.idx.msk [tilespmem:v5+s11+$0x0], $0xffff  }
0x1d5: {  	s28 =	sand.u32 $0xF, s10  }
0x1d6: {  	v56 =	vmov s28  }
0x1d7: {  	vm1 =	veq.s32 v56, v4  }
0x1d8: {  	v4 =	vsel vm1, v7, v54  }
0x1d9: {  	[tilespmem:s26+$0x1A00] =	vst v4;
	v4 =	vsel vm1, v5, v55  }
0x1da: {  	[tilespmem:s26+$0x1A80] =	vst v4  }
0x1db: {  	v4 =	vld [tilespmem:$0x1A00]  }
0x1dc: {  	v5 =	vld [tilespmem:$0x1A10]  }
0x1dd: {  	v57 =	vld [tilespmem:$0x1A20]  }
0x1de: {  	v58 =	vld [tilespmem:$0x1A30];
	_ =	sdelay $0x4  }
0x1df: {  	v59 =	vmax.f32 v4, v5;
	v60 =	vmax.f32 v57, v58  }
0x1e0: {  	v8 =	vmax.f32 v59, v60  }
0x1e1: {  	(xrf0) =	vmax.scan.msk.f32 $0xffff, v8;
	_ =	sdelay $0x5  }
0x1e2: {  	v8, _, _ =	vpop (xrf0)  }
0x1e3: {  	v8 =	vbroadcast v8, $0xF;
	_ =	sdelay $0x1  }
0x1e4: {  	v4 =	vsub.f32 v4, v8  }
0x1e5: {  	v5 =	vsub.f32 v5, v8  }
0x1e6: {  	v4 =	vmul.f32 $1.442695020e+00, v4  }
0x1e7: {  	v6 =	vsub.f32 v57, v8;
	v5 =	vmul.f32 $1.442695020e+00, v5  }
0x1e8: {  	(erf) = vpow2.f32 v4  }
0x1e9: {  	v4 =	vmul.f32 $1.442695020e+00, v6;
	(erf) = vpow2.f32 v5;
	v5 =	vsub.f32 v58, v8;
	_ =	sdelay $0x1  }
0x1ea: {  	(erf) = vpow2.f32 v4;
	v4 =	vmul.f32 $1.442695020e+00, v5;
	_ =	sdelay $0x1  }
0x1eb: {  	(erf) = vpow2.f32 v4;
	_ =	sdelay $0x3  }
0x1ec: {  	v4 =	vpop (erf)  }
0x1ed: {  	v5 =	vpop (erf)  }
0x1ee: {  	v61 =	vadd.f32 v5, v4  }
0x1ef: {  	v62 =	vpop (erf)  }
0x1f0: {  	v6 =	vadd.f32 v61, v62  }
0x1f1: {  	v63 =	vpop (erf)  }
0x1f2: {  	v6 =	vadd.f32 v6, v63;
	_ =	sdelay $0x1  }
0x1f3: {  	(xrf2) =	vadd.scan.msk.f32 $0xffff, v6;
	_ =	sdelay $0x9  }
0x1f4: {  	v6, _, _ =	vpop (xrf2)  }
0x1f5: {  	v6 =	vbroadcast v6, $0xF;
	_ =	sdelay $0x1  }
0x1f6: {  	(erf) = vrcp.f32 v6;
	_ =	sdelay $0x8  }
0x1f7: {  	v6 =	vpop (erf)  }
0x1f8: {  	v4 =	vmul.f32 v6, v4  }
0x1f9: {  	v5 =	vmul.f32 v6, v5  }
0x1fa: {  	[tilespmem:$0x1B00] =	vst v4;
	v4 =	vmul.f32 v6, v62  }
0x1fb: {  	[tilespmem:$0x1B10] =	vst v5;
	v5 =	vmul.f32 v6, v63  }
0x1fc: {  	[tilespmem:$0x1B20] =	vst v4  }
0x1fd: {  	s29 =	simm.s32 $0x1B00;
	s30 =	simm.s32 $0x2;
	[tilespmem:$0x1B30] =	vst v5  }
0x1fe: {  	[spmem:s9] =	stream.linear.scatter [tilespmem:s29], [sflag:$0x2], $0x80, $0x38;
	[tilespmem:$0x3B90] =	vst v63  }
0x1ff: {  	_ =	swait.ge [sflag:s30], $0x80  }
0x200: {  	[sflag:s30] =	ssyncset.done $0x0  }
0x201: {  	s31 =	simm.s32 $0x1A80;
	[sflag:s30] =	ssyncadd.s32 $0xFFFFFF80  }
0x202: {  	[spmem:s8] =	stream.linear.scatter [tilespmem:s31], [sflag:$0x2], $0x80, $0x38;
	[tilespmem:$0x3B90] =	vst v63  }
0x203: {  	_ =	swait.ge [sflag:s30], $0x80  }
0x204: {  	[sflag:s30] =	ssyncset.done $0x0  }
0x205: {  	[sflag:s30] =	ssyncadd.s32 $0xFFFFFF80  }
.LBB2_7:
0x206: {  	[bflag:$0x0] =	sbarrier.arrive $0xFFFF;
	s10 =	simm.s32 $0x1B90  }
0x207: {  	[tilespmem:s10], [sflag:$0x2] =	stream.linear.gather [spmem:s9], $0x80, $0x38;
	[tilespmem:$0x3B90] =	vst v63  }
0x208: {  	_ =	swait.ge [sflag:s6], $0x80  }
0x209: {  	[sflag:s6] =	ssyncset.done $0x0  }
0x20a: {  	s22 =	simm.s32 $0x1C10;
	[sflag:s6] =	ssyncadd.s32 $0xFFFFFF80  }
0x20b: {  	[tilespmem:s22], [sflag:$0x2] =	stream.linear.gather [spmem:s8], $0x80, $0x38;
	[tilespmem:$0x3B90] =	vst v63  }
0x20c: {  	_ =	swait.ge [sflag:s6], $0x80  }
0x20d: {  	[sflag:s6] =	ssyncset.done $0x0  }
0x20e: {  	s23 =	simm.s32 $0x2C90;
	s8 =	simm.s32 $0x0;
	[sflag:s6] =	ssyncadd.s32 $0xFFFFFF80  }
0x20f: {  	[tilespmem:s23], [sflag:$0x2] =	stream.linear.gather [hbm4b:s15+s8], $0x400, $0x38;
	[tilespmem:$0x3B90] =	vst v63  }
0x210: {  	_ =	swait.ge [sflag:s6], $0x400  }
0x211: {  	[sflag:s6] =	ssyncset.done $0x0  }
0x212: {  	s24 =	simm.s32 $0x3090;
	[sflag:s6] =	ssyncadd.s32 $0xFFFFFC00  }
0x213: {  	[tilespmem:s24], [sflag:$0x2] =	stream.linear.gather [hbm4b:s14+s8], $0x40, $0x38;
	[tilespmem:$0x3B90] =	vst v63  }
0x214: {  	_ =	swait.ge [sflag:s6], $0x40  }
0x215: {  	[sflag:s6] =	ssyncset.done $0x0  }
0x216: {  	s25 =	simm.s32 $0x3110;
	[sflag:s6] =	ssyncadd.s32 $0xFFFFFFC0  }
0x217: {  	[tilespmem:s25], [sflag:$0x2] =	stream.linear.gather [hbm4b:s13+s8], $0x40, $0x38;
	[tilespmem:$0x3B90] =	vst v63  }
0x218: {  	_ =	swait.ge [sflag:s6], $0x40  }
0x219: {  	[sflag:s6] =	ssyncset.done $0x0  }
0x21a: {  	[sflag:s6] =	ssyncadd.s32 $0xFFFFFFC0  }
0x21b: {  	v4 =	vld [tilespmem:s12+$0x1C10];
	_ =	sdelay $0x2  }
0x21c: {  	v5 =	vlaneseq.u32  }
0x21d: {  	vm1 =	veq.s32 v2, v5  }
0x21e: {  	v2 =	vnsel vm1, $0x0, v4  }
0x21f: {  	(xrf0) =	vadd.scan.msk.s32 $0xffff, v2;
	_ =	sdelay $0x5  }
0x220: {  	v2, _, _ =	vpop (xrf0)  }
0x221: {  	(v2sf) =	vpush v2, $0xF;
	_ =	sdelay $0x7  }
0x222: {  	vm2 =	veq.s32 v3, v5  }
0x223: {  	v41 =	vnsel vm2, $0x0, v4  }
0x224: {  	(xrf0) =	vadd.scan.msk.s32 $0xffff, v41;
	_ =	sdelay $0x4  }
0x225: {  	s26 =	spop (v2sf)  }
0x226: {  	v43, _, _ =	vpop (xrf0);
	s9 =	sshll.u32 s26, $0x7  }
0x227: {  	(v2sf) =	vpush v43, $0xF;
	s9 =	sand.u32 $0x1FFFFF80, s9  }
0x228: {  	s28 =	simm.s32 $0x1C90;
	s9 =	sadd.s32 s7, s9  }
0x229: {  	v42 =	vld [tilespmem:s12+$0x1B90];
	[tilespmem:s28], [sflag:$0x1] =	stream.linear.gather [hbm4b:s9+s8], $0x80, $0x38  }
0x22a: {  	s11 =	simm.s32 $0x1E90;
	s29 =	sadd.s32 $0x10, s9  }
0x22b: {  	[tilespmem:s11], [sflag:$0x1] =	stream.linear.gather [hbm4b:s29+s8], $0x80, $0x38;
	[tilespmem:$0x3B90] =	vst v63  }
0x22c: {  	s31 =	simm.s32 $0x2090;
	s30 =	sadd.s32 $0x20, s9  }
0x22d: {  	[tilespmem:s31], [sflag:$0x1] =	stream.linear.gather [hbm4b:s30+s8], $0x80, $0x38;
	[tilespmem:$0x3B90] =	vst v63  }
0x22e: {  	s13 =	simm.s32 $0x2290;
	s12 =	sadd.s32 $0x30, s9  }
0x22f: {  	[tilespmem:s13], [sflag:$0x1] =	stream.linear.gather [hbm4b:s12+s8], $0x80, $0x38;
	[tilespmem:$0x3B90] =	vst v63  }
0x230: {  	vm3 =	veq.s32 v1, v5;
	s15 =	simm.s32 $0x2490;
	s14 =	sadd.s32 $0x40, s9  }
0x231: {  	v1 =	vnsel vm3, $0x0, v4;
	[tilespmem:s15], [sflag:$0x1] =	stream.linear.gather [hbm4b:s14+s8], $0x80, $0x38;
	[tilespmem:$0x3B90] =	vst v63  }
0x232: {  	s17 =	simm.s32 $0x2690;
	(xrf0) =	vadd.scan.msk.s32 $0xffff, v1;
	s16 =	sadd.s32 $0x50, s9  }
0x233: {  	[tilespmem:s17], [sflag:$0x1] =	stream.linear.gather [hbm4b:s16+s8], $0x80, $0x38;
	[tilespmem:$0x3B90] =	vst v63  }
0x234: {  	s19 =	simm.s32 $0x2890;
	s18 =	sadd.s32 $0x60, s9  }
0x235: {  	[tilespmem:s19], [sflag:$0x1] =	stream.linear.gather [hbm4b:s18+s8], $0x80, $0x38;
	[tilespmem:$0x3B90] =	vst v63  }
0x236: {  	s20 =	simm.s32 $0x2A90;
	s9 =	sadd.s32 $0x70, s9;
	s21 =	spop (v2sf)  }
0x237: {  	[tilespmem:s20], [sflag:$0x1] =	stream.linear.gather [hbm4b:s9+s8], $0x80, $0x38;
	[tilespmem:$0x3B90] =	vst v63  }
0x238: {  	v1, _, _ =	vpop (xrf0);
	s9 =	sshll.u32 s21, $0x7  }
0x239: {  	(v2sf) =	vpush v1, $0xF;
	s9 =	sand.u32 $0x1FFFFF80, s9  }
0x23a: {  	s22 =	simm.s32 $0x1D10;
	s9 =	sadd.s32 s7, s9  }
0x23b: {  	[tilespmem:s22], [sflag:$0x1] =	stream.linear.gather [hbm4b:s9+s8], $0x80, $0x38;
	[tilespmem:$0x3B90] =	vst v63  }
0x23c: {  	s24 =	simm.s32 $0x1F10;
	s23 =	sadd.s32 $0x10, s9  }
0x23d: {  	[tilespmem:s24], [sflag:$0x1] =	stream.linear.gather [hbm4b:s23+s8], $0x80, $0x38;
	[tilespmem:$0x3B90] =	vst v63  }
0x23e: {  	s26 =	simm.s32 $0x2110;
	s25 =	sadd.s32 $0x20, s9  }
0x23f: {  	[tilespmem:s26], [sflag:$0x1] =	stream.linear.gather [hbm4b:s25+s8], $0x80, $0x38;
	[tilespmem:$0x3B90] =	vst v63  }
0x240: {  	s29 =	simm.s32 $0x2310;
	s28 =	sadd.s32 $0x30, s9  }
0x241: {  	[tilespmem:s29], [sflag:$0x1] =	stream.linear.gather [hbm4b:s28+s8], $0x80, $0x38;
	[tilespmem:$0x3B90] =	vst v63  }
0x242: {  	vm4 =	veq.s32 v0, v5;
	s31 =	simm.s32 $0x2510;
	s30 =	sadd.s32 $0x40, s9  }
0x243: {  	v0 =	vnsel vm4, $0x0, v4;
	[tilespmem:s31], [sflag:$0x1] =	stream.linear.gather [hbm4b:s30+s8], $0x80, $0x38;
	[tilespmem:$0x3B90] =	vst v63  }
0x244: {  	(xrf0) =	vadd.scan.msk.s32 $0xffff, v0;
	s13 =	simm.s32 $0x2710;
	s12 =	sadd.s32 $0x50, s9  }
0x245: {  	[tilespmem:s13], [sflag:$0x1] =	stream.linear.gather [hbm4b:s12+s8], $0x80, $0x38;
	[tilespmem:$0x3B90] =	vst v63  }
0x246: {  	s15 =	simm.s32 $0x2910;
	s14 =	sadd.s32 $0x60, s9  }
0x247: {  	[tilespmem:s15], [sflag:$0x1] =	stream.linear.gather [hbm4b:s14+s8], $0x80, $0x38;
	[tilespmem:$0x3B90] =	vst v63  }
0x248: {  	s16 =	simm.s32 $0x2B10;
	s9 =	sadd.s32 $0x70, s9;
	s17 =	spop (v2sf)  }
0x249: {  	[tilespmem:s16], [sflag:$0x1] =	stream.linear.gather [hbm4b:s9+s8], $0x80, $0x38;
	[tilespmem:$0x3B90] =	vst v63  }
0x24a: {  	v0, _, _ =	vpop (xrf0);
	s9 =	sshll.u32 s17, $0x7  }
0x24b: {  	(v2sf) =	vpush v0, $0xF;
	s9 =	sand.u32 $0x1FFFFF80, s9  }
0x24c: {  	s18 =	simm.s32 $0x1D90;
	s9 =	sadd.s32 s7, s9  }
0x24d: {  	[tilespmem:s18], [sflag:$0x1] =	stream.linear.gather [hbm4b:s9+s8], $0x80, $0x38;
	[tilespmem:$0x3B90] =	vst v63  }
0x24e: {  	s20 =	simm.s32 $0x1F90;
	s19 =	sadd.s32 $0x10, s9  }
0x24f: {  	[tilespmem:s20], [sflag:$0x1] =	stream.linear.gather [hbm4b:s19+s8], $0x80, $0x38;
	[tilespmem:$0x3B90] =	vst v63  }
0x250: {  	s22 =	simm.s32 $0x2190;
	s21 =	sadd.s32 $0x20, s9  }
0x251: {  	[tilespmem:s22], [sflag:$0x1] =	stream.linear.gather [hbm4b:s21+s8], $0x80, $0x38;
	[tilespmem:$0x3B90] =	vst v63  }
0x252: {  	s24 =	simm.s32 $0x2390;
	s23 =	sadd.s32 $0x30, s9  }
0x253: {  	[tilespmem:s24], [sflag:$0x1] =	stream.linear.gather [hbm4b:s23+s8], $0x80, $0x38;
	[tilespmem:$0x3B90] =	vst v63  }
0x254: {  	s26 =	simm.s32 $0x2590;
	s25 =	sadd.s32 $0x40, s9  }
0x255: {  	[tilespmem:s26], [sflag:$0x1] =	stream.linear.gather [hbm4b:s25+s8], $0x80, $0x38;
	[tilespmem:$0x3B90] =	vst v63  }
0x256: {  	s29 =	simm.s32 $0x2790;
	s28 =	sadd.s32 $0x50, s9  }
0x257: {  	[tilespmem:s29], [sflag:$0x1] =	stream.linear.gather [hbm4b:s28+s8], $0x80, $0x38;
	[tilespmem:$0x3B90] =	vst v63  }
0x258: {  	s31 =	simm.s32 $0x2990;
	s30 =	sadd.s32 $0x60, s9  }
0x259: {  	[tilespmem:s31], [sflag:$0x1] =	stream.linear.gather [hbm4b:s30+s8], $0x80, $0x38;
	[tilespmem:$0x3B90] =	vst v63  }
0x25a: {  	s12 =	simm.s32 $0x2B90;
	s9 =	sadd.s32 $0x70, s9;
	s13 =	spop (v2sf)  }
0x25b: {  	[tilespmem:s12], [sflag:$0x1] =	stream.linear.gather [hbm4b:s9+s8], $0x80, $0x38;
	[tilespmem:$0x3B90] =	vst v63  }
0x25c: {  	v44 =	vnsel vm1, $0x0, v42;
	s9 =	sshll.u32 s13, $0x7  }
0x25d: {  	v45 =	vnsel vm2, $0x0, v42;
	(xrf2) =	vadd.scan.msk.f32 $0xffff, v44;
	s9 =	sand.u32 $0x1FFFFF80, s9  }
0x25e: {  	(xrf2) =	vadd.scan.msk.f32 $0xffff, v45;
	s15 =	simm.s32 $0x1E10;
	s14 =	sadd.s32 s7, s9  }
0x25f: {  	v46 =	vnsel vm3, $0x0, v42;
	[tilespmem:s15], [sflag:$0x1] =	stream.linear.gather [hbm4b:s14+s8], $0x80, $0x38;
	[tilespmem:$0x3B90] =	vst v63  }
0x260: {  	(xrf2) =	vadd.scan.msk.f32 $0xffff, v46;
	s17 =	simm.s32 $0x2010;
	s16 =	sadd.s32 $0x10, s14  }
0x261: {  	v47 =	vnsel vm4, $0x0, v42;
	[tilespmem:s17], [sflag:$0x1] =	stream.linear.gather [hbm4b:s16+s8], $0x80, $0x38;
	[tilespmem:$0x3B90] =	vst v63  }
0x262: {  	(xrf2) =	vadd.scan.msk.f32 $0xffff, v47;
	s19 =	simm.s32 $0x2210;
	s18 =	sadd.s32 $0x20, s14  }
0x263: {  	[tilespmem:s19], [sflag:$0x1] =	stream.linear.gather [hbm4b:s18+s8], $0x80, $0x38;
	[tilespmem:$0x3B90] =	vst v63  }
0x264: {  	s21 =	simm.s32 $0x2410;
	s20 =	sadd.s32 $0x30, s14  }
0x265: {  	[tilespmem:s21], [sflag:$0x1] =	stream.linear.gather [hbm4b:s20+s8], $0x80, $0x38;
	[tilespmem:$0x3B90] =	vst v63  }
0x266: {  	s23 =	simm.s32 $0x2610;
	s22 =	sadd.s32 $0x40, s14  }
0x267: {  	[tilespmem:s23], [sflag:$0x1] =	stream.linear.gather [hbm4b:s22+s8], $0x80, $0x38;
	[tilespmem:$0x3B90] =	vst v63  }
0x268: {  	s25 =	simm.s32 $0x2810;
	s24 =	sadd.s32 $0x50, s14  }
0x269: {  	[tilespmem:s25], [sflag:$0x1] =	stream.linear.gather [hbm4b:s24+s8], $0x80, $0x38;
	[tilespmem:$0x3B90] =	vst v63  }
0x26a: {  	v1, _, _ =	vpop (xrf2);
	s28 =	simm.s32 $0x2A10;
	s26 =	sadd.s32 $0x60, s14  }
0x26b: {  	v3, _, _ =	vpop (xrf2);
	[tilespmem:s28], [sflag:$0x1] =	stream.linear.gather [hbm4b:s26+s8], $0x80, $0x38;
	[tilespmem:$0x3B90] =	vst v63  }
0x26c: {  	v18, _, _ =	vpop (xrf2);
	s29 =	simm.s32 $0x2C10;
	s30 =	simm.s32 $0x1;
	s7 =	sadd.s32 $0x70, s14  }
0x26d: {  	v17, _, _ =	vpop (xrf2);
	[tilespmem:s29], [sflag:$0x1] =	stream.linear.gather [hbm4b:s7+s8], $0x80, $0x38;
	[tilespmem:$0x3B90] =	vst v63  }
0x26e: {  	_ =	swait.ge [sflag:s30], $0x400  }
0x26f: {  	[sflag:s30] =	ssyncset.done $0x0  }
0x270: {  	[sflag:s30] =	ssyncadd.s32 $0xFFFFFC00  }
0x271: {  	_ =	swait.ge [sflag:s30], $0x400  }
0x272: {  	[sflag:s30] =	ssyncset.done $0x0  }
0x273: {  	[sflag:s30] =	ssyncadd.s32 $0xFFFFFC00  }
0x274: {  	_ =	swait.ge [sflag:s30], $0x400  }
0x275: {  	[sflag:s30] =	ssyncset.done $0x0  }
0x276: {  	[sflag:s30] =	ssyncadd.s32 $0xFFFFFC00  }
0x277: {  	_ =	swait.ge [sflag:s30], $0x400  }
0x278: {  	[sflag:s30] =	ssyncset.done $0x0  }
0x279: {  	[sflag:s30] =	ssyncadd.s32 $0xFFFFFC00  }
0x27a: {  	v2 =	vld [tilespmem:$0x1C90]  }
0x27b: {  	v0 =	vld [tilespmem:$0x1D10]  }
0x27c: {  	v7 =	vld [tilespmem:$0x1D90]  }
0x27d: {  	v9 =	vld [tilespmem:$0x1E10]  }
0x27e: {  	v24 =	vld [tilespmem:$0x2C90]  }
0x27f: {  	v10 =	vld [tilespmem:$0x1CA0]  }
0x280: {  	v11 =	vld [tilespmem:$0x1D20]  }
0x281: {  	v15 =	vld [tilespmem:$0x1DA0]  }
0x282: {  	v16 =	vld [tilespmem:$0x1E20]  }
0x283: {  	v28 =	vld [tilespmem:$0x2CA0]  }
0x284: {  	v8 =	vld [tilespmem:$0x1CB0]  }
0x285: {  	v6 =	vld [tilespmem:$0x1D30]  }
0x286: {  	v13 =	vld [tilespmem:$0x1DB0]  }
0x287: {  	v20 =	vld [tilespmem:$0x1E30]  }
0x288: {  	v36 =	vld [tilespmem:$0x2CB0]  }
0x289: {  	v14 =	vld [tilespmem:$0x1CC0]  }
0x28a: {  	v12 =	vld [tilespmem:$0x1D40]  }
0x28b: {  	v21 =	vld [tilespmem:$0x1DC0]  }
0x28c: {  	v27 =	vld [tilespmem:$0x1E40]  }
0x28d: {  	v40 =	vld [tilespmem:$0x2CC0]  }
0x28e: {  	v22 =	vld [tilespmem:$0x1CD0]  }
0x28f: {  	v19 =	vld [tilespmem:$0x1D50]  }
0x290: {  	v25 =	vld [tilespmem:$0x1DD0]  }
0x291: {  	v32 =	vld [tilespmem:$0x1E50]  }
0x292: {  	v59 =	vld [tilespmem:$0x2CD0]  }
0x293: {  	v26 =	vld [tilespmem:$0x1CE0]  }
0x294: {  	v23 =	vld [tilespmem:$0x1D60]  }
0x295: {  	v29 =	vld [tilespmem:$0x1DE0]  }
0x296: {  	v37 =	vld [tilespmem:$0x1E60]  }
0x297: {  	v50 =	vld [tilespmem:$0x2CE0]  }
0x298: {  	v30 =	vld [tilespmem:$0x1CF0]  }
0x299: {  	v31 =	vld [tilespmem:$0x1D70]  }
0x29a: {  	v33 =	vld [tilespmem:$0x1DF0]  }
0x29b: {  	v42 =	vld [tilespmem:$0x1E70]  }
0x29c: {  	v49 =	vld [tilespmem:$0x2CF0]  }
0x29d: {  	v34 =	vld [tilespmem:$0x1D00]  }
0x29e: {  	v35 =	vld [tilespmem:$0x1D80]  }
0x29f: {  	v41 =	vld [tilespmem:$0x1E00]  }
0x2a0: {  	v56 =	vld [tilespmem:$0x1E80]  }
0x2a1: {  	v55 =	vld [tilespmem:$0x2D00]  }
0x2a2: {  	v38 =	vld [tilespmem:$0x1E90]  }
0x2a3: {  	v39 =	vld [tilespmem:$0x1F10]  }
0x2a4: {  	v43 =	vld [tilespmem:$0x1F90]  }
0x2a5: {  	v58 =	vld [tilespmem:$0x2010]  }
0x2a6: {  	v48 =	vld [tilespmem:$0x2D10]  }
0x2a7: {  	v44 =	vld [tilespmem:$0x1EA0]  }
0x2a8: {  	v45 =	vld [tilespmem:$0x1F20]  }
0x2a9: {  	v46 =	vld [tilespmem:$0x1FA0]  }
0x2aa: {  	v54 =	vld [tilespmem:$0x2020]  }
0x2ab: {  	v63 =	vld [tilespmem:$0x1FD0]  }
0x2ac: {  	v4 =	vld [tilespmem:$0x1FE0]  }
0x2ad: {  	v51 =	vld [tilespmem:$0x2D20]  }
0x2ae: {  	v47 =	vld [tilespmem:$0x1EB0]  }
0x2af: {  	v53 =	vld [tilespmem:$0x1FB0]  }
0x2b0: {  	[tilespmem:$0x1F820] =	vst v63;
	v63 =	vld [tilespmem:$0x2050]  }
0x2b1: {  	[tilespmem:$0x1F860] =	vst v4;
	v4 =	vld [tilespmem:$0x2060]  }
0x2b2: {  	v62 =	vld [tilespmem:$0x2030]  }
0x2b3: {  	v52 =	vld [tilespmem:$0x2D30]  }
0x2b4: {  	v60 =	vld [tilespmem:$0x1FC0]  }
0x2b5: {  	[tilespmem:$0x1F850] =	vst v63;
	v63 =	vld [tilespmem:$0x2D50]  }
0x2b6: {  	[tilespmem:$0x1F8A0] =	vst v4;
	v4 =	vld [tilespmem:$0x2D60]  }
0x2b7: {  	v57 =	vld [tilespmem:$0x2040]  }
0x2b8: {  	v61 =	vld [tilespmem:$0x2D40];
	[tilespmem:$0x1F7F0] =	vst v48  }
0x2b9: {  	[tilespmem:$0x1F800] =	vst v51;
	v48 =	vld [tilespmem:$0x1F30]  }
0x2ba: {  	[tilespmem:$0x1F8E0] =	vst v63;
	v63 =	vld [tilespmem:$0x1EE0]  }
0x2bb: {  	[tilespmem:$0x1F930] =	vst v4;
	v4 =	vld [tilespmem:$0x1EF0]  }
0x2bc: {  	[tilespmem:$0x1F840] =	vst v52;
	v51 =	vld [tilespmem:$0x1EC0]  }
0x2bd: {  	v52 =	vld [tilespmem:$0x1F40];
	[tilespmem:$0x1F810] =	vst v57  }
0x2be: {  	[tilespmem:$0x1F890] =	vst v61;
	v57 =	vld [tilespmem:$0x1ED0]  }
0x2bf: {  	v61 =	vld [tilespmem:$0x1F50];
	[tilespmem:$0x1F830] =	vst v63  }
0x2c0: {  	v63 =	vld [tilespmem:$0x1F60];
	[tilespmem:$0x1F870] =	vst v4  }
0x2c1: {  	v4 =	vld [tilespmem:$0x1F70];
	_ =	sdelay $0x4  }
0x2c2: {  	[tilespmem:$0x1F880] =	vst v4;
	v4 =	vld [tilespmem:$0x1FF0];
	_ =	sdelay $0x4  }
0x2c3: {  	[tilespmem:$0x1F8B0] =	vst v4;
	v4 =	vld [tilespmem:$0x2070];
	_ =	sdelay $0x4  }
0x2c4: {  	[tilespmem:$0x1F8F0] =	vst v4;
	v4 =	vld [tilespmem:$0x2D70];
	_ =	sdelay $0x4  }
0x2c5: {  	[tilespmem:$0x1F980] =	vst v4;
	v4 =	vld [tilespmem:$0x1F00];
	_ =	sdelay $0x4  }
0x2c6: {  	[tilespmem:$0x1F8C0] =	vst v4;
	v4 =	vld [tilespmem:$0x1F80];
	_ =	sdelay $0x4  }
0x2c7: {  	[tilespmem:$0x1F8D0] =	vst v4;
	v4 =	vld [tilespmem:$0x2000];
	_ =	sdelay $0x4  }
0x2c8: {  	[tilespmem:$0x1F900] =	vst v4;
	v4 =	vld [tilespmem:$0x2080];
	_ =	sdelay $0x4  }
0x2c9: {  	[tilespmem:$0x1F940] =	vst v4;
	v4 =	vld [tilespmem:$0x2D80];
	_ =	sdelay $0x4  }
0x2ca: {  	[tilespmem:$0x1F9D0] =	vst v4;
	v4 =	vld [tilespmem:$0x2090];
	_ =	sdelay $0x4  }
0x2cb: {  	[tilespmem:$0x1F910] =	vst v4;
	v4 =	vld [tilespmem:$0x2110];
	_ =	sdelay $0x4  }
0x2cc: {  	[tilespmem:$0x1F920] =	vst v4;
	v4 =	vld [tilespmem:$0x2190];
	_ =	sdelay $0x4  }
0x2cd: {  	[tilespmem:$0x1F950] =	vst v4;
	v4 =	vld [tilespmem:$0x2210];
	_ =	sdelay $0x4  }
0x2ce: {  	[tilespmem:$0x1F990] =	vst v4;
	v4 =	vld [tilespmem:$0x2D90];
	_ =	sdelay $0x4  }
0x2cf: {  	[tilespmem:$0x1FA20] =	vst v4;
	v4 =	vld [tilespmem:$0x20A0];
	_ =	sdelay $0x4  }
0x2d0: {  	[tilespmem:$0x1F960] =	vst v4;
	v4 =	vld [tilespmem:$0x2120];
	_ =	sdelay $0x4  }
0x2d1: {  	[tilespmem:$0x1F970] =	vst v4;
	v4 =	vld [tilespmem:$0x21A0];
	_ =	sdelay $0x4  }
0x2d2: {  	[tilespmem:$0x1F9A0] =	vst v4;
	v4 =	vld [tilespmem:$0x2220];
	_ =	sdelay $0x4  }
0x2d3: {  	[tilespmem:$0x1F9E0] =	vst v4;
	v4 =	vld [tilespmem:$0x2DA0];
	_ =	sdelay $0x4  }
0x2d4: {  	[tilespmem:$0x1FA70] =	vst v4;
	v4 =	vld [tilespmem:$0x20B0];
	_ =	sdelay $0x4  }
0x2d5: {  	[tilespmem:$0x1F9B0] =	vst v4;
	v4 =	vld [tilespmem:$0x2130];
	_ =	sdelay $0x4  }
0x2d6: {  	[tilespmem:$0x1F9C0] =	vst v4;
	v4 =	vld [tilespmem:$0x21B0];
	_ =	sdelay $0x4  }
0x2d7: {  	[tilespmem:$0x1F9F0] =	vst v4;
	v4 =	vld [tilespmem:$0x2230];
	_ =	sdelay $0x4  }
0x2d8: {  	[tilespmem:$0x1FA30] =	vst v4;
	v4 =	vld [tilespmem:$0x2DB0];
	_ =	sdelay $0x4  }
0x2d9: {  	[tilespmem:$0x1FAC0] =	vst v4;
	v4 =	vld [tilespmem:$0x20C0];
	_ =	sdelay $0x4  }
0x2da: {  	[tilespmem:$0x1FA00] =	vst v4;
	v4 =	vld [tilespmem:$0x2140];
	_ =	sdelay $0x4  }
0x2db: {  	[tilespmem:$0x1FA10] =	vst v4;
	v4 =	vld [tilespmem:$0x21C0];
	_ =	sdelay $0x4  }
0x2dc: {  	[tilespmem:$0x1FA40] =	vst v4;
	v4 =	vld [tilespmem:$0x2240];
	_ =	sdelay $0x4  }
0x2dd: {  	[tilespmem:$0x1FA80] =	vst v4;
	v4 =	vld [tilespmem:$0x2DC0];
	_ =	sdelay $0x4  }
0x2de: {  	[tilespmem:$0x1FB10] =	vst v4;
	v4 =	vld [tilespmem:$0x20D0];
	_ =	sdelay $0x4  }
0x2df: {  	[tilespmem:$0x1FA50] =	vst v4;
	v4 =	vld [tilespmem:$0x2150];
	_ =	sdelay $0x4  }
0x2e0: {  	[tilespmem:$0x1FA60] =	vst v4;
	v4 =	vld [tilespmem:$0x21D0];
	_ =	sdelay $0x4  }
0x2e1: {  	[tilespmem:$0x1FA90] =	vst v4;
	v4 =	vld [tilespmem:$0x2250];
	_ =	sdelay $0x4  }
0x2e2: {  	[tilespmem:$0x1FAD0] =	vst v4;
	v4 =	vld [tilespmem:$0x2DD0];
	_ =	sdelay $0x4  }
0x2e3: {  	[tilespmem:$0x1FB60] =	vst v4;
	v4 =	vld [tilespmem:$0x20E0];
	_ =	sdelay $0x4  }
0x2e4: {  	[tilespmem:$0x1FAA0] =	vst v4;
	v4 =	vld [tilespmem:$0x2160];
	_ =	sdelay $0x4  }
0x2e5: {  	[tilespmem:$0x1FAB0] =	vst v4;
	v4 =	vld [tilespmem:$0x21E0];
	_ =	sdelay $0x4  }
0x2e6: {  	[tilespmem:$0x1FAE0] =	vst v4;
	v4 =	vld [tilespmem:$0x2260];
	_ =	sdelay $0x4  }
0x2e7: {  	[tilespmem:$0x1FB20] =	vst v4;
	v4 =	vld [tilespmem:$0x2DE0];
	_ =	sdelay $0x4  }
0x2e8: {  	[tilespmem:$0x1FBB0] =	vst v4;
	v4 =	vld [tilespmem:$0x20F0];
	_ =	sdelay $0x4  }
0x2e9: {  	[tilespmem:$0x1FAF0] =	vst v4;
	v4 =	vld [tilespmem:$0x2170];
	_ =	sdelay $0x4  }
0x2ea: {  	[tilespmem:$0x1FB00] =	vst v4;
	v4 =	vld [tilespmem:$0x21F0];
	_ =	sdelay $0x4  }
0x2eb: {  	[tilespmem:$0x1FB30] =	vst v4;
	v4 =	vld [tilespmem:$0x2270];
	_ =	sdelay $0x4  }
0x2ec: {  	[tilespmem:$0x1FB70] =	vst v4;
	v4 =	vld [tilespmem:$0x2DF0];
	_ =	sdelay $0x4  }
0x2ed: {  	[tilespmem:$0x1FC00] =	vst v4;
	v4 =	vld [tilespmem:$0x2100];
	_ =	sdelay $0x4  }
0x2ee: {  	[tilespmem:$0x1FB40] =	vst v4;
	v4 =	vld [tilespmem:$0x2180];
	_ =	sdelay $0x4  }
0x2ef: {  	[tilespmem:$0x1FB50] =	vst v4;
	v4 =	vld [tilespmem:$0x2200];
	_ =	sdelay $0x4  }
0x2f0: {  	[tilespmem:$0x1FB80] =	vst v4;
	v4 =	vld [tilespmem:$0x2280];
	_ =	sdelay $0x4  }
0x2f1: {  	[tilespmem:$0x1FBC0] =	vst v4;
	v4 =	vld [tilespmem:$0x2E00];
	_ =	sdelay $0x4  }
0x2f2: {  	[tilespmem:$0x1FC50] =	vst v4;
	v4 =	vld [tilespmem:$0x2290];
	_ =	sdelay $0x4  }
0x2f3: {  	[tilespmem:$0x1FB90] =	vst v4;
	v4 =	vld [tilespmem:$0x2310];
	_ =	sdelay $0x4  }
0x2f4: {  	[tilespmem:$0x1FBA0] =	vst v4;
	v4 =	vld [tilespmem:$0x2390];
	_ =	sdelay $0x4  }
0x2f5: {  	[tilespmem:$0x1FBD0] =	vst v4;
	v4 =	vld [tilespmem:$0x2410];
	_ =	sdelay $0x4  }
0x2f6: {  	[tilespmem:$0x1FC10] =	vst v4;
	v4 =	vld [tilespmem:$0x2E10];
	_ =	sdelay $0x3  }
0x2f7: {  	v1 =	vbroadcast v1, $0xF  }
0x2f8: {  	[tilespmem:$0x1FCA0] =	vst v4;
	v4 =	vld [tilespmem:$0x22A0]  }
0x2f9: {  	v5 =	vmul.f32 v2, v1;
	v2 =	vbroadcast v18, $0xF;
	v18 =	vld [tilespmem:$0x22B0];
	_ =	sdelay $0x3  }
0x2fa: {  	[tilespmem:$0x1FBE0] =	vst v4;
	v4 =	vld [tilespmem:$0x2320]  }
0x2fb: {  	[tilespmem:$0x1FC30] =	vst v18;
	v18 =	vld [tilespmem:$0x2430];
	_ =	sdelay $0x3  }
0x2fc: {  	[tilespmem:$0x1FBF0] =	vst v4;
	v4 =	vld [tilespmem:$0x23A0]  }
0x2fd: {  	[tilespmem:$0x1FCB0] =	vst v18;
	v18 =	vld [tilespmem:$0x22C0];
	_ =	sdelay $0x3  }
0x2fe: {  	[tilespmem:$0x1FC20] =	vst v4;
	v4 =	vld [tilespmem:$0x2420]  }
0x2ff: {  	[tilespmem:$0x1FC80] =	vst v18;
	v18 =	vld [tilespmem:$0x23C0];
	_ =	sdelay $0x3  }
0x300: {  	[tilespmem:$0x1FC60] =	vst v4;
	v4 =	vld [tilespmem:$0x2E20]  }
0x301: {  	[tilespmem:$0x1FCC0] =	vst v18;
	v18 =	vld [tilespmem:$0x2360];
	_ =	sdelay $0x1  }
0x302: {  	v3 =	vbroadcast v3, $0xF;
	_ =	sdelay $0x1  }
0x303: {  	[tilespmem:$0x1FCE0] =	vst v4;
	v4 =	vmul.f32 v0, v3;
	v0 =	vbroadcast v17, $0xF;
	v17 =	vld [tilespmem:$0x2330]  }
0x304: {  	[tilespmem:$0x1FD10] =	vst v18;
	v18 =	vmul.f32 v48, v3;
	v48 =	vld [tilespmem:$0x2EA0];
	_ =	sdelay $0x1  }
0x305: {  	v4 =	vadd.f32 v4, v5;
	v5 =	vmul.f32 v7, v2  }
0x306: {  	v7 =	vmul.f32 v9, v0  }
0x307: {  	v9 =	vmul.f32 v11, v3;
	v4 =	vadd.f32 v5, v4;
	v5 =	vmul.f32 v10, v1;
	[tilespmem:$0x1FC40] =	vst v17;
	v17 =	vld [tilespmem:$0x23B0]  }
0x308: {  	v8 =	vmul.f32 v8, v1;
	v6 =	vmul.f32 v6, v3;
	[tilespmem:$0x1FE40] =	vst v48;
	v48 =	vld [tilespmem:$0x24C0]  }
0x309: {  	v4 =	vadd.f32 v7, v4;
	v5 =	vadd.f32 v9, v5;
	v7 =	vmul.f32 v15, v2;
	v15 =	vld [tilespmem:$0x2340]  }
0x30a: {  	v6 =	vadd.f32 v6, v8;
	v8 =	vmul.f32 v16, v0;
	v16 =	vld [tilespmem:$0x2E40]  }
0x30b: {  	v5 =	vadd.f32 v7, v5;
	v4 =	vmul.f32 v4, v24;
	v24 =	vld [tilespmem:$0x22D0]  }
0x30c: {  	v12 =	vmul.f32 v12, v3;
	v7 =	vmul.f32 v14, v1;
	[tilespmem:$0x1FC70] =	vst v17;
	v17 =	vld [tilespmem:$0x2E30]  }
0x30d: {  	v14 =	vmul.f32 v20, v0;
	v20 =	vld [tilespmem:$0x23D0];
	v5 =	vadd.f32 v8, v5  }
0x30e: {  	v7 =	vadd.f32 v12, v7;
	v12 =	vmul.f32 v19, v3;
	v19 =	vld [tilespmem:$0x2450];
	[tilespmem:$0x1FC90] =	vst v15;
	v15 =	vmul.f32 v21, v2  }
0x30f: {  	v21 =	vmul.f32 v25, v2;
	v25 =	vld [tilespmem:$0x2E50]  }
0x310: {  	v5 =	vmul.f32 v5, v28;
	v28 =	vld [tilespmem:$0x22E0];
	v7 =	vadd.f32 v15, v7;
	v15 =	vmul.f32 v27, v0  }
0x311: {  	v27 =	vmul.f32 v33, v2;
	v33 =	vld [tilespmem:$0x22F0];
	[tilespmem:$0x1FD20] =	vst v17;
	v17 =	vmul.f32 v13, v2  }
0x312: {  	v13 =	vld [tilespmem:$0x2440]  }
0x313: {  	v7 =	vadd.f32 v15, v7;
	v15 =	vld [tilespmem:$0x2480];
	v6 =	vadd.f32 v17, v6;
	v17 =	vmul.f32 v22, v1  }
0x314: {  	v22 =	vmul.f32 v26, v1;
	v26 =	vmul.f32 v37, v0;
	v37 =	vld [tilespmem:$0x23F0]  }
0x315: {  	v7 =	vmul.f32 v7, v40;
	v40 =	vld [tilespmem:$0x2470]  }
0x316: {  	v23 =	vmul.f32 v23, v3;
	v4 =	vadd.f32 $0.0e+00, v4;
	[tilespmem:$0x1FD00] =	vst v28;
	v28 =	vmul.f32 v52, v3;
	v52 =	vld [tilespmem:$0x1F870]  }
0x317: {  	[tilespmem:$0x1FD40] =	vst v33;
	v33 =	vld [tilespmem:$0x2610]  }
0x318: {  	v4 =	vadd.f32 v5, v4;
	v5 =	vadd.f32 v23, v22;
	v23 =	vld [tilespmem:$0x23E0]  }
0x319: {  	v6 =	vadd.f32 v14, v6;
	v22 =	vmul.f32 v31, v3;
	v31 =	vld [tilespmem:$0x2E60]  }
0x31a: {  	v14 =	vadd.f32 v12, v17;
	v17 =	vmul.f32 v29, v2;
	v29 =	vmul.f32 v34, v1;
	v34 =	vld [tilespmem:$0x2370]  }
0x31b: {  	v12 =	vld [tilespmem:$0x1FA40]  }
0x31c: {  	[tilespmem:$0x1FCF0] =	vst v13;
	v13 =	vld [tilespmem:$0x2350];
	v6 =	vmul.f32 v6, v36;
	v36 =	vmul.f32 v32, v0  }
0x31d: {  	[tilespmem:$0x1FDA0] =	vst v15;
	v15 =	vld [tilespmem:$0x1FA50];
	v8 =	vadd.f32 v21, v14;
	v21 =	vmul.f32 v30, v1;
	v30 =	vmul.f32 v35, v3  }
0x31e: {  	v32 =	vld [tilespmem:$0x2460];
	v35 =	vmul.f32 v42, v0;
	v42 =	vmul.f32 v56, v0  }
0x31f: {  	v56 =	vmul.f32 v58, v0;
	v58 =	vmul.f32 v46, v2;
	v46 =	vld [tilespmem:$0x2620]  }
0x320: {  	v5 =	vadd.f32 v17, v5;
	v17 =	vmul.f32 v47, v1;
	v47 =	vld [tilespmem:$0x1F840]  }
0x321: {  	v14 =	vld [tilespmem:$0x25D0]  }
0x322: {  	[tilespmem:$0x1FD70] =	vst v40;
	v40 =	vld [tilespmem:$0x1F810]  }
0x323: {  	[tilespmem:$0x1FD60] =	vst v37;
	v37 =	vmul.f32 v57, v1;
	v57 =	vld [tilespmem:$0x1F8B0]  }
0x324: {  	v8 =	vadd.f32 v36, v8;
	v36 =	vmul.f32 v41, v2;
	v41 =	vld [tilespmem:$0x2E70]  }
0x325: {  	v4 =	vadd.f32 v6, v4;
	v6 =	vadd.f32 v22, v21;
	v21 =	vld [tilespmem:$0x2E80]  }
0x326: {  	v22 =	vld [tilespmem:$0x2490]  }
0x327: {  	v5 =	vadd.f32 v26, v5;
	v26 =	vmul.f32 v53, v2;
	v53 =	vld [tilespmem:$0x1F880]  }
0x328: {  	[tilespmem:$0x1FDD0] =	vst v33;
	v33 =	vld [tilespmem:$0x2640]  }
0x329: {  	[tilespmem:$0x1FD30] =	vst v23;
	v23 =	vmul.f32 v54, v0;
	v54 =	vld [tilespmem:$0x1F890]  }
0x32a: {  	[tilespmem:$0x1FD50] =	vst v34;
	v34 =	vmul.f32 v62, v0;
	v62 =	vld [tilespmem:$0x1F8D0]  }
0x32b: {  	v8 =	vmul.f32 v8, v59;
	v59 =	vld [tilespmem:$0x2300]  }
0x32c: {  	v5 =	vmul.f32 v5, v50;
	v50 =	vld [tilespmem:$0x2380]  }
0x32d: {  	v4 =	vadd.f32 v7, v4;
	v7 =	vadd.f32 v30, v29;
	v29 =	vld [tilespmem:$0x2590]  }
0x32e: {  	v30 =	vld [tilespmem:$0x1F7F0]  }
0x32f: {  	v6 =	vadd.f32 v27, v6;
	v27 =	vmul.f32 v51, v1;
	v51 =	vld [tilespmem:$0x1F860]  }
0x330: {  	[tilespmem:$0x1FCD0] =	vst v13;
	v13 =	vld [tilespmem:$0x2660]  }
0x331: {  	v38 =	vmul.f32 v38, v1;
	v39 =	vmul.f32 v39, v3;
	[tilespmem:$0x1FE00] =	vst v46;
	v46 =	vld [tilespmem:$0x1F9B0]  }
0x332: {  	v7 =	vadd.f32 v36, v7;
	v36 =	vld [tilespmem:$0x2E90]  }
0x333: {  	v4 =	vadd.f32 v8, v4;
	v8 =	vadd.f32 v39, v38;
	v39 =	vld [tilespmem:$0x1F800]  }
0x334: {  	v6 =	vadd.f32 v35, v6;
	v35 =	vmul.f32 v60, v2;
	v60 =	vld [tilespmem:$0x2630]  }
0x335: {  	v38 =	vmul.f32 v61, v3;
	v61 =	vld [tilespmem:$0x1F8C0]  }
0x336: {  	v9 =	vmul.f32 v40, v0;
	v40 =	vld [tilespmem:$0x1F970]  }
0x337: {  	[tilespmem:$0x1FDC0] =	vst v41;
	v41 =	vld [tilespmem:$0x2520]  }
0x338: {  	[tilespmem:$0x1FD90] =	vst v22;
	v22 =	vld [tilespmem:$0x2530]  }
0x339: {  	[tilespmem:$0x1FDF0] =	vst v21;
	v21 =	vld [tilespmem:$0x1F900]  }
0x33a: {  	v11 =	vmul.f32 v53, v3;
	v53 =	vld [tilespmem:$0x2ED0]  }
0x33b: {  	[tilespmem:$0x1FE50] =	vst v33;
	v33 =	vld [tilespmem:$0x1FA70]  }
0x33c: {  	v43 =	vmul.f32 v43, v2;
	v6 =	vmul.f32 v6, v49;
	v49 =	vld [tilespmem:$0x2400]  }
0x33d: {  	v44 =	vmul.f32 v44, v1;
	v45 =	vmul.f32 v45, v3;
	v7 =	vadd.f32 v42, v7;
	v42 =	vld [tilespmem:$0x1F820]  }
0x33e: {  	v8 =	vadd.f32 v43, v8;
	v43 =	vld [tilespmem:$0x25A0]  }
0x33f: {  	v4 =	vadd.f32 v5, v4;
	v5 =	vadd.f32 v45, v44;
	v44 =	vld [tilespmem:$0x1F830]  }
0x340: {  	v45 =	vmul.f32 v63, v3;
	v63 =	vld [tilespmem:$0x2EB0]  }
0x341: {  	[tilespmem:$0x1FDB0] =	vst v29;
	v29 =	vld [tilespmem:$0x25C0]  }
0x342: {  	[tilespmem:$0x1FE90] =	vst v13;
	v13 =	vld [tilespmem:$0x24F0]  }
0x343: {  	v8 =	vadd.f32 v56, v8;
	v56 =	vld [tilespmem:$0x2510]  }
0x344: {  	v5 =	vadd.f32 v58, v5;
	v58 =	vld [tilespmem:$0x24A0]  }
0x345: {  	v7 =	vmul.f32 v7, v55;
	v55 =	vld [tilespmem:$0x1F8A0]  }
0x346: {  	v4 =	vadd.f32 v6, v4;
	v6 =	vadd.f32 v18, v17;
	v17 =	vld [tilespmem:$0x1F8E0]  }
0x347: {  	v18 =	vld [tilespmem:$0x1F8F0]  }
0x348: {  	[tilespmem:$0x1FE10] =	vst v36;
	v36 =	vld [tilespmem:$0x1F950]  }
0x349: {  	[tilespmem:$0x1FE20] =	vst v60;
	v60 =	vld [tilespmem:$0x1FA10]  }
0x34a: {  	v4 =	vadd.f32 v7, v4;
	v7 =	vadd.f32 v28, v27;
	v27 =	vld [tilespmem:$0x2540]  }
0x34b: {  	v5 =	vadd.f32 v23, v5;
	v23 =	vld [tilespmem:$0x1F910]  }
0x34c: {  	v6 =	vadd.f32 v26, v6;
	v26 =	vld [tilespmem:$0x1F920]  }
0x34d: {  	v8 =	vmul.f32 v8, v30;
	v30 =	vld [tilespmem:$0x1F930]  }
0x34e: {  	[tilespmem:$0x1FEA0] =	vst v53;
	v53 =	vld [tilespmem:$0x1FB30]  }
0x34f: {  	[tilespmem:$0x1FD80] =	vst v49;
	v49 =	vld [tilespmem:$0x1F850]  }
0x350: {  	[tilespmem:$0x1FDE0] =	vst v43;
	v43 =	vld [tilespmem:$0x1F980]  }
0x351: {  	[tilespmem:$0x1FE60] =	vst v63;
	v63 =	vld [tilespmem:$0x1FA30]  }
0x352: {  	v7 =	vadd.f32 v35, v7;
	v35 =	vld [tilespmem:$0x24B0]  }
0x353: {  	v5 =	vmul.f32 v5, v39;
	v39 =	vld [tilespmem:$0x25B0]  }
0x354: {  	v6 =	vadd.f32 v34, v6;
	v34 =	vld [tilespmem:$0x1F940]  }
0x355: {  	v4 =	vadd.f32 v8, v4;
	v8 =	vadd.f32 v38, v37;
	v37 =	vld [tilespmem:$0x2EC0]  }
0x356: {  	v38 =	vld [tilespmem:$0x1F960]  }
0x357: {  	[tilespmem:$0x1FE30] =	vst v29;
	v29 =	vld [tilespmem:$0x2550]  }
0x358: {  	v10 =	vmul.f32 v42, v2;
	v4 =	vadd.f32 v5, v4;
	v5 =	vmul.f32 v44, v1;
	v44 =	vld [tilespmem:$0x1F990]  }
0x359: {  	v6 =	vmul.f32 v6, v47;
	v47 =	vld [tilespmem:$0x1F9C0]  }
0x35a: {  	v8 =	vadd.f32 v10, v8;
	v10 =	vmul.f32 v51, v2;
	v51 =	vld [tilespmem:$0x2650]  }
0x35b: {  	v28 =	vmul.f32 v26, v3;
	v26 =	vld [tilespmem:$0x2560]  }
0x35c: {  	v7 =	vadd.f32 v9, v7;
	v5 =	vadd.f32 v45, v5;
	v45 =	vld [tilespmem:$0x1F9A0]  }
0x35d: {  	v4 =	vadd.f32 v6, v4;
	v6 =	vmul.f32 v52, v1;
	v52 =	vld [tilespmem:$0x1F9D0]  }
0x35e: {  	v9 =	vmul.f32 v49, v0;
	v7 =	vmul.f32 v7, v54;
	v54 =	vld [tilespmem:$0x1F9E0]  }
0x35f: {  	[tilespmem:$0x1FE80] =	vst v37;
	v37 =	vld [tilespmem:$0x1FAA0]  }
0x360: {  	v8 =	vadd.f32 v9, v8;
	v9 =	vmul.f32 v55, v0;
	v55 =	vld [tilespmem:$0x1F9F0]  }
0x361: {  	v5 =	vadd.f32 v10, v5;
	v10 =	vmul.f32 v57, v2;
	v57 =	vld [tilespmem:$0x1FA00]  }
0x362: {  	v6 =	vadd.f32 v11, v6;
	v11 =	vmul.f32 v62, v3;
	v62 =	vld [tilespmem:$0x1FA20]  }
0x363: {  	v4 =	vadd.f32 v7, v4;
	v7 =	vmul.f32 v61, v1;
	v61 =	vmul.f32 v60, v3;
	v60 =	vld [tilespmem:$0x2F00]  }
0x364: {  	v49 =	vmul.f32 v47, v3;
	v47 =	vld [tilespmem:$0x1FB00]  }
0x365: {  	[tilespmem:$0x1FE70] =	vst v51;
	v51 =	vld [tilespmem:$0x1FB10]  }
0x366: {  	v8 =	vmul.f32 v8, v17;
	v17 =	vld [tilespmem:$0x24D0]  }
0x367: {  	v6 =	vadd.f32 v10, v6;
	v10 =	vmul.f32 v21, v2;
	v21 =	vld [tilespmem:$0x25E0]  }
0x368: {  	v5 =	vadd.f32 v9, v5;
	v9 =	vmul.f32 v18, v0;
	v18 =	vld [tilespmem:$0x1FA60]  }
0x369: {  	v7 =	vadd.f32 v11, v7;
	v11 =	vld [tilespmem:$0x1FC30]  }
0x36a: {  	v4 =	vadd.f32 v8, v4;
	v8 =	vmul.f32 v23, v1;
	v23 =	vld [tilespmem:$0x24E0]  }
0x36b: {  	v5 =	vmul.f32 v5, v30;
	v30 =	vld [tilespmem:$0x2EE0]  }
0x36c: {  	v6 =	vadd.f32 v9, v6;
	v9 =	vmul.f32 v34, v0;
	v34 =	vld [tilespmem:$0x1FA80]  }
0x36d: {  	v7 =	vadd.f32 v10, v7;
	v10 =	vmul.f32 v36, v2;
	v36 =	vld [tilespmem:$0x1FA90]  }
0x36e: {  	v4 =	vadd.f32 v5, v4;
	v5 =	vmul.f32 v38, v1;
	v38 =	vld [tilespmem:$0x1FAB0]  }
0x36f: {  	v6 =	vmul.f32 v6, v43;
	v43 =	vld [tilespmem:$0x1FAD0]  }
0x370: {  	v42 =	vmul.f32 v40, v3;
	v7 =	vadd.f32 v9, v7;
	v9 =	vmul.f32 v44, v0;
	v44 =	vld [tilespmem:$0x1FAE0]  }
0x371: {  	v8 =	vadd.f32 v28, v8;
	v28 =	vmul.f32 v18, v3;
	v18 =	vld [tilespmem:$0x2670]  }
0x372: {  	v5 =	vadd.f32 v42, v5;
	v42 =	vld [tilespmem:$0x1FAC0]  }
0x373: {  	v8 =	vadd.f32 v10, v8;
	v10 =	vmul.f32 v45, v2;
	v45 =	vld [tilespmem:$0x2EF0]  }
0x374: {  	v29 =	vmul.f32 v29, v3;
	v4 =	vadd.f32 v6, v4;
	v6 =	vmul.f32 v46, v1;
	v46 =	vld [tilespmem:$0x1FAF0]  }
0x375: {  	v17 =	vmul.f32 v17, v1;
	v7 =	vmul.f32 v7, v52;
	v52 =	vld [tilespmem:$0x1FB20]  }
0x376: {  	[tilespmem:$0x1FEB0] =	vst v30;
	v30 =	vld [tilespmem:$0x1FB70]  }
0x377: {  	v17 =	vadd.f32 v29, v17;
	v29 =	vld [tilespmem:$0x1FE50]  }
0x378: {  	v8 =	vadd.f32 v9, v8;
	v9 =	vmul.f32 v54, v0;
	v54 =	vld [tilespmem:$0x1FB40]  }
0x379: {  	v5 =	vadd.f32 v10, v5;
	v10 =	vmul.f32 v55, v2;
	v55 =	vld [tilespmem:$0x1FB50]  }
0x37a: {  	v14 =	vmul.f32 v14, v2;
	v6 =	vadd.f32 v49, v6;
	v49 =	vmul.f32 v47, v3;
	v47 =	vld [tilespmem:$0x2820]  }
0x37b: {  	v4 =	vadd.f32 v7, v4;
	v7 =	vmul.f32 v57, v1;
	v40 =	vmul.f32 v38, v3;
	v38 =	vld [tilespmem:$0x2500]  }
0x37c: {  	v14 =	vadd.f32 v14, v17;
	v17 =	vld [tilespmem:$0x2910]  }
0x37d: {  	v7 =	vadd.f32 v61, v7;
	v61 =	vld [tilespmem:$0x1FC00]  }
0x37e: {  	v8 =	vmul.f32 v8, v62;
	v62 =	vld [tilespmem:$0x1FC10]  }
0x37f: {  	v5 =	vadd.f32 v9, v5;
	v9 =	vmul.f32 v63, v0;
	v63 =	vld [tilespmem:$0x1FC20]  }
0x380: {  	v6 =	vadd.f32 v10, v6;
	v10 =	vmul.f32 v12, v2;
	v12 =	vld [tilespmem:$0x1FC40]  }
0x381: {  	[tilespmem:$0x1FEC0] =	vst v45;
	v45 =	vld [tilespmem:$0x2790]  }
0x382: {  	v7 =	vadd.f32 v10, v7;
	v10 =	vmul.f32 v36, v2;
	v36 =	vld [tilespmem:$0x2570]  }
0x383: {  	v4 =	vadd.f32 v8, v4;
	v8 =	vmul.f32 v15, v1;
	v15 =	vld [tilespmem:$0x25F0]  }
0x384: {  	v5 =	vmul.f32 v5, v33;
	v33 =	vld [tilespmem:$0x2680]  }
0x385: {  	v6 =	vadd.f32 v9, v6;
	v9 =	vmul.f32 v34, v0;
	v34 =	vld [tilespmem:$0x1FB80]  }
0x386: {  	v57 =	vmul.f32 v55, v3;
	v55 =	vld [tilespmem:$0x1FBF0]  }
0x387: {  	v4 =	vadd.f32 v5, v4;
	v5 =	vmul.f32 v37, v1;
	v37 =	vld [tilespmem:$0x2600]  }
0x388: {  	v8 =	vadd.f32 v28, v8;
	v28 =	vld [tilespmem:$0x1FB60]  }
0x389: {  	v6 =	vmul.f32 v6, v42;
	v42 =	vld [tilespmem:$0x1FBA0]  }
0x38a: {  	v8 =	vadd.f32 v10, v8;
	v10 =	vmul.f32 v44, v2;
	v44 =	vld [tilespmem:$0x2580]  }
0x38b: {  	v7 =	vadd.f32 v9, v7;
	v4 =	vadd.f32 v6, v4;
	v6 =	vmul.f32 v46, v1;
	v46 =	vld [tilespmem:$0x2690]  }
0x38c: {  	v5 =	vadd.f32 v40, v5;
	v40 =	vld [tilespmem:$0x1FB90]  }
0x38d: {  	v9 =	vmul.f32 v43, v0;
	v7 =	vmul.f32 v7, v51;
	v51 =	vld [tilespmem:$0x2710]  }
0x38e: {  	v6 =	vadd.f32 v49, v6;
	v49 =	vld [tilespmem:$0x1FBB0]  }
0x38f: {  	v8 =	vadd.f32 v9, v8;
	v9 =	vmul.f32 v52, v0;
	v52 =	vld [tilespmem:$0x1FBC0]  }
0x390: {  	v5 =	vadd.f32 v10, v5;
	v10 =	vmul.f32 v53, v2;
	v53 =	vld [tilespmem:$0x1FBD0]  }
0x391: {  	v4 =	vadd.f32 v7, v4;
	v7 =	vmul.f32 v54, v1;
	v54 =	vld [tilespmem:$0x1FBE0]  }
0x392: {  	v43 =	vmul.f32 v42, v3;
	v42 =	vld [tilespmem:$0x2F10]  }
0x393: {  	v7 =	vadd.f32 v57, v7;
	v57 =	vmul.f32 v55, v3;
	v55 =	vld [tilespmem:$0x2720]  }
0x394: {  	v8 =	vmul.f32 v8, v28;
	v5 =	vadd.f32 v9, v5;
	v9 =	vmul.f32 v30, v0;
	v30 =	vld [tilespmem:$0x1FC50]  }
0x395: {  	v6 =	vadd.f32 v10, v6;
	v10 =	vmul.f32 v34, v2;
	v34 =	vld [tilespmem:$0x1FC60]  }
0x396: {  	v4 =	vadd.f32 v8, v4;
	v8 =	vmul.f32 v40, v1;
	v40 =	vld [tilespmem:$0x2810]  }
0x397: {  	v7 =	vadd.f32 v10, v7;
	v10 =	vmul.f32 v53, v2;
	v53 =	vld [tilespmem:$0x26A0]  }
0x398: {  	v6 =	vadd.f32 v9, v6;
	v9 =	vmul.f32 v52, v0;
	v52 =	vld [tilespmem:$0x27A0]  }
0x399: {  	v5 =	vmul.f32 v5, v49;
	v49 =	vld [tilespmem:$0x1FC80]  }
0x39a: {  	v8 =	vadd.f32 v43, v8;
	v43 =	vld [tilespmem:$0x1FC70]  }
0x39b: {  	v28 =	vmul.f32 v12, v3;
	v6 =	vmul.f32 v6, v61;
	v61 =	vld [tilespmem:$0x26B0]  }
0x39c: {  	v4 =	vadd.f32 v5, v4;
	v5 =	vmul.f32 v54, v1;
	v7 =	vadd.f32 v9, v7;
	v54 =	vld [tilespmem:$0x1FC90]  }
0x39d: {  	v9 =	vmul.f32 v62, v0;
	v8 =	vadd.f32 v10, v8;
	v10 =	vmul.f32 v63, v2;
	v63 =	vld [tilespmem:$0x2730]  }
0x39e: {  	v4 =	vadd.f32 v6, v4;
	v6 =	vmul.f32 v11, v1;
	v7 =	vmul.f32 v7, v30;
	v30 =	vld [tilespmem:$0x1FCB0]  }
0x39f: {  	v5 =	vadd.f32 v57, v5;
	v8 =	vadd.f32 v9, v8;
	v9 =	vmul.f32 v34, v0;
	v34 =	vld [tilespmem:$0x2F20]  }
0x3a0: {  	v6 =	vadd.f32 v28, v6;
	v28 =	vld [tilespmem:$0x1FCA0]  }
0x3a1: {  	v5 =	vadd.f32 v10, v5;
	v10 =	vmul.f32 v43, v2;
	v43 =	vld [tilespmem:$0x1FCC0]  }
0x3a2: {  	v4 =	vadd.f32 v7, v4;
	v7 =	vmul.f32 v49, v1;
	v57 =	vmul.f32 v54, v3;
	v54 =	vld [tilespmem:$0x1FCD0]  }
0x3a3: {  	v49 =	vmul.f32 v24, v1;
	v24 =	vld [tilespmem:$0x1FCE0]  }
0x3a4: {  	v7 =	vadd.f32 v57, v7;
	v57 =	vld [tilespmem:$0x27B0]  }
0x3a5: {  	v5 =	vadd.f32 v9, v5;
	v9 =	vmul.f32 v30, v0;
	v30 =	vld [tilespmem:$0x1FD00]  }
0x3a6: {  	v6 =	vadd.f32 v10, v6;
	v10 =	vmul.f32 v43, v2;
	v43 =	vld [tilespmem:$0x2F30]  }
0x3a7: {  	v8 =	vmul.f32 v8, v28;
	v28 =	vld [tilespmem:$0x1FCF0];
	v62 =	vmul.f32 v54, v3  }
0x3a8: {  	v5 =	vmul.f32 v5, v24;
	v24 =	vld [tilespmem:$0x2740]  }
0x3a9: {  	v4 =	vadd.f32 v8, v4;
	v8 =	vadd.f32 v62, v49;
	v62 =	vld [tilespmem:$0x1FD10]  }
0x3aa: {  	v54 =	vld [tilespmem:$0x2830]  }
0x3ab: {  	v7 =	vadd.f32 v10, v7;
	v10 =	vld [tilespmem:$0x1FD40]  }
0x3ac: {  	v49 =	vmul.f32 v20, v2;
	v4 =	vadd.f32 v5, v4;
	v5 =	vmul.f32 v30, v1;
	v30 =	vld [tilespmem:$0x1FD20]  }
0x3ad: {  	v12 =	vmul.f32 v28, v0;
	v28 =	vld [tilespmem:$0x26C0]  }
0x3ae: {  	v8 =	vadd.f32 v49, v8;
	v49 =	vld [tilespmem:$0x2F40];
	v20 =	vmul.f32 v62, v3  }
0x3af: {  	v6 =	vadd.f32 v9, v6;
	v62 =	vld [tilespmem:$0x1FD30]  }
0x3b0: {  	v9 =	vadd.f32 v12, v7;
	v7 =	vadd.f32 v20, v5;
	v5 =	vmul.f32 v19, v0;
	v19 =	vld [tilespmem:$0x1FD50]  }
0x3b1: {  	v6 =	vmul.f32 v6, v30;
	v30 =	vld [tilespmem:$0x27C0]  }
0x3b2: {  	v12 =	vmul.f32 v10, v1;
	v10 =	vadd.f32 v5, v8;
	v8 =	vmul.f32 v32, v0;
	v32 =	vld [tilespmem:$0x1FD60]  }
0x3b3: {  	v9 =	vmul.f32 v9, v16;
	v16 =	vld [tilespmem:$0x2750]  }
0x3b4: {  	v20 =	vmul.f32 v62, v2;
	v62 =	vld [tilespmem:$0x2840]  }
0x3b5: {  	v11 =	vadd.f32 v6, v4;
	v5 =	vmul.f32 v10, v25;
	v25 =	vld [tilespmem:$0x2850];
	v4 =	vmul.f32 v19, v3  }
0x3b6: {  	v10 =	vld [tilespmem:$0x1FD80]  }
0x3b7: {  	v20 =	vadd.f32 v20, v7;
	v19 =	vld [tilespmem:$0x26D0];
	v6 =	vadd.f32 v4, v12;
	v4 =	vmul.f32 v32, v2  }
0x3b8: {  	v12 =	vmul.f32 v59, v1;
	v32 =	vmul.f32 v50, v3;
	v50 =	vld [tilespmem:$0x27D0]  }
0x3b9: {  	v9 =	vadd.f32 v9, v11;
	v20 =	vadd.f32 v8, v20;
	v8 =	vld [tilespmem:$0x1FD70]  }
0x3ba: {  	v7 =	vadd.f32 v4, v6;
	v6 =	vadd.f32 v32, v12;
	v32 =	vld [tilespmem:$0x2F50]  }
0x3bb: {  	v12 =	vld [tilespmem:$0x1FD90]  }
0x3bc: {  	v9 =	vadd.f32 v5, v9;
	v59 =	vmul.f32 v10, v2;
	v20 =	vmul.f32 v20, v31;
	v10 =	vld [tilespmem:$0x2760]  }
0x3bd: {  	v31 =	vld [tilespmem:$0x1FDC0]  }
0x3be: {  	v9 =	vadd.f32 v20, v9;
	v20 =	vmul.f32 v41, v3;
	v41 =	vld [tilespmem:$0x2860];
	v11 =	vmul.f32 v8, v0  }
0x3bf: {  	v16 =	vmul.f32 v16, v3;
	v19 =	vmul.f32 v19, v1;
	v8 =	vld [tilespmem:$0x1FDB0]  }
0x3c0: {  	v58 =	vmul.f32 v58, v1;
	v7 =	vadd.f32 v11, v7;
	v11 =	vadd.f32 v59, v6;
	v59 =	vld [tilespmem:$0x1FDA0]  }
0x3c1: {  	v16 =	vadd.f32 v16, v19;
	v19 =	vld [tilespmem:$0x28E0]  }
0x3c2: {  	v56 =	vmul.f32 v56, v3;
	v20 =	vadd.f32 v20, v58;
	v58 =	vld [tilespmem:$0x26F0];
	v4 =	vmul.f32 v12, v1  }
0x3c3: {  	v12 =	vld [tilespmem:$0x26E0]  }
0x3c4: {  	v5 =	vadd.f32 v56, v4;
	v4 =	vmul.f32 v8, v2;
	v8 =	vld [tilespmem:$0x1FDE0]  }
0x3c5: {  	v6 =	vld [tilespmem:$0x1FDF0];
	v59 =	vmul.f32 v59, v0  }
0x3c6: {  	v56 =	vld [tilespmem:$0x27E0];
	v7 =	vmul.f32 v7, v31  }
0x3c7: {  	v10 =	vmul.f32 v10, v3;
	v11 =	vadd.f32 v59, v11;
	v59 =	vld [tilespmem:$0x1FDD0]  }
0x3c8: {  	v31 =	vld [tilespmem:$0x2F60];
	v7 =	vadd.f32 v7, v9;
	v9 =	vmul.f32 v35, v1;
	v35 =	vmul.f32 v22, v3  }
0x3c9: {  	v22 =	vld [tilespmem:$0x2770];
	v5 =	vadd.f32 v4, v5;
	v12 =	vmul.f32 v12, v1;
	v4 =	vmul.f32 v8, v2  }
0x3ca: {  	v48 =	vmul.f32 v48, v1;
	v27 =	vmul.f32 v27, v3;
	v9 =	vadd.f32 v35, v9;
	v35 =	vld [tilespmem:$0x1FE00]  }
0x3cb: {  	v10 =	vadd.f32 v10, v12;
	v12 =	vld [tilespmem:$0x2A60];
	v20 =	vadd.f32 v4, v20;
	v4 =	vmul.f32 v39, v2  }
0x3cc: {  	v11 =	vmul.f32 v11, v6;
	v6 =	vld [tilespmem:$0x1FE40];
	v59 =	vmul.f32 v59, v0  }
0x3cd: {  	v4 =	vadd.f32 v4, v9;
	v9 =	vadd.f32 v27, v48;
	v48 =	vld [tilespmem:$0x1FE20]  }
0x3ce: {  	v59 =	vadd.f32 v59, v5;
	v5 =	vadd.f32 v11, v7;
	v11 =	vld [tilespmem:$0x1FE10]  }
0x3cf: {  	v35 =	vmul.f32 v35, v0;
	v27 =	vld [tilespmem:$0x1FE30]  }
0x3d0: {  	v8 =	vld [tilespmem:$0x27F0]  }
0x3d1: {  	v39 =	vld [tilespmem:$0x2870];
	v20 =	vadd.f32 v35, v20  }
0x3d2: {  	v7 =	vld [tilespmem:$0x2F70];
	v35 =	vmul.f32 v48, v0  }
0x3d3: {  	v20 =	vmul.f32 v20, v6;
	v6 =	vld [tilespmem:$0x2880];
	v59 =	vmul.f32 v59, v11  }
0x3d4: {  	v27 =	vmul.f32 v27, v2;
	v35 =	vadd.f32 v35, v4;
	v4 =	vld [tilespmem:$0x1FE60]  }
0x3d5: {  	v48 =	vld [tilespmem:$0x2780];
	v59 =	vadd.f32 v59, v5  }
0x3d6: {  	v23 =	vmul.f32 v23, v1;
	v11 =	vld [tilespmem:$0x2700];
	v9 =	vadd.f32 v27, v9  }
0x3d7: {  	v27 =	vmul.f32 v29, v0;
	v29 =	vld [tilespmem:$0x2F80];
	v20 =	vadd.f32 v20, v59;
	v59 =	vmul.f32 v26, v3  }
0x3d8: {  	v5 =	vld [tilespmem:$0x2800]  }
0x3d9: {  	v9 =	vadd.f32 v27, v9;
	v35 =	vmul.f32 v35, v4;
	v27 =	vadd.f32 v59, v23;
	v23 =	vld [tilespmem:$0x1FE70]  }
0x3da: {  	v26 =	vld [tilespmem:$0x2890]  }
0x3db: {  	v13 =	vmul.f32 v13, v1;
	v20 =	vadd.f32 v35, v20;
	v35 =	vmul.f32 v36, v3;
	v36 =	vld [tilespmem:$0x1FE80]  }
0x3dc: {  	v4 =	vmul.f32 v21, v2;
	v21 =	vld [tilespmem:$0x2A10]  }
0x3dd: {  	v15 =	vmul.f32 v15, v2;
	v13 =	vadd.f32 v35, v13;
	v35 =	vld [tilespmem:$0x1FE90]  }
0x3de: {  	v59 =	vmul.f32 v23, v0;
	v23 =	vld [tilespmem:$0x2990]  }
0x3df: {  	v13 =	vadd.f32 v15, v13;
	v15 =	vld [tilespmem:$0x2FA0]  }
0x3e0: {  	v9 =	vmul.f32 v9, v36;
	v36 =	vadd.f32 v59, v14;
	v14 =	vld [tilespmem:$0x2F90]  }
0x3e1: {  	v17 =	vmul.f32 v17, v3;
	v59 =	vld [tilespmem:$0x1FEA0]  }
0x3e2: {  	v33 =	vmul.f32 v33, v0;
	v4 =	vadd.f32 v4, v27;
	v27 =	vmul.f32 v35, v0;
	v35 =	vld [tilespmem:$0x28A0]  }
0x3e3: {  	v9 =	vadd.f32 v9, v20;
	v20 =	vmul.f32 v38, v1;
	v38 =	vmul.f32 v44, v3;
	v44 =	vld [tilespmem:$0x2920]  }
0x3e4: {  	v37 =	vmul.f32 v37, v2;
	v24 =	vmul.f32 v24, v3;
	v4 =	vadd.f32 v27, v4;
	v27 =	vld [tilespmem:$0x29A0]  }
0x3e5: {  	v62 =	vmul.f32 v62, v0;
	v20 =	vadd.f32 v38, v20;
	v38 =	vmul.f32 v51, v3;
	v51 =	vld [tilespmem:$0x1FEB0]  }
0x3e6: {  	v36 =	vmul.f32 v36, v59;
	v59 =	vmul.f32 v18, v0;
	v18 =	vld [tilespmem:$0x2A20]  }
0x3e7: {  	v25 =	vmul.f32 v25, v0;
	v22 =	vmul.f32 v22, v3;
	v20 =	vadd.f32 v37, v20;
	v37 =	vld [tilespmem:$0x28B0]  }
0x3e8: {  	v9 =	vadd.f32 v36, v9;
	v36 =	vmul.f32 v46, v1;
	v13 =	vadd.f32 v59, v13;
	v59 =	vld [tilespmem:$0x1FEC0]  }
0x3e9: {  	v46 =	vmul.f32 v55, v3;
	v55 =	vmul.f32 v28, v1;
	v28 =	vld [tilespmem:$0x2A40]  }
0x3ea: {  	v12 =	vmul.f32 v12, v0;
	v20 =	vadd.f32 v33, v20;
	v4 =	vmul.f32 v4, v51;
	v51 =	vld [tilespmem:$0x29B0]  }
0x3eb: {  	v8 =	vmul.f32 v8, v2;
	v36 =	vadd.f32 v38, v36;
	v38 =	vmul.f32 v45, v2;
	v45 =	vld [tilespmem:$0x2930]  }
0x3ec: {  	v20 =	vmul.f32 v20, v60;
	v60 =	vmul.f32 v30, v2;
	v30 =	vld [tilespmem:$0x28D0];
	v4 =	vadd.f32 v4, v9  }
0x3ed: {  	v9 =	vmul.f32 v53, v1;
	v33 =	vadd.f32 v38, v36;
	v36 =	vld [tilespmem:$0x2A30];
	v38 =	vmul.f32 v40, v0  }
0x3ee: {  	v40 =	vmul.f32 v52, v2;
	v52 =	vld [tilespmem:$0x29C0];
	v53 =	vmul.f32 v13, v59  }
0x3ef: {  	v9 =	vadd.f32 v46, v9;
	v13 =	vld [tilespmem:$0x2FB0];
	v46 =	vmul.f32 v61, v1;
	v59 =	vmul.f32 v63, v3  }
0x3f0: {  	v61 =	vmul.f32 v47, v0;
	v47 =	vmul.f32 v56, v2;
	v33 =	vadd.f32 v38, v33;
	v38 =	vld [tilespmem:$0x2940]  }
0x3f1: {  	v56 =	vmul.f32 v39, v0;
	v39 =	vmul.f32 v51, v2;
	v51 =	vld [tilespmem:$0x2AA0]  }
0x3f2: {  	v6 =	vmul.f32 v6, v0;
	v4 =	vadd.f32 v53, v4;
	v53 =	vld [tilespmem:$0x28C0];
	v9 =	vadd.f32 v40, v9  }
0x3f3: {  	v46 =	vadd.f32 v59, v46;
	v59 =	vmul.f32 v54, v0;
	v54 =	vmul.f32 v41, v0;
	v41 =	vld [tilespmem:$0x28F0]  }
0x3f4: {  	v11 =	vmul.f32 v11, v1;
	v33 =	vmul.f32 v33, v42;
	v42 =	vld [tilespmem:$0x2960]  }
0x3f5: {  	v63 =	vmul.f32 v57, v2;
	v10 =	vadd.f32 v47, v10;
	v40 =	vadd.f32 v61, v9;
	v9 =	vld [tilespmem:$0x2FC0]  }
0x3f6: {  	v5 =	vmul.f32 v5, v2;
	v4 =	vadd.f32 v20, v4;
	v20 =	vadd.f32 v24, v55;
	v24 =	vld [tilespmem:$0x29D0]  }
0x3f7: {  	v57 =	vadd.f32 v63, v46;
	v63 =	vmul.f32 v50, v2;
	v46 =	vld [tilespmem:$0x2A50];
	v50 =	vmul.f32 v58, v1  }
0x3f8: {  	v55 =	vmul.f32 v48, v3;
	v58 =	vmul.f32 v23, v2;
	v23 =	vld [tilespmem:$0x2900]  }
0x3f9: {  	v10 =	vadd.f32 v54, v10;
	v47 =	vmul.f32 v36, v0;
	v48 =	vmul.f32 v52, v2;
	v54 =	vld [tilespmem:$0x2BA0]  }
0x3fa: {  	v52 =	vmul.f32 v28, v0;
	v28 =	vld [tilespmem:$0x2C20];
	v4 =	vadd.f32 v33, v4;
	v34 =	vmul.f32 v40, v34  }
0x3fb: {  	v36 =	vld [tilespmem:$0x2C30];
	v61 =	vadd.f32 v59, v57;
	v57 =	vmul.f32 v26, v1;
	v10 =	vmul.f32 v10, v31  }
0x3fc: {  	v33 =	vld [tilespmem:$0x2950];
	v20 =	vadd.f32 v60, v20;
	v59 =	vmul.f32 v35, v1;
	v60 =	vmul.f32 v44, v3  }
0x3fd: {  	v16 =	vadd.f32 v63, v16;
	v26 =	vld [tilespmem:$0x2A70];
	v63 =	vmul.f32 v27, v2;
	v35 =	vmul.f32 v45, v3  }
0x3fe: {  	v11 =	vadd.f32 v55, v11;
	v31 =	vld [tilespmem:$0x2980];
	v45 =	vmul.f32 v38, v3;
	v55 =	vmul.f32 v19, v1  }
0x3ff: {  	v22 =	vadd.f32 v22, v50;
	v27 =	vld [tilespmem:$0x3000];
	v51 =	vmul.f32 v51, v1;
	v44 =	vmul.f32 v53, v1  }
0x400: {  	v4 =	vadd.f32 v34, v4;
	v34 =	vld [tilespmem:$0x2FD0];
	v40 =	vmul.f32 v61, v43;
	v20 =	vadd.f32 v62, v20  }
0x401: {  	v43 =	vld [tilespmem:$0x29E0];
	v16 =	vadd.f32 v25, v16;
	v8 =	vadd.f32 v8, v22;
	v62 =	vmul.f32 v21, v0  }
0x402: {  	v22 =	vld [tilespmem:$0x2970];
	v53 =	vmul.f32 v24, v2;
	v4 =	vadd.f32 v40, v4;
	v20 =	vmul.f32 v20, v49  }
0x403: {  	v5 =	vadd.f32 v5, v11;
	v11 =	vld [tilespmem:$0x2FF0];
	v54 =	vmul.f32 v54, v2;
	v16 =	vmul.f32 v16, v32  }
0x404: {  	v21 =	vld [tilespmem:$0x2A80];
	v8 =	vadd.f32 v56, v8;
	v32 =	vmul.f32 v37, v1;
	v4 =	vadd.f32 v20, v4  }
0x405: {  	v25 =	vld [tilespmem:$0x2B10];
	v5 =	vadd.f32 v6, v5;
	v37 =	vmul.f32 v18, v0;
	v49 =	vmul.f32 v30, v1  }
0x406: {  	v56 =	vmul.f32 v42, v3;
	v50 =	vmul.f32 v33, v3;
	v20 =	vld [tilespmem:$0x29F0];
	v4 =	vadd.f32 v16, v4  }
0x407: {  	v38 =	vmul.f32 v31, v3;
	v7 =	vmul.f32 v8, v7;
	v8 =	vld [tilespmem:$0x2A00];
	v16 =	vadd.f32 v17, v57  }
0x408: {  	v24 =	vld [tilespmem:$0x2B60];
	v42 =	vmul.f32 v26, v0;
	v5 =	vmul.f32 v5, v29;
	v4 =	vadd.f32 v10, v4  }
0x409: {  	v40 =	vld [tilespmem:$0x2FE0];
	v22 =	vmul.f32 v22, v3;
	v61 =	vadd.f32 v58, v16;
	v10 =	vadd.f32 v60, v59  }
0x40a: {  	v57 =	vmul.f32 v46, v0;
	v16 =	vld [tilespmem:$0x2A90];
	v58 =	vmul.f32 v43, v2;
	v4 =	vadd.f32 v7, v4  }
0x40b: {  	v26 =	vld [tilespmem:$0x2BE0];
	v60 =	vmul.f32 v41, v1;
	v6 =	vadd.f32 v62, v61;
	v10 =	vadd.f32 v63, v10  }
0x40c: {  	v8 =	vmul.f32 v8, v2;
	v7 =	vadd.f32 v35, v32;
	v32 =	vld [tilespmem:$0x2B90];
	v35 =	vmul.f32 v20, v2  }
0x40d: {  	v46 =	vld [tilespmem:$0x2BC0];
	v4 =	vadd.f32 v5, v4;
	v6 =	vmul.f32 v6, v14;
	v10 =	vadd.f32 v37, v10  }
0x40e: {  	v59 =	vld [tilespmem:$0x2AB0];
	v7 =	vadd.f32 v39, v7;
	v5 =	vadd.f32 v45, v44;
	v37 =	vmul.f32 v23, v1  }
0x40f: {  	v14 =	vld [tilespmem:$0x2C10];
	v45 =	vmul.f32 v25, v3;
	v44 =	vmul.f32 v16, v1;
	v4 =	vadd.f32 v6, v4  }
0x410: {  	v61 =	vld [tilespmem:$0x2B30];
	v10 =	vmul.f32 v10, v15;
	v7 =	vadd.f32 v47, v7;
	v5 =	vadd.f32 v48, v5  }
0x411: {  	v63 =	vld [tilespmem:$0x2BB0];
	v6 =	vadd.f32 v50, v49;
	v48 =	vmul.f32 v21, v0;
	v49 =	vmul.f32 v32, v2  }
0x412: {  	v43 =	vld [tilespmem:$0x2B40];
	v4 =	vadd.f32 v10, v4;
	v7 =	vmul.f32 v7, v13;
	v5 =	vadd.f32 v52, v5  }
0x413: {  	v41 =	vld [tilespmem:$0x2AC0];
	v6 =	vadd.f32 v53, v6;
	v10 =	vadd.f32 v56, v55;
	v56 =	vmul.f32 v59, v1  }
0x414: {  	v15 =	vld [tilespmem:$0x2B20];
	v14 =	vmul.f32 v14, v0;
	v4 =	vadd.f32 v7, v4;
	v5 =	vmul.f32 v5, v9  }
0x415: {  	v31 =	vld [tilespmem:$0x2AF0];
	v6 =	vadd.f32 v57, v6;
	v62 =	vadd.f32 v58, v10;
	v57 =	vmul.f32 v61, v3  }
0x416: {  	v32 =	vld [tilespmem:$0x2B70];
	v7 =	vadd.f32 v22, v60;
	v60 =	vmul.f32 v28, v0;
	v10 =	vmul.f32 v63, v2  }
0x417: {  	v52 =	vld [tilespmem:$0x2AD0];
	v63 =	vmul.f32 v43, v3;
	v28 =	vmul.f32 v46, v2;
	v4 =	vadd.f32 v5, v4  }
0x418: {  	v47 =	vld [tilespmem:$0x2C40];
	v6 =	vmul.f32 v6, v34;
	v9 =	vadd.f32 v12, v62;
	v7 =	vadd.f32 v35, v7  }
0x419: {  	v55 =	vld [tilespmem:$0x2BD0];
	v15 =	vmul.f32 v15, v3;
	v5 =	vadd.f32 v38, v37;
	v62 =	vmul.f32 v41, v1  }
0x41a: {  	v29 =	vld [tilespmem:$0x3010];
	v4 =	vadd.f32 v6, v4;
	v9 =	vmul.f32 v9, v40;
	v7 =	vadd.f32 v42, v7  }
0x41b: {  	v61 =	vld [tilespmem:$0x2AE0];
	v41 =	vmul.f32 v31, v1;
	v5 =	vadd.f32 v8, v5;
	v6 =	vadd.f32 v45, v44  }
0x41c: {  	v53 =	vld [tilespmem:$0x2B50];
	v12 =	vmul.f32 v32, v3;
	v30 =	vmul.f32 v52, v1;
	v4 =	vadd.f32 v9, v4  }
0x41d: {  	v34 =	vld [tilespmem:$0x2BF0];
	v7 =	vmul.f32 v7, v11;
	v5 =	vadd.f32 v48, v5;
	v6 =	vadd.f32 v49, v6  }
0x41e: {  	v37 =	vld [tilespmem:$0x2B00];
	v33 =	vmul.f32 v55, v2;
	v8 =	vmul.f32 v47, v0;
	v9 =	vadd.f32 v15, v51  }
0x41f: {  	v13 =	vld [tilespmem:$0x3020];
	v4 =	vadd.f32 v7, v4;
	v5 =	vmul.f32 v5, v27;
	v6 =	vadd.f32 v14, v6  }
0x420: {  	v39 =	vld [tilespmem:$0x3030];
	v35 =	vmul.f32 v61, v1;
	v9 =	vadd.f32 v54, v9;
	v7 =	vadd.f32 v57, v56  }
0x421: {  	v38 =	vld [tilespmem:$0x2B80];
	v11 =	vmul.f32 v53, v3;
	v27 =	vmul.f32 v36, v0;
	v4 =	vadd.f32 v5, v4  }
0x422: {  	v58 =	vld [tilespmem:$0x2C50];
	v6 =	vmul.f32 v6, v29;
	v9 =	vadd.f32 v60, v9;
	v7 =	vadd.f32 v10, v7  }
0x423: {  	v50 =	vld [tilespmem:$0x3040];
	v45 =	vmul.f32 v34, v2;
	v1 =	vmul.f32 v37, v1;
	v5 =	vadd.f32 v63, v62  }
0x424: {  	v40 =	vld [tilespmem:$0x2C70];
	v4 =	vadd.f32 v6, v4;
	v9 =	vmul.f32 v9, v13;
	v7 =	vadd.f32 v27, v7  }
0x425: {  	v36 =	vmul.f32 v24, v3;
	v29 =	vld [tilespmem:$0x2C60];
	v5 =	vadd.f32 v28, v5;
	v6 =	vadd.f32 v11, v30  }
0x426: {  	v42 =	vld [tilespmem:$0x2C00];
	v3 =	vmul.f32 v38, v3;
	v4 =	vadd.f32 v9, v4;
	v7 =	vmul.f32 v7, v39  }
0x427: {  	v59 =	vld [tilespmem:$0x3050];
	v5 =	vadd.f32 v8, v5;
	v6 =	vadd.f32 v33, v6;
	v39 =	vmul.f32 v58, v0  }
0x428: {  	v46 =	vld [tilespmem:$0x2C80];
	v10 =	vmul.f32 v26, v2;
	v1 =	vadd.f32 v3, v1;
	v9 =	vadd.f32 v36, v35  }
0x429: {  	v43 =	vld [tilespmem:$0x3060];
	v4 =	vadd.f32 v7, v4;
	v5 =	vmul.f32 v5, v50;
	v6 =	vadd.f32 v39, v6  }
0x42a: {  	v44 =	vmul.f32 v29, v0;
	v9 =	vadd.f32 v10, v9;
	v7 =	vadd.f32 v12, v41  }
0x42b: {  	v49 =	vld [tilespmem:$0x3070];
	v2 =	vmul.f32 v42, v2;
	v50 =	vmul.f32 v40, v0;
	v4 =	vadd.f32 v5, v4  }
0x42c: {  	v47 =	vmul.f32 v6, v59;
	v48 =	vadd.f32 v44, v9;
	v7 =	vadd.f32 v45, v7  }
0x42d: {  	v52 =	vld [tilespmem:$0x3080];
	v1 =	vadd.f32 v2, v1;
	v0 =	vmul.f32 v46, v0  }
0x42e: {  	v53 =	vld [tilespmem:$0x3090];
	v4 =	vadd.f32 v47, v4;
	v51 =	vmul.f32 v48, v43;
	v3 =	vadd.f32 v50, v7  }
0x42f: {  	v54 =	vld [tilespmem:$0x3110]  }
0x430: {  	v55 =	vld [tilespmem:$0x30A0];
	v0 =	vadd.f32 v0, v1;
	v4 =	vadd.f32 v51, v4;
	v3 =	vmul.f32 v3, v49  }
0x431: {  	v56 =	vld [tilespmem:$0x3120]  }
0x432: {  	v57 =	vld [tilespmem:$0x30B0];
	v0 =	vmul.f32 v0, v52;
	v3 =	vadd.f32 v3, v4  }
0x433: {  	v58 =	vld [tilespmem:$0x3130]  }
0x434: {  	v60 =	vld [tilespmem:$0x3140];
	v2 =	vmul.f32 v54, v53;
	v0 =	vadd.f32 v0, v3  }
0x435: {  	v59 =	vld [tilespmem:$0x30C0]  }
0x436: {  	v1 =	vmul.f32 v56, v55;
	v0 =	vadd.f32 v2, v0;
	_ =	sdelay $0x1  }
0x437: {  	v61 =	vmul.f32 v58, v57;
	v0 =	vadd.f32 v1, v0;
	_ =	sdelay $0x1  }
0x438: {  	v62 =	vmul.f32 v60, v59;
	v0 =	vadd.f32 v61, v0;
	_ =	sdelay $0x1  }
0x439: {  	v0 =	vadd.f32 v62, v0;
	_ =	sdelay $0x1  }
0x43a: {  	(xrf2) =	vadd.scan.msk.f32 $0xffff, v0;
	_ =	sdelay $0x9  }
0x43b: {  	v63 =	vimm.f32 $0.0e+00;
	v0, _, _ =	vpop (xrf2)  }
0x43c: {  	[tilespmem:$0x31A0] =	vst v63;
	v0 =	vbroadcast v0, $0xF  }
0x43d: {  	[tilespmem:$0x31B0] =	vst v63  }
0x43e: {  	[tilespmem:$0x31C0] =	vst v63;
	v0 =	vnsel vm0, $0x0, v0  }
0x43f: {  	s31 =	simm.s32 $0x3190;
	[tilespmem:$0x3190] =	vst v0  }
0x440: {  	[spmem:s5] =	stream.linear.scatter [tilespmem:s31], [sflag:$0x2], $0x80, $0x38;
	[tilespmem:$0x3B90] =	vst v63  }
0x441: {  	_ =	swait.ge [sflag:s6], $0x80  }
0x442: {  	[sflag:s6] =	ssyncset.done $0x0  }
0x443: {  	[sflag:s6] =	ssyncadd.s32 $0xFFFFFF80  }
0x444: {  	s5 =	simm.s32 @!p0 $0x3290;
	[bflag:$0x0] =	sbarrier.arrive $0xFFFF  }
0x445: {  	[tilespmem:s5], [sflag:$0x2] =	stream.linear.gather @!p0 [spmem:s3], $0x800, $0x38;
	[tilespmem:$0x3B90] =	vst v63  }
0x446: {  	s3 =	simm.s32 @!p0 $0x2  }
0x447: {  	_ =	swait.ge @!p0 [sflag:s3], $0x800  }
0x448: {  	[sflag:s3] =	ssyncset.done @!p0 $0x0  }
0x449: {  	s6 =	simm.s32 @!p0 $0x3A90;
	s5 =	simm.s32 @!p0 $0x0;
	[sflag:s3] =	ssyncadd.s32 @!p0 $0xFFFFF800  }
0x44a: {  	[tilespmem:s6], [sflag:$0x2] =	stream.linear.gather @!p0 [hbm4b:s4+s5], $0x80, $0x38;
	[tilespmem:$0x3B90] =	vst v63  }
0x44b: {  	_ =	swait.ge @!p0 [sflag:s3], $0x80  }
0x44c: {  	[sflag:s3] =	ssyncset.done @!p0 $0x0  }
0x44d: {  	[sflag:s3] =	ssyncadd.s32 @!p0 $0xFFFFFF80  }
0x44e: {  	v0 =	vld @!p0 [tilespmem:$0x3290]  }
0x44f: {  	v1 =	vld @!p0 [tilespmem:$0x3310];
	_ =	sdelay $0x1  }
0x450: {  	v2 =	vld @!p0 [tilespmem:$0x3390];
	_ =	sdelay $0x1  }
0x451: {  	v3 =	vld @!p0 [tilespmem:$0x3410]  }
0x452: {  	v0 =	vadd.f32 @!p0 v1, v0  }
0x453: {  	v1 =	vld @!p0 [tilespmem:$0x3490]  }
0x454: {  	v0 =	vadd.f32 @!p0 v2, v0  }
0x455: {  	v2 =	vld @!p0 [tilespmem:$0x3510]  }
0x456: {  	v0 =	vadd.f32 @!p0 v3, v0  }
0x457: {  	v3 =	vld @!p0 [tilespmem:$0x3590]  }
0x458: {  	v0 =	vadd.f32 @!p0 v1, v0  }
0x459: {  	v1 =	vld @!p0 [tilespmem:$0x3610]  }
0x45a: {  	v0 =	vadd.f32 @!p0 v2, v0  }
0x45b: {  	v2 =	vld @!p0 [tilespmem:$0x3690]  }
0x45c: {  	v0 =	vadd.f32 @!p0 v3, v0  }
0x45d: {  	v3 =	vld @!p0 [tilespmem:$0x3710]  }
0x45e: {  	v0 =	vadd.f32 @!p0 v1, v0  }
0x45f: {  	v1 =	vld @!p0 [tilespmem:$0x3790]  }
0x460: {  	v0 =	vadd.f32 @!p0 v2, v0  }
0x461: {  	v2 =	vld @!p0 [tilespmem:$0x3810]  }
0x462: {  	v0 =	vadd.f32 @!p0 v3, v0  }
0x463: {  	v3 =	vld @!p0 [tilespmem:$0x3890]  }
0x464: {  	v0 =	vadd.f32 @!p0 v1, v0  }
0x465: {  	v1 =	vld @!p0 [tilespmem:$0x3910]  }
0x466: {  	v0 =	vadd.f32 @!p0 v2, v0  }
0x467: {  	v2 =	vld @!p0 [tilespmem:$0x3990]  }
0x468: {  	v0 =	vadd.f32 @!p0 v3, v0  }
0x469: {  	v3 =	vld @!p0 [tilespmem:$0x3A10]  }
0x46a: {  	v0 =	vadd.f32 @!p0 v1, v0  }
0x46b: {  	v1 =	vld @!p0 [tilespmem:$0x3A90]  }
0x46c: {  	v0 =	vadd.f32 @!p0 v2, v0;
	_ =	sdelay $0x1  }
0x46d: {  	v0 =	vadd.f32 @!p0 v3, v0;
	_ =	sdelay $0x1  }
0x46e: {  	v0 =	vadd.f32 @!p0 v1, v0  }
0x46f: {  	vm0 =	vmmov @!p0 $0x1  }
0x470: {  	v0 =	vnsel @!p0 vm0, $0x0, v0  }
0x471: {  	s4 =	simm.s32 @!p0 $0x3B10;
	[tilespmem:$0x3B10] =	vst @!p0 v0  }
0x472: {  	[hbm4b:s1+s5] =	stream.linear.scatter @!p0 [tilespmem:s4], [sflag:$0x2], $0x80, $0x38;
	[tilespmem:$0x3B90] =	vst v63  }
0x473: {  	_ =	swait.ge @!p0 [sflag:s3], $0x80  }
0x474: {  	[sflag:s3] =	ssyncset.done @!p0 $0x0  }
0x475: {  	[sflag:s3] =	ssyncadd.s32 @!p0 $0xFFFFFF80  }
.LBB2_8:
0x476: {  	_ =	sfence.sel $0x180000  }
0x477: {  	[bflag:$0x0] =	sbarrier.arrive $0xFFFF  }
0x478: {  	p0 =	sne.s32 s2, $0x0;
	_ =	strace $0x90000047  }
0x479: {  	s0 =	sadd.s32 @!p0 $0x100000, s0;
	[bflag:$0x2] =	sbarrier.arrive $0xFFFF  }
0x47a: {  	[sflag:s0] =	ssyncadd.tile.s32 @!p0 $0x1;
	_ =	shalt  }
.Lfunc_end2:
_tile_overlayer_lowered:
.L_overlay_start_2:
0x47b: {  	(tag) =	ssettag $0x2  }
0x47c: {  	s0 =	rddreg [dreg:$0x0];
	s2 =	stileid.u32  }
0x47d: {  	s1 =	rddreg [dreg:$0x1];
	p0 =	sne.s32 s2, $0x0  }
0x47e: {  	s3 =	rddreg [dreg:$0x2];
	[bflag:$0x3] =	sbarrier.arrive $0xFFFF;
	s2 =	simm.s32 @!p0 $0x1C02  }
0x47f: {  	[timem:s3], [sflag:s2] =	dma.local @!p0 [hbm:s0], s1  }
0x480: {  	s0 =	simm.s32 @!p0 $0x2  }
0x481: {  	_ =	swait.ge @!p0 [sflag:s0], s1  }
0x482: {  	s1 =	ssub.s32 @!p0 $0x0, s1;
	[sflag:s0] =	ssyncset.done @!p0 $0x0  }
0x483: {  	[sflag:s0] =	ssyncadd.s32 @!p0 s1  }
0x484: {  	[bflag:$0x3] =	sbarrier.arrive $0xFFFF  }
0x485: {  	_ =	shalt  }

</sc_bundles>
